<compile_context>
chip_gen: v7x
topology: tpu7x:2x2x1
jax: 0.10.2.dev20260603
libtpu: 0.0.44.dev20260713+nightly
codegen_flags: <defaults>
</compile_context>

<pallas_src>
import jax
import jax.numpy as jnp
from jax import lax
from jax.experimental import pallas as pl
from jax.experimental.pallas import tpu as pltpu
from jax.experimental.pallas import tpu_sc as plsc

NEG_SLOPE = 0.2
NC, NS, L = 2, 16, 16
NW = NC * NS
B = 96
DG = 8


def _tc_pre(x, W, att_src, att_dst, npad):
    n, d = x.shape

    def body(x_ref, w_ref, s_ref, t_ref, h_ref, as_ref, ad_ref, c_ref):
        h = jnp.dot(x_ref[...], w_ref[...], preferred_element_type=jnp.float32)
        h_ref[...] = h
        a_s = jnp.sum(h * s_ref[...][None, :], axis=1)
        a_d = jnp.sum(h * t_ref[...][None, :], axis=1)
        pad = jnp.zeros((npad - n,), jnp.float32)
        as_ref[...] = jnp.concatenate([a_s, pad])
        ad_ref[...] = jnp.concatenate([a_d, pad])
        c = jnp.maximum(jnp.max(a_s) + jnp.max(a_d), 0.0)
        c_ref[...] = jnp.full((L,), c, jnp.float32)

    return pl.pallas_call(
        body,
        out_shape=(
            jax.ShapeDtypeStruct((n, d), jnp.float32),
            jax.ShapeDtypeStruct((npad,), jnp.float32),
            jax.ShapeDtypeStruct((npad,), jnp.float32),
            jax.ShapeDtypeStruct((L,), jnp.float32),
        ),
    )(x, W, att_src, att_dst)


def _tc_post(acc, den, bias, n):
    def body(a_ref, d_ref, b_ref, o_ref):
        a = a_ref[0] + a_ref[1]
        den_sum = d_ref[0] + d_ref[1] + 1e-16
        o_ref[...] = a[:n] / den_sum[:n, None] + b_ref[...][None, :]

    return pl.pallas_call(
        body,
        out_shape=jax.ShapeDtypeStruct((n, acc.shape[2]), jnp.float32),
    )(acc, den, bias)


def _sc_edge_kernel(npad, epad, d):
    epb = epad // NW
    nch = epb // B
    rpt = npad // NS
    assert nch % 6 == 0 and rpt % 8 == 0

    def body(pk_hbm, h_hbm, asrc_hbm, adst_hbm, c_hbm, zrow_hbm,
             zvec_hbm, acc_hbm, den_hbm,
             asrc_v, adst_v, c_v, pk0, pk1, pk2,
             sidx0, sidx1, sidx2, didx0, didx1, didx2,
             p0, p1, rows0, rows1, acc_sh, den_sh,
             gs0, gs1, ss0, ss1, is0, is1, is2):
        cid = lax.axis_index("c")
        sid = lax.axis_index("s")
        wid = cid * NS + sid
        pk = (pk0, pk1, pk2)
        sidx = (sidx0, sidx1, sidx2)
        didx = (didx0, didx1, didx2)
        pb = (p0, p1)
        rows = (rows0, rows1)
        gsem = (gs0, gs1)
        ssem = (ss0, ss1)
        isem = (is0, is1, is2)
        def off(g):
            return (g * NW + wid) * B

        def idx_load(g, s3, sync):
            fn = pltpu.sync_copy if sync else (
                lambda s_, d_: pltpu.async_copy(s_, d_, isem[s3]))
            fn(pk_hbm.at[pl.ds(off(g), B)], pk[s3])

        def idx_wait(g, s3):
            pltpu.make_async_copy(
                pk_hbm.at[pl.ds(off(g), B)], pk[s3], isem[s3]).wait()

        def idx_unpack(s3):
            @plsc.parallel_loop(0, B, step=L, unroll=2)
            def _u(j):
                j = pl.multiple_of(j, L)
                v = pk[s3][pl.ds(j, L)]
                sidx[s3][pl.ds(j, L)] = v & jnp.int32(0xFFFF)
                didx[s3][pl.ds(j, L)] = jax.lax.shift_right_logical(
                    v, jnp.int32(16))

        def gather_start(s3, s2):
            pltpu.async_copy(h_hbm.at[sidx[s3]], rows[s2], gsem[s2])

        def gather_wait(s3, s2):
            pltpu.make_async_copy(
                h_hbm.at[sidx[s3]], rows[s2], gsem[s2]).wait()

        def scatter_start(s3, s2):
            pltpu.async_copy(rows[s2], acc_sh.at[didx[s3]],
                             ssem[s2], add=True)
            pltpu.async_copy(pb[s2], den_sh.at[didx[s3]],
                             ssem[s2], add=True)

        def scatter_wait(s3, s2):
            pltpu.make_async_copy(rows[s2], acc_sh.at[didx[s3]],
                                  ssem[s2]).wait()
            pltpu.make_async_copy(pb[s2], den_sh.at[didx[s3]],
                                  ssem[s2]).wait()

        pltpu.sync_copy(zrow_hbm, acc_sh.at[pl.ds(sid * rpt, rpt)])
        pltpu.sync_copy(zvec_hbm.at[pl.ds(sid * rpt, rpt)],
                        den_sh.at[pl.ds(sid * rpt, rpt)])
        pltpu.sync_copy(asrc_hbm, asrc_v)
        pltpu.sync_copy(adst_hbm, adst_v)
        pltpu.sync_copy(c_hbm, c_v)
        idx_load(0, 0, True)
        idx_load(1, 1, True)
        idx_unpack(0)
        idx_unpack(1)
        gather_start(0, 0)
        gather_start(1, 1)
        idx_load(2, 2, False)
        plsc.subcore_barrier()

        @pl.loop(0, nch // 6)
        def _t(t):
            for i in range(6):
                g = t * 6 + i
                s2, s3 = i % 2, i % 3

                @pl.when(g >= 1)
                def _drain():
                    scatter_wait((i - 1) % 3, (i - 1) % 2)

                @pl.when((g >= 1) & (g + 2 < nch))
                def _pf_idx():
                    idx_load(g + 2, (i + 2) % 3, False)

                @pl.when((g + 1 >= 2) & (g + 1 < nch))
                def _pf_rows():
                    idx_wait(g + 1, (i + 1) % 3)
                    idx_unpack((i + 1) % 3)
                    gather_start((i + 1) % 3, (i + 1) % 2)

                gather_wait(s3, s2)

                @plsc.parallel_loop(0, B, step=L, unroll=2)
                def _p(j):
                    j = pl.multiple_of(j, L)
                    sv = sidx[s3][pl.ds(j, L)]
                    dv = didx[s3][pl.ds(j, L)]
                    e = (plsc.load_gather(asrc_v, [sv])
                         + plsc.load_gather(adst_v, [dv]))
                    e = jnp.where(e > 0, e, NEG_SLOPE * e)
                    pb[s2][pl.ds(j, L)] = jnp.exp(e - c_v[...])

                @plsc.parallel_loop(0, B, unroll=4)
                def _scale(j):
                    pj = plsc.load_gather(
                        pb[s2], [jnp.full((L,), 0, jnp.int32) + j])
                    for k in range(DG):
                        rows[s2][j, pl.ds(k * L, L)] = (
                            rows[s2][j, pl.ds(k * L, L)] * pj)

                scatter_start(s3, s2)

        scatter_wait((nch - 1) % 3, (nch - 1) % 2)
        plsc.subcore_barrier()
        pltpu.sync_copy(acc_sh.at[pl.ds(sid * rpt, rpt)],
                        acc_hbm.at[cid, pl.ds(sid * rpt, rpt)])
        pltpu.sync_copy(den_sh.at[pl.ds(sid * rpt, rpt)],
                        den_hbm.at[cid, pl.ds(sid * rpt, rpt)])

    mesh = plsc.VectorSubcoreMesh(core_axis_name="c", subcore_axis_name="s")
    return pl.kernel(
        body,
        compiler_params=pltpu.CompilerParams(needs_layout_passes=False),
        out_type=(
            jax.ShapeDtypeStruct((NC, npad, d), jnp.float32),
            jax.ShapeDtypeStruct((NC, npad), jnp.float32),
        ),
        mesh=mesh,
        scratch_types=[
            pltpu.VMEM((npad,), jnp.float32),
            pltpu.VMEM((npad,), jnp.float32),
            pltpu.VMEM((L,), jnp.float32),
            pltpu.VMEM((B,), jnp.int32),
            pltpu.VMEM((B,), jnp.int32),
            pltpu.VMEM((B,), jnp.int32),
            pltpu.VMEM((B,), jnp.int32),
            pltpu.VMEM((B,), jnp.int32),
            pltpu.VMEM((B,), jnp.int32),
            pltpu.VMEM((B,), jnp.int32),
            pltpu.VMEM((B,), jnp.int32),
            pltpu.VMEM((B,), jnp.int32),
            pltpu.VMEM((B,), jnp.float32),
            pltpu.VMEM((B,), jnp.float32),
            pltpu.VMEM((B, d), jnp.float32),
            pltpu.VMEM((B, d), jnp.float32),
            pltpu.VMEM_SHARED((npad, d), jnp.float32),
            pltpu.VMEM_SHARED((npad,), jnp.float32),
            pltpu.SemaphoreType.DMA,
            pltpu.SemaphoreType.DMA,
            pltpu.SemaphoreType.DMA,
            pltpu.SemaphoreType.DMA,
            pltpu.SemaphoreType.DMA,
            pltpu.SemaphoreType.DMA,
            pltpu.SemaphoreType.DMA,
        ],
    )


def kernel(x, edge_index, W, att_src, att_dst, bias):
    n, d = x.shape
    e = edge_index.shape[1]
    total = e + n
    npad = (n + L + NS * L - 1) // (NS * L) * (NS * L)
    epad = (total + NW * B * 6 - 1) // (NW * B * 6) * (NW * B * 6)

    loop = jnp.arange(n, dtype=jnp.int32)
    src = jnp.concatenate([edge_index[0], loop,
                           jnp.zeros((epad - total,), jnp.int32)])
    dst = jnp.concatenate([edge_index[1], loop,
                           jnp.full((epad - total,), n, jnp.int32)])
    packed = src | (dst << 16)

    h, a_src, a_dst, c_vec = _tc_pre(x, W, att_src, att_dst, npad)

    zrow = jnp.zeros((npad // NS, d), jnp.float32)
    zvec = jnp.zeros((npad,), jnp.float32)
    acc, den = _sc_edge_kernel(npad, epad, d)(
        packed, h, a_src, a_dst, c_vec, zrow, zvec)

    return _tc_post(acc, den, bias, n)

# --- scband reference (transcript-rebuilt; emitter-appended) ---
"""Pipeline reference for scband-gat-51762945851571 (READ-ONLY COPY).

The authoritative reference and input builder live on the scoring server;
editing this copy changes nothing except your own understanding.
"""

import jax, jax.numpy as jnp
import numpy as np

N = 10000
E = 320000
D_IN = 128
D_OUT = 128
NEG_SLOPE = 0.2


def setup_inputs(seed: int = 0) -> dict:
    key = jax.random.key(seed)
    k1, k2, k3, k4, k5, k6 = jax.random.split(key, 6)
    x = jax.random.normal(k1, (N, D_IN), dtype=jnp.float32)
    edge_index = jax.random.randint(k2, (2, E), 0, N, dtype=jnp.int32)
    # learned parameters of GATConv(128, 128, heads=1, concat=False)
    W = jax.random.normal(k3, (D_IN, D_OUT), dtype=jnp.float32) * (1.0 / np.sqrt(D_IN))
    att_src = jax.random.normal(k4, (D_OUT,), dtype=jnp.float32) * (1.0 / np.sqrt(D_OUT))
    att_dst = jax.random.normal(k5, (D_OUT,), dtype=jnp.float32) * (1.0 / np.sqrt(D_OUT))
    bias = jnp.zeros((D_OUT,), dtype=jnp.float32)
    return {"x": x, "edge_index": edge_index, "W": W, "att_src": att_src, "att_dst": att_dst, "bias": bias}


def reference(x, edge_index, W, att_src, att_dst, bias):
    # PyG GATConv (heads=1, concat=False, add_self_loops=True)
    src = edge_index[0]
    dst = edge_index[1]
    loop = jnp.arange(N, dtype=src.dtype)
    src = jnp.concatenate([src, loop])
    dst = jnp.concatenate([dst, loop])
    h = x @ W  # [N, D_OUT]
    a_src = h @ att_src  # [N]
    a_dst = h @ att_dst  # [N]
    e = a_src[src] + a_dst[dst]  # [E+N]
    e = jnp.where(e > 0, e, NEG_SLOPE * e)  # LeakyReLU(0.2)
    # segment softmax over incoming edges of each dst node
    e_max = jax.ops.segment_max(e, dst, num_segments=N)
    e_max = jax.lax.stop_gradient(e_max)
    e_exp = jnp.exp(e - e_max[dst])
    denom = jax.ops.segment_sum(e_exp, dst, num_segments=N)
    alpha = e_exp / (denom[dst] + 1e-16)
    msg = h[src] * alpha[:, None]
    out = jax.ops.segment_sum(msg, dst, num_segments=N)
    out = out + bias
    return out

if __name__ == "__main__":
    import jax
    _d = setup_inputs()
    print(jax.jit(kernel)(*tuple(_d.values())))

</pallas_src>

<mosaic_0001>
#map = affine_map<(d0, d1) -> (0)>
#map1 = affine_map<(d0, d1) -> (0, 0)>
#map2 = affine_map<(d0, d1) -> (0, 0, 0)>
module attributes {stable_mosaic.version = 14 : i64} {
  func.func @body(%arg0: i32, %arg1: i32, %arg2: memref<331776xi32, #tpu.memory_space<hbm>>, %arg3: memref<10000x128xf32, #tpu.memory_space<hbm>>, %arg4: memref<10240xf32, #tpu.memory_space<hbm>>, %arg5: memref<10240xf32, #tpu.memory_space<hbm>>, %arg6: memref<16xf32, #tpu.memory_space<hbm>>, %arg7: memref<640x128xf32, #tpu.memory_space<hbm>>, %arg8: memref<10240xf32, #tpu.memory_space<hbm>>, %arg9: memref<2x10240x128xf32, #tpu.memory_space<hbm>>, %arg10: memref<2x10240xf32, #tpu.memory_space<hbm>>, %arg11: memref<10240xf32, #tpu.memory_space<vmem>>, %arg12: memref<10240xf32, #tpu.memory_space<vmem>>, %arg13: memref<16xf32, #tpu.memory_space<vmem>>, %arg14: memref<96xi32, #tpu.memory_space<vmem>>, %arg15: memref<96xi32, #tpu.memory_space<vmem>>, %arg16: memref<96xi32, #tpu.memory_space<vmem>>, %arg17: memref<96xi32, #tpu.memory_space<vmem>>, %arg18: memref<96xi32, #tpu.memory_space<vmem>>, %arg19: memref<96xi32, #tpu.memory_space<vmem>>, %arg20: memref<96xi32, #tpu.memory_space<vmem>>, %arg21: memref<96xi32, #tpu.memory_space<vmem>>, %arg22: memref<96xi32, #tpu.memory_space<vmem>>, %arg23: memref<96xf32, #tpu.memory_space<vmem>>, %arg24: memref<96xf32, #tpu.memory_space<vmem>>, %arg25: memref<96x128xf32, #tpu.memory_space<vmem>>, %arg26: memref<96x128xf32, #tpu.memory_space<vmem>>, %arg27: memref<10240x128xf32, #tpu.memory_space<vmem_shared>>, %arg28: memref<10240xf32, #tpu.memory_space<vmem_shared>>, %arg29: memref<!tpu.dma_semaphore, #tpu.memory_space<semaphore_mem>>, %arg30: memref<!tpu.dma_semaphore, #tpu.memory_space<semaphore_mem>>, %arg31: memref<!tpu.dma_semaphore, #tpu.memory_space<semaphore_mem>>, %arg32: memref<!tpu.dma_semaphore, #tpu.memory_space<semaphore_mem>>, %arg33: memref<!tpu.dma_semaphore, #tpu.memory_space<semaphore_mem>>, %arg34: memref<!tpu.dma_semaphore, #tpu.memory_space<semaphore_mem>>, %arg35: memref<!tpu.dma_semaphore, #tpu.memory_space<semaphore_mem>>) attributes {dimension_semantics = [#tpu.dimension_semantics<core_parallel>, #tpu.dimension_semantics<subcore_parallel>], iteration_bounds = array<i64: 2, 16>, scalar_prefetch = 0 : i64, scratch_operands = 25 : i64, tpu.core_type = #tpu.core_type<sc_vector_subcore>, window_params = [{transform_indices = #map}, {transform_indices = #map1}, {transform_indices = #map}, {transform_indices = #map}, {transform_indices = #map}, {transform_indices = #map1}, {transform_indices = #map}, {transform_indices = #map2}, {transform_indices = #map1}]} {
    %mul3A = arith.constant 16 : i32
    %mul3A_0 = arith.muli %arg0, %mul3A : i32
    %add3A = arith.addi %mul3A_0, %arg1 : i32
    %mul3A_1 = arith.constant 640 : i32
    %mul3A_2 = arith.muli %arg1, %mul3A_1 : i32
    "tpu.region"() ({
      %run_scoped3A = tpu.sem_alloc : memref<!tpu.dma_semaphore, #tpu.memory_space<semaphore_mem>>
      %dma_start3A_48 = arith.constant 0 : i32
      %dma_start3A_49 = tpu.memref_slice %arg27[%mul3A_2, %dma_start3A_48] : memref<10240x128xf32, #tpu.memory_space<vmem_shared>> -> memref<640x128xf32, #tpu.memory_space<vmem_shared>>
      tpu.enqueue_dma source(%arg7 : memref<640x128xf32, #tpu.memory_space<hbm>>) target(%dma_start3A_49 : memref<640x128xf32, #tpu.memory_space<vmem_shared>>) target_semaphore(%run_scoped3A : memref<!tpu.dma_semaphore, #tpu.memory_space<semaphore_mem>>)
      %dma_wait3A_50 = arith.constant 0 : i32
      %dma_wait3A_51 = tpu.memref_slice %arg27[%mul3A_2, %dma_wait3A_50] : memref<10240x128xf32, #tpu.memory_space<vmem_shared>> -> memref<640x128xf32, #tpu.memory_space<vmem_shared>>
      tpu.wait_dma2 semaphore(%run_scoped3A : memref<!tpu.dma_semaphore, #tpu.memory_space<semaphore_mem>>) src(%arg7 : memref<640x128xf32, #tpu.memory_space<hbm>>) dst(%dma_wait3A_51 : memref<640x128xf32, #tpu.memory_space<vmem_shared>>)
      tpu.yield
    }) : () -> ()
    %mul3A_3 = arith.constant 640 : i32
    %mul3A_4 = arith.muli %arg1, %mul3A_3 : i32
    %mul3A_5 = arith.constant 640 : i32
    %mul3A_6 = arith.muli %arg1, %mul3A_5 : i32
    "tpu.region"() ({
      %run_scoped3A = tpu.sem_alloc : memref<!tpu.dma_semaphore, #tpu.memory_space<semaphore_mem>>
      %dma_start3A_48 = tpu.memref_slice %arg28[%mul3A_6] : memref<10240xf32, #tpu.memory_space<vmem_shared>> -> memref<640xf32, #tpu.memory_space<vmem_shared>>
      %dma_start3A_49 = tpu.memref_slice %arg8[%mul3A_4] : memref<10240xf32, #tpu.memory_space<hbm>> -> memref<640xf32, #tpu.memory_space<hbm>>
      tpu.enqueue_dma source(%dma_start3A_49 : memref<640xf32, #tpu.memory_space<hbm>>) target(%dma_start3A_48 : memref<640xf32, #tpu.memory_space<vmem_shared>>) target_semaphore(%run_scoped3A : memref<!tpu.dma_semaphore, #tpu.memory_space<semaphore_mem>>)
      %dma_wait3A_50 = tpu.memref_slice %arg28[%mul3A_6] : memref<10240xf32, #tpu.memory_space<vmem_shared>> -> memref<640xf32, #tpu.memory_space<vmem_shared>>
      %dma_wait3A_51 = tpu.memref_slice %arg8[%mul3A_4] : memref<10240xf32, #tpu.memory_space<hbm>> -> memref<640xf32, #tpu.memory_space<hbm>>
      tpu.wait_dma2 semaphore(%run_scoped3A : memref<!tpu.dma_semaphore, #tpu.memory_space<semaphore_mem>>) src(%dma_wait3A_51 : memref<640xf32, #tpu.memory_space<hbm>>) dst(%dma_wait3A_50 : memref<640xf32, #tpu.memory_space<vmem_shared>>)
      tpu.yield
    }) : () -> ()
    "tpu.region"() ({
      %run_scoped3A = tpu.sem_alloc : memref<!tpu.dma_semaphore, #tpu.memory_space<semaphore_mem>>
      tpu.enqueue_dma source(%arg4 : memref<10240xf32, #tpu.memory_space<hbm>>) target(%arg11 : memref<10240xf32, #tpu.memory_space<vmem>>) target_semaphore(%run_scoped3A : memref<!tpu.dma_semaphore, #tpu.memory_space<semaphore_mem>>)
      tpu.wait_dma2 semaphore(%run_scoped3A : memref<!tpu.dma_semaphore, #tpu.memory_space<semaphore_mem>>) src(%arg4 : memref<10240xf32, #tpu.memory_space<hbm>>) dst(%arg11 : memref<10240xf32, #tpu.memory_space<vmem>>)
      tpu.yield
    }) : () -> ()
    "tpu.region"() ({
      %run_scoped3A = tpu.sem_alloc : memref<!tpu.dma_semaphore, #tpu.memory_space<semaphore_mem>>
      tpu.enqueue_dma source(%arg5 : memref<10240xf32, #tpu.memory_space<hbm>>) target(%arg12 : memref<10240xf32, #tpu.memory_space<vmem>>) target_semaphore(%run_scoped3A : memref<!tpu.dma_semaphore, #tpu.memory_space<semaphore_mem>>)
      tpu.wait_dma2 semaphore(%run_scoped3A : memref<!tpu.dma_semaphore, #tpu.memory_space<semaphore_mem>>) src(%arg5 : memref<10240xf32, #tpu.memory_space<hbm>>) dst(%arg12 : memref<10240xf32, #tpu.memory_space<vmem>>)
      tpu.yield
    }) : () -> ()
    "tpu.region"() ({
      %run_scoped3A = tpu.sem_alloc : memref<!tpu.dma_semaphore, #tpu.memory_space<semaphore_mem>>
      tpu.enqueue_dma source(%arg6 : memref<16xf32, #tpu.memory_space<hbm>>) target(%arg13 : memref<16xf32, #tpu.memory_space<vmem>>) target_semaphore(%run_scoped3A : memref<!tpu.dma_semaphore, #tpu.memory_space<semaphore_mem>>)
      tpu.wait_dma2 semaphore(%run_scoped3A : memref<!tpu.dma_semaphore, #tpu.memory_space<semaphore_mem>>) src(%arg6 : memref<16xf32, #tpu.memory_space<hbm>>) dst(%arg13 : memref<16xf32, #tpu.memory_space<vmem>>)
      tpu.yield
    }) : () -> ()
    %add3A_7 = arith.constant 0 : i32
    %add3A_8 = arith.addi %add3A_7, %add3A : i32
    %mul3A_9 = arith.constant 96 : i32
    %mul3A_10 = arith.muli %add3A_8, %mul3A_9 : i32
    "tpu.region"() ({
      %run_scoped3A = tpu.sem_alloc : memref<!tpu.dma_semaphore, #tpu.memory_space<semaphore_mem>>
      %dma_start3A_48 = tpu.memref_slice %arg2[%mul3A_10] : memref<331776xi32, #tpu.memory_space<hbm>> -> memref<96xi32, #tpu.memory_space<hbm>>
      %dma_start3A_49 = tpu.memref_slice %arg2[%mul3A_10] : memref<331776xi32, #tpu.memory_space<hbm>> -> memref<96xi32, #tpu.memory_space<hbm>>
      tpu.enqueue_dma source(%dma_start3A_49 : memref<96xi32, #tpu.memory_space<hbm>>) target(%arg14 : memref<96xi32, #tpu.memory_space<vmem>>) target_semaphore(%run_scoped3A : memref<!tpu.dma_semaphore, #tpu.memory_space<semaphore_mem>>)
      %dma_wait3A_50 = tpu.memref_slice %arg2[%mul3A_10] : memref<331776xi32, #tpu.memory_space<hbm>> -> memref<96xi32, #tpu.memory_space<hbm>>
      %dma_wait3A_51 = tpu.memref_slice %arg2[%mul3A_10] : memref<331776xi32, #tpu.memory_space<hbm>> -> memref<96xi32, #tpu.memory_space<hbm>>
      tpu.wait_dma2 semaphore(%run_scoped3A : memref<!tpu.dma_semaphore, #tpu.memory_space<semaphore_mem>>) src(%dma_wait3A_51 : memref<96xi32, #tpu.memory_space<hbm>>) dst(%arg14 : memref<96xi32, #tpu.memory_space<vmem>>)
      tpu.yield
    }) : () -> ()
    %add3A_11 = arith.constant 32 : i32
    %add3A_12 = arith.addi %add3A_11, %add3A : i32
    %mul3A_13 = arith.constant 96 : i32
    %mul3A_14 = arith.muli %add3A_12, %mul3A_13 : i32
    "tpu.region"() ({
      %run_scoped3A = tpu.sem_alloc : memref<!tpu.dma_semaphore, #tpu.memory_space<semaphore_mem>>
      %dma_start3A_48 = tpu.memref_slice %arg2[%mul3A_14] : memref<331776xi32, #tpu.memory_space<hbm>> -> memref<96xi32, #tpu.memory_space<hbm>>
      %dma_start3A_49 = tpu.memref_slice %arg2[%mul3A_14] : memref<331776xi32, #tpu.memory_space<hbm>> -> memref<96xi32, #tpu.memory_space<hbm>>
      tpu.enqueue_dma source(%dma_start3A_49 : memref<96xi32, #tpu.memory_space<hbm>>) target(%arg15 : memref<96xi32, #tpu.memory_space<vmem>>) target_semaphore(%run_scoped3A : memref<!tpu.dma_semaphore, #tpu.memory_space<semaphore_mem>>)
      %dma_wait3A_50 = tpu.memref_slice %arg2[%mul3A_14] : memref<331776xi32, #tpu.memory_space<hbm>> -> memref<96xi32, #tpu.memory_space<hbm>>
      %dma_wait3A_51 = tpu.memref_slice %arg2[%mul3A_14] : memref<331776xi32, #tpu.memory_space<hbm>> -> memref<96xi32, #tpu.memory_space<hbm>>
      tpu.wait_dma2 semaphore(%run_scoped3A : memref<!tpu.dma_semaphore, #tpu.memory_space<semaphore_mem>>) src(%dma_wait3A_51 : memref<96xi32, #tpu.memory_space<hbm>>) dst(%arg15 : memref<96xi32, #tpu.memory_space<vmem>>)
      tpu.yield
    }) : () -> ()
    %parallel_loop3A = arith.constant 0 : i32
    %parallel_loop3A_15 = arith.constant 96 : i32
    %parallel_loop3A_16 = arith.constant 16 : i32
    scf.for %parallel_loop3A_48 = %parallel_loop3A to %parallel_loop3A_15 step %parallel_loop3A_16  : i32 {
      %parallel_loop3A_49 = tpu.assume_multiple %parallel_loop3A_48, 16 : i32
      %parallel_loop3A_50 = arith.index_cast %parallel_loop3A_49 : i32 to index
      %parallel_loop3A_51 = tpu.vector_load %arg14[%parallel_loop3A_50] {strides = array<i32>} : memref<96xi32, #tpu.memory_space<vmem>>, vector<16xi32>,
      %parallel_loop3A_52 = arith.constant 65535 : i32
      %parallel_loop3A_53 = vector.broadcast %parallel_loop3A_52 : i32 to vector<16xi32>
      %parallel_loop3A_54 = arith.andi %parallel_loop3A_51, %parallel_loop3A_53 : vector<16xi32>
      %parallel_loop3A_55 = arith.index_cast %parallel_loop3A_49 : i32 to index
      %parallel_loop3A_56 = tpu.vector_load %arg17[%parallel_loop3A_55] {strides = array<i32>} : memref<96xi32, #tpu.memory_space<vmem>>, vector<16xi32>,
      tpu.vector_store %arg17[%parallel_loop3A_55], %parallel_loop3A_54 {strides = array<i32>} : memref<96xi32, #tpu.memory_space<vmem>>, vector<16xi32>,
      %parallel_loop3A_57 = arith.constant 16 : i32
      %parallel_loop3A_58 = vector.broadcast %parallel_loop3A_57 : i32 to vector<16xi32>
      %parallel_loop3A_59 = arith.shrui %parallel_loop3A_51, %parallel_loop3A_58 : vector<16xi32>
      %parallel_loop3A_60 = arith.index_cast %parallel_loop3A_49 : i32 to index
      %parallel_loop3A_61 = tpu.vector_load %arg20[%parallel_loop3A_60] {strides = array<i32>} : memref<96xi32, #tpu.memory_space<vmem>>, vector<16xi32>,
      tpu.vector_store %arg20[%parallel_loop3A_60], %parallel_loop3A_59 {strides = array<i32>} : memref<96xi32, #tpu.memory_space<vmem>>, vector<16xi32>,
    } {sc.loop_unroll_factor = 2 : i64, sc.parallel_access}
    %parallel_loop3A_17 = arith.constant 0 : i32
    %parallel_loop3A_18 = arith.constant 96 : i32
    %parallel_loop3A_19 = arith.constant 16 : i32
    scf.for %parallel_loop3A_48 = %parallel_loop3A_17 to %parallel_loop3A_18 step %parallel_loop3A_19  : i32 {
      %parallel_loop3A_49 = tpu.assume_multiple %parallel_loop3A_48, 16 : i32
      %parallel_loop3A_50 = arith.index_cast %parallel_loop3A_49 : i32 to index
      %parallel_loop3A_51 = tpu.vector_load %arg15[%parallel_loop3A_50] {strides = array<i32>} : memref<96xi32, #tpu.memory_space<vmem>>, vector<16xi32>,
      %parallel_loop3A_52 = arith.constant 65535 : i32
      %parallel_loop3A_53 = vector.broadcast %parallel_loop3A_52 : i32 to vector<16xi32>
      %parallel_loop3A_54 = arith.andi %parallel_loop3A_51, %parallel_loop3A_53 : vector<16xi32>
      %parallel_loop3A_55 = arith.index_cast %parallel_loop3A_49 : i32 to index
      %parallel_loop3A_56 = tpu.vector_load %arg18[%parallel_loop3A_55] {strides = array<i32>} : memref<96xi32, #tpu.memory_space<vmem>>, vector<16xi32>,
      tpu.vector_store %arg18[%parallel_loop3A_55], %parallel_loop3A_54 {strides = array<i32>} : memref<96xi32, #tpu.memory_space<vmem>>, vector<16xi32>,
      %parallel_loop3A_57 = arith.constant 16 : i32
      %parallel_loop3A_58 = vector.broadcast %parallel_loop3A_57 : i32 to vector<16xi32>
      %parallel_loop3A_59 = arith.shrui %parallel_loop3A_51, %parallel_loop3A_58 : vector<16xi32>
      %parallel_loop3A_60 = arith.index_cast %parallel_loop3A_49 : i32 to index
      %parallel_loop3A_61 = tpu.vector_load %arg21[%parallel_loop3A_60] {strides = array<i32>} : memref<96xi32, #tpu.memory_space<vmem>>, vector<16xi32>,
      tpu.vector_store %arg21[%parallel_loop3A_60], %parallel_loop3A_59 {strides = array<i32>} : memref<96xi32, #tpu.memory_space<vmem>>, vector<16xi32>,
    } {sc.loop_unroll_factor = 2 : i64, sc.parallel_access}
    %dma_start3A = arith.constant 0 : i32
    %dma_start3A_20 = arith.constant 0 : i32
    %dma_start3A_21 = tpu.memref_slice %arg3[%dma_start3A, %dma_start3A_20] : memref<10000x128xf32, #tpu.memory_space<hbm>> -> memref<10000x128xf32, #tpu.memory_space<hbm>>
    tpu.enqueue_indirect_dma source(%dma_start3A_21 : memref<10000x128xf32, #tpu.memory_space<hbm>>) target(%arg25 : memref<96x128xf32, #tpu.memory_space<vmem>>) offsets(%arg17 : memref<96xi32, #tpu.memory_space<vmem>>) semaphore(%arg29 : memref<!tpu.dma_semaphore, #tpu.memory_space<semaphore_mem>>)
    %dma_start3A_22 = arith.constant 0 : i32
    %dma_start3A_23 = arith.constant 0 : i32
    %dma_start3A_24 = tpu.memref_slice %arg3[%dma_start3A_22, %dma_start3A_23] : memref<10000x128xf32, #tpu.memory_space<hbm>> -> memref<10000x128xf32, #tpu.memory_space<hbm>>
    tpu.enqueue_indirect_dma source(%dma_start3A_24 : memref<10000x128xf32, #tpu.memory_space<hbm>>) target(%arg26 : memref<96x128xf32, #tpu.memory_space<vmem>>) offsets(%arg18 : memref<96xi32, #tpu.memory_space<vmem>>) semaphore(%arg30 : memref<!tpu.dma_semaphore, #tpu.memory_space<semaphore_mem>>)
    %add3A_25 = arith.constant 64 : i32
    %add3A_26 = arith.addi %add3A_25, %add3A : i32
    %mul3A_27 = arith.constant 96 : i32
    %mul3A_28 = arith.muli %add3A_26, %mul3A_27 : i32
    %dma_start3A_29 = tpu.memref_slice %arg2[%mul3A_28] : memref<331776xi32, #tpu.memory_space<hbm>> -> memref<96xi32, #tpu.memory_space<hbm>>
    %dma_start3A_30 = tpu.memref_slice %arg2[%mul3A_28] : memref<331776xi32, #tpu.memory_space<hbm>> -> memref<96xi32, #tpu.memory_space<hbm>>
    tpu.enqueue_dma source(%dma_start3A_30 : memref<96xi32, #tpu.memory_space<hbm>>) target(%arg16 : memref<96xi32, #tpu.memory_space<vmem>>) target_semaphore(%arg35 : memref<!tpu.dma_semaphore, #tpu.memory_space<semaphore_mem>>)
    %barrier3A = arith.constant 0 : index
    tpu.barrier barrier_id(%barrier3A)
    %scan3A = arith.constant 0 : i32
    %scan3A_31 = arith.constant 18 : i32
    %scan3A_32 = arith.addi %scan3A, %scan3A_31 : i32
    %scan3A_33 = arith.constant 1 : i32
    scf.for %scan3A_48 = %scan3A to %scan3A_32 step %scan3A_33  : i32 {
      %mul3A_49 = arith.constant 1 : i32
      %mul3A_50 = arith.muli %scan3A_48, %mul3A_49 : i32
      %add3A_51 = arith.constant 0 : i32
      %add3A_52 = arith.addi %add3A_51, %mul3A_50 : i32
      %mul3A_53 = arith.constant 6 : i32
      %mul3A_54 = arith.muli %add3A_52, %mul3A_53 : i32
      %add3A_55 = arith.constant 0 : i32
      %add3A_56 = arith.addi %mul3A_54, %add3A_55 : i32
      %ge3A = arith.constant 1 : i32
      %ge3A_57 = arith.cmpi sge, %add3A_56, %ge3A : i32
      %convert_element_type3A = arith.extui %ge3A_57 : i1 to i32
      %cond3A = arith.constant 0 : i32
      %cond3A_58 = arith.cmpi ne, %convert_element_type3A, %cond3A : i32
      scf.if %cond3A_58 {
        %dma_wait3A_318 = arith.constant 0 : i32
        %dma_wait3A_319 = arith.constant 0 : i32
        %dma_wait3A_320 = tpu.memref_slice %arg27[%dma_wait3A_318, %dma_wait3A_319] : memref<10240x128xf32, #tpu.memory_space<vmem_shared>> -> memref<10240x128xf32, #tpu.memory_space<vmem_shared>>
        tpu.wait_indirect_dma semaphore(%arg32 : memref<!tpu.dma_semaphore, #tpu.memory_space<semaphore_mem>>) src(%arg26 : memref<96x128xf32, #tpu.memory_space<vmem>>) dst(%dma_wait3A_320 : memref<10240x128xf32, #tpu.memory_space<vmem_shared>>)
        %dma_wait3A_321 = arith.constant 0 : i32
        %dma_wait3A_322 = tpu.memref_slice %arg28[%dma_wait3A_321] : memref<10240xf32, #tpu.memory_space<vmem_shared>> -> memref<10240xf32, #tpu.memory_space<vmem_shared>>
        tpu.wait_indirect_dma semaphore(%arg32 : memref<!tpu.dma_semaphore, #tpu.memory_space<semaphore_mem>>) src(%arg24 : memref<96xf32, #tpu.memory_space<vmem>>) dst(%dma_wait3A_322 : memref<10240xf32, #tpu.memory_space<vmem_shared>>)
      } else {
      }
      %ge3A_59 = arith.constant 1 : i32
      %ge3A_60 = arith.cmpi sge, %add3A_56, %ge3A_59 : i32
      %add3A_61 = arith.constant 2 : i32
      %add3A_62 = arith.addi %add3A_56, %add3A_61 : i32
      %lt3A = arith.constant 108 : i32
      %lt3A_63 = arith.cmpi slt, %add3A_62, %lt3A : i32
      %and3A = arith.andi %ge3A_60, %lt3A_63 : i1
      %convert_element_type3A_64 = arith.extui %and3A : i1 to i32
      %cond3A_65 = arith.constant 0 : i32
      %cond3A_66 = arith.cmpi ne, %convert_element_type3A_64, %cond3A_65 : i32
      scf.if %cond3A_66 {
        %add3A_318 = arith.constant 2 : i32
        %add3A_319 = arith.addi %add3A_56, %add3A_318 : i32
        %mul3A_320 = arith.constant 32 : i32
        %mul3A_321 = arith.muli %add3A_319, %mul3A_320 : i32
        %add3A_322 = arith.addi %mul3A_321, %add3A : i32
        %mul3A_323 = arith.constant 96 : i32
        %mul3A_324 = arith.muli %add3A_322, %mul3A_323 : i32
        %dma_start3A_325 = tpu.memref_slice %arg2[%mul3A_324] : memref<331776xi32, #tpu.memory_space<hbm>> -> memref<96xi32, #tpu.memory_space<hbm>>
        %dma_start3A_326 = tpu.memref_slice %arg2[%mul3A_324] : memref<331776xi32, #tpu.memory_space<hbm>> -> memref<96xi32, #tpu.memory_space<hbm>>
        tpu.enqueue_dma source(%dma_start3A_326 : memref<96xi32, #tpu.memory_space<hbm>>) target(%arg16 : memref<96xi32, #tpu.memory_space<vmem>>) target_semaphore(%arg35 : memref<!tpu.dma_semaphore, #tpu.memory_space<semaphore_mem>>)
      } else {
      }
      %add3A_67 = arith.constant 1 : i32
      %add3A_68 = arith.addi %add3A_56, %add3A_67 : i32
      %ge3A_69 = arith.constant 2 : i32
      %ge3A_70 = arith.cmpi sge, %add3A_68, %ge3A_69 : i32
      %add3A_71 = arith.constant 1 : i32
      %add3A_72 = arith.addi %add3A_56, %add3A_71 : i32
      %lt3A_73 = arith.constant 108 : i32
      %lt3A_74 = arith.cmpi slt, %add3A_72, %lt3A_73 : i32
      %and3A_75 = arith.andi %ge3A_70, %lt3A_74 : i1
      %convert_element_type3A_76 = arith.extui %and3A_75 : i1 to i32
      %cond3A_77 = arith.constant 0 : i32
      %cond3A_78 = arith.cmpi ne, %convert_element_type3A_76, %cond3A_77 : i32
      scf.if %cond3A_78 {
        %add3A_318 = arith.constant 1 : i32
        %add3A_319 = arith.addi %add3A_56, %add3A_318 : i32
        %mul3A_320 = arith.constant 32 : i32
        %mul3A_321 = arith.muli %add3A_319, %mul3A_320 : i32
        %add3A_322 = arith.addi %mul3A_321, %add3A : i32
        %mul3A_323 = arith.constant 96 : i32
        %mul3A_324 = arith.muli %add3A_322, %mul3A_323 : i32
        %dma_wait3A_325 = tpu.memref_slice %arg2[%mul3A_324] : memref<331776xi32, #tpu.memory_space<hbm>> -> memref<96xi32, #tpu.memory_space<hbm>>
        %dma_wait3A_326 = tpu.memref_slice %arg2[%mul3A_324] : memref<331776xi32, #tpu.memory_space<hbm>> -> memref<96xi32, #tpu.memory_space<hbm>>
        tpu.wait_dma2 semaphore(%arg34 : memref<!tpu.dma_semaphore, #tpu.memory_space<semaphore_mem>>) src(%dma_wait3A_326 : memref<96xi32, #tpu.memory_space<hbm>>) dst(%arg15 : memref<96xi32, #tpu.memory_space<vmem>>)
        %parallel_loop3A_327 = arith.constant 0 : i32
        %parallel_loop3A_328 = arith.constant 96 : i32
        %parallel_loop3A_329 = arith.constant 16 : i32
        scf.for %parallel_loop3A_333 = %parallel_loop3A_327 to %parallel_loop3A_328 step %parallel_loop3A_329  : i32 {
          %parallel_loop3A_334 = tpu.assume_multiple %parallel_loop3A_333, 16 : i32
          %parallel_loop3A_335 = arith.index_cast %parallel_loop3A_334 : i32 to index
          %parallel_loop3A_336 = tpu.vector_load %arg15[%parallel_loop3A_335] {strides = array<i32>} : memref<96xi32, #tpu.memory_space<vmem>>, vector<16xi32>,
          %parallel_loop3A_337 = arith.constant 65535 : i32
          %parallel_loop3A_338 = vector.broadcast %parallel_loop3A_337 : i32 to vector<16xi32>
          %parallel_loop3A_339 = arith.andi %parallel_loop3A_336, %parallel_loop3A_338 : vector<16xi32>
          %parallel_loop3A_340 = arith.index_cast %parallel_loop3A_334 : i32 to index
          %parallel_loop3A_341 = tpu.vector_load %arg18[%parallel_loop3A_340] {strides = array<i32>} : memref<96xi32, #tpu.memory_space<vmem>>, vector<16xi32>,
          tpu.vector_store %arg18[%parallel_loop3A_340], %parallel_loop3A_339 {strides = array<i32>} : memref<96xi32, #tpu.memory_space<vmem>>, vector<16xi32>,
          %parallel_loop3A_342 = arith.constant 16 : i32
          %parallel_loop3A_343 = vector.broadcast %parallel_loop3A_342 : i32 to vector<16xi32>
          %parallel_loop3A_344 = arith.shrui %parallel_loop3A_336, %parallel_loop3A_343 : vector<16xi32>
          %parallel_loop3A_345 = arith.index_cast %parallel_loop3A_334 : i32 to index
          %parallel_loop3A_346 = tpu.vector_load %arg21[%parallel_loop3A_345] {strides = array<i32>} : memref<96xi32, #tpu.memory_space<vmem>>, vector<16xi32>,
          tpu.vector_store %arg21[%parallel_loop3A_345], %parallel_loop3A_344 {strides = array<i32>} : memref<96xi32, #tpu.memory_space<vmem>>, vector<16xi32>,
        } {sc.loop_unroll_factor = 2 : i64, sc.parallel_access}
        %dma_start3A_330 = arith.constant 0 : i32
        %dma_start3A_331 = arith.constant 0 : i32
        %dma_start3A_332 = tpu.memref_slice %arg3[%dma_start3A_330, %dma_start3A_331] : memref<10000x128xf32, #tpu.memory_space<hbm>> -> memref<10000x128xf32, #tpu.memory_space<hbm>>
        tpu.enqueue_indirect_dma source(%dma_start3A_332 : memref<10000x128xf32, #tpu.memory_space<hbm>>) target(%arg26 : memref<96x128xf32, #tpu.memory_space<vmem>>) offsets(%arg18 : memref<96xi32, #tpu.memory_space<vmem>>) semaphore(%arg30 : memref<!tpu.dma_semaphore, #tpu.memory_space<semaphore_mem>>)
      } else {
      }
      %dma_wait3A_79 = arith.constant 0 : i32
      %dma_wait3A_80 = arith.constant 0 : i32
      %dma_wait3A_81 = tpu.memref_slice %arg3[%dma_wait3A_79, %dma_wait3A_80] : memref<10000x128xf32, #tpu.memory_space<hbm>> -> memref<10000x128xf32, #tpu.memory_space<hbm>>
      tpu.wait_indirect_dma semaphore(%arg29 : memref<!tpu.dma_semaphore, #tpu.memory_space<semaphore_mem>>) src(%dma_wait3A_81 : memref<10000x128xf32, #tpu.memory_space<hbm>>) dst(%arg25 : memref<96x128xf32, #tpu.memory_space<vmem>>)
      %parallel_loop3A_82 = arith.constant 0 : i32
      %parallel_loop3A_83 = arith.constant 96 : i32
      %parallel_loop3A_84 = arith.constant 16 : i32
      scf.for %parallel_loop3A_318 = %parallel_loop3A_82 to %parallel_loop3A_83 step %parallel_loop3A_84  : i32 {
        %parallel_loop3A_319 = tpu.assume_multiple %parallel_loop3A_318, 16 : i32
        %parallel_loop3A_320 = arith.index_cast %parallel_loop3A_319 : i32 to index
        %parallel_loop3A_321 = tpu.vector_load %arg17[%parallel_loop3A_320] {strides = array<i32>} : memref<96xi32, #tpu.memory_space<vmem>>, vector<16xi32>,
        %parallel_loop3A_322 = arith.index_cast %parallel_loop3A_319 : i32 to index
        %parallel_loop3A_323 = tpu.vector_load %arg20[%parallel_loop3A_322] {strides = array<i32>} : memref<96xi32, #tpu.memory_space<vmem>>, vector<16xi32>,
        %parallel_loop3A_324 = tpu.vector_load_idx %arg11[%parallel_loop3A_321] : memref<10240xf32, #tpu.memory_space<vmem>>[vector<16xi32>], vector<16xf32>,
        %parallel_loop3A_325 = tpu.vector_load_idx %arg12[%parallel_loop3A_323] : memref<10240xf32, #tpu.memory_space<vmem>>[vector<16xi32>], vector<16xf32>,
        %parallel_loop3A_326 = arith.addf %parallel_loop3A_324, %parallel_loop3A_325 : vector<16xf32>
        %parallel_loop3A_327 = arith.constant 0.000000e+00 : f32
        %parallel_loop3A_328 = vector.broadcast %parallel_loop3A_327 : f32 to vector<16xf32>
        %parallel_loop3A_329 = arith.cmpf ogt, %parallel_loop3A_326, %parallel_loop3A_328 : vector<16xf32>
        %parallel_loop3A_330 = arith.constant 2.000000e-01 : f32
        %parallel_loop3A_331 = vector.broadcast %parallel_loop3A_330 : f32 to vector<16xf32>
        %parallel_loop3A_332 = arith.mulf %parallel_loop3A_331, %parallel_loop3A_326 : vector<16xf32>
        %parallel_loop3A_333 = arith.select %parallel_loop3A_329, %parallel_loop3A_326, %parallel_loop3A_332 : vector<16xi1>, vector<16xf32>
        %parallel_loop3A_334 = arith.constant 0 : index
        %parallel_loop3A_335 = tpu.vector_load %arg13[%parallel_loop3A_334] {strides = array<i32>} : memref<16xf32, #tpu.memory_space<vmem>>, vector<16xf32>,
        %parallel_loop3A_336 = arith.subf %parallel_loop3A_333, %parallel_loop3A_335 : vector<16xf32>
        %parallel_loop3A_337 = math.exp %parallel_loop3A_336 : vector<16xf32>
        %parallel_loop3A_338 = arith.index_cast %parallel_loop3A_319 : i32 to index
        %parallel_loop3A_339 = tpu.vector_load %arg23[%parallel_loop3A_338] {strides = array<i32>} : memref<96xf32, #tpu.memory_space<vmem>>, vector<16xf32>,
        tpu.vector_store %arg23[%parallel_loop3A_338], %parallel_loop3A_337 {strides = array<i32>} : memref<96xf32, #tpu.memory_space<vmem>>, vector<16xf32>,
      } {sc.loop_unroll_factor = 2 : i64, sc.parallel_access}
      %parallel_loop3A_85 = arith.constant 0 : i32
      %parallel_loop3A_86 = arith.constant 96 : i32
      %parallel_loop3A_87 = arith.constant 1 : i32
      scf.for %parallel_loop3A_318 = %parallel_loop3A_85 to %parallel_loop3A_86 step %parallel_loop3A_87  : i32 {
        %parallel_loop3A_319 = arith.constant 0 : i32
        %parallel_loop3A_320 = vector.broadcast %parallel_loop3A_319 : i32 to vector<16xi32>
        %parallel_loop3A_321 = vector.broadcast %parallel_loop3A_318 : i32 to vector<16xi32>
        %parallel_loop3A_322 = arith.addi %parallel_loop3A_320, %parallel_loop3A_321 : vector<16xi32>
        %parallel_loop3A_323 = tpu.vector_load_idx %arg23[%parallel_loop3A_322] : memref<96xf32, #tpu.memory_space<vmem>>[vector<16xi32>], vector<16xf32>,
        %parallel_loop3A_324 = arith.index_cast %parallel_loop3A_318 : i32 to index
        %parallel_loop3A_325 = arith.constant 0 : index
        %parallel_loop3A_326 = tpu.vector_load %arg25[%parallel_loop3A_324, %parallel_loop3A_325] {strides = array<i32>} : memref<96x128xf32, #tpu.memory_space<vmem>>, vector<16xf32>,
        %parallel_loop3A_327 = arith.mulf %parallel_loop3A_326, %parallel_loop3A_323 : vector<16xf32>
        %parallel_loop3A_328 = arith.index_cast %parallel_loop3A_318 : i32 to index
        %parallel_loop3A_329 = arith.constant 0 : index
        %parallel_loop3A_330 = tpu.vector_load %arg25[%parallel_loop3A_328, %parallel_loop3A_329] {strides = array<i32>} : memref<96x128xf32, #tpu.memory_space<vmem>>, vector<16xf32>,
        tpu.vector_store %arg25[%parallel_loop3A_328, %parallel_loop3A_329], %parallel_loop3A_327 {strides = array<i32>} : memref<96x128xf32, #tpu.memory_space<vmem>>, vector<16xf32>,
        %parallel_loop3A_331 = arith.index_cast %parallel_loop3A_318 : i32 to index
        %parallel_loop3A_332 = arith.constant 16 : index
        %parallel_loop3A_333 = tpu.vector_load %arg25[%parallel_loop3A_331, %parallel_loop3A_332] {strides = array<i32>} : memref<96x128xf32, #tpu.memory_space<vmem>>, vector<16xf32>,
        %parallel_loop3A_334 = arith.mulf %parallel_loop3A_333, %parallel_loop3A_323 : vector<16xf32>
        %parallel_loop3A_335 = arith.index_cast %parallel_loop3A_318 : i32 to index
        %parallel_loop3A_336 = arith.constant 16 : index
        %parallel_loop3A_337 = tpu.vector_load %arg25[%parallel_loop3A_335, %parallel_loop3A_336] {strides = array<i32>} : memref<96x128xf32, #tpu.memory_space<vmem>>, vector<16xf32>,
        tpu.vector_store %arg25[%parallel_loop3A_335, %parallel_loop3A_336], %parallel_loop3A_334 {strides = array<i32>} : memref<96x128xf32, #tpu.memory_space<vmem>>, vector<16xf32>,
        %parallel_loop3A_338 = arith.index_cast %parallel_loop3A_318 : i32 to index
        %parallel_loop3A_339 = arith.constant 32 : index
        %parallel_loop3A_340 = tpu.vector_load %arg25[%parallel_loop3A_338, %parallel_loop3A_339] {strides = array<i32>} : memref<96x128xf32, #tpu.memory_space<vmem>>, vector<16xf32>,
        %parallel_loop3A_341 = arith.mulf %parallel_loop3A_340, %parallel_loop3A_323 : vector<16xf32>
        %parallel_loop3A_342 = arith.index_cast %parallel_loop3A_318 : i32 to index
        %parallel_loop3A_343 = arith.constant 32 : index
        %parallel_loop3A_344 = tpu.vector_load %arg25[%parallel_loop3A_342, %parallel_loop3A_343] {strides = array<i32>} : memref<96x128xf32, #tpu.memory_space<vmem>>, vector<16xf32>,
        tpu.vector_store %arg25[%parallel_loop3A_342, %parallel_loop3A_343], %parallel_loop3A_341 {strides = array<i32>} : memref<96x128xf32, #tpu.memory_space<vmem>>, vector<16xf32>,
        %parallel_loop3A_345 = arith.index_cast %parallel_loop3A_318 : i32 to index
        %parallel_loop3A_346 = arith.constant 48 : index
        %parallel_loop3A_347 = tpu.vector_load %arg25[%parallel_loop3A_345, %parallel_loop3A_346] {strides = array<i32>} : memref<96x128xf32, #tpu.memory_space<vmem>>, vector<16xf32>,
        %parallel_loop3A_348 = arith.mulf %parallel_loop3A_347, %parallel_loop3A_323 : vector<16xf32>
        %parallel_loop3A_349 = arith.index_cast %parallel_loop3A_318 : i32 to index
        %parallel_loop3A_350 = arith.constant 48 : index
        %parallel_loop3A_351 = tpu.vector_load %arg25[%parallel_loop3A_349, %parallel_loop3A_350] {strides = array<i32>} : memref<96x128xf32, #tpu.memory_space<vmem>>, vector<16xf32>,
        tpu.vector_store %arg25[%parallel_loop3A_349, %parallel_loop3A_350], %parallel_loop3A_348 {strides = array<i32>} : memref<96x128xf32, #tpu.memory_space<vmem>>, vector<16xf32>,
        %parallel_loop3A_352 = arith.index_cast %parallel_loop3A_318 : i32 to index
        %parallel_loop3A_353 = arith.constant 64 : index
        %parallel_loop3A_354 = tpu.vector_load %arg25[%parallel_loop3A_352, %parallel_loop3A_353] {strides = array<i32>} : memref<96x128xf32, #tpu.memory_space<vmem>>, vector<16xf32>,
        %parallel_loop3A_355 = arith.mulf %parallel_loop3A_354, %parallel_loop3A_323 : vector<16xf32>
        %parallel_loop3A_356 = arith.index_cast %parallel_loop3A_318 : i32 to index
        %parallel_loop3A_357 = arith.constant 64 : index
        %parallel_loop3A_358 = tpu.vector_load %arg25[%parallel_loop3A_356, %parallel_loop3A_357] {strides = array<i32>} : memref<96x128xf32, #tpu.memory_space<vmem>>, vector<16xf32>,
        tpu.vector_store %arg25[%parallel_loop3A_356, %parallel_loop3A_357], %parallel_loop3A_355 {strides = array<i32>} : memref<96x128xf32, #tpu.memory_space<vmem>>, vector<16xf32>,
        %parallel_loop3A_359 = arith.index_cast %parallel_loop3A_318 : i32 to index
        %parallel_loop3A_360 = arith.constant 80 : index
        %parallel_loop3A_361 = tpu.vector_load %arg25[%parallel_loop3A_359, %parallel_loop3A_360] {strides = array<i32>} : memref<96x128xf32, #tpu.memory_space<vmem>>, vector<16xf32>,
        %parallel_loop3A_362 = arith.mulf %parallel_loop3A_361, %parallel_loop3A_323 : vector<16xf32>
        %parallel_loop3A_363 = arith.index_cast %parallel_loop3A_318 : i32 to index
        %parallel_loop3A_364 = arith.constant 80 : index
        %parallel_loop3A_365 = tpu.vector_load %arg25[%parallel_loop3A_363, %parallel_loop3A_364] {strides = array<i32>} : memref<96x128xf32, #tpu.memory_space<vmem>>, vector<16xf32>,
        tpu.vector_store %arg25[%parallel_loop3A_363, %parallel_loop3A_364], %parallel_loop3A_362 {strides = array<i32>} : memref<96x128xf32, #tpu.memory_space<vmem>>, vector<16xf32>,
        %parallel_loop3A_366 = arith.index_cast %parallel_loop3A_318 : i32 to index
        %parallel_loop3A_367 = arith.constant 96 : index
        %parallel_loop3A_368 = tpu.vector_load %arg25[%parallel_loop3A_366, %parallel_loop3A_367] {strides = array<i32>} : memref<96x128xf32, #tpu.memory_space<vmem>>, vector<16xf32>,
        %parallel_loop3A_369 = arith.mulf %parallel_loop3A_368, %parallel_loop3A_323 : vector<16xf32>
        %parallel_loop3A_370 = arith.index_cast %parallel_loop3A_318 : i32 to index
        %parallel_loop3A_371 = arith.constant 96 : index
        %parallel_loop3A_372 = tpu.vector_load %arg25[%parallel_loop3A_370, %parallel_loop3A_371] {strides = array<i32>} : memref<96x128xf32, #tpu.memory_space<vmem>>, vector<16xf32>,
        tpu.vector_store %arg25[%parallel_loop3A_370, %parallel_loop3A_371], %parallel_loop3A_369 {strides = array<i32>} : memref<96x128xf32, #tpu.memory_space<vmem>>, vector<16xf32>,
        %parallel_loop3A_373 = arith.index_cast %parallel_loop3A_318 : i32 to index
        %parallel_loop3A_374 = arith.constant 112 : index
        %parallel_loop3A_375 = tpu.vector_load %arg25[%parallel_loop3A_373, %parallel_loop3A_374] {strides = array<i32>} : memref<96x128xf32, #tpu.memory_space<vmem>>, vector<16xf32>,
        %parallel_loop3A_376 = arith.mulf %parallel_loop3A_375, %parallel_loop3A_323 : vector<16xf32>
        %parallel_loop3A_377 = arith.index_cast %parallel_loop3A_318 : i32 to index
        %parallel_loop3A_378 = arith.constant 112 : index
        %parallel_loop3A_379 = tpu.vector_load %arg25[%parallel_loop3A_377, %parallel_loop3A_378] {strides = array<i32>} : memref<96x128xf32, #tpu.memory_space<vmem>>, vector<16xf32>,
        tpu.vector_store %arg25[%parallel_loop3A_377, %parallel_loop3A_378], %parallel_loop3A_376 {strides = array<i32>} : memref<96x128xf32, #tpu.memory_space<vmem>>, vector<16xf32>,
      } {sc.loop_unroll_factor = 4 : i64, sc.parallel_access}
      %dma_start3A_88 = arith.constant 0 : i32
      %dma_start3A_89 = arith.constant 0 : i32
      %dma_start3A_90 = tpu.memref_slice %arg27[%dma_start3A_88, %dma_start3A_89] : memref<10240x128xf32, #tpu.memory_space<vmem_shared>> -> memref<10240x128xf32, #tpu.memory_space<vmem_shared>>
      tpu.enqueue_indirect_dma source(%arg25 : memref<96x128xf32, #tpu.memory_space<vmem>>) target(%dma_start3A_90 : memref<10240x128xf32, #tpu.memory_space<vmem_shared>>) offsets(%arg20 : memref<96xi32, #tpu.memory_space<vmem>>) semaphore(%arg31 : memref<!tpu.dma_semaphore, #tpu.memory_space<semaphore_mem>>) {add = true}
      %dma_start3A_91 = arith.constant 0 : i32
      %dma_start3A_92 = tpu.memref_slice %arg28[%dma_start3A_91] : memref<10240xf32, #tpu.memory_space<vmem_shared>> -> memref<10240xf32, #tpu.memory_space<vmem_shared>>
      tpu.enqueue_indirect_dma source(%arg23 : memref<96xf32, #tpu.memory_space<vmem>>) target(%dma_start3A_92 : memref<10240xf32, #tpu.memory_space<vmem_shared>>) offsets(%arg20 : memref<96xi32, #tpu.memory_space<vmem>>) semaphore(%arg31 : memref<!tpu.dma_semaphore, #tpu.memory_space<semaphore_mem>>) {add = true}
      %mul3A_93 = arith.constant 6 : i32
      %mul3A_94 = arith.muli %add3A_52, %mul3A_93 : i32
      %add3A_95 = arith.constant 1 : i32
      %add3A_96 = arith.addi %mul3A_94, %add3A_95 : i32
      %ge3A_97 = arith.constant 1 : i32
      %ge3A_98 = arith.cmpi sge, %add3A_96, %ge3A_97 : i32
      %convert_element_type3A_99 = arith.extui %ge3A_98 : i1 to i32
      %cond3A_100 = arith.constant 0 : i32
      %cond3A_101 = arith.cmpi ne, %convert_element_type3A_99, %cond3A_100 : i32
      scf.if %cond3A_101 {
        %dma_wait3A_318 = arith.constant 0 : i32
        %dma_wait3A_319 = arith.constant 0 : i32
        %dma_wait3A_320 = tpu.memref_slice %arg27[%dma_wait3A_318, %dma_wait3A_319] : memref<10240x128xf32, #tpu.memory_space<vmem_shared>> -> memref<10240x128xf32, #tpu.memory_space<vmem_shared>>
        tpu.wait_indirect_dma semaphore(%arg31 : memref<!tpu.dma_semaphore, #tpu.memory_space<semaphore_mem>>) src(%arg25 : memref<96x128xf32, #tpu.memory_space<vmem>>) dst(%dma_wait3A_320 : memref<10240x128xf32, #tpu.memory_space<vmem_shared>>)
        %dma_wait3A_321 = arith.constant 0 : i32
        %dma_wait3A_322 = tpu.memref_slice %arg28[%dma_wait3A_321] : memref<10240xf32, #tpu.memory_space<vmem_shared>> -> memref<10240xf32, #tpu.memory_space<vmem_shared>>
        tpu.wait_indirect_dma semaphore(%arg31 : memref<!tpu.dma_semaphore, #tpu.memory_space<semaphore_mem>>) src(%arg23 : memref<96xf32, #tpu.memory_space<vmem>>) dst(%dma_wait3A_322 : memref<10240xf32, #tpu.memory_space<vmem_shared>>)
      } else {
      }
      %ge3A_102 = arith.constant 1 : i32
      %ge3A_103 = arith.cmpi sge, %add3A_96, %ge3A_102 : i32
      %add3A_104 = arith.constant 2 : i32
      %add3A_105 = arith.addi %add3A_96, %add3A_104 : i32
      %lt3A_106 = arith.constant 108 : i32
      %lt3A_107 = arith.cmpi slt, %add3A_105, %lt3A_106 : i32
      %and3A_108 = arith.andi %ge3A_103, %lt3A_107 : i1
      %convert_element_type3A_109 = arith.extui %and3A_108 : i1 to i32
      %cond3A_110 = arith.constant 0 : i32
      %cond3A_111 = arith.cmpi ne, %convert_element_type3A_109, %cond3A_110 : i32
      scf.if %cond3A_111 {
        %add3A_318 = arith.constant 2 : i32
        %add3A_319 = arith.addi %add3A_96, %add3A_318 : i32
        %mul3A_320 = arith.constant 32 : i32
        %mul3A_321 = arith.muli %add3A_319, %mul3A_320 : i32
        %add3A_322 = arith.addi %mul3A_321, %add3A : i32
        %mul3A_323 = arith.constant 96 : i32
        %mul3A_324 = arith.muli %add3A_322, %mul3A_323 : i32
        %dma_start3A_325 = tpu.memref_slice %arg2[%mul3A_324] : memref<331776xi32, #tpu.memory_space<hbm>> -> memref<96xi32, #tpu.memory_space<hbm>>
        %dma_start3A_326 = tpu.memref_slice %arg2[%mul3A_324] : memref<331776xi32, #tpu.memory_space<hbm>> -> memref<96xi32, #tpu.memory_space<hbm>>
        tpu.enqueue_dma source(%dma_start3A_326 : memref<96xi32, #tpu.memory_space<hbm>>) target(%arg14 : memref<96xi32, #tpu.memory_space<vmem>>) target_semaphore(%arg33 : memref<!tpu.dma_semaphore, #tpu.memory_space<semaphore_mem>>)
      } else {
      }
      %add3A_112 = arith.constant 1 : i32
      %add3A_113 = arith.addi %add3A_96, %add3A_112 : i32
      %ge3A_114 = arith.constant 2 : i32
      %ge3A_115 = arith.cmpi sge, %add3A_113, %ge3A_114 : i32
      %add3A_116 = arith.constant 1 : i32
      %add3A_117 = arith.addi %add3A_96, %add3A_116 : i32
      %lt3A_118 = arith.constant 108 : i32
      %lt3A_119 = arith.cmpi slt, %add3A_117, %lt3A_118 : i32
      %and3A_120 = arith.andi %ge3A_115, %lt3A_119 : i1
      %convert_element_type3A_121 = arith.extui %and3A_120 : i1 to i32
      %cond3A_122 = arith.constant 0 : i32
      %cond3A_123 = arith.cmpi ne, %convert_element_type3A_121, %cond3A_122 : i32
      scf.if %cond3A_123 {
        %add3A_318 = arith.constant 1 : i32
        %add3A_319 = arith.addi %add3A_96, %add3A_318 : i32
        %mul3A_320 = arith.constant 32 : i32
        %mul3A_321 = arith.muli %add3A_319, %mul3A_320 : i32
        %add3A_322 = arith.addi %mul3A_321, %add3A : i32
        %mul3A_323 = arith.constant 96 : i32
        %mul3A_324 = arith.muli %add3A_322, %mul3A_323 : i32
        %dma_wait3A_325 = tpu.memref_slice %arg2[%mul3A_324] : memref<331776xi32, #tpu.memory_space<hbm>> -> memref<96xi32, #tpu.memory_space<hbm>>
        %dma_wait3A_326 = tpu.memref_slice %arg2[%mul3A_324] : memref<331776xi32, #tpu.memory_space<hbm>> -> memref<96xi32, #tpu.memory_space<hbm>>
        tpu.wait_dma2 semaphore(%arg35 : memref<!tpu.dma_semaphore, #tpu.memory_space<semaphore_mem>>) src(%dma_wait3A_326 : memref<96xi32, #tpu.memory_space<hbm>>) dst(%arg16 : memref<96xi32, #tpu.memory_space<vmem>>)
        %parallel_loop3A_327 = arith.constant 0 : i32
        %parallel_loop3A_328 = arith.constant 96 : i32
        %parallel_loop3A_329 = arith.constant 16 : i32
        scf.for %parallel_loop3A_333 = %parallel_loop3A_327 to %parallel_loop3A_328 step %parallel_loop3A_329  : i32 {
          %parallel_loop3A_334 = tpu.assume_multiple %parallel_loop3A_333, 16 : i32
          %parallel_loop3A_335 = arith.index_cast %parallel_loop3A_334 : i32 to index
          %parallel_loop3A_336 = tpu.vector_load %arg16[%parallel_loop3A_335] {strides = array<i32>} : memref<96xi32, #tpu.memory_space<vmem>>, vector<16xi32>,
          %parallel_loop3A_337 = arith.constant 65535 : i32
          %parallel_loop3A_338 = vector.broadcast %parallel_loop3A_337 : i32 to vector<16xi32>
          %parallel_loop3A_339 = arith.andi %parallel_loop3A_336, %parallel_loop3A_338 : vector<16xi32>
          %parallel_loop3A_340 = arith.index_cast %parallel_loop3A_334 : i32 to index
          %parallel_loop3A_341 = tpu.vector_load %arg19[%parallel_loop3A_340] {strides = array<i32>} : memref<96xi32, #tpu.memory_space<vmem>>, vector<16xi32>,
          tpu.vector_store %arg19[%parallel_loop3A_340], %parallel_loop3A_339 {strides = array<i32>} : memref<96xi32, #tpu.memory_space<vmem>>, vector<16xi32>,
          %parallel_loop3A_342 = arith.constant 16 : i32
          %parallel_loop3A_343 = vector.broadcast %parallel_loop3A_342 : i32 to vector<16xi32>
          %parallel_loop3A_344 = arith.shrui %parallel_loop3A_336, %parallel_loop3A_343 : vector<16xi32>
          %parallel_loop3A_345 = arith.index_cast %parallel_loop3A_334 : i32 to index
          %parallel_loop3A_346 = tpu.vector_load %arg22[%parallel_loop3A_345] {strides = array<i32>} : memref<96xi32, #tpu.memory_space<vmem>>, vector<16xi32>,
          tpu.vector_store %arg22[%parallel_loop3A_345], %parallel_loop3A_344 {strides = array<i32>} : memref<96xi32, #tpu.memory_space<vmem>>, vector<16xi32>,
        } {sc.loop_unroll_factor = 2 : i64, sc.parallel_access}
        %dma_start3A_330 = arith.constant 0 : i32
        %dma_start3A_331 = arith.constant 0 : i32
        %dma_start3A_332 = tpu.memref_slice %arg3[%dma_start3A_330, %dma_start3A_331] : memref<10000x128xf32, #tpu.memory_space<hbm>> -> memref<10000x128xf32, #tpu.memory_space<hbm>>
        tpu.enqueue_indirect_dma source(%dma_start3A_332 : memref<10000x128xf32, #tpu.memory_space<hbm>>) target(%arg25 : memref<96x128xf32, #tpu.memory_space<vmem>>) offsets(%arg19 : memref<96xi32, #tpu.memory_space<vmem>>) semaphore(%arg29 : memref<!tpu.dma_semaphore, #tpu.memory_space<semaphore_mem>>)
      } else {
      }
      %dma_wait3A_124 = arith.constant 0 : i32
      %dma_wait3A_125 = arith.constant 0 : i32
      %dma_wait3A_126 = tpu.memref_slice %arg3[%dma_wait3A_124, %dma_wait3A_125] : memref<10000x128xf32, #tpu.memory_space<hbm>> -> memref<10000x128xf32, #tpu.memory_space<hbm>>
      tpu.wait_indirect_dma semaphore(%arg30 : memref<!tpu.dma_semaphore, #tpu.memory_space<semaphore_mem>>) src(%dma_wait3A_126 : memref<10000x128xf32, #tpu.memory_space<hbm>>) dst(%arg26 : memref<96x128xf32, #tpu.memory_space<vmem>>)
      %parallel_loop3A_127 = arith.constant 0 : i32
      %parallel_loop3A_128 = arith.constant 96 : i32
      %parallel_loop3A_129 = arith.constant 16 : i32
      scf.for %parallel_loop3A_318 = %parallel_loop3A_127 to %parallel_loop3A_128 step %parallel_loop3A_129  : i32 {
        %parallel_loop3A_319 = tpu.assume_multiple %parallel_loop3A_318, 16 : i32
        %parallel_loop3A_320 = arith.index_cast %parallel_loop3A_319 : i32 to index
        %parallel_loop3A_321 = tpu.vector_load %arg18[%parallel_loop3A_320] {strides = array<i32>} : memref<96xi32, #tpu.memory_space<vmem>>, vector<16xi32>,
        %parallel_loop3A_322 = arith.index_cast %parallel_loop3A_319 : i32 to index
        %parallel_loop3A_323 = tpu.vector_load %arg21[%parallel_loop3A_322] {strides = array<i32>} : memref<96xi32, #tpu.memory_space<vmem>>, vector<16xi32>,
        %parallel_loop3A_324 = tpu.vector_load_idx %arg11[%parallel_loop3A_321] : memref<10240xf32, #tpu.memory_space<vmem>>[vector<16xi32>], vector<16xf32>,
        %parallel_loop3A_325 = tpu.vector_load_idx %arg12[%parallel_loop3A_323] : memref<10240xf32, #tpu.memory_space<vmem>>[vector<16xi32>], vector<16xf32>,
        %parallel_loop3A_326 = arith.addf %parallel_loop3A_324, %parallel_loop3A_325 : vector<16xf32>
        %parallel_loop3A_327 = arith.constant 0.000000e+00 : f32
        %parallel_loop3A_328 = vector.broadcast %parallel_loop3A_327 : f32 to vector<16xf32>
        %parallel_loop3A_329 = arith.cmpf ogt, %parallel_loop3A_326, %parallel_loop3A_328 : vector<16xf32>
        %parallel_loop3A_330 = arith.constant 2.000000e-01 : f32
        %parallel_loop3A_331 = vector.broadcast %parallel_loop3A_330 : f32 to vector<16xf32>
        %parallel_loop3A_332 = arith.mulf %parallel_loop3A_331, %parallel_loop3A_326 : vector<16xf32>
        %parallel_loop3A_333 = arith.select %parallel_loop3A_329, %parallel_loop3A_326, %parallel_loop3A_332 : vector<16xi1>, vector<16xf32>
        %parallel_loop3A_334 = arith.constant 0 : index
        %parallel_loop3A_335 = tpu.vector_load %arg13[%parallel_loop3A_334] {strides = array<i32>} : memref<16xf32, #tpu.memory_space<vmem>>, vector<16xf32>,
        %parallel_loop3A_336 = arith.subf %parallel_loop3A_333, %parallel_loop3A_335 : vector<16xf32>
        %parallel_loop3A_337 = math.exp %parallel_loop3A_336 : vector<16xf32>
        %parallel_loop3A_338 = arith.index_cast %parallel_loop3A_319 : i32 to index
        %parallel_loop3A_339 = tpu.vector_load %arg24[%parallel_loop3A_338] {strides = array<i32>} : memref<96xf32, #tpu.memory_space<vmem>>, vector<16xf32>,
        tpu.vector_store %arg24[%parallel_loop3A_338], %parallel_loop3A_337 {strides = array<i32>} : memref<96xf32, #tpu.memory_space<vmem>>, vector<16xf32>,
      } {sc.loop_unroll_factor = 2 : i64, sc.parallel_access}
      %parallel_loop3A_130 = arith.constant 0 : i32
      %parallel_loop3A_131 = arith.constant 96 : i32
      %parallel_loop3A_132 = arith.constant 1 : i32
      scf.for %parallel_loop3A_318 = %parallel_loop3A_130 to %parallel_loop3A_131 step %parallel_loop3A_132  : i32 {
        %parallel_loop3A_319 = arith.constant 0 : i32
        %parallel_loop3A_320 = vector.broadcast %parallel_loop3A_319 : i32 to vector<16xi32>
        %parallel_loop3A_321 = vector.broadcast %parallel_loop3A_318 : i32 to vector<16xi32>
        %parallel_loop3A_322 = arith.addi %parallel_loop3A_320, %parallel_loop3A_321 : vector<16xi32>
        %parallel_loop3A_323 = tpu.vector_load_idx %arg24[%parallel_loop3A_322] : memref<96xf32, #tpu.memory_space<vmem>>[vector<16xi32>], vector<16xf32>,
        %parallel_loop3A_324 = arith.index_cast %parallel_loop3A_318 : i32 to index
        %parallel_loop3A_325 = arith.constant 0 : index
        %parallel_loop3A_326 = tpu.vector_load %arg26[%parallel_loop3A_324, %parallel_loop3A_325] {strides = array<i32>} : memref<96x128xf32, #tpu.memory_space<vmem>>, vector<16xf32>,
        %parallel_loop3A_327 = arith.mulf %parallel_loop3A_326, %parallel_loop3A_323 : vector<16xf32>
        %parallel_loop3A_328 = arith.index_cast %parallel_loop3A_318 : i32 to index
        %parallel_loop3A_329 = arith.constant 0 : index
        %parallel_loop3A_330 = tpu.vector_load %arg26[%parallel_loop3A_328, %parallel_loop3A_329] {strides = array<i32>} : memref<96x128xf32, #tpu.memory_space<vmem>>, vector<16xf32>,
        tpu.vector_store %arg26[%parallel_loop3A_328, %parallel_loop3A_329], %parallel_loop3A_327 {strides = array<i32>} : memref<96x128xf32, #tpu.memory_space<vmem>>, vector<16xf32>,
        %parallel_loop3A_331 = arith.index_cast %parallel_loop3A_318 : i32 to index
        %parallel_loop3A_332 = arith.constant 16 : index
        %parallel_loop3A_333 = tpu.vector_load %arg26[%parallel_loop3A_331, %parallel_loop3A_332] {strides = array<i32>} : memref<96x128xf32, #tpu.memory_space<vmem>>, vector<16xf32>,
        %parallel_loop3A_334 = arith.mulf %parallel_loop3A_333, %parallel_loop3A_323 : vector<16xf32>
        %parallel_loop3A_335 = arith.index_cast %parallel_loop3A_318 : i32 to index
        %parallel_loop3A_336 = arith.constant 16 : index
        %parallel_loop3A_337 = tpu.vector_load %arg26[%parallel_loop3A_335, %parallel_loop3A_336] {strides = array<i32>} : memref<96x128xf32, #tpu.memory_space<vmem>>, vector<16xf32>,
        tpu.vector_store %arg26[%parallel_loop3A_335, %parallel_loop3A_336], %parallel_loop3A_334 {strides = array<i32>} : memref<96x128xf32, #tpu.memory_space<vmem>>, vector<16xf32>,
        %parallel_loop3A_338 = arith.index_cast %parallel_loop3A_318 : i32 to index
        %parallel_loop3A_339 = arith.constant 32 : index
        %parallel_loop3A_340 = tpu.vector_load %arg26[%parallel_loop3A_338, %parallel_loop3A_339] {strides = array<i32>} : memref<96x128xf32, #tpu.memory_space<vmem>>, vector<16xf32>,
        %parallel_loop3A_341 = arith.mulf %parallel_loop3A_340, %parallel_loop3A_323 : vector<16xf32>
        %parallel_loop3A_342 = arith.index_cast %parallel_loop3A_318 : i32 to index
        %parallel_loop3A_343 = arith.constant 32 : index
        %parallel_loop3A_344 = tpu.vector_load %arg26[%parallel_loop3A_342, %parallel_loop3A_343] {strides = array<i32>} : memref<96x128xf32, #tpu.memory_space<vmem>>, vector<16xf32>,
        tpu.vector_store %arg26[%parallel_loop3A_342, %parallel_loop3A_343], %parallel_loop3A_341 {strides = array<i32>} : memref<96x128xf32, #tpu.memory_space<vmem>>, vector<16xf32>,
        %parallel_loop3A_345 = arith.index_cast %parallel_loop3A_318 : i32 to index
        %parallel_loop3A_346 = arith.constant 48 : index
        %parallel_loop3A_347 = tpu.vector_load %arg26[%parallel_loop3A_345, %parallel_loop3A_346] {strides = array<i32>} : memref<96x128xf32, #tpu.memory_space<vmem>>, vector<16xf32>,
        %parallel_loop3A_348 = arith.mulf %parallel_loop3A_347, %parallel_loop3A_323 : vector<16xf32>
        %parallel_loop3A_349 = arith.index_cast %parallel_loop3A_318 : i32 to index
        %parallel_loop3A_350 = arith.constant 48 : index
        %parallel_loop3A_351 = tpu.vector_load %arg26[%parallel_loop3A_349, %parallel_loop3A_350] {strides = array<i32>} : memref<96x128xf32, #tpu.memory_space<vmem>>, vector<16xf32>,
        tpu.vector_store %arg26[%parallel_loop3A_349, %parallel_loop3A_350], %parallel_loop3A_348 {strides = array<i32>} : memref<96x128xf32, #tpu.memory_space<vmem>>, vector<16xf32>,
        %parallel_loop3A_352 = arith.index_cast %parallel_loop3A_318 : i32 to index
        %parallel_loop3A_353 = arith.constant 64 : index
        %parallel_loop3A_354 = tpu.vector_load %arg26[%parallel_loop3A_352, %parallel_loop3A_353] {strides = array<i32>} : memref<96x128xf32, #tpu.memory_space<vmem>>, vector<16xf32>,
        %parallel_loop3A_355 = arith.mulf %parallel_loop3A_354, %parallel_loop3A_323 : vector<16xf32>
        %parallel_loop3A_356 = arith.index_cast %parallel_loop3A_318 : i32 to index
        %parallel_loop3A_357 = arith.constant 64 : index
        %parallel_loop3A_358 = tpu.vector_load %arg26[%parallel_loop3A_356, %parallel_loop3A_357] {strides = array<i32>} : memref<96x128xf32, #tpu.memory_space<vmem>>, vector<16xf32>,
        tpu.vector_store %arg26[%parallel_loop3A_356, %parallel_loop3A_357], %parallel_loop3A_355 {strides = array<i32>} : memref<96x128xf32, #tpu.memory_space<vmem>>, vector<16xf32>,
        %parallel_loop3A_359 = arith.index_cast %parallel_loop3A_318 : i32 to index
        %parallel_loop3A_360 = arith.constant 80 : index
        %parallel_loop3A_361 = tpu.vector_load %arg26[%parallel_loop3A_359, %parallel_loop3A_360] {strides = array<i32>} : memref<96x128xf32, #tpu.memory_space<vmem>>, vector<16xf32>,
        %parallel_loop3A_362 = arith.mulf %parallel_loop3A_361, %parallel_loop3A_323 : vector<16xf32>
        %parallel_loop3A_363 = arith.index_cast %parallel_loop3A_318 : i32 to index
        %parallel_loop3A_364 = arith.constant 80 : index
        %parallel_loop3A_365 = tpu.vector_load %arg26[%parallel_loop3A_363, %parallel_loop3A_364] {strides = array<i32>} : memref<96x128xf32, #tpu.memory_space<vmem>>, vector<16xf32>,
        tpu.vector_store %arg26[%parallel_loop3A_363, %parallel_loop3A_364], %parallel_loop3A_362 {strides = array<i32>} : memref<96x128xf32, #tpu.memory_space<vmem>>, vector<16xf32>,
        %parallel_loop3A_366 = arith.index_cast %parallel_loop3A_318 : i32 to index
        %parallel_loop3A_367 = arith.constant 96 : index
        %parallel_loop3A_368 = tpu.vector_load %arg26[%parallel_loop3A_366, %parallel_loop3A_367] {strides = array<i32>} : memref<96x128xf32, #tpu.memory_space<vmem>>, vector<16xf32>,
        %parallel_loop3A_369 = arith.mulf %parallel_loop3A_368, %parallel_loop3A_323 : vector<16xf32>
        %parallel_loop3A_370 = arith.index_cast %parallel_loop3A_318 : i32 to index
        %parallel_loop3A_371 = arith.constant 96 : index
        %parallel_loop3A_372 = tpu.vector_load %arg26[%parallel_loop3A_370, %parallel_loop3A_371] {strides = array<i32>} : memref<96x128xf32, #tpu.memory_space<vmem>>, vector<16xf32>,
        tpu.vector_store %arg26[%parallel_loop3A_370, %parallel_loop3A_371], %parallel_loop3A_369 {strides = array<i32>} : memref<96x128xf32, #tpu.memory_space<vmem>>, vector<16xf32>,
        %parallel_loop3A_373 = arith.index_cast %parallel_loop3A_318 : i32 to index
        %parallel_loop3A_374 = arith.constant 112 : index
        %parallel_loop3A_375 = tpu.vector_load %arg26[%parallel_loop3A_373, %parallel_loop3A_374] {strides = array<i32>} : memref<96x128xf32, #tpu.memory_space<vmem>>, vector<16xf32>,
        %parallel_loop3A_376 = arith.mulf %parallel_loop3A_375, %parallel_loop3A_323 : vector<16xf32>
        %parallel_loop3A_377 = arith.index_cast %parallel_loop3A_318 : i32 to index
        %parallel_loop3A_378 = arith.constant 112 : index
        %parallel_loop3A_379 = tpu.vector_load %arg26[%parallel_loop3A_377, %parallel_loop3A_378] {strides = array<i32>} : memref<96x128xf32, #tpu.memory_space<vmem>>, vector<16xf32>,
        tpu.vector_store %arg26[%parallel_loop3A_377, %parallel_loop3A_378], %parallel_loop3A_376 {strides = array<i32>} : memref<96x128xf32, #tpu.memory_space<vmem>>, vector<16xf32>,
      } {sc.loop_unroll_factor = 4 : i64, sc.parallel_access}
      %dma_start3A_133 = arith.constant 0 : i32
      %dma_start3A_134 = arith.constant 0 : i32
      %dma_start3A_135 = tpu.memref_slice %arg27[%dma_start3A_133, %dma_start3A_134] : memref<10240x128xf32, #tpu.memory_space<vmem_shared>> -> memref<10240x128xf32, #tpu.memory_space<vmem_shared>>
      tpu.enqueue_indirect_dma source(%arg26 : memref<96x128xf32, #tpu.memory_space<vmem>>) target(%dma_start3A_135 : memref<10240x128xf32, #tpu.memory_space<vmem_shared>>) offsets(%arg21 : memref<96xi32, #tpu.memory_space<vmem>>) semaphore(%arg32 : memref<!tpu.dma_semaphore, #tpu.memory_space<semaphore_mem>>) {add = true}
      %dma_start3A_136 = arith.constant 0 : i32
      %dma_start3A_137 = tpu.memref_slice %arg28[%dma_start3A_136] : memref<10240xf32, #tpu.memory_space<vmem_shared>> -> memref<10240xf32, #tpu.memory_space<vmem_shared>>
      tpu.enqueue_indirect_dma source(%arg24 : memref<96xf32, #tpu.memory_space<vmem>>) target(%dma_start3A_137 : memref<10240xf32, #tpu.memory_space<vmem_shared>>) offsets(%arg21 : memref<96xi32, #tpu.memory_space<vmem>>) semaphore(%arg32 : memref<!tpu.dma_semaphore, #tpu.memory_space<semaphore_mem>>) {add = true}
      %mul3A_138 = arith.constant 6 : i32
      %mul3A_139 = arith.muli %add3A_52, %mul3A_138 : i32
      %add3A_140 = arith.constant 2 : i32
      %add3A_141 = arith.addi %mul3A_139, %add3A_140 : i32
      %ge3A_142 = arith.constant 1 : i32
      %ge3A_143 = arith.cmpi sge, %add3A_141, %ge3A_142 : i32
      %convert_element_type3A_144 = arith.extui %ge3A_143 : i1 to i32
      %cond3A_145 = arith.constant 0 : i32
      %cond3A_146 = arith.cmpi ne, %convert_element_type3A_144, %cond3A_145 : i32
      scf.if %cond3A_146 {
        %dma_wait3A_318 = arith.constant 0 : i32
        %dma_wait3A_319 = arith.constant 0 : i32
        %dma_wait3A_320 = tpu.memref_slice %arg27[%dma_wait3A_318, %dma_wait3A_319] : memref<10240x128xf32, #tpu.memory_space<vmem_shared>> -> memref<10240x128xf32, #tpu.memory_space<vmem_shared>>
        tpu.wait_indirect_dma semaphore(%arg32 : memref<!tpu.dma_semaphore, #tpu.memory_space<semaphore_mem>>) src(%arg26 : memref<96x128xf32, #tpu.memory_space<vmem>>) dst(%dma_wait3A_320 : memref<10240x128xf32, #tpu.memory_space<vmem_shared>>)
        %dma_wait3A_321 = arith.constant 0 : i32
        %dma_wait3A_322 = tpu.memref_slice %arg28[%dma_wait3A_321] : memref<10240xf32, #tpu.memory_space<vmem_shared>> -> memref<10240xf32, #tpu.memory_space<vmem_shared>>
        tpu.wait_indirect_dma semaphore(%arg32 : memref<!tpu.dma_semaphore, #tpu.memory_space<semaphore_mem>>) src(%arg24 : memref<96xf32, #tpu.memory_space<vmem>>) dst(%dma_wait3A_322 : memref<10240xf32, #tpu.memory_space<vmem_shared>>)
      } else {
      }
      %ge3A_147 = arith.constant 1 : i32
      %ge3A_148 = arith.cmpi sge, %add3A_141, %ge3A_147 : i32
      %add3A_149 = arith.constant 2 : i32
      %add3A_150 = arith.addi %add3A_141, %add3A_149 : i32
      %lt3A_151 = arith.constant 108 : i32
      %lt3A_152 = arith.cmpi slt, %add3A_150, %lt3A_151 : i32
      %and3A_153 = arith.andi %ge3A_148, %lt3A_152 : i1
      %convert_element_type3A_154 = arith.extui %and3A_153 : i1 to i32
      %cond3A_155 = arith.constant 0 : i32
      %cond3A_156 = arith.cmpi ne, %convert_element_type3A_154, %cond3A_155 : i32
      scf.if %cond3A_156 {
        %add3A_318 = arith.constant 2 : i32
        %add3A_319 = arith.addi %add3A_141, %add3A_318 : i32
        %mul3A_320 = arith.constant 32 : i32
        %mul3A_321 = arith.muli %add3A_319, %mul3A_320 : i32
        %add3A_322 = arith.addi %mul3A_321, %add3A : i32
        %mul3A_323 = arith.constant 96 : i32
        %mul3A_324 = arith.muli %add3A_322, %mul3A_323 : i32
        %dma_start3A_325 = tpu.memref_slice %arg2[%mul3A_324] : memref<331776xi32, #tpu.memory_space<hbm>> -> memref<96xi32, #tpu.memory_space<hbm>>
        %dma_start3A_326 = tpu.memref_slice %arg2[%mul3A_324] : memref<331776xi32, #tpu.memory_space<hbm>> -> memref<96xi32, #tpu.memory_space<hbm>>
        tpu.enqueue_dma source(%dma_start3A_326 : memref<96xi32, #tpu.memory_space<hbm>>) target(%arg15 : memref<96xi32, #tpu.memory_space<vmem>>) target_semaphore(%arg34 : memref<!tpu.dma_semaphore, #tpu.memory_space<semaphore_mem>>)
      } else {
      }
      %add3A_157 = arith.constant 1 : i32
      %add3A_158 = arith.addi %add3A_141, %add3A_157 : i32
      %ge3A_159 = arith.constant 2 : i32
      %ge3A_160 = arith.cmpi sge, %add3A_158, %ge3A_159 : i32
      %add3A_161 = arith.constant 1 : i32
      %add3A_162 = arith.addi %add3A_141, %add3A_161 : i32
      %lt3A_163 = arith.constant 108 : i32
      %lt3A_164 = arith.cmpi slt, %add3A_162, %lt3A_163 : i32
      %and3A_165 = arith.andi %ge3A_160, %lt3A_164 : i1
      %convert_element_type3A_166 = arith.extui %and3A_165 : i1 to i32
      %cond3A_167 = arith.constant 0 : i32
      %cond3A_168 = arith.cmpi ne, %convert_element_type3A_166, %cond3A_167 : i32
      scf.if %cond3A_168 {
        %add3A_318 = arith.constant 1 : i32
        %add3A_319 = arith.addi %add3A_141, %add3A_318 : i32
        %mul3A_320 = arith.constant 32 : i32
        %mul3A_321 = arith.muli %add3A_319, %mul3A_320 : i32
        %add3A_322 = arith.addi %mul3A_321, %add3A : i32
        %mul3A_323 = arith.constant 96 : i32
        %mul3A_324 = arith.muli %add3A_322, %mul3A_323 : i32
        %dma_wait3A_325 = tpu.memref_slice %arg2[%mul3A_324] : memref<331776xi32, #tpu.memory_space<hbm>> -> memref<96xi32, #tpu.memory_space<hbm>>
        %dma_wait3A_326 = tpu.memref_slice %arg2[%mul3A_324] : memref<331776xi32, #tpu.memory_space<hbm>> -> memref<96xi32, #tpu.memory_space<hbm>>
        tpu.wait_dma2 semaphore(%arg33 : memref<!tpu.dma_semaphore, #tpu.memory_space<semaphore_mem>>) src(%dma_wait3A_326 : memref<96xi32, #tpu.memory_space<hbm>>) dst(%arg14 : memref<96xi32, #tpu.memory_space<vmem>>)
        %parallel_loop3A_327 = arith.constant 0 : i32
        %parallel_loop3A_328 = arith.constant 96 : i32
        %parallel_loop3A_329 = arith.constant 16 : i32
        scf.for %parallel_loop3A_333 = %parallel_loop3A_327 to %parallel_loop3A_328 step %parallel_loop3A_329  : i32 {
          %parallel_loop3A_334 = tpu.assume_multiple %parallel_loop3A_333, 16 : i32
          %parallel_loop3A_335 = arith.index_cast %parallel_loop3A_334 : i32 to index
          %parallel_loop3A_336 = tpu.vector_load %arg14[%parallel_loop3A_335] {strides = array<i32>} : memref<96xi32, #tpu.memory_space<vmem>>, vector<16xi32>,
          %parallel_loop3A_337 = arith.constant 65535 : i32
          %parallel_loop3A_338 = vector.broadcast %parallel_loop3A_337 : i32 to vector<16xi32>
          %parallel_loop3A_339 = arith.andi %parallel_loop3A_336, %parallel_loop3A_338 : vector<16xi32>
          %parallel_loop3A_340 = arith.index_cast %parallel_loop3A_334 : i32 to index
          %parallel_loop3A_341 = tpu.vector_load %arg17[%parallel_loop3A_340] {strides = array<i32>} : memref<96xi32, #tpu.memory_space<vmem>>, vector<16xi32>,
          tpu.vector_store %arg17[%parallel_loop3A_340], %parallel_loop3A_339 {strides = array<i32>} : memref<96xi32, #tpu.memory_space<vmem>>, vector<16xi32>,
          %parallel_loop3A_342 = arith.constant 16 : i32
          %parallel_loop3A_343 = vector.broadcast %parallel_loop3A_342 : i32 to vector<16xi32>
          %parallel_loop3A_344 = arith.shrui %parallel_loop3A_336, %parallel_loop3A_343 : vector<16xi32>
          %parallel_loop3A_345 = arith.index_cast %parallel_loop3A_334 : i32 to index
          %parallel_loop3A_346 = tpu.vector_load %arg20[%parallel_loop3A_345] {strides = array<i32>} : memref<96xi32, #tpu.memory_space<vmem>>, vector<16xi32>,
          tpu.vector_store %arg20[%parallel_loop3A_345], %parallel_loop3A_344 {strides = array<i32>} : memref<96xi32, #tpu.memory_space<vmem>>, vector<16xi32>,
        } {sc.loop_unroll_factor = 2 : i64, sc.parallel_access}
        %dma_start3A_330 = arith.constant 0 : i32
        %dma_start3A_331 = arith.constant 0 : i32
        %dma_start3A_332 = tpu.memref_slice %arg3[%dma_start3A_330, %dma_start3A_331] : memref<10000x128xf32, #tpu.memory_space<hbm>> -> memref<10000x128xf32, #tpu.memory_space<hbm>>
        tpu.enqueue_indirect_dma source(%dma_start3A_332 : memref<10000x128xf32, #tpu.memory_space<hbm>>) target(%arg26 : memref<96x128xf32, #tpu.memory_space<vmem>>) offsets(%arg17 : memref<96xi32, #tpu.memory_space<vmem>>) semaphore(%arg30 : memref<!tpu.dma_semaphore, #tpu.memory_space<semaphore_mem>>)
      } else {
      }
      %dma_wait3A_169 = arith.constant 0 : i32
      %dma_wait3A_170 = arith.constant 0 : i32
      %dma_wait3A_171 = tpu.memref_slice %arg3[%dma_wait3A_169, %dma_wait3A_170] : memref<10000x128xf32, #tpu.memory_space<hbm>> -> memref<10000x128xf32, #tpu.memory_space<hbm>>
      tpu.wait_indirect_dma semaphore(%arg29 : memref<!tpu.dma_semaphore, #tpu.memory_space<semaphore_mem>>) src(%dma_wait3A_171 : memref<10000x128xf32, #tpu.memory_space<hbm>>) dst(%arg25 : memref<96x128xf32, #tpu.memory_space<vmem>>)
      %parallel_loop3A_172 = arith.constant 0 : i32
      %parallel_loop3A_173 = arith.constant 96 : i32
      %parallel_loop3A_174 = arith.constant 16 : i32
      scf.for %parallel_loop3A_318 = %parallel_loop3A_172 to %parallel_loop3A_173 step %parallel_loop3A_174  : i32 {
        %parallel_loop3A_319 = tpu.assume_multiple %parallel_loop3A_318, 16 : i32
        %parallel_loop3A_320 = arith.index_cast %parallel_loop3A_319 : i32 to index
        %parallel_loop3A_321 = tpu.vector_load %arg19[%parallel_loop3A_320] {strides = array<i32>} : memref<96xi32, #tpu.memory_space<vmem>>, vector<16xi32>,
        %parallel_loop3A_322 = arith.index_cast %parallel_loop3A_319 : i32 to index
        %parallel_loop3A_323 = tpu.vector_load %arg22[%parallel_loop3A_322] {strides = array<i32>} : memref<96xi32, #tpu.memory_space<vmem>>, vector<16xi32>,
        %parallel_loop3A_324 = tpu.vector_load_idx %arg11[%parallel_loop3A_321] : memref<10240xf32, #tpu.memory_space<vmem>>[vector<16xi32>], vector<16xf32>,
        %parallel_loop3A_325 = tpu.vector_load_idx %arg12[%parallel_loop3A_323] : memref<10240xf32, #tpu.memory_space<vmem>>[vector<16xi32>], vector<16xf32>,
        %parallel_loop3A_326 = arith.addf %parallel_loop3A_324, %parallel_loop3A_325 : vector<16xf32>
        %parallel_loop3A_327 = arith.constant 0.000000e+00 : f32
        %parallel_loop3A_328 = vector.broadcast %parallel_loop3A_327 : f32 to vector<16xf32>
        %parallel_loop3A_329 = arith.cmpf ogt, %parallel_loop3A_326, %parallel_loop3A_328 : vector<16xf32>
        %parallel_loop3A_330 = arith.constant 2.000000e-01 : f32
        %parallel_loop3A_331 = vector.broadcast %parallel_loop3A_330 : f32 to vector<16xf32>
        %parallel_loop3A_332 = arith.mulf %parallel_loop3A_331, %parallel_loop3A_326 : vector<16xf32>
        %parallel_loop3A_333 = arith.select %parallel_loop3A_329, %parallel_loop3A_326, %parallel_loop3A_332 : vector<16xi1>, vector<16xf32>
        %parallel_loop3A_334 = arith.constant 0 : index
        %parallel_loop3A_335 = tpu.vector_load %arg13[%parallel_loop3A_334] {strides = array<i32>} : memref<16xf32, #tpu.memory_space<vmem>>, vector<16xf32>,
        %parallel_loop3A_336 = arith.subf %parallel_loop3A_333, %parallel_loop3A_335 : vector<16xf32>
        %parallel_loop3A_337 = math.exp %parallel_loop3A_336 : vector<16xf32>
        %parallel_loop3A_338 = arith.index_cast %parallel_loop3A_319 : i32 to index
        %parallel_loop3A_339 = tpu.vector_load %arg23[%parallel_loop3A_338] {strides = array<i32>} : memref<96xf32, #tpu.memory_space<vmem>>, vector<16xf32>,
        tpu.vector_store %arg23[%parallel_loop3A_338], %parallel_loop3A_337 {strides = array<i32>} : memref<96xf32, #tpu.memory_space<vmem>>, vector<16xf32>,
      } {sc.loop_unroll_factor = 2 : i64, sc.parallel_access}
      %parallel_loop3A_175 = arith.constant 0 : i32
      %parallel_loop3A_176 = arith.constant 96 : i32
      %parallel_loop3A_177 = arith.constant 1 : i32
      scf.for %parallel_loop3A_318 = %parallel_loop3A_175 to %parallel_loop3A_176 step %parallel_loop3A_177  : i32 {
        %parallel_loop3A_319 = arith.constant 0 : i32
        %parallel_loop3A_320 = vector.broadcast %parallel_loop3A_319 : i32 to vector<16xi32>
        %parallel_loop3A_321 = vector.broadcast %parallel_loop3A_318 : i32 to vector<16xi32>
        %parallel_loop3A_322 = arith.addi %parallel_loop3A_320, %parallel_loop3A_321 : vector<16xi32>
        %parallel_loop3A_323 = tpu.vector_load_idx %arg23[%parallel_loop3A_322] : memref<96xf32, #tpu.memory_space<vmem>>[vector<16xi32>], vector<16xf32>,
        %parallel_loop3A_324 = arith.index_cast %parallel_loop3A_318 : i32 to index
        %parallel_loop3A_325 = arith.constant 0 : index
        %parallel_loop3A_326 = tpu.vector_load %arg25[%parallel_loop3A_324, %parallel_loop3A_325] {strides = array<i32>} : memref<96x128xf32, #tpu.memory_space<vmem>>, vector<16xf32>,
        %parallel_loop3A_327 = arith.mulf %parallel_loop3A_326, %parallel_loop3A_323 : vector<16xf32>
        %parallel_loop3A_328 = arith.index_cast %parallel_loop3A_318 : i32 to index
        %parallel_loop3A_329 = arith.constant 0 : index
        %parallel_loop3A_330 = tpu.vector_load %arg25[%parallel_loop3A_328, %parallel_loop3A_329] {strides = array<i32>} : memref<96x128xf32, #tpu.memory_space<vmem>>, vector<16xf32>,
        tpu.vector_store %arg25[%parallel_loop3A_328, %parallel_loop3A_329], %parallel_loop3A_327 {strides = array<i32>} : memref<96x128xf32, #tpu.memory_space<vmem>>, vector<16xf32>,
        %parallel_loop3A_331 = arith.index_cast %parallel_loop3A_318 : i32 to index
        %parallel_loop3A_332 = arith.constant 16 : index
        %parallel_loop3A_333 = tpu.vector_load %arg25[%parallel_loop3A_331, %parallel_loop3A_332] {strides = array<i32>} : memref<96x128xf32, #tpu.memory_space<vmem>>, vector<16xf32>,
        %parallel_loop3A_334 = arith.mulf %parallel_loop3A_333, %parallel_loop3A_323 : vector<16xf32>
        %parallel_loop3A_335 = arith.index_cast %parallel_loop3A_318 : i32 to index
        %parallel_loop3A_336 = arith.constant 16 : index
        %parallel_loop3A_337 = tpu.vector_load %arg25[%parallel_loop3A_335, %parallel_loop3A_336] {strides = array<i32>} : memref<96x128xf32, #tpu.memory_space<vmem>>, vector<16xf32>,
        tpu.vector_store %arg25[%parallel_loop3A_335, %parallel_loop3A_336], %parallel_loop3A_334 {strides = array<i32>} : memref<96x128xf32, #tpu.memory_space<vmem>>, vector<16xf32>,
        %parallel_loop3A_338 = arith.index_cast %parallel_loop3A_318 : i32 to index
        %parallel_loop3A_339 = arith.constant 32 : index
        %parallel_loop3A_340 = tpu.vector_load %arg25[%parallel_loop3A_338, %parallel_loop3A_339] {strides = array<i32>} : memref<96x128xf32, #tpu.memory_space<vmem>>, vector<16xf32>,
        %parallel_loop3A_341 = arith.mulf %parallel_loop3A_340, %parallel_loop3A_323 : vector<16xf32>
        %parallel_loop3A_342 = arith.index_cast %parallel_loop3A_318 : i32 to index
        %parallel_loop3A_343 = arith.constant 32 : index
        %parallel_loop3A_344 = tpu.vector_load %arg25[%parallel_loop3A_342, %parallel_loop3A_343] {strides = array<i32>} : memref<96x128xf32, #tpu.memory_space<vmem>>, vector<16xf32>,
        tpu.vector_store %arg25[%parallel_loop3A_342, %parallel_loop3A_343], %parallel_loop3A_341 {strides = array<i32>} : memref<96x128xf32, #tpu.memory_space<vmem>>, vector<16xf32>,
        %parallel_loop3A_345 = arith.index_cast %parallel_loop3A_318 : i32 to index
        %parallel_loop3A_346 = arith.constant 48 : index
        %parallel_loop3A_347 = tpu.vector_load %arg25[%parallel_loop3A_345, %parallel_loop3A_346] {strides = array<i32>} : memref<96x128xf32, #tpu.memory_space<vmem>>, vector<16xf32>,
        %parallel_loop3A_348 = arith.mulf %parallel_loop3A_347, %parallel_loop3A_323 : vector<16xf32>
        %parallel_loop3A_349 = arith.index_cast %parallel_loop3A_318 : i32 to index
        %parallel_loop3A_350 = arith.constant 48 : index
        %parallel_loop3A_351 = tpu.vector_load %arg25[%parallel_loop3A_349, %parallel_loop3A_350] {strides = array<i32>} : memref<96x128xf32, #tpu.memory_space<vmem>>, vector<16xf32>,
        tpu.vector_store %arg25[%parallel_loop3A_349, %parallel_loop3A_350], %parallel_loop3A_348 {strides = array<i32>} : memref<96x128xf32, #tpu.memory_space<vmem>>, vector<16xf32>,
        %parallel_loop3A_352 = arith.index_cast %parallel_loop3A_318 : i32 to index
        %parallel_loop3A_353 = arith.constant 64 : index
        %parallel_loop3A_354 = tpu.vector_load %arg25[%parallel_loop3A_352, %parallel_loop3A_353] {strides = array<i32>} : memref<96x128xf32, #tpu.memory_space<vmem>>, vector<16xf32>,
        %parallel_loop3A_355 = arith.mulf %parallel_loop3A_354, %parallel_loop3A_323 : vector<16xf32>
        %parallel_loop3A_356 = arith.index_cast %parallel_loop3A_318 : i32 to index
        %parallel_loop3A_357 = arith.constant 64 : index
        %parallel_loop3A_358 = tpu.vector_load %arg25[%parallel_loop3A_356, %parallel_loop3A_357] {strides = array<i32>} : memref<96x128xf32, #tpu.memory_space<vmem>>, vector<16xf32>,
        tpu.vector_store %arg25[%parallel_loop3A_356, %parallel_loop3A_357], %parallel_loop3A_355 {strides = array<i32>} : memref<96x128xf32, #tpu.memory_space<vmem>>, vector<16xf32>,
        %parallel_loop3A_359 = arith.index_cast %parallel_loop3A_318 : i32 to index
        %parallel_loop3A_360 = arith.constant 80 : index
        %parallel_loop3A_361 = tpu.vector_load %arg25[%parallel_loop3A_359, %parallel_loop3A_360] {strides = array<i32>} : memref<96x128xf32, #tpu.memory_space<vmem>>, vector<16xf32>,
        %parallel_loop3A_362 = arith.mulf %parallel_loop3A_361, %parallel_loop3A_323 : vector<16xf32>
        %parallel_loop3A_363 = arith.index_cast %parallel_loop3A_318 : i32 to index
        %parallel_loop3A_364 = arith.constant 80 : index
        %parallel_loop3A_365 = tpu.vector_load %arg25[%parallel_loop3A_363, %parallel_loop3A_364] {strides = array<i32>} : memref<96x128xf32, #tpu.memory_space<vmem>>, vector<16xf32>,
        tpu.vector_store %arg25[%parallel_loop3A_363, %parallel_loop3A_364], %parallel_loop3A_362 {strides = array<i32>} : memref<96x128xf32, #tpu.memory_space<vmem>>, vector<16xf32>,
        %parallel_loop3A_366 = arith.index_cast %parallel_loop3A_318 : i32 to index
        %parallel_loop3A_367 = arith.constant 96 : index
        %parallel_loop3A_368 = tpu.vector_load %arg25[%parallel_loop3A_366, %parallel_loop3A_367] {strides = array<i32>} : memref<96x128xf32, #tpu.memory_space<vmem>>, vector<16xf32>,
        %parallel_loop3A_369 = arith.mulf %parallel_loop3A_368, %parallel_loop3A_323 : vector<16xf32>
        %parallel_loop3A_370 = arith.index_cast %parallel_loop3A_318 : i32 to index
        %parallel_loop3A_371 = arith.constant 96 : index
        %parallel_loop3A_372 = tpu.vector_load %arg25[%parallel_loop3A_370, %parallel_loop3A_371] {strides = array<i32>} : memref<96x128xf32, #tpu.memory_space<vmem>>, vector<16xf32>,
        tpu.vector_store %arg25[%parallel_loop3A_370, %parallel_loop3A_371], %parallel_loop3A_369 {strides = array<i32>} : memref<96x128xf32, #tpu.memory_space<vmem>>, vector<16xf32>,
        %parallel_loop3A_373 = arith.index_cast %parallel_loop3A_318 : i32 to index
        %parallel_loop3A_374 = arith.constant 112 : index
        %parallel_loop3A_375 = tpu.vector_load %arg25[%parallel_loop3A_373, %parallel_loop3A_374] {strides = array<i32>} : memref<96x128xf32, #tpu.memory_space<vmem>>, vector<16xf32>,
        %parallel_loop3A_376 = arith.mulf %parallel_loop3A_375, %parallel_loop3A_323 : vector<16xf32>
        %parallel_loop3A_377 = arith.index_cast %parallel_loop3A_318 : i32 to index
        %parallel_loop3A_378 = arith.constant 112 : index
        %parallel_loop3A_379 = tpu.vector_load %arg25[%parallel_loop3A_377, %parallel_loop3A_378] {strides = array<i32>} : memref<96x128xf32, #tpu.memory_space<vmem>>, vector<16xf32>,
        tpu.vector_store %arg25[%parallel_loop3A_377, %parallel_loop3A_378], %parallel_loop3A_376 {strides = array<i32>} : memref<96x128xf32, #tpu.memory_space<vmem>>, vector<16xf32>,
      } {sc.loop_unroll_factor = 4 : i64, sc.parallel_access}
      %dma_start3A_178 = arith.constant 0 : i32
      %dma_start3A_179 = arith.constant 0 : i32
      %dma_start3A_180 = tpu.memref_slice %arg27[%dma_start3A_178, %dma_start3A_179] : memref<10240x128xf32, #tpu.memory_space<vmem_shared>> -> memref<10240x128xf32, #tpu.memory_space<vmem_shared>>
      tpu.enqueue_indirect_dma source(%arg25 : memref<96x128xf32, #tpu.memory_space<vmem>>) target(%dma_start3A_180 : memref<10240x128xf32, #tpu.memory_space<vmem_shared>>) offsets(%arg22 : memref<96xi32, #tpu.memory_space<vmem>>) semaphore(%arg31 : memref<!tpu.dma_semaphore, #tpu.memory_space<semaphore_mem>>) {add = true}
      %dma_start3A_181 = arith.constant 0 : i32
      %dma_start3A_182 = tpu.memref_slice %arg28[%dma_start3A_181] : memref<10240xf32, #tpu.memory_space<vmem_shared>> -> memref<10240xf32, #tpu.memory_space<vmem_shared>>
      tpu.enqueue_indirect_dma source(%arg23 : memref<96xf32, #tpu.memory_space<vmem>>) target(%dma_start3A_182 : memref<10240xf32, #tpu.memory_space<vmem_shared>>) offsets(%arg22 : memref<96xi32, #tpu.memory_space<vmem>>) semaphore(%arg31 : memref<!tpu.dma_semaphore, #tpu.memory_space<semaphore_mem>>) {add = true}
      %mul3A_183 = arith.constant 6 : i32
      %mul3A_184 = arith.muli %add3A_52, %mul3A_183 : i32
      %add3A_185 = arith.constant 3 : i32
      %add3A_186 = arith.addi %mul3A_184, %add3A_185 : i32
      %ge3A_187 = arith.constant 1 : i32
      %ge3A_188 = arith.cmpi sge, %add3A_186, %ge3A_187 : i32
      %convert_element_type3A_189 = arith.extui %ge3A_188 : i1 to i32
      %cond3A_190 = arith.constant 0 : i32
      %cond3A_191 = arith.cmpi ne, %convert_element_type3A_189, %cond3A_190 : i32
      scf.if %cond3A_191 {
        %dma_wait3A_318 = arith.constant 0 : i32
        %dma_wait3A_319 = arith.constant 0 : i32
        %dma_wait3A_320 = tpu.memref_slice %arg27[%dma_wait3A_318, %dma_wait3A_319] : memref<10240x128xf32, #tpu.memory_space<vmem_shared>> -> memref<10240x128xf32, #tpu.memory_space<vmem_shared>>
        tpu.wait_indirect_dma semaphore(%arg31 : memref<!tpu.dma_semaphore, #tpu.memory_space<semaphore_mem>>) src(%arg25 : memref<96x128xf32, #tpu.memory_space<vmem>>) dst(%dma_wait3A_320 : memref<10240x128xf32, #tpu.memory_space<vmem_shared>>)
        %dma_wait3A_321 = arith.constant 0 : i32
        %dma_wait3A_322 = tpu.memref_slice %arg28[%dma_wait3A_321] : memref<10240xf32, #tpu.memory_space<vmem_shared>> -> memref<10240xf32, #tpu.memory_space<vmem_shared>>
        tpu.wait_indirect_dma semaphore(%arg31 : memref<!tpu.dma_semaphore, #tpu.memory_space<semaphore_mem>>) src(%arg23 : memref<96xf32, #tpu.memory_space<vmem>>) dst(%dma_wait3A_322 : memref<10240xf32, #tpu.memory_space<vmem_shared>>)
      } else {
      }
      %ge3A_192 = arith.constant 1 : i32
      %ge3A_193 = arith.cmpi sge, %add3A_186, %ge3A_192 : i32
      %add3A_194 = arith.constant 2 : i32
      %add3A_195 = arith.addi %add3A_186, %add3A_194 : i32
      %lt3A_196 = arith.constant 108 : i32
      %lt3A_197 = arith.cmpi slt, %add3A_195, %lt3A_196 : i32
      %and3A_198 = arith.andi %ge3A_193, %lt3A_197 : i1
      %convert_element_type3A_199 = arith.extui %and3A_198 : i1 to i32
      %cond3A_200 = arith.constant 0 : i32
      %cond3A_201 = arith.cmpi ne, %convert_element_type3A_199, %cond3A_200 : i32
      scf.if %cond3A_201 {
        %add3A_318 = arith.constant 2 : i32
        %add3A_319 = arith.addi %add3A_186, %add3A_318 : i32
        %mul3A_320 = arith.constant 32 : i32
        %mul3A_321 = arith.muli %add3A_319, %mul3A_320 : i32
        %add3A_322 = arith.addi %mul3A_321, %add3A : i32
        %mul3A_323 = arith.constant 96 : i32
        %mul3A_324 = arith.muli %add3A_322, %mul3A_323 : i32
        %dma_start3A_325 = tpu.memref_slice %arg2[%mul3A_324] : memref<331776xi32, #tpu.memory_space<hbm>> -> memref<96xi32, #tpu.memory_space<hbm>>
        %dma_start3A_326 = tpu.memref_slice %arg2[%mul3A_324] : memref<331776xi32, #tpu.memory_space<hbm>> -> memref<96xi32, #tpu.memory_space<hbm>>
        tpu.enqueue_dma source(%dma_start3A_326 : memref<96xi32, #tpu.memory_space<hbm>>) target(%arg16 : memref<96xi32, #tpu.memory_space<vmem>>) target_semaphore(%arg35 : memref<!tpu.dma_semaphore, #tpu.memory_space<semaphore_mem>>)
      } else {
      }
      %add3A_202 = arith.constant 1 : i32
      %add3A_203 = arith.addi %add3A_186, %add3A_202 : i32
      %ge3A_204 = arith.constant 2 : i32
      %ge3A_205 = arith.cmpi sge, %add3A_203, %ge3A_204 : i32
      %add3A_206 = arith.constant 1 : i32
      %add3A_207 = arith.addi %add3A_186, %add3A_206 : i32
      %lt3A_208 = arith.constant 108 : i32
      %lt3A_209 = arith.cmpi slt, %add3A_207, %lt3A_208 : i32
      %and3A_210 = arith.andi %ge3A_205, %lt3A_209 : i1
      %convert_element_type3A_211 = arith.extui %and3A_210 : i1 to i32
      %cond3A_212 = arith.constant 0 : i32
      %cond3A_213 = arith.cmpi ne, %convert_element_type3A_211, %cond3A_212 : i32
      scf.if %cond3A_213 {
        %add3A_318 = arith.constant 1 : i32
        %add3A_319 = arith.addi %add3A_186, %add3A_318 : i32
        %mul3A_320 = arith.constant 32 : i32
        %mul3A_321 = arith.muli %add3A_319, %mul3A_320 : i32
        %add3A_322 = arith.addi %mul3A_321, %add3A : i32
        %mul3A_323 = arith.constant 96 : i32
        %mul3A_324 = arith.muli %add3A_322, %mul3A_323 : i32
        %dma_wait3A_325 = tpu.memref_slice %arg2[%mul3A_324] : memref<331776xi32, #tpu.memory_space<hbm>> -> memref<96xi32, #tpu.memory_space<hbm>>
        %dma_wait3A_326 = tpu.memref_slice %arg2[%mul3A_324] : memref<331776xi32, #tpu.memory_space<hbm>> -> memref<96xi32, #tpu.memory_space<hbm>>
        tpu.wait_dma2 semaphore(%arg34 : memref<!tpu.dma_semaphore, #tpu.memory_space<semaphore_mem>>) src(%dma_wait3A_326 : memref<96xi32, #tpu.memory_space<hbm>>) dst(%arg15 : memref<96xi32, #tpu.memory_space<vmem>>)
        %parallel_loop3A_327 = arith.constant 0 : i32
        %parallel_loop3A_328 = arith.constant 96 : i32
        %parallel_loop3A_329 = arith.constant 16 : i32
        scf.for %parallel_loop3A_333 = %parallel_loop3A_327 to %parallel_loop3A_328 step %parallel_loop3A_329  : i32 {
          %parallel_loop3A_334 = tpu.assume_multiple %parallel_loop3A_333, 16 : i32
          %parallel_loop3A_335 = arith.index_cast %parallel_loop3A_334 : i32 to index
          %parallel_loop3A_336 = tpu.vector_load %arg15[%parallel_loop3A_335] {strides = array<i32>} : memref<96xi32, #tpu.memory_space<vmem>>, vector<16xi32>,
          %parallel_loop3A_337 = arith.constant 65535 : i32
          %parallel_loop3A_338 = vector.broadcast %parallel_loop3A_337 : i32 to vector<16xi32>
          %parallel_loop3A_339 = arith.andi %parallel_loop3A_336, %parallel_loop3A_338 : vector<16xi32>
          %parallel_loop3A_340 = arith.index_cast %parallel_loop3A_334 : i32 to index
          %parallel_loop3A_341 = tpu.vector_load %arg18[%parallel_loop3A_340] {strides = array<i32>} : memref<96xi32, #tpu.memory_space<vmem>>, vector<16xi32>,
          tpu.vector_store %arg18[%parallel_loop3A_340], %parallel_loop3A_339 {strides = array<i32>} : memref<96xi32, #tpu.memory_space<vmem>>, vector<16xi32>,
          %parallel_loop3A_342 = arith.constant 16 : i32
          %parallel_loop3A_343 = vector.broadcast %parallel_loop3A_342 : i32 to vector<16xi32>
          %parallel_loop3A_344 = arith.shrui %parallel_loop3A_336, %parallel_loop3A_343 : vector<16xi32>
          %parallel_loop3A_345 = arith.index_cast %parallel_loop3A_334 : i32 to index
          %parallel_loop3A_346 = tpu.vector_load %arg21[%parallel_loop3A_345] {strides = array<i32>} : memref<96xi32, #tpu.memory_space<vmem>>, vector<16xi32>,
          tpu.vector_store %arg21[%parallel_loop3A_345], %parallel_loop3A_344 {strides = array<i32>} : memref<96xi32, #tpu.memory_space<vmem>>, vector<16xi32>,
        } {sc.loop_unroll_factor = 2 : i64, sc.parallel_access}
        %dma_start3A_330 = arith.constant 0 : i32
        %dma_start3A_331 = arith.constant 0 : i32
        %dma_start3A_332 = tpu.memref_slice %arg3[%dma_start3A_330, %dma_start3A_331] : memref<10000x128xf32, #tpu.memory_space<hbm>> -> memref<10000x128xf32, #tpu.memory_space<hbm>>
        tpu.enqueue_indirect_dma source(%dma_start3A_332 : memref<10000x128xf32, #tpu.memory_space<hbm>>) target(%arg25 : memref<96x128xf32, #tpu.memory_space<vmem>>) offsets(%arg18 : memref<96xi32, #tpu.memory_space<vmem>>) semaphore(%arg29 : memref<!tpu.dma_semaphore, #tpu.memory_space<semaphore_mem>>)
      } else {
      }
      %dma_wait3A_214 = arith.constant 0 : i32
      %dma_wait3A_215 = arith.constant 0 : i32
      %dma_wait3A_216 = tpu.memref_slice %arg3[%dma_wait3A_214, %dma_wait3A_215] : memref<10000x128xf32, #tpu.memory_space<hbm>> -> memref<10000x128xf32, #tpu.memory_space<hbm>>
      tpu.wait_indirect_dma semaphore(%arg30 : memref<!tpu.dma_semaphore, #tpu.memory_space<semaphore_mem>>) src(%dma_wait3A_216 : memref<10000x128xf32, #tpu.memory_space<hbm>>) dst(%arg26 : memref<96x128xf32, #tpu.memory_space<vmem>>)
      %parallel_loop3A_217 = arith.constant 0 : i32
      %parallel_loop3A_218 = arith.constant 96 : i32
      %parallel_loop3A_219 = arith.constant 16 : i32
      scf.for %parallel_loop3A_318 = %parallel_loop3A_217 to %parallel_loop3A_218 step %parallel_loop3A_219  : i32 {
        %parallel_loop3A_319 = tpu.assume_multiple %parallel_loop3A_318, 16 : i32
        %parallel_loop3A_320 = arith.index_cast %parallel_loop3A_319 : i32 to index
        %parallel_loop3A_321 = tpu.vector_load %arg17[%parallel_loop3A_320] {strides = array<i32>} : memref<96xi32, #tpu.memory_space<vmem>>, vector<16xi32>,
        %parallel_loop3A_322 = arith.index_cast %parallel_loop3A_319 : i32 to index
        %parallel_loop3A_323 = tpu.vector_load %arg20[%parallel_loop3A_322] {strides = array<i32>} : memref<96xi32, #tpu.memory_space<vmem>>, vector<16xi32>,
        %parallel_loop3A_324 = tpu.vector_load_idx %arg11[%parallel_loop3A_321] : memref<10240xf32, #tpu.memory_space<vmem>>[vector<16xi32>], vector<16xf32>,
        %parallel_loop3A_325 = tpu.vector_load_idx %arg12[%parallel_loop3A_323] : memref<10240xf32, #tpu.memory_space<vmem>>[vector<16xi32>], vector<16xf32>,
        %parallel_loop3A_326 = arith.addf %parallel_loop3A_324, %parallel_loop3A_325 : vector<16xf32>
        %parallel_loop3A_327 = arith.constant 0.000000e+00 : f32
        %parallel_loop3A_328 = vector.broadcast %parallel_loop3A_327 : f32 to vector<16xf32>
        %parallel_loop3A_329 = arith.cmpf ogt, %parallel_loop3A_326, %parallel_loop3A_328 : vector<16xf32>
        %parallel_loop3A_330 = arith.constant 2.000000e-01 : f32
        %parallel_loop3A_331 = vector.broadcast %parallel_loop3A_330 : f32 to vector<16xf32>
        %parallel_loop3A_332 = arith.mulf %parallel_loop3A_331, %parallel_loop3A_326 : vector<16xf32>
        %parallel_loop3A_333 = arith.select %parallel_loop3A_329, %parallel_loop3A_326, %parallel_loop3A_332 : vector<16xi1>, vector<16xf32>
        %parallel_loop3A_334 = arith.constant 0 : index
        %parallel_loop3A_335 = tpu.vector_load %arg13[%parallel_loop3A_334] {strides = array<i32>} : memref<16xf32, #tpu.memory_space<vmem>>, vector<16xf32>,
        %parallel_loop3A_336 = arith.subf %parallel_loop3A_333, %parallel_loop3A_335 : vector<16xf32>
        %parallel_loop3A_337 = math.exp %parallel_loop3A_336 : vector<16xf32>
        %parallel_loop3A_338 = arith.index_cast %parallel_loop3A_319 : i32 to index
        %parallel_loop3A_339 = tpu.vector_load %arg24[%parallel_loop3A_338] {strides = array<i32>} : memref<96xf32, #tpu.memory_space<vmem>>, vector<16xf32>,
        tpu.vector_store %arg24[%parallel_loop3A_338], %parallel_loop3A_337 {strides = array<i32>} : memref<96xf32, #tpu.memory_space<vmem>>, vector<16xf32>,
      } {sc.loop_unroll_factor = 2 : i64, sc.parallel_access}
      %parallel_loop3A_220 = arith.constant 0 : i32
      %parallel_loop3A_221 = arith.constant 96 : i32
      %parallel_loop3A_222 = arith.constant 1 : i32
      scf.for %parallel_loop3A_318 = %parallel_loop3A_220 to %parallel_loop3A_221 step %parallel_loop3A_222  : i32 {
        %parallel_loop3A_319 = arith.constant 0 : i32
        %parallel_loop3A_320 = vector.broadcast %parallel_loop3A_319 : i32 to vector<16xi32>
        %parallel_loop3A_321 = vector.broadcast %parallel_loop3A_318 : i32 to vector<16xi32>
        %parallel_loop3A_322 = arith.addi %parallel_loop3A_320, %parallel_loop3A_321 : vector<16xi32>
        %parallel_loop3A_323 = tpu.vector_load_idx %arg24[%parallel_loop3A_322] : memref<96xf32, #tpu.memory_space<vmem>>[vector<16xi32>], vector<16xf32>,
        %parallel_loop3A_324 = arith.index_cast %parallel_loop3A_318 : i32 to index
        %parallel_loop3A_325 = arith.constant 0 : index
        %parallel_loop3A_326 = tpu.vector_load %arg26[%parallel_loop3A_324, %parallel_loop3A_325] {strides = array<i32>} : memref<96x128xf32, #tpu.memory_space<vmem>>, vector<16xf32>,
        %parallel_loop3A_327 = arith.mulf %parallel_loop3A_326, %parallel_loop3A_323 : vector<16xf32>
        %parallel_loop3A_328 = arith.index_cast %parallel_loop3A_318 : i32 to index
        %parallel_loop3A_329 = arith.constant 0 : index
        %parallel_loop3A_330 = tpu.vector_load %arg26[%parallel_loop3A_328, %parallel_loop3A_329] {strides = array<i32>} : memref<96x128xf32, #tpu.memory_space<vmem>>, vector<16xf32>,
        tpu.vector_store %arg26[%parallel_loop3A_328, %parallel_loop3A_329], %parallel_loop3A_327 {strides = array<i32>} : memref<96x128xf32, #tpu.memory_space<vmem>>, vector<16xf32>,
        %parallel_loop3A_331 = arith.index_cast %parallel_loop3A_318 : i32 to index
        %parallel_loop3A_332 = arith.constant 16 : index
        %parallel_loop3A_333 = tpu.vector_load %arg26[%parallel_loop3A_331, %parallel_loop3A_332] {strides = array<i32>} : memref<96x128xf32, #tpu.memory_space<vmem>>, vector<16xf32>,
        %parallel_loop3A_334 = arith.mulf %parallel_loop3A_333, %parallel_loop3A_323 : vector<16xf32>
        %parallel_loop3A_335 = arith.index_cast %parallel_loop3A_318 : i32 to index
        %parallel_loop3A_336 = arith.constant 16 : index
        %parallel_loop3A_337 = tpu.vector_load %arg26[%parallel_loop3A_335, %parallel_loop3A_336] {strides = array<i32>} : memref<96x128xf32, #tpu.memory_space<vmem>>, vector<16xf32>,
        tpu.vector_store %arg26[%parallel_loop3A_335, %parallel_loop3A_336], %parallel_loop3A_334 {strides = array<i32>} : memref<96x128xf32, #tpu.memory_space<vmem>>, vector<16xf32>,
        %parallel_loop3A_338 = arith.index_cast %parallel_loop3A_318 : i32 to index
        %parallel_loop3A_339 = arith.constant 32 : index
        %parallel_loop3A_340 = tpu.vector_load %arg26[%parallel_loop3A_338, %parallel_loop3A_339] {strides = array<i32>} : memref<96x128xf32, #tpu.memory_space<vmem>>, vector<16xf32>,
        %parallel_loop3A_341 = arith.mulf %parallel_loop3A_340, %parallel_loop3A_323 : vector<16xf32>
        %parallel_loop3A_342 = arith.index_cast %parallel_loop3A_318 : i32 to index
        %parallel_loop3A_343 = arith.constant 32 : index
        %parallel_loop3A_344 = tpu.vector_load %arg26[%parallel_loop3A_342, %parallel_loop3A_343] {strides = array<i32>} : memref<96x128xf32, #tpu.memory_space<vmem>>, vector<16xf32>,
        tpu.vector_store %arg26[%parallel_loop3A_342, %parallel_loop3A_343], %parallel_loop3A_341 {strides = array<i32>} : memref<96x128xf32, #tpu.memory_space<vmem>>, vector<16xf32>,
        %parallel_loop3A_345 = arith.index_cast %parallel_loop3A_318 : i32 to index
        %parallel_loop3A_346 = arith.constant 48 : index
        %parallel_loop3A_347 = tpu.vector_load %arg26[%parallel_loop3A_345, %parallel_loop3A_346] {strides = array<i32>} : memref<96x128xf32, #tpu.memory_space<vmem>>, vector<16xf32>,
        %parallel_loop3A_348 = arith.mulf %parallel_loop3A_347, %parallel_loop3A_323 : vector<16xf32>
        %parallel_loop3A_349 = arith.index_cast %parallel_loop3A_318 : i32 to index
        %parallel_loop3A_350 = arith.constant 48 : index
        %parallel_loop3A_351 = tpu.vector_load %arg26[%parallel_loop3A_349, %parallel_loop3A_350] {strides = array<i32>} : memref<96x128xf32, #tpu.memory_space<vmem>>, vector<16xf32>,
        tpu.vector_store %arg26[%parallel_loop3A_349, %parallel_loop3A_350], %parallel_loop3A_348 {strides = array<i32>} : memref<96x128xf32, #tpu.memory_space<vmem>>, vector<16xf32>,
        %parallel_loop3A_352 = arith.index_cast %parallel_loop3A_318 : i32 to index
        %parallel_loop3A_353 = arith.constant 64 : index
        %parallel_loop3A_354 = tpu.vector_load %arg26[%parallel_loop3A_352, %parallel_loop3A_353] {strides = array<i32>} : memref<96x128xf32, #tpu.memory_space<vmem>>, vector<16xf32>,
        %parallel_loop3A_355 = arith.mulf %parallel_loop3A_354, %parallel_loop3A_323 : vector<16xf32>
        %parallel_loop3A_356 = arith.index_cast %parallel_loop3A_318 : i32 to index
        %parallel_loop3A_357 = arith.constant 64 : index
        %parallel_loop3A_358 = tpu.vector_load %arg26[%parallel_loop3A_356, %parallel_loop3A_357] {strides = array<i32>} : memref<96x128xf32, #tpu.memory_space<vmem>>, vector<16xf32>,
        tpu.vector_store %arg26[%parallel_loop3A_356, %parallel_loop3A_357], %parallel_loop3A_355 {strides = array<i32>} : memref<96x128xf32, #tpu.memory_space<vmem>>, vector<16xf32>,
        %parallel_loop3A_359 = arith.index_cast %parallel_loop3A_318 : i32 to index
        %parallel_loop3A_360 = arith.constant 80 : index
        %parallel_loop3A_361 = tpu.vector_load %arg26[%parallel_loop3A_359, %parallel_loop3A_360] {strides = array<i32>} : memref<96x128xf32, #tpu.memory_space<vmem>>, vector<16xf32>,
        %parallel_loop3A_362 = arith.mulf %parallel_loop3A_361, %parallel_loop3A_323 : vector<16xf32>
        %parallel_loop3A_363 = arith.index_cast %parallel_loop3A_318 : i32 to index
        %parallel_loop3A_364 = arith.constant 80 : index
        %parallel_loop3A_365 = tpu.vector_load %arg26[%parallel_loop3A_363, %parallel_loop3A_364] {strides = array<i32>} : memref<96x128xf32, #tpu.memory_space<vmem>>, vector<16xf32>,
        tpu.vector_store %arg26[%parallel_loop3A_363, %parallel_loop3A_364], %parallel_loop3A_362 {strides = array<i32>} : memref<96x128xf32, #tpu.memory_space<vmem>>, vector<16xf32>,
        %parallel_loop3A_366 = arith.index_cast %parallel_loop3A_318 : i32 to index
        %parallel_loop3A_367 = arith.constant 96 : index
        %parallel_loop3A_368 = tpu.vector_load %arg26[%parallel_loop3A_366, %parallel_loop3A_367] {strides = array<i32>} : memref<96x128xf32, #tpu.memory_space<vmem>>, vector<16xf32>,
        %parallel_loop3A_369 = arith.mulf %parallel_loop3A_368, %parallel_loop3A_323 : vector<16xf32>
        %parallel_loop3A_370 = arith.index_cast %parallel_loop3A_318 : i32 to index
        %parallel_loop3A_371 = arith.constant 96 : index
        %parallel_loop3A_372 = tpu.vector_load %arg26[%parallel_loop3A_370, %parallel_loop3A_371] {strides = array<i32>} : memref<96x128xf32, #tpu.memory_space<vmem>>, vector<16xf32>,
        tpu.vector_store %arg26[%parallel_loop3A_370, %parallel_loop3A_371], %parallel_loop3A_369 {strides = array<i32>} : memref<96x128xf32, #tpu.memory_space<vmem>>, vector<16xf32>,
        %parallel_loop3A_373 = arith.index_cast %parallel_loop3A_318 : i32 to index
        %parallel_loop3A_374 = arith.constant 112 : index
        %parallel_loop3A_375 = tpu.vector_load %arg26[%parallel_loop3A_373, %parallel_loop3A_374] {strides = array<i32>} : memref<96x128xf32, #tpu.memory_space<vmem>>, vector<16xf32>,
        %parallel_loop3A_376 = arith.mulf %parallel_loop3A_375, %parallel_loop3A_323 : vector<16xf32>
        %parallel_loop3A_377 = arith.index_cast %parallel_loop3A_318 : i32 to index
        %parallel_loop3A_378 = arith.constant 112 : index
        %parallel_loop3A_379 = tpu.vector_load %arg26[%parallel_loop3A_377, %parallel_loop3A_378] {strides = array<i32>} : memref<96x128xf32, #tpu.memory_space<vmem>>, vector<16xf32>,
        tpu.vector_store %arg26[%parallel_loop3A_377, %parallel_loop3A_378], %parallel_loop3A_376 {strides = array<i32>} : memref<96x128xf32, #tpu.memory_space<vmem>>, vector<16xf32>,
      } {sc.loop_unroll_factor = 4 : i64, sc.parallel_access}
      %dma_start3A_223 = arith.constant 0 : i32
      %dma_start3A_224 = arith.constant 0 : i32
      %dma_start3A_225 = tpu.memref_slice %arg27[%dma_start3A_223, %dma_start3A_224] : memref<10240x128xf32, #tpu.memory_space<vmem_shared>> -> memref<10240x128xf32, #tpu.memory_space<vmem_shared>>
      tpu.enqueue_indirect_dma source(%arg26 : memref<96x128xf32, #tpu.memory_space<vmem>>) target(%dma_start3A_225 : memref<10240x128xf32, #tpu.memory_space<vmem_shared>>) offsets(%arg20 : memref<96xi32, #tpu.memory_space<vmem>>) semaphore(%arg32 : memref<!tpu.dma_semaphore, #tpu.memory_space<semaphore_mem>>) {add = true}
      %dma_start3A_226 = arith.constant 0 : i32
      %dma_start3A_227 = tpu.memref_slice %arg28[%dma_start3A_226] : memref<10240xf32, #tpu.memory_space<vmem_shared>> -> memref<10240xf32, #tpu.memory_space<vmem_shared>>
      tpu.enqueue_indirect_dma source(%arg24 : memref<96xf32, #tpu.memory_space<vmem>>) target(%dma_start3A_227 : memref<10240xf32, #tpu.memory_space<vmem_shared>>) offsets(%arg20 : memref<96xi32, #tpu.memory_space<vmem>>) semaphore(%arg32 : memref<!tpu.dma_semaphore, #tpu.memory_space<semaphore_mem>>) {add = true}
      %mul3A_228 = arith.constant 6 : i32
      %mul3A_229 = arith.muli %add3A_52, %mul3A_228 : i32
      %add3A_230 = arith.constant 4 : i32
      %add3A_231 = arith.addi %mul3A_229, %add3A_230 : i32
      %ge3A_232 = arith.constant 1 : i32
      %ge3A_233 = arith.cmpi sge, %add3A_231, %ge3A_232 : i32
      %convert_element_type3A_234 = arith.extui %ge3A_233 : i1 to i32
      %cond3A_235 = arith.constant 0 : i32
      %cond3A_236 = arith.cmpi ne, %convert_element_type3A_234, %cond3A_235 : i32
      scf.if %cond3A_236 {
        %dma_wait3A_318 = arith.constant 0 : i32
        %dma_wait3A_319 = arith.constant 0 : i32
        %dma_wait3A_320 = tpu.memref_slice %arg27[%dma_wait3A_318, %dma_wait3A_319] : memref<10240x128xf32, #tpu.memory_space<vmem_shared>> -> memref<10240x128xf32, #tpu.memory_space<vmem_shared>>
        tpu.wait_indirect_dma semaphore(%arg32 : memref<!tpu.dma_semaphore, #tpu.memory_space<semaphore_mem>>) src(%arg26 : memref<96x128xf32, #tpu.memory_space<vmem>>) dst(%dma_wait3A_320 : memref<10240x128xf32, #tpu.memory_space<vmem_shared>>)
        %dma_wait3A_321 = arith.constant 0 : i32
        %dma_wait3A_322 = tpu.memref_slice %arg28[%dma_wait3A_321] : memref<10240xf32, #tpu.memory_space<vmem_shared>> -> memref<10240xf32, #tpu.memory_space<vmem_shared>>
        tpu.wait_indirect_dma semaphore(%arg32 : memref<!tpu.dma_semaphore, #tpu.memory_space<semaphore_mem>>) src(%arg24 : memref<96xf32, #tpu.memory_space<vmem>>) dst(%dma_wait3A_322 : memref<10240xf32, #tpu.memory_space<vmem_shared>>)
      } else {
      }
      %ge3A_237 = arith.constant 1 : i32
      %ge3A_238 = arith.cmpi sge, %add3A_231, %ge3A_237 : i32
      %add3A_239 = arith.constant 2 : i32
      %add3A_240 = arith.addi %add3A_231, %add3A_239 : i32
      %lt3A_241 = arith.constant 108 : i32
      %lt3A_242 = arith.cmpi slt, %add3A_240, %lt3A_241 : i32
      %and3A_243 = arith.andi %ge3A_238, %lt3A_242 : i1
      %convert_element_type3A_244 = arith.extui %and3A_243 : i1 to i32
      %cond3A_245 = arith.constant 0 : i32
      %cond3A_246 = arith.cmpi ne, %convert_element_type3A_244, %cond3A_245 : i32
      scf.if %cond3A_246 {
        %add3A_318 = arith.constant 2 : i32
        %add3A_319 = arith.addi %add3A_231, %add3A_318 : i32
        %mul3A_320 = arith.constant 32 : i32
        %mul3A_321 = arith.muli %add3A_319, %mul3A_320 : i32
        %add3A_322 = arith.addi %mul3A_321, %add3A : i32
        %mul3A_323 = arith.constant 96 : i32
        %mul3A_324 = arith.muli %add3A_322, %mul3A_323 : i32
        %dma_start3A_325 = tpu.memref_slice %arg2[%mul3A_324] : memref<331776xi32, #tpu.memory_space<hbm>> -> memref<96xi32, #tpu.memory_space<hbm>>
        %dma_start3A_326 = tpu.memref_slice %arg2[%mul3A_324] : memref<331776xi32, #tpu.memory_space<hbm>> -> memref<96xi32, #tpu.memory_space<hbm>>
        tpu.enqueue_dma source(%dma_start3A_326 : memref<96xi32, #tpu.memory_space<hbm>>) target(%arg14 : memref<96xi32, #tpu.memory_space<vmem>>) target_semaphore(%arg33 : memref<!tpu.dma_semaphore, #tpu.memory_space<semaphore_mem>>)
      } else {
      }
      %add3A_247 = arith.constant 1 : i32
      %add3A_248 = arith.addi %add3A_231, %add3A_247 : i32
      %ge3A_249 = arith.constant 2 : i32
      %ge3A_250 = arith.cmpi sge, %add3A_248, %ge3A_249 : i32
      %add3A_251 = arith.constant 1 : i32
      %add3A_252 = arith.addi %add3A_231, %add3A_251 : i32
      %lt3A_253 = arith.constant 108 : i32
      %lt3A_254 = arith.cmpi slt, %add3A_252, %lt3A_253 : i32
      %and3A_255 = arith.andi %ge3A_250, %lt3A_254 : i1
      %convert_element_type3A_256 = arith.extui %and3A_255 : i1 to i32
      %cond3A_257 = arith.constant 0 : i32
      %cond3A_258 = arith.cmpi ne, %convert_element_type3A_256, %cond3A_257 : i32
      scf.if %cond3A_258 {
        %add3A_318 = arith.constant 1 : i32
        %add3A_319 = arith.addi %add3A_231, %add3A_318 : i32
        %mul3A_320 = arith.constant 32 : i32
        %mul3A_321 = arith.muli %add3A_319, %mul3A_320 : i32
        %add3A_322 = arith.addi %mul3A_321, %add3A : i32
        %mul3A_323 = arith.constant 96 : i32
        %mul3A_324 = arith.muli %add3A_322, %mul3A_323 : i32
        %dma_wait3A_325 = tpu.memref_slice %arg2[%mul3A_324] : memref<331776xi32, #tpu.memory_space<hbm>> -> memref<96xi32, #tpu.memory_space<hbm>>
        %dma_wait3A_326 = tpu.memref_slice %arg2[%mul3A_324] : memref<331776xi32, #tpu.memory_space<hbm>> -> memref<96xi32, #tpu.memory_space<hbm>>
        tpu.wait_dma2 semaphore(%arg35 : memref<!tpu.dma_semaphore, #tpu.memory_space<semaphore_mem>>) src(%dma_wait3A_326 : memref<96xi32, #tpu.memory_space<hbm>>) dst(%arg16 : memref<96xi32, #tpu.memory_space<vmem>>)
        %parallel_loop3A_327 = arith.constant 0 : i32
        %parallel_loop3A_328 = arith.constant 96 : i32
        %parallel_loop3A_329 = arith.constant 16 : i32
        scf.for %parallel_loop3A_333 = %parallel_loop3A_327 to %parallel_loop3A_328 step %parallel_loop3A_329  : i32 {
          %parallel_loop3A_334 = tpu.assume_multiple %parallel_loop3A_333, 16 : i32
          %parallel_loop3A_335 = arith.index_cast %parallel_loop3A_334 : i32 to index
          %parallel_loop3A_336 = tpu.vector_load %arg16[%parallel_loop3A_335] {strides = array<i32>} : memref<96xi32, #tpu.memory_space<vmem>>, vector<16xi32>,
          %parallel_loop3A_337 = arith.constant 65535 : i32
          %parallel_loop3A_338 = vector.broadcast %parallel_loop3A_337 : i32 to vector<16xi32>
          %parallel_loop3A_339 = arith.andi %parallel_loop3A_336, %parallel_loop3A_338 : vector<16xi32>
          %parallel_loop3A_340 = arith.index_cast %parallel_loop3A_334 : i32 to index
          %parallel_loop3A_341 = tpu.vector_load %arg19[%parallel_loop3A_340] {strides = array<i32>} : memref<96xi32, #tpu.memory_space<vmem>>, vector<16xi32>,
          tpu.vector_store %arg19[%parallel_loop3A_340], %parallel_loop3A_339 {strides = array<i32>} : memref<96xi32, #tpu.memory_space<vmem>>, vector<16xi32>,
          %parallel_loop3A_342 = arith.constant 16 : i32
          %parallel_loop3A_343 = vector.broadcast %parallel_loop3A_342 : i32 to vector<16xi32>
          %parallel_loop3A_344 = arith.shrui %parallel_loop3A_336, %parallel_loop3A_343 : vector<16xi32>
          %parallel_loop3A_345 = arith.index_cast %parallel_loop3A_334 : i32 to index
          %parallel_loop3A_346 = tpu.vector_load %arg22[%parallel_loop3A_345] {strides = array<i32>} : memref<96xi32, #tpu.memory_space<vmem>>, vector<16xi32>,
          tpu.vector_store %arg22[%parallel_loop3A_345], %parallel_loop3A_344 {strides = array<i32>} : memref<96xi32, #tpu.memory_space<vmem>>, vector<16xi32>,
        } {sc.loop_unroll_factor = 2 : i64, sc.parallel_access}
        %dma_start3A_330 = arith.constant 0 : i32
        %dma_start3A_331 = arith.constant 0 : i32
        %dma_start3A_332 = tpu.memref_slice %arg3[%dma_start3A_330, %dma_start3A_331] : memref<10000x128xf32, #tpu.memory_space<hbm>> -> memref<10000x128xf32, #tpu.memory_space<hbm>>
        tpu.enqueue_indirect_dma source(%dma_start3A_332 : memref<10000x128xf32, #tpu.memory_space<hbm>>) target(%arg26 : memref<96x128xf32, #tpu.memory_space<vmem>>) offsets(%arg19 : memref<96xi32, #tpu.memory_space<vmem>>) semaphore(%arg30 : memref<!tpu.dma_semaphore, #tpu.memory_space<semaphore_mem>>)
      } else {
      }
      %dma_wait3A_259 = arith.constant 0 : i32
      %dma_wait3A_260 = arith.constant 0 : i32
      %dma_wait3A_261 = tpu.memref_slice %arg3[%dma_wait3A_259, %dma_wait3A_260] : memref<10000x128xf32, #tpu.memory_space<hbm>> -> memref<10000x128xf32, #tpu.memory_space<hbm>>
      tpu.wait_indirect_dma semaphore(%arg29 : memref<!tpu.dma_semaphore, #tpu.memory_space<semaphore_mem>>) src(%dma_wait3A_261 : memref<10000x128xf32, #tpu.memory_space<hbm>>) dst(%arg25 : memref<96x128xf32, #tpu.memory_space<vmem>>)
      %parallel_loop3A_262 = arith.constant 0 : i32
      %parallel_loop3A_263 = arith.constant 96 : i32
      %parallel_loop3A_264 = arith.constant 16 : i32
      scf.for %parallel_loop3A_318 = %parallel_loop3A_262 to %parallel_loop3A_263 step %parallel_loop3A_264  : i32 {
        %parallel_loop3A_319 = tpu.assume_multiple %parallel_loop3A_318, 16 : i32
        %parallel_loop3A_320 = arith.index_cast %parallel_loop3A_319 : i32 to index
        %parallel_loop3A_321 = tpu.vector_load %arg18[%parallel_loop3A_320] {strides = array<i32>} : memref<96xi32, #tpu.memory_space<vmem>>, vector<16xi32>,
        %parallel_loop3A_322 = arith.index_cast %parallel_loop3A_319 : i32 to index
        %parallel_loop3A_323 = tpu.vector_load %arg21[%parallel_loop3A_322] {strides = array<i32>} : memref<96xi32, #tpu.memory_space<vmem>>, vector<16xi32>,
        %parallel_loop3A_324 = tpu.vector_load_idx %arg11[%parallel_loop3A_321] : memref<10240xf32, #tpu.memory_space<vmem>>[vector<16xi32>], vector<16xf32>,
        %parallel_loop3A_325 = tpu.vector_load_idx %arg12[%parallel_loop3A_323] : memref<10240xf32, #tpu.memory_space<vmem>>[vector<16xi32>], vector<16xf32>,
        %parallel_loop3A_326 = arith.addf %parallel_loop3A_324, %parallel_loop3A_325 : vector<16xf32>
        %parallel_loop3A_327 = arith.constant 0.000000e+00 : f32
        %parallel_loop3A_328 = vector.broadcast %parallel_loop3A_327 : f32 to vector<16xf32>
        %parallel_loop3A_329 = arith.cmpf ogt, %parallel_loop3A_326, %parallel_loop3A_328 : vector<16xf32>
        %parallel_loop3A_330 = arith.constant 2.000000e-01 : f32
        %parallel_loop3A_331 = vector.broadcast %parallel_loop3A_330 : f32 to vector<16xf32>
        %parallel_loop3A_332 = arith.mulf %parallel_loop3A_331, %parallel_loop3A_326 : vector<16xf32>
        %parallel_loop3A_333 = arith.select %parallel_loop3A_329, %parallel_loop3A_326, %parallel_loop3A_332 : vector<16xi1>, vector<16xf32>
        %parallel_loop3A_334 = arith.constant 0 : index
        %parallel_loop3A_335 = tpu.vector_load %arg13[%parallel_loop3A_334] {strides = array<i32>} : memref<16xf32, #tpu.memory_space<vmem>>, vector<16xf32>,
        %parallel_loop3A_336 = arith.subf %parallel_loop3A_333, %parallel_loop3A_335 : vector<16xf32>
        %parallel_loop3A_337 = math.exp %parallel_loop3A_336 : vector<16xf32>
        %parallel_loop3A_338 = arith.index_cast %parallel_loop3A_319 : i32 to index
        %parallel_loop3A_339 = tpu.vector_load %arg23[%parallel_loop3A_338] {strides = array<i32>} : memref<96xf32, #tpu.memory_space<vmem>>, vector<16xf32>,
        tpu.vector_store %arg23[%parallel_loop3A_338], %parallel_loop3A_337 {strides = array<i32>} : memref<96xf32, #tpu.memory_space<vmem>>, vector<16xf32>,
      } {sc.loop_unroll_factor = 2 : i64, sc.parallel_access}
      %parallel_loop3A_265 = arith.constant 0 : i32
      %parallel_loop3A_266 = arith.constant 96 : i32
      %parallel_loop3A_267 = arith.constant 1 : i32
      scf.for %parallel_loop3A_318 = %parallel_loop3A_265 to %parallel_loop3A_266 step %parallel_loop3A_267  : i32 {
        %parallel_loop3A_319 = arith.constant 0 : i32
        %parallel_loop3A_320 = vector.broadcast %parallel_loop3A_319 : i32 to vector<16xi32>
        %parallel_loop3A_321 = vector.broadcast %parallel_loop3A_318 : i32 to vector<16xi32>
        %parallel_loop3A_322 = arith.addi %parallel_loop3A_320, %parallel_loop3A_321 : vector<16xi32>
        %parallel_loop3A_323 = tpu.vector_load_idx %arg23[%parallel_loop3A_322] : memref<96xf32, #tpu.memory_space<vmem>>[vector<16xi32>], vector<16xf32>,
        %parallel_loop3A_324 = arith.index_cast %parallel_loop3A_318 : i32 to index
        %parallel_loop3A_325 = arith.constant 0 : index
        %parallel_loop3A_326 = tpu.vector_load %arg25[%parallel_loop3A_324, %parallel_loop3A_325] {strides = array<i32>} : memref<96x128xf32, #tpu.memory_space<vmem>>, vector<16xf32>,
        %parallel_loop3A_327 = arith.mulf %parallel_loop3A_326, %parallel_loop3A_323 : vector<16xf32>
        %parallel_loop3A_328 = arith.index_cast %parallel_loop3A_318 : i32 to index
        %parallel_loop3A_329 = arith.constant 0 : index
        %parallel_loop3A_330 = tpu.vector_load %arg25[%parallel_loop3A_328, %parallel_loop3A_329] {strides = array<i32>} : memref<96x128xf32, #tpu.memory_space<vmem>>, vector<16xf32>,
        tpu.vector_store %arg25[%parallel_loop3A_328, %parallel_loop3A_329], %parallel_loop3A_327 {strides = array<i32>} : memref<96x128xf32, #tpu.memory_space<vmem>>, vector<16xf32>,
        %parallel_loop3A_331 = arith.index_cast %parallel_loop3A_318 : i32 to index
        %parallel_loop3A_332 = arith.constant 16 : index
        %parallel_loop3A_333 = tpu.vector_load %arg25[%parallel_loop3A_331, %parallel_loop3A_332] {strides = array<i32>} : memref<96x128xf32, #tpu.memory_space<vmem>>, vector<16xf32>,
        %parallel_loop3A_334 = arith.mulf %parallel_loop3A_333, %parallel_loop3A_323 : vector<16xf32>
        %parallel_loop3A_335 = arith.index_cast %parallel_loop3A_318 : i32 to index
        %parallel_loop3A_336 = arith.constant 16 : index
        %parallel_loop3A_337 = tpu.vector_load %arg25[%parallel_loop3A_335, %parallel_loop3A_336] {strides = array<i32>} : memref<96x128xf32, #tpu.memory_space<vmem>>, vector<16xf32>,
        tpu.vector_store %arg25[%parallel_loop3A_335, %parallel_loop3A_336], %parallel_loop3A_334 {strides = array<i32>} : memref<96x128xf32, #tpu.memory_space<vmem>>, vector<16xf32>,
        %parallel_loop3A_338 = arith.index_cast %parallel_loop3A_318 : i32 to index
        %parallel_loop3A_339 = arith.constant 32 : index
        %parallel_loop3A_340 = tpu.vector_load %arg25[%parallel_loop3A_338, %parallel_loop3A_339] {strides = array<i32>} : memref<96x128xf32, #tpu.memory_space<vmem>>, vector<16xf32>,
        %parallel_loop3A_341 = arith.mulf %parallel_loop3A_340, %parallel_loop3A_323 : vector<16xf32>
        %parallel_loop3A_342 = arith.index_cast %parallel_loop3A_318 : i32 to index
        %parallel_loop3A_343 = arith.constant 32 : index
        %parallel_loop3A_344 = tpu.vector_load %arg25[%parallel_loop3A_342, %parallel_loop3A_343] {strides = array<i32>} : memref<96x128xf32, #tpu.memory_space<vmem>>, vector<16xf32>,
        tpu.vector_store %arg25[%parallel_loop3A_342, %parallel_loop3A_343], %parallel_loop3A_341 {strides = array<i32>} : memref<96x128xf32, #tpu.memory_space<vmem>>, vector<16xf32>,
        %parallel_loop3A_345 = arith.index_cast %parallel_loop3A_318 : i32 to index
        %parallel_loop3A_346 = arith.constant 48 : index
        %parallel_loop3A_347 = tpu.vector_load %arg25[%parallel_loop3A_345, %parallel_loop3A_346] {strides = array<i32>} : memref<96x128xf32, #tpu.memory_space<vmem>>, vector<16xf32>,
        %parallel_loop3A_348 = arith.mulf %parallel_loop3A_347, %parallel_loop3A_323 : vector<16xf32>
        %parallel_loop3A_349 = arith.index_cast %parallel_loop3A_318 : i32 to index
        %parallel_loop3A_350 = arith.constant 48 : index
        %parallel_loop3A_351 = tpu.vector_load %arg25[%parallel_loop3A_349, %parallel_loop3A_350] {strides = array<i32>} : memref<96x128xf32, #tpu.memory_space<vmem>>, vector<16xf32>,
        tpu.vector_store %arg25[%parallel_loop3A_349, %parallel_loop3A_350], %parallel_loop3A_348 {strides = array<i32>} : memref<96x128xf32, #tpu.memory_space<vmem>>, vector<16xf32>,
        %parallel_loop3A_352 = arith.index_cast %parallel_loop3A_318 : i32 to index
        %parallel_loop3A_353 = arith.constant 64 : index
        %parallel_loop3A_354 = tpu.vector_load %arg25[%parallel_loop3A_352, %parallel_loop3A_353] {strides = array<i32>} : memref<96x128xf32, #tpu.memory_space<vmem>>, vector<16xf32>,
        %parallel_loop3A_355 = arith.mulf %parallel_loop3A_354, %parallel_loop3A_323 : vector<16xf32>
        %parallel_loop3A_356 = arith.index_cast %parallel_loop3A_318 : i32 to index
        %parallel_loop3A_357 = arith.constant 64 : index
        %parallel_loop3A_358 = tpu.vector_load %arg25[%parallel_loop3A_356, %parallel_loop3A_357] {strides = array<i32>} : memref<96x128xf32, #tpu.memory_space<vmem>>, vector<16xf32>,
        tpu.vector_store %arg25[%parallel_loop3A_356, %parallel_loop3A_357], %parallel_loop3A_355 {strides = array<i32>} : memref<96x128xf32, #tpu.memory_space<vmem>>, vector<16xf32>,
        %parallel_loop3A_359 = arith.index_cast %parallel_loop3A_318 : i32 to index
        %parallel_loop3A_360 = arith.constant 80 : index
        %parallel_loop3A_361 = tpu.vector_load %arg25[%parallel_loop3A_359, %parallel_loop3A_360] {strides = array<i32>} : memref<96x128xf32, #tpu.memory_space<vmem>>, vector<16xf32>,
        %parallel_loop3A_362 = arith.mulf %parallel_loop3A_361, %parallel_loop3A_323 : vector<16xf32>
        %parallel_loop3A_363 = arith.index_cast %parallel_loop3A_318 : i32 to index
        %parallel_loop3A_364 = arith.constant 80 : index
        %parallel_loop3A_365 = tpu.vector_load %arg25[%parallel_loop3A_363, %parallel_loop3A_364] {strides = array<i32>} : memref<96x128xf32, #tpu.memory_space<vmem>>, vector<16xf32>,
        tpu.vector_store %arg25[%parallel_loop3A_363, %parallel_loop3A_364], %parallel_loop3A_362 {strides = array<i32>} : memref<96x128xf32, #tpu.memory_space<vmem>>, vector<16xf32>,
        %parallel_loop3A_366 = arith.index_cast %parallel_loop3A_318 : i32 to index
        %parallel_loop3A_367 = arith.constant 96 : index
        %parallel_loop3A_368 = tpu.vector_load %arg25[%parallel_loop3A_366, %parallel_loop3A_367] {strides = array<i32>} : memref<96x128xf32, #tpu.memory_space<vmem>>, vector<16xf32>,
        %parallel_loop3A_369 = arith.mulf %parallel_loop3A_368, %parallel_loop3A_323 : vector<16xf32>
        %parallel_loop3A_370 = arith.index_cast %parallel_loop3A_318 : i32 to index
        %parallel_loop3A_371 = arith.constant 96 : index
        %parallel_loop3A_372 = tpu.vector_load %arg25[%parallel_loop3A_370, %parallel_loop3A_371] {strides = array<i32>} : memref<96x128xf32, #tpu.memory_space<vmem>>, vector<16xf32>,
        tpu.vector_store %arg25[%parallel_loop3A_370, %parallel_loop3A_371], %parallel_loop3A_369 {strides = array<i32>} : memref<96x128xf32, #tpu.memory_space<vmem>>, vector<16xf32>,
        %parallel_loop3A_373 = arith.index_cast %parallel_loop3A_318 : i32 to index
        %parallel_loop3A_374 = arith.constant 112 : index
        %parallel_loop3A_375 = tpu.vector_load %arg25[%parallel_loop3A_373, %parallel_loop3A_374] {strides = array<i32>} : memref<96x128xf32, #tpu.memory_space<vmem>>, vector<16xf32>,
        %parallel_loop3A_376 = arith.mulf %parallel_loop3A_375, %parallel_loop3A_323 : vector<16xf32>
        %parallel_loop3A_377 = arith.index_cast %parallel_loop3A_318 : i32 to index
        %parallel_loop3A_378 = arith.constant 112 : index
        %parallel_loop3A_379 = tpu.vector_load %arg25[%parallel_loop3A_377, %parallel_loop3A_378] {strides = array<i32>} : memref<96x128xf32, #tpu.memory_space<vmem>>, vector<16xf32>,
        tpu.vector_store %arg25[%parallel_loop3A_377, %parallel_loop3A_378], %parallel_loop3A_376 {strides = array<i32>} : memref<96x128xf32, #tpu.memory_space<vmem>>, vector<16xf32>,
      } {sc.loop_unroll_factor = 4 : i64, sc.parallel_access}
      %dma_start3A_268 = arith.constant 0 : i32
      %dma_start3A_269 = arith.constant 0 : i32
      %dma_start3A_270 = tpu.memref_slice %arg27[%dma_start3A_268, %dma_start3A_269] : memref<10240x128xf32, #tpu.memory_space<vmem_shared>> -> memref<10240x128xf32, #tpu.memory_space<vmem_shared>>
      tpu.enqueue_indirect_dma source(%arg25 : memref<96x128xf32, #tpu.memory_space<vmem>>) target(%dma_start3A_270 : memref<10240x128xf32, #tpu.memory_space<vmem_shared>>) offsets(%arg21 : memref<96xi32, #tpu.memory_space<vmem>>) semaphore(%arg31 : memref<!tpu.dma_semaphore, #tpu.memory_space<semaphore_mem>>) {add = true}
      %dma_start3A_271 = arith.constant 0 : i32
      %dma_start3A_272 = tpu.memref_slice %arg28[%dma_start3A_271] : memref<10240xf32, #tpu.memory_space<vmem_shared>> -> memref<10240xf32, #tpu.memory_space<vmem_shared>>
      tpu.enqueue_indirect_dma source(%arg23 : memref<96xf32, #tpu.memory_space<vmem>>) target(%dma_start3A_272 : memref<10240xf32, #tpu.memory_space<vmem_shared>>) offsets(%arg21 : memref<96xi32, #tpu.memory_space<vmem>>) semaphore(%arg31 : memref<!tpu.dma_semaphore, #tpu.memory_space<semaphore_mem>>) {add = true}
      %mul3A_273 = arith.constant 6 : i32
      %mul3A_274 = arith.muli %add3A_52, %mul3A_273 : i32
      %add3A_275 = arith.constant 5 : i32
      %add3A_276 = arith.addi %mul3A_274, %add3A_275 : i32
      %ge3A_277 = arith.constant 1 : i32
      %ge3A_278 = arith.cmpi sge, %add3A_276, %ge3A_277 : i32
      %convert_element_type3A_279 = arith.extui %ge3A_278 : i1 to i32
      %cond3A_280 = arith.constant 0 : i32
      %cond3A_281 = arith.cmpi ne, %convert_element_type3A_279, %cond3A_280 : i32
      scf.if %cond3A_281 {
        %dma_wait3A_318 = arith.constant 0 : i32
        %dma_wait3A_319 = arith.constant 0 : i32
        %dma_wait3A_320 = tpu.memref_slice %arg27[%dma_wait3A_318, %dma_wait3A_319] : memref<10240x128xf32, #tpu.memory_space<vmem_shared>> -> memref<10240x128xf32, #tpu.memory_space<vmem_shared>>
        tpu.wait_indirect_dma semaphore(%arg31 : memref<!tpu.dma_semaphore, #tpu.memory_space<semaphore_mem>>) src(%arg25 : memref<96x128xf32, #tpu.memory_space<vmem>>) dst(%dma_wait3A_320 : memref<10240x128xf32, #tpu.memory_space<vmem_shared>>)
        %dma_wait3A_321 = arith.constant 0 : i32
        %dma_wait3A_322 = tpu.memref_slice %arg28[%dma_wait3A_321] : memref<10240xf32, #tpu.memory_space<vmem_shared>> -> memref<10240xf32, #tpu.memory_space<vmem_shared>>
        tpu.wait_indirect_dma semaphore(%arg31 : memref<!tpu.dma_semaphore, #tpu.memory_space<semaphore_mem>>) src(%arg23 : memref<96xf32, #tpu.memory_space<vmem>>) dst(%dma_wait3A_322 : memref<10240xf32, #tpu.memory_space<vmem_shared>>)
      } else {
      }
      %ge3A_282 = arith.constant 1 : i32
      %ge3A_283 = arith.cmpi sge, %add3A_276, %ge3A_282 : i32
      %add3A_284 = arith.constant 2 : i32
      %add3A_285 = arith.addi %add3A_276, %add3A_284 : i32
      %lt3A_286 = arith.constant 108 : i32
      %lt3A_287 = arith.cmpi slt, %add3A_285, %lt3A_286 : i32
      %and3A_288 = arith.andi %ge3A_283, %lt3A_287 : i1
      %convert_element_type3A_289 = arith.extui %and3A_288 : i1 to i32
      %cond3A_290 = arith.constant 0 : i32
      %cond3A_291 = arith.cmpi ne, %convert_element_type3A_289, %cond3A_290 : i32
      scf.if %cond3A_291 {
        %add3A_318 = arith.constant 2 : i32
        %add3A_319 = arith.addi %add3A_276, %add3A_318 : i32
        %mul3A_320 = arith.constant 32 : i32
        %mul3A_321 = arith.muli %add3A_319, %mul3A_320 : i32
        %add3A_322 = arith.addi %mul3A_321, %add3A : i32
        %mul3A_323 = arith.constant 96 : i32
        %mul3A_324 = arith.muli %add3A_322, %mul3A_323 : i32
        %dma_start3A_325 = tpu.memref_slice %arg2[%mul3A_324] : memref<331776xi32, #tpu.memory_space<hbm>> -> memref<96xi32, #tpu.memory_space<hbm>>
        %dma_start3A_326 = tpu.memref_slice %arg2[%mul3A_324] : memref<331776xi32, #tpu.memory_space<hbm>> -> memref<96xi32, #tpu.memory_space<hbm>>
        tpu.enqueue_dma source(%dma_start3A_326 : memref<96xi32, #tpu.memory_space<hbm>>) target(%arg15 : memref<96xi32, #tpu.memory_space<vmem>>) target_semaphore(%arg34 : memref<!tpu.dma_semaphore, #tpu.memory_space<semaphore_mem>>)
      } else {
      }
      %add3A_292 = arith.constant 1 : i32
      %add3A_293 = arith.addi %add3A_276, %add3A_292 : i32
      %ge3A_294 = arith.constant 2 : i32
      %ge3A_295 = arith.cmpi sge, %add3A_293, %ge3A_294 : i32
      %add3A_296 = arith.constant 1 : i32
      %add3A_297 = arith.addi %add3A_276, %add3A_296 : i32
      %lt3A_298 = arith.constant 108 : i32
      %lt3A_299 = arith.cmpi slt, %add3A_297, %lt3A_298 : i32
      %and3A_300 = arith.andi %ge3A_295, %lt3A_299 : i1
      %convert_element_type3A_301 = arith.extui %and3A_300 : i1 to i32
      %cond3A_302 = arith.constant 0 : i32
      %cond3A_303 = arith.cmpi ne, %convert_element_type3A_301, %cond3A_302 : i32
      scf.if %cond3A_303 {
        %add3A_318 = arith.constant 1 : i32
        %add3A_319 = arith.addi %add3A_276, %add3A_318 : i32
        %mul3A_320 = arith.constant 32 : i32
        %mul3A_321 = arith.muli %add3A_319, %mul3A_320 : i32
        %add3A_322 = arith.addi %mul3A_321, %add3A : i32
        %mul3A_323 = arith.constant 96 : i32
        %mul3A_324 = arith.muli %add3A_322, %mul3A_323 : i32
        %dma_wait3A_325 = tpu.memref_slice %arg2[%mul3A_324] : memref<331776xi32, #tpu.memory_space<hbm>> -> memref<96xi32, #tpu.memory_space<hbm>>
        %dma_wait3A_326 = tpu.memref_slice %arg2[%mul3A_324] : memref<331776xi32, #tpu.memory_space<hbm>> -> memref<96xi32, #tpu.memory_space<hbm>>
        tpu.wait_dma2 semaphore(%arg33 : memref<!tpu.dma_semaphore, #tpu.memory_space<semaphore_mem>>) src(%dma_wait3A_326 : memref<96xi32, #tpu.memory_space<hbm>>) dst(%arg14 : memref<96xi32, #tpu.memory_space<vmem>>)
        %parallel_loop3A_327 = arith.constant 0 : i32
        %parallel_loop3A_328 = arith.constant 96 : i32
        %parallel_loop3A_329 = arith.constant 16 : i32
        scf.for %parallel_loop3A_333 = %parallel_loop3A_327 to %parallel_loop3A_328 step %parallel_loop3A_329  : i32 {
          %parallel_loop3A_334 = tpu.assume_multiple %parallel_loop3A_333, 16 : i32
          %parallel_loop3A_335 = arith.index_cast %parallel_loop3A_334 : i32 to index
          %parallel_loop3A_336 = tpu.vector_load %arg14[%parallel_loop3A_335] {strides = array<i32>} : memref<96xi32, #tpu.memory_space<vmem>>, vector<16xi32>,
          %parallel_loop3A_337 = arith.constant 65535 : i32
          %parallel_loop3A_338 = vector.broadcast %parallel_loop3A_337 : i32 to vector<16xi32>
          %parallel_loop3A_339 = arith.andi %parallel_loop3A_336, %parallel_loop3A_338 : vector<16xi32>
          %parallel_loop3A_340 = arith.index_cast %parallel_loop3A_334 : i32 to index
          %parallel_loop3A_341 = tpu.vector_load %arg17[%parallel_loop3A_340] {strides = array<i32>} : memref<96xi32, #tpu.memory_space<vmem>>, vector<16xi32>,
          tpu.vector_store %arg17[%parallel_loop3A_340], %parallel_loop3A_339 {strides = array<i32>} : memref<96xi32, #tpu.memory_space<vmem>>, vector<16xi32>,
          %parallel_loop3A_342 = arith.constant 16 : i32
          %parallel_loop3A_343 = vector.broadcast %parallel_loop3A_342 : i32 to vector<16xi32>
          %parallel_loop3A_344 = arith.shrui %parallel_loop3A_336, %parallel_loop3A_343 : vector<16xi32>
          %parallel_loop3A_345 = arith.index_cast %parallel_loop3A_334 : i32 to index
          %parallel_loop3A_346 = tpu.vector_load %arg20[%parallel_loop3A_345] {strides = array<i32>} : memref<96xi32, #tpu.memory_space<vmem>>, vector<16xi32>,
          tpu.vector_store %arg20[%parallel_loop3A_345], %parallel_loop3A_344 {strides = array<i32>} : memref<96xi32, #tpu.memory_space<vmem>>, vector<16xi32>,
        } {sc.loop_unroll_factor = 2 : i64, sc.parallel_access}
        %dma_start3A_330 = arith.constant 0 : i32
        %dma_start3A_331 = arith.constant 0 : i32
        %dma_start3A_332 = tpu.memref_slice %arg3[%dma_start3A_330, %dma_start3A_331] : memref<10000x128xf32, #tpu.memory_space<hbm>> -> memref<10000x128xf32, #tpu.memory_space<hbm>>
        tpu.enqueue_indirect_dma source(%dma_start3A_332 : memref<10000x128xf32, #tpu.memory_space<hbm>>) target(%arg25 : memref<96x128xf32, #tpu.memory_space<vmem>>) offsets(%arg17 : memref<96xi32, #tpu.memory_space<vmem>>) semaphore(%arg29 : memref<!tpu.dma_semaphore, #tpu.memory_space<semaphore_mem>>)
      } else {
      }
      %dma_wait3A_304 = arith.constant 0 : i32
      %dma_wait3A_305 = arith.constant 0 : i32
      %dma_wait3A_306 = tpu.memref_slice %arg3[%dma_wait3A_304, %dma_wait3A_305] : memref<10000x128xf32, #tpu.memory_space<hbm>> -> memref<10000x128xf32, #tpu.memory_space<hbm>>
      tpu.wait_indirect_dma semaphore(%arg30 : memref<!tpu.dma_semaphore, #tpu.memory_space<semaphore_mem>>) src(%dma_wait3A_306 : memref<10000x128xf32, #tpu.memory_space<hbm>>) dst(%arg26 : memref<96x128xf32, #tpu.memory_space<vmem>>)
      %parallel_loop3A_307 = arith.constant 0 : i32
      %parallel_loop3A_308 = arith.constant 96 : i32
      %parallel_loop3A_309 = arith.constant 16 : i32
      scf.for %parallel_loop3A_318 = %parallel_loop3A_307 to %parallel_loop3A_308 step %parallel_loop3A_309  : i32 {
        %parallel_loop3A_319 = tpu.assume_multiple %parallel_loop3A_318, 16 : i32
        %parallel_loop3A_320 = arith.index_cast %parallel_loop3A_319 : i32 to index
        %parallel_loop3A_321 = tpu.vector_load %arg19[%parallel_loop3A_320] {strides = array<i32>} : memref<96xi32, #tpu.memory_space<vmem>>, vector<16xi32>,
        %parallel_loop3A_322 = arith.index_cast %parallel_loop3A_319 : i32 to index
        %parallel_loop3A_323 = tpu.vector_load %arg22[%parallel_loop3A_322] {strides = array<i32>} : memref<96xi32, #tpu.memory_space<vmem>>, vector<16xi32>,
        %parallel_loop3A_324 = tpu.vector_load_idx %arg11[%parallel_loop3A_321] : memref<10240xf32, #tpu.memory_space<vmem>>[vector<16xi32>], vector<16xf32>,
        %parallel_loop3A_325 = tpu.vector_load_idx %arg12[%parallel_loop3A_323] : memref<10240xf32, #tpu.memory_space<vmem>>[vector<16xi32>], vector<16xf32>,
        %parallel_loop3A_326 = arith.addf %parallel_loop3A_324, %parallel_loop3A_325 : vector<16xf32>
        %parallel_loop3A_327 = arith.constant 0.000000e+00 : f32
        %parallel_loop3A_328 = vector.broadcast %parallel_loop3A_327 : f32 to vector<16xf32>
        %parallel_loop3A_329 = arith.cmpf ogt, %parallel_loop3A_326, %parallel_loop3A_328 : vector<16xf32>
        %parallel_loop3A_330 = arith.constant 2.000000e-01 : f32
        %parallel_loop3A_331 = vector.broadcast %parallel_loop3A_330 : f32 to vector<16xf32>
        %parallel_loop3A_332 = arith.mulf %parallel_loop3A_331, %parallel_loop3A_326 : vector<16xf32>
        %parallel_loop3A_333 = arith.select %parallel_loop3A_329, %parallel_loop3A_326, %parallel_loop3A_332 : vector<16xi1>, vector<16xf32>
        %parallel_loop3A_334 = arith.constant 0 : index
        %parallel_loop3A_335 = tpu.vector_load %arg13[%parallel_loop3A_334] {strides = array<i32>} : memref<16xf32, #tpu.memory_space<vmem>>, vector<16xf32>,
        %parallel_loop3A_336 = arith.subf %parallel_loop3A_333, %parallel_loop3A_335 : vector<16xf32>
        %parallel_loop3A_337 = math.exp %parallel_loop3A_336 : vector<16xf32>
        %parallel_loop3A_338 = arith.index_cast %parallel_loop3A_319 : i32 to index
        %parallel_loop3A_339 = tpu.vector_load %arg24[%parallel_loop3A_338] {strides = array<i32>} : memref<96xf32, #tpu.memory_space<vmem>>, vector<16xf32>,
        tpu.vector_store %arg24[%parallel_loop3A_338], %parallel_loop3A_337 {strides = array<i32>} : memref<96xf32, #tpu.memory_space<vmem>>, vector<16xf32>,
      } {sc.loop_unroll_factor = 2 : i64, sc.parallel_access}
      %parallel_loop3A_310 = arith.constant 0 : i32
      %parallel_loop3A_311 = arith.constant 96 : i32
      %parallel_loop3A_312 = arith.constant 1 : i32
      scf.for %parallel_loop3A_318 = %parallel_loop3A_310 to %parallel_loop3A_311 step %parallel_loop3A_312  : i32 {
        %parallel_loop3A_319 = arith.constant 0 : i32
        %parallel_loop3A_320 = vector.broadcast %parallel_loop3A_319 : i32 to vector<16xi32>
        %parallel_loop3A_321 = vector.broadcast %parallel_loop3A_318 : i32 to vector<16xi32>
        %parallel_loop3A_322 = arith.addi %parallel_loop3A_320, %parallel_loop3A_321 : vector<16xi32>
        %parallel_loop3A_323 = tpu.vector_load_idx %arg24[%parallel_loop3A_322] : memref<96xf32, #tpu.memory_space<vmem>>[vector<16xi32>], vector<16xf32>,
        %parallel_loop3A_324 = arith.index_cast %parallel_loop3A_318 : i32 to index
        %parallel_loop3A_325 = arith.constant 0 : index
        %parallel_loop3A_326 = tpu.vector_load %arg26[%parallel_loop3A_324, %parallel_loop3A_325] {strides = array<i32>} : memref<96x128xf32, #tpu.memory_space<vmem>>, vector<16xf32>,
        %parallel_loop3A_327 = arith.mulf %parallel_loop3A_326, %parallel_loop3A_323 : vector<16xf32>
        %parallel_loop3A_328 = arith.index_cast %parallel_loop3A_318 : i32 to index
        %parallel_loop3A_329 = arith.constant 0 : index
        %parallel_loop3A_330 = tpu.vector_load %arg26[%parallel_loop3A_328, %parallel_loop3A_329] {strides = array<i32>} : memref<96x128xf32, #tpu.memory_space<vmem>>, vector<16xf32>,
        tpu.vector_store %arg26[%parallel_loop3A_328, %parallel_loop3A_329], %parallel_loop3A_327 {strides = array<i32>} : memref<96x128xf32, #tpu.memory_space<vmem>>, vector<16xf32>,
        %parallel_loop3A_331 = arith.index_cast %parallel_loop3A_318 : i32 to index
        %parallel_loop3A_332 = arith.constant 16 : index
        %parallel_loop3A_333 = tpu.vector_load %arg26[%parallel_loop3A_331, %parallel_loop3A_332] {strides = array<i32>} : memref<96x128xf32, #tpu.memory_space<vmem>>, vector<16xf32>,
        %parallel_loop3A_334 = arith.mulf %parallel_loop3A_333, %parallel_loop3A_323 : vector<16xf32>
        %parallel_loop3A_335 = arith.index_cast %parallel_loop3A_318 : i32 to index
        %parallel_loop3A_336 = arith.constant 16 : index
        %parallel_loop3A_337 = tpu.vector_load %arg26[%parallel_loop3A_335, %parallel_loop3A_336] {strides = array<i32>} : memref<96x128xf32, #tpu.memory_space<vmem>>, vector<16xf32>,
        tpu.vector_store %arg26[%parallel_loop3A_335, %parallel_loop3A_336], %parallel_loop3A_334 {strides = array<i32>} : memref<96x128xf32, #tpu.memory_space<vmem>>, vector<16xf32>,
        %parallel_loop3A_338 = arith.index_cast %parallel_loop3A_318 : i32 to index
        %parallel_loop3A_339 = arith.constant 32 : index
        %parallel_loop3A_340 = tpu.vector_load %arg26[%parallel_loop3A_338, %parallel_loop3A_339] {strides = array<i32>} : memref<96x128xf32, #tpu.memory_space<vmem>>, vector<16xf32>,
        %parallel_loop3A_341 = arith.mulf %parallel_loop3A_340, %parallel_loop3A_323 : vector<16xf32>
        %parallel_loop3A_342 = arith.index_cast %parallel_loop3A_318 : i32 to index
        %parallel_loop3A_343 = arith.constant 32 : index
        %parallel_loop3A_344 = tpu.vector_load %arg26[%parallel_loop3A_342, %parallel_loop3A_343] {strides = array<i32>} : memref<96x128xf32, #tpu.memory_space<vmem>>, vector<16xf32>,
        tpu.vector_store %arg26[%parallel_loop3A_342, %parallel_loop3A_343], %parallel_loop3A_341 {strides = array<i32>} : memref<96x128xf32, #tpu.memory_space<vmem>>, vector<16xf32>,
        %parallel_loop3A_345 = arith.index_cast %parallel_loop3A_318 : i32 to index
        %parallel_loop3A_346 = arith.constant 48 : index
        %parallel_loop3A_347 = tpu.vector_load %arg26[%parallel_loop3A_345, %parallel_loop3A_346] {strides = array<i32>} : memref<96x128xf32, #tpu.memory_space<vmem>>, vector<16xf32>,
        %parallel_loop3A_348 = arith.mulf %parallel_loop3A_347, %parallel_loop3A_323 : vector<16xf32>
        %parallel_loop3A_349 = arith.index_cast %parallel_loop3A_318 : i32 to index
        %parallel_loop3A_350 = arith.constant 48 : index
        %parallel_loop3A_351 = tpu.vector_load %arg26[%parallel_loop3A_349, %parallel_loop3A_350] {strides = array<i32>} : memref<96x128xf32, #tpu.memory_space<vmem>>, vector<16xf32>,
        tpu.vector_store %arg26[%parallel_loop3A_349, %parallel_loop3A_350], %parallel_loop3A_348 {strides = array<i32>} : memref<96x128xf32, #tpu.memory_space<vmem>>, vector<16xf32>,
        %parallel_loop3A_352 = arith.index_cast %parallel_loop3A_318 : i32 to index
        %parallel_loop3A_353 = arith.constant 64 : index
        %parallel_loop3A_354 = tpu.vector_load %arg26[%parallel_loop3A_352, %parallel_loop3A_353] {strides = array<i32>} : memref<96x128xf32, #tpu.memory_space<vmem>>, vector<16xf32>,
        %parallel_loop3A_355 = arith.mulf %parallel_loop3A_354, %parallel_loop3A_323 : vector<16xf32>
        %parallel_loop3A_356 = arith.index_cast %parallel_loop3A_318 : i32 to index
        %parallel_loop3A_357 = arith.constant 64 : index
        %parallel_loop3A_358 = tpu.vector_load %arg26[%parallel_loop3A_356, %parallel_loop3A_357] {strides = array<i32>} : memref<96x128xf32, #tpu.memory_space<vmem>>, vector<16xf32>,
        tpu.vector_store %arg26[%parallel_loop3A_356, %parallel_loop3A_357], %parallel_loop3A_355 {strides = array<i32>} : memref<96x128xf32, #tpu.memory_space<vmem>>, vector<16xf32>,
        %parallel_loop3A_359 = arith.index_cast %parallel_loop3A_318 : i32 to index
        %parallel_loop3A_360 = arith.constant 80 : index
        %parallel_loop3A_361 = tpu.vector_load %arg26[%parallel_loop3A_359, %parallel_loop3A_360] {strides = array<i32>} : memref<96x128xf32, #tpu.memory_space<vmem>>, vector<16xf32>,
        %parallel_loop3A_362 = arith.mulf %parallel_loop3A_361, %parallel_loop3A_323 : vector<16xf32>
        %parallel_loop3A_363 = arith.index_cast %parallel_loop3A_318 : i32 to index
        %parallel_loop3A_364 = arith.constant 80 : index
        %parallel_loop3A_365 = tpu.vector_load %arg26[%parallel_loop3A_363, %parallel_loop3A_364] {strides = array<i32>} : memref<96x128xf32, #tpu.memory_space<vmem>>, vector<16xf32>,
        tpu.vector_store %arg26[%parallel_loop3A_363, %parallel_loop3A_364], %parallel_loop3A_362 {strides = array<i32>} : memref<96x128xf32, #tpu.memory_space<vmem>>, vector<16xf32>,
        %parallel_loop3A_366 = arith.index_cast %parallel_loop3A_318 : i32 to index
        %parallel_loop3A_367 = arith.constant 96 : index
        %parallel_loop3A_368 = tpu.vector_load %arg26[%parallel_loop3A_366, %parallel_loop3A_367] {strides = array<i32>} : memref<96x128xf32, #tpu.memory_space<vmem>>, vector<16xf32>,
        %parallel_loop3A_369 = arith.mulf %parallel_loop3A_368, %parallel_loop3A_323 : vector<16xf32>
        %parallel_loop3A_370 = arith.index_cast %parallel_loop3A_318 : i32 to index
        %parallel_loop3A_371 = arith.constant 96 : index
        %parallel_loop3A_372 = tpu.vector_load %arg26[%parallel_loop3A_370, %parallel_loop3A_371] {strides = array<i32>} : memref<96x128xf32, #tpu.memory_space<vmem>>, vector<16xf32>,
        tpu.vector_store %arg26[%parallel_loop3A_370, %parallel_loop3A_371], %parallel_loop3A_369 {strides = array<i32>} : memref<96x128xf32, #tpu.memory_space<vmem>>, vector<16xf32>,
        %parallel_loop3A_373 = arith.index_cast %parallel_loop3A_318 : i32 to index
        %parallel_loop3A_374 = arith.constant 112 : index
        %parallel_loop3A_375 = tpu.vector_load %arg26[%parallel_loop3A_373, %parallel_loop3A_374] {strides = array<i32>} : memref<96x128xf32, #tpu.memory_space<vmem>>, vector<16xf32>,
        %parallel_loop3A_376 = arith.mulf %parallel_loop3A_375, %parallel_loop3A_323 : vector<16xf32>
        %parallel_loop3A_377 = arith.index_cast %parallel_loop3A_318 : i32 to index
        %parallel_loop3A_378 = arith.constant 112 : index
        %parallel_loop3A_379 = tpu.vector_load %arg26[%parallel_loop3A_377, %parallel_loop3A_378] {strides = array<i32>} : memref<96x128xf32, #tpu.memory_space<vmem>>, vector<16xf32>,
        tpu.vector_store %arg26[%parallel_loop3A_377, %parallel_loop3A_378], %parallel_loop3A_376 {strides = array<i32>} : memref<96x128xf32, #tpu.memory_space<vmem>>, vector<16xf32>,
      } {sc.loop_unroll_factor = 4 : i64, sc.parallel_access}
      %dma_start3A_313 = arith.constant 0 : i32
      %dma_start3A_314 = arith.constant 0 : i32
      %dma_start3A_315 = tpu.memref_slice %arg27[%dma_start3A_313, %dma_start3A_314] : memref<10240x128xf32, #tpu.memory_space<vmem_shared>> -> memref<10240x128xf32, #tpu.memory_space<vmem_shared>>
      tpu.enqueue_indirect_dma source(%arg26 : memref<96x128xf32, #tpu.memory_space<vmem>>) target(%dma_start3A_315 : memref<10240x128xf32, #tpu.memory_space<vmem_shared>>) offsets(%arg22 : memref<96xi32, #tpu.memory_space<vmem>>) semaphore(%arg32 : memref<!tpu.dma_semaphore, #tpu.memory_space<semaphore_mem>>) {add = true}
      %dma_start3A_316 = arith.constant 0 : i32
      %dma_start3A_317 = tpu.memref_slice %arg28[%dma_start3A_316] : memref<10240xf32, #tpu.memory_space<vmem_shared>> -> memref<10240xf32, #tpu.memory_space<vmem_shared>>
      tpu.enqueue_indirect_dma source(%arg24 : memref<96xf32, #tpu.memory_space<vmem>>) target(%dma_start3A_317 : memref<10240xf32, #tpu.memory_space<vmem_shared>>) offsets(%arg22 : memref<96xi32, #tpu.memory_space<vmem>>) semaphore(%arg32 : memref<!tpu.dma_semaphore, #tpu.memory_space<semaphore_mem>>) {add = true}
    }
    %scan3A_34 = arith.constant 18 : i32
    %dma_wait3A = arith.constant 0 : i32
    %dma_wait3A_35 = arith.constant 0 : i32
    %dma_wait3A_36 = tpu.memref_slice %arg27[%dma_wait3A, %dma_wait3A_35] : memref<10240x128xf32, #tpu.memory_space<vmem_shared>> -> memref<10240x128xf32, #tpu.memory_space<vmem_shared>>
    tpu.wait_indirect_dma semaphore(%arg32 : memref<!tpu.dma_semaphore, #tpu.memory_space<semaphore_mem>>) src(%arg26 : memref<96x128xf32, #tpu.memory_space<vmem>>) dst(%dma_wait3A_36 : memref<10240x128xf32, #tpu.memory_space<vmem_shared>>)
    %dma_wait3A_37 = arith.constant 0 : i32
    %dma_wait3A_38 = tpu.memref_slice %arg28[%dma_wait3A_37] : memref<10240xf32, #tpu.memory_space<vmem_shared>> -> memref<10240xf32, #tpu.memory_space<vmem_shared>>
    tpu.wait_indirect_dma semaphore(%arg32 : memref<!tpu.dma_semaphore, #tpu.memory_space<semaphore_mem>>) src(%arg24 : memref<96xf32, #tpu.memory_space<vmem>>) dst(%dma_wait3A_38 : memref<10240xf32, #tpu.memory_space<vmem_shared>>)
    %barrier3A_39 = arith.constant 0 : index
    tpu.barrier barrier_id(%barrier3A_39)
    %mul3A_40 = arith.constant 640 : i32
    %mul3A_41 = arith.muli %arg1, %mul3A_40 : i32
    %mul3A_42 = arith.constant 640 : i32
    %mul3A_43 = arith.muli %arg1, %mul3A_42 : i32
    "tpu.region"() ({
      %run_scoped3A = tpu.sem_alloc : memref<!tpu.dma_semaphore, #tpu.memory_space<semaphore_mem>>
      %dma_start3A_48 = arith.constant 0 : i32
      %dma_start3A_49 = tpu.memref_slice %arg9[%arg0, %mul3A_43, %dma_start3A_48] : memref<2x10240x128xf32, #tpu.memory_space<hbm>> -> memref<1x640x128xf32, #tpu.memory_space<hbm>>
      %dma_start3A_50 = tpu.memref_squeeze %dma_start3A_49 : memref<1x640x128xf32, #tpu.memory_space<hbm>> -> memref<640x128xf32, #tpu.memory_space<hbm>>
      %dma_start3A_51 = arith.constant 0 : i32
      %dma_start3A_52 = tpu.memref_slice %arg27[%mul3A_41, %dma_start3A_51] : memref<10240x128xf32, #tpu.memory_space<vmem_shared>> -> memref<640x128xf32, #tpu.memory_space<vmem_shared>>
      tpu.enqueue_dma source(%dma_start3A_52 : memref<640x128xf32, #tpu.memory_space<vmem_shared>>) target(%dma_start3A_50 : memref<640x128xf32, #tpu.memory_space<hbm>>) target_semaphore(%run_scoped3A : memref<!tpu.dma_semaphore, #tpu.memory_space<semaphore_mem>>)
      %dma_wait3A_53 = arith.constant 0 : i32
      %dma_wait3A_54 = tpu.memref_slice %arg9[%arg0, %mul3A_43, %dma_wait3A_53] : memref<2x10240x128xf32, #tpu.memory_space<hbm>> -> memref<1x640x128xf32, #tpu.memory_space<hbm>>
      %dma_wait3A_55 = tpu.memref_squeeze %dma_wait3A_54 : memref<1x640x128xf32, #tpu.memory_space<hbm>> -> memref<640x128xf32, #tpu.memory_space<hbm>>
      %dma_wait3A_56 = arith.constant 0 : i32
      %dma_wait3A_57 = tpu.memref_slice %arg27[%mul3A_41, %dma_wait3A_56] : memref<10240x128xf32, #tpu.memory_space<vmem_shared>> -> memref<640x128xf32, #tpu.memory_space<vmem_shared>>
      tpu.wait_dma2 semaphore(%run_scoped3A : memref<!tpu.dma_semaphore, #tpu.memory_space<semaphore_mem>>) src(%dma_wait3A_57 : memref<640x128xf32, #tpu.memory_space<vmem_shared>>) dst(%dma_wait3A_55 : memref<640x128xf32, #tpu.memory_space<hbm>>)
      tpu.yield
    }) : () -> ()
    %mul3A_44 = arith.constant 640 : i32
    %mul3A_45 = arith.muli %arg1, %mul3A_44 : i32
    %mul3A_46 = arith.constant 640 : i32
    %mul3A_47 = arith.muli %arg1, %mul3A_46 : i32
    "tpu.region"() ({
      %run_scoped3A = tpu.sem_alloc : memref<!tpu.dma_semaphore, #tpu.memory_space<semaphore_mem>>
      %dma_start3A_48 = tpu.memref_slice %arg10[%arg0, %mul3A_47] : memref<2x10240xf32, #tpu.memory_space<hbm>> -> memref<1x640xf32, #tpu.memory_space<hbm>>
      %dma_start3A_49 = tpu.memref_squeeze %dma_start3A_48 : memref<1x640xf32, #tpu.memory_space<hbm>> -> memref<640xf32, #tpu.memory_space<hbm>>
      %dma_start3A_50 = tpu.memref_slice %arg28[%mul3A_45] : memref<10240xf32, #tpu.memory_space<vmem_shared>> -> memref<640xf32, #tpu.memory_space<vmem_shared>>
      tpu.enqueue_dma source(%dma_start3A_50 : memref<640xf32, #tpu.memory_space<vmem_shared>>) target(%dma_start3A_49 : memref<640xf32, #tpu.memory_space<hbm>>) target_semaphore(%run_scoped3A : memref<!tpu.dma_semaphore, #tpu.memory_space<semaphore_mem>>)
      %dma_wait3A_51 = tpu.memref_slice %arg10[%arg0, %mul3A_47] : memref<2x10240xf32, #tpu.memory_space<hbm>> -> memref<1x640xf32, #tpu.memory_space<hbm>>
      %dma_wait3A_52 = tpu.memref_squeeze %dma_wait3A_51 : memref<1x640xf32, #tpu.memory_space<hbm>> -> memref<640xf32, #tpu.memory_space<hbm>>
      %dma_wait3A_53 = tpu.memref_slice %arg28[%mul3A_45] : memref<10240xf32, #tpu.memory_space<vmem_shared>> -> memref<640xf32, #tpu.memory_space<vmem_shared>>
      tpu.wait_dma2 semaphore(%run_scoped3A : memref<!tpu.dma_semaphore, #tpu.memory_space<semaphore_mem>>) src(%dma_wait3A_53 : memref<640xf32, #tpu.memory_space<vmem_shared>>) dst(%dma_wait3A_52 : memref<640xf32, #tpu.memory_space<hbm>>)
      tpu.yield
    }) : () -> ()
    return
  }
}

module attributes {stable_mosaic.version = 14 : i64} {
  func.func @body(%arg0: memref<10000x128xf32, #tpu.memory_space<vmem>>, %arg1: memref<128x128xf32, #tpu.memory_space<vmem>>, %arg2: memref<128xf32, #tpu.memory_space<vmem>>, %arg3: memref<128xf32, #tpu.memory_space<vmem>>, %arg4: memref<10000x128xf32, #tpu.memory_space<vmem>>, %arg5: memref<10240xf32, #tpu.memory_space<vmem>>, %arg6: memref<10240xf32, #tpu.memory_space<vmem>>, %arg7: memref<16xf32, #tpu.memory_space<vmem>>) attributes {dimension_semantics = [], scalar_prefetch = 0 : i64, scratch_operands = 0 : i64, tpu.core_type = #tpu.core_type<tc>} {
    %get3A = arith.constant 0 : index
    %get3A_0 = arith.constant 0 : index
    %get3A_1 = vector.load %arg0[%get3A, %get3A_0] : memref<10000x128xf32, #tpu.memory_space<vmem>>, vector<10000x128xf32>
    %get3A_2 = arith.constant 0 : index
    %get3A_3 = arith.constant 0 : index
    %get3A_4 = vector.load %arg1[%get3A_2, %get3A_3] : memref<128x128xf32, #tpu.memory_space<vmem>>, vector<128x128xf32>
    %dot_general3A = arith.constant dense<0.000000e+00> : vector<10000x128xf32>
    %dot_general3A_5 = tpu.matmul %get3A_1, %get3A_4, %dot_general3A {dimension_numbers = #tpu.dot_dimension_numbers<[1], [0], [0], [1], [0, 0, 1, 1], [], []>, transpose_lhs_hint = false} : vector<10000x128xf32>, vector<128x128xf32>, vector<10000x128xf32> -> vector<10000x128xf32>
    %swap3A = arith.constant 0 : index
    %swap3A_6 = arith.constant 0 : index
    %swap3A_7 = vector.load %arg4[%swap3A, %swap3A_6] : memref<10000x128xf32, #tpu.memory_space<vmem>>, vector<10000x128xf32>
    tpu.vector_store %arg4[%swap3A, %swap3A_6], %dot_general3A_5 {strides = array<i32>} : memref<10000x128xf32, #tpu.memory_space<vmem>>, vector<10000x128xf32>,
    %get3A_8 = arith.constant 0 : index
    %get3A_9 = vector.load %arg2[%get3A_8] : memref<128xf32, #tpu.memory_space<vmem>>, vector<128xf32>
    %broadcast_in_dim3A = vector.shape_cast %get3A_9 : vector<128xf32> to vector<1x128xf32>
    %mul3A = vector.broadcast %broadcast_in_dim3A : vector<1x128xf32> to vector<10000x128xf32>
    %mul3A_10 = arith.mulf %dot_general3A_5, %mul3A : vector<10000x128xf32>
    %reduce_sum3A = arith.constant dense<0.000000e+00> : vector<10000xf32>
    %reduce_sum3A_11 = vector.multi_reduction <add>, %mul3A_10, %reduce_sum3A [1] : vector<10000x128xf32> to vector<10000xf32>
    %get3A_12 = arith.constant 0 : index
    %get3A_13 = vector.load %arg3[%get3A_12] : memref<128xf32, #tpu.memory_space<vmem>>, vector<128xf32>
    %broadcast_in_dim3A_14 = vector.shape_cast %get3A_13 : vector<128xf32> to vector<1x128xf32>
    %mul3A_15 = vector.broadcast %broadcast_in_dim3A_14 : vector<1x128xf32> to vector<10000x128xf32>
    %mul3A_16 = arith.mulf %dot_general3A_5, %mul3A_15 : vector<10000x128xf32>
    %reduce_sum3A_17 = arith.constant dense<0.000000e+00> : vector<10000xf32>
    %reduce_sum3A_18 = vector.multi_reduction <add>, %mul3A_16, %reduce_sum3A_17 [1] : vector<10000x128xf32> to vector<10000xf32>
    %broadcast_in_dim3A_19 = arith.constant 0.000000e+00 : f32
    %broadcast_in_dim3A_20 = vector.broadcast %broadcast_in_dim3A_19 : f32 to vector<240xf32>
    %concatenate3A = tpu.concatenate %reduce_sum3A_11, %broadcast_in_dim3A_20 in 0 : vector<10000xf32>, vector<240xf32> -> vector<10240xf32>
    %swap3A_21 = arith.constant 0 : index
    %swap3A_22 = vector.load %arg5[%swap3A_21] : memref<10240xf32, #tpu.memory_space<vmem>>, vector<10240xf32>
    tpu.vector_store %arg5[%swap3A_21], %concatenate3A {strides = array<i32>} : memref<10240xf32, #tpu.memory_space<vmem>>, vector<10240xf32>,
    %concatenate3A_23 = tpu.concatenate %reduce_sum3A_18, %broadcast_in_dim3A_20 in 0 : vector<10000xf32>, vector<240xf32> -> vector<10240xf32>
    %swap3A_24 = arith.constant 0 : index
    %swap3A_25 = vector.load %arg6[%swap3A_24] : memref<10240xf32, #tpu.memory_space<vmem>>, vector<10240xf32>
    tpu.vector_store %arg6[%swap3A_24], %concatenate3A_23 {strides = array<i32>} : memref<10240xf32, #tpu.memory_space<vmem>>, vector<10240xf32>,
    %reduce_max3A = vector.shape_cast %reduce_sum3A_11 : vector<10000xf32> to vector<1x10000xf32>
    %reduce_max3A_26 = arith.constant dense<0xFF800000> : vector<1xf32>
    %reduce_max3A_27 = vector.multi_reduction <maximumf>, %reduce_max3A, %reduce_max3A_26 [1] : vector<1x10000xf32> to vector<1xf32>
    %reduce_max3A_28 = vector.shape_cast %reduce_max3A_27 : vector<1xf32> to vector<1x1xf32>
    %reduce_max3A_29 = vector.extract %reduce_max3A_28[0, 0] : f32 from vector<1x1xf32>
    %reduce_max3A_30 = vector.shape_cast %reduce_sum3A_18 : vector<10000xf32> to vector<1x10000xf32>
    %reduce_max3A_31 = arith.constant dense<0xFF800000> : vector<1xf32>
    %reduce_max3A_32 = vector.multi_reduction <maximumf>, %reduce_max3A_30, %reduce_max3A_31 [1] : vector<1x10000xf32> to vector<1xf32>
    %reduce_max3A_33 = vector.shape_cast %reduce_max3A_32 : vector<1xf32> to vector<1x1xf32>
    %reduce_max3A_34 = vector.extract %reduce_max3A_33[0, 0] : f32 from vector<1x1xf32>
    %add3A = arith.addf %reduce_max3A_29, %reduce_max3A_34 : f32
    %max3A = arith.constant 0.000000e+00 : f32
    %max3A_35 = arith.maximumf %add3A, %max3A : f32
    %broadcast_in_dim3A_36 = vector.broadcast %max3A_35 : f32 to vector<16xf32>
    %swap3A_37 = arith.constant 0 : index
    %swap3A_38 = vector.load %arg7[%swap3A_37] : memref<16xf32, #tpu.memory_space<vmem>>, vector<16xf32>
    tpu.vector_store %arg7[%swap3A_37], %broadcast_in_dim3A_36 {strides = array<i32>} : memref<16xf32, #tpu.memory_space<vmem>>, vector<16xf32>,
    return
  }
}

module attributes {stable_mosaic.version = 14 : i64} {
  func.func @body(%arg0: memref<2x10240x128xf32, #tpu.memory_space<vmem>>, %arg1: memref<2x10240xf32, #tpu.memory_space<vmem>>, %arg2: memref<128xf32, #tpu.memory_space<vmem>>, %arg3: memref<10000x128xf32, #tpu.memory_space<vmem>>) attributes {dimension_semantics = [], scalar_prefetch = 0 : i64, scratch_operands = 0 : i64, tpu.core_type = #tpu.core_type<tc>} {
    %get3A = arith.constant 0 : index
    %get3A_0 = arith.constant 0 : index
    %get3A_1 = arith.constant 0 : index
    %get3A_2 = vector.load %arg0[%get3A, %get3A_0, %get3A_1] : memref<2x10240x128xf32, #tpu.memory_space<vmem>>, vector<1x10240x128xf32>
    %get3A_3 = vector.shape_cast %get3A_2 : vector<1x10240x128xf32> to vector<10240x128xf32>
    %get3A_4 = arith.constant 1 : index
    %get3A_5 = arith.constant 0 : index
    %get3A_6 = arith.constant 0 : index
    %get3A_7 = vector.load %arg0[%get3A_4, %get3A_5, %get3A_6] : memref<2x10240x128xf32, #tpu.memory_space<vmem>>, vector<1x10240x128xf32>
    %get3A_8 = vector.shape_cast %get3A_7 : vector<1x10240x128xf32> to vector<10240x128xf32>
    %add3A = arith.addf %get3A_3, %get3A_8 : vector<10240x128xf32>
    %get3A_9 = arith.constant 0 : index
    %get3A_10 = arith.constant 0 : index
    %get3A_11 = vector.load %arg1[%get3A_9, %get3A_10] : memref<2x10240xf32, #tpu.memory_space<vmem>>, vector<1x10240xf32>
    %get3A_12 = vector.shape_cast %get3A_11 : vector<1x10240xf32> to vector<10240xf32>
    %get3A_13 = arith.constant 1 : index
    %get3A_14 = arith.constant 0 : index
    %get3A_15 = vector.load %arg1[%get3A_13, %get3A_14] : memref<2x10240xf32, #tpu.memory_space<vmem>>, vector<1x10240xf32>
    %get3A_16 = vector.shape_cast %get3A_15 : vector<1x10240xf32> to vector<10240xf32>
    %add3A_17 = arith.addf %get3A_12, %get3A_16 : vector<10240xf32>
    %add3A_18 = arith.constant 1.000000e-16 : f32
    %add3A_19 = vector.broadcast %add3A_18 : f32 to vector<10240xf32>
    %add3A_20 = arith.addf %add3A_17, %add3A_19 : vector<10240xf32>
    %slice3A = vector.extract_strided_slice %add3A {offsets = [0, 0], sizes = [10000, 128], strides = [1, 1]} : vector<10240x128xf32> to vector<10000x128xf32>
    %slice3A_21 = vector.extract_strided_slice %add3A_20 {offsets = [0], sizes = [10000], strides = [1]} : vector<10240xf32> to vector<10000xf32>
    %broadcast_in_dim3A = vector.shape_cast %slice3A_21 : vector<10000xf32> to vector<10000x1xf32>
    %div3A = vector.broadcast %broadcast_in_dim3A : vector<10000x1xf32> to vector<10000x128xf32>
    %div3A_22 = arith.divf %slice3A, %div3A : vector<10000x128xf32>
    %get3A_23 = arith.constant 0 : index
    %get3A_24 = vector.load %arg2[%get3A_23] : memref<128xf32, #tpu.memory_space<vmem>>, vector<128xf32>
    %broadcast_in_dim3A_25 = vector.shape_cast %get3A_24 : vector<128xf32> to vector<1x128xf32>
    %add3A_26 = vector.broadcast %broadcast_in_dim3A_25 : vector<1x128xf32> to vector<10000x128xf32>
    %add3A_27 = arith.addf %div3A_22, %add3A_26 : vector<10000x128xf32>
    %swap3A = arith.constant 0 : index
    %swap3A_28 = arith.constant 0 : index
    %swap3A_29 = vector.load %arg3[%swap3A, %swap3A_28] : memref<10000x128xf32, #tpu.memory_space<vmem>>, vector<10000x128xf32>
    tpu.vector_store %arg3[%swap3A, %swap3A_28], %add3A_27 {strides = array<i32>} : memref<10000x128xf32, #tpu.memory_space<vmem>>, vector<10000x128xf32>,
    return
  }
}

</mosaic_0001>

<sc_bundles>
// kernel: kernel.5.cloned.1.call-start
scs
__scs_entry_jumppad:
0x0: {  	(pc) =	sbr.rel $0x88, $3  }
0x1: {  	(tag) =	ssettag $0x0;
	lr =	simm.s32 $0x1  }
0x2: {  	[smem:$0x3F9B] =	sst lr;
	_ =	strace $0xD0000000  }
0x3: {  	_ = 	snop  }
0x4: {  	_ = 	snop  }
0x5: {  	_ = 	snop  }
0x6: {  	_ = 	snop  }
0x7: {  	_ = 	snop  }
__scs_overlays_trampoline_lowered:
0x8: {  	[smem:$0x3FAA] =	sst s0  }
0x9: {  	[smem:$0x3FAB] =	sst s1  }
0xa: {  	[smem:$0x3FAC] =	sst s2  }
0xb: {  	[smem:$0x3FAD] =	sst s3  }
0xc: {  	[smem:$0x3FAE] =	sst s4  }
0xd: {  	[smem:$0x3FAF] =	sst s5  }
0xe: {  	[smem:$0x3FB0] =	sst s6  }
0xf: {  	[smem:$0x3FB1] =	sst s7  }
0x10: {  	[smem:$0x3FB2] =	sst s8  }
0x11: {  	[smem:$0x3FB3] =	sst s9;
	s0 =	simm.s32 @!p0 $0x0  }
0x12: {  	s1 =	sld [smem:$0x3F99];
	s0 =	simm.s32 @p0 $0x1  }
0x13: {  	[smem:$0x3FB4] =	sst s0;
	s0 =	simm.s32 @!p1 $0x0  }
0x14: {  	s2 =	sld [smem:$0x3F98];
	s0 =	simm.s32 @p1 $0x1  }
0x15: {  	[smem:$0x3FB5] =	sst s0;
	s0 =	simm.s32 @!p2 $0x0  }
0x16: {  	s3 =	sld [smem:$0x3FDB];
	s0 =	simm.s32 @p2 $0x1  }
0x17: {  	s4 =	simm.s32 $0x1BF5;
	[smem:$0x3FB7] =	sst s0  }
0x18: {  	s0 =	sld [smem:$0x3F9A];
	_ =	swait.ge [sflag:s4], $0x0  }
0x19: {  	s7 =	sld [smem:$0x3F9B]  }
0x1a: {  	s8 =	sadd.s32 $0xFFFFE003, lr  }
0x1b: {  	s9 =	sadd.s32 $0xFFFFFEF7, lr;
	s5 =	simm.s32 $0xFFFFFFFF;
	p2 =	slt.u32 s8, $0xFFFFF086  }
0x1c: {  	p1 =	slt.u32 s9, $0xF7A;
	s5 =	simm.s32 @!p2 $0x0  }
0x1d: {  	s5 =	simm.s32 @p1 $0x1;
	p0 =	seq.s32 s7, s2  }
0x1e: {  	s7 =	smul.u32 @!p0 $0xF7A, s2;
	p2 =	seq.s32 @!p0 s5, $0x0  }
0x1f: {  	s9 =	smul.u32 $0xF7A, s1;
	s8 =	simm.s32 @!p0 $0x1BF5;
	p2 =	por !p2, p0  }
0x20: {  	[sflag:s8] =	ssyncset.s32 @!p0 $0xFFFFF086;
	s6 =	sadd.s32 @!p0 s3, s7;
	s7 =	simm.s32 @!p0 $0x108  }
0x21: {  	s3 =	sadd.s32 s3, s9;
	s6 =	sadd.s32 @!p0 $0x88, s6;
	s7 =	simm.s32 @p2 $0x1082  }
0x22: {  	[simem:s7], [sflag:s8] =	dma.local @!p0 [hbm:s6], $0xF7A  }
0x23: {  	s9 =	sor.u32 $0xD0000000, s2;
	s6 =	simm.s32 $0x108;
	_ =	swait.ge @!p0 [sflag:s8], $0x0  }
0x24: {  	s3 =	sadd.s32 $0x88, s3;
	s6 =	simm.s32 @!p1 $0x1082;
	[sflag:s4] =	ssyncset.s32 $0xFFFFF086  }
0x25: {  	[simem:s6], [sflag:s4] =	dma.local [hbm:s3], $0xF7A  }
0x26: {  	[smem:$0x3F9B] =	sst s1;
	(tag) =	ssettag s2;
	_ =	strace s9  }
0x27: {  	s1 =	sld [smem:$0x3FAB]  }
0x28: {  	s2 =	sld [smem:$0x3FAC]  }
0x29: {  	s4 =	sld [smem:$0x3FAE]  }
0x2a: {  	p0 =	seq.s32 s5, $0x0;
	s5 =	sld [smem:$0x3FAF]  }
0x2b: {  	s6 =	sld [smem:$0x3FB0]  }
0x2c: {  	s7 =	sld [smem:$0x3FB1]  }
0x2d: {  	s3 =	simm.s32 $0x108;
	s8 =	sld [smem:$0x3FB2]  }
0x2e: {  	s3 =	simm.s32 @!p0 $0x1082;
	s9 =	sld [smem:$0x3FB3]  }
0x2f: {  	lr =	sadd.s32 s0, s3;
	s0 =	sld [smem:$0x3FAA]  }
0x30: {  	s3 =	sld [smem:$0x3FAD]  }
0x31: {  	[smem:$0x3FB6] =	sst s10  }
0x32: {  	s10 =	sld [smem:$0x3FB4];
	_ =	sdelay $0x3  }
0x33: {  	p0 =	seq.s32 s10, $0x1;
	s10 =	sld [smem:$0x3FB6];
	_ =	sdelay $0x3  }
0x34: {  	[smem:$0x3FB6] =	sst s10  }
0x35: {  	s10 =	sld [smem:$0x3FB5];
	_ =	sdelay $0x3  }
0x36: {  	p1 =	seq.s32 s10, $0x1;
	s10 =	sld [smem:$0x3FB6];
	_ =	sdelay $0x3  }
0x37: {  	[smem:$0x3FB6] =	sst s10  }
0x38: {  	s10 =	sld [smem:$0x3FB7]  }
0x39: {  	_ = 	snop;
	(pc) =	sbr.ind lr, $3  }
0x3a: {  	_ = 	snop  }
0x3b: {  	_ = 	snop  }
0x3c: {  	p2 =	seq.s32 s10, $0x1;
	s10 =	sld [smem:$0x3FB6]  }
0x3d: {  	_ =	shalt  }
0x3e: {  	_ =	shalt  }
0x3f: {  	_ =	shalt  }
0x40: {  	_ =	shalt  }
0x41: {  	_ =	shalt  }
0x42: {  	_ =	shalt  }
0x43: {  	_ =	shalt  }
0x44: {  	_ =	shalt  }
0x45: {  	_ =	shalt  }
0x46: {  	_ =	shalt  }
0x47: {  	_ =	shalt  }
0x48: {  	_ =	shalt  }
0x49: {  	_ =	shalt  }
0x4a: {  	_ =	shalt  }
0x4b: {  	_ =	shalt  }
0x4c: {  	_ =	shalt  }
0x4d: {  	_ =	shalt  }
0x4e: {  	_ =	shalt  }
0x4f: {  	_ =	shalt  }
0x50: {  	_ =	shalt  }
0x51: {  	_ =	shalt  }
0x52: {  	_ =	shalt  }
0x53: {  	_ =	shalt  }
0x54: {  	_ =	shalt  }
0x55: {  	_ =	shalt  }
0x56: {  	_ =	shalt  }
0x57: {  	_ =	shalt  }
0x58: {  	_ =	shalt  }
0x59: {  	_ =	shalt  }
0x5a: {  	_ =	shalt  }
0x5b: {  	_ =	shalt  }
0x5c: {  	_ =	shalt  }
0x5d: {  	_ =	shalt  }
0x5e: {  	_ =	shalt  }
0x5f: {  	_ =	shalt  }
0x60: {  	_ =	shalt  }
0x61: {  	_ =	shalt  }
0x62: {  	_ =	shalt  }
0x63: {  	_ =	shalt  }
0x64: {  	_ =	shalt  }
0x65: {  	_ =	shalt  }
0x66: {  	_ =	shalt  }
0x67: {  	_ =	shalt  }
0x68: {  	_ =	shalt  }
0x69: {  	_ =	shalt  }
0x6a: {  	_ =	shalt  }
0x6b: {  	_ =	shalt  }
0x6c: {  	_ =	shalt  }
0x6d: {  	_ =	shalt  }
0x6e: {  	_ =	shalt  }
0x6f: {  	_ =	shalt  }
0x70: {  	_ =	shalt  }
0x71: {  	_ =	shalt  }
0x72: {  	_ =	shalt  }
0x73: {  	_ =	shalt  }
0x74: {  	_ =	shalt  }
0x75: {  	_ =	shalt  }
0x76: {  	_ =	shalt  }
0x77: {  	_ =	shalt  }
0x78: {  	_ =	shalt  }
0x79: {  	_ =	shalt  }
0x7a: {  	_ =	shalt  }
0x7b: {  	_ =	shalt  }
0x7c: {  	_ =	shalt  }
0x7d: {  	_ =	shalt  }
0x7e: {  	_ =	shalt  }
0x7f: {  	_ =	shalt  }
0x80: {  	_ =	shalt  }
0x81: {  	_ =	shalt  }
0x82: {  	_ =	shalt  }
0x83: {  	_ =	shalt  }
0x84: {  	_ =	shalt  }
0x85: {  	_ =	shalt  }
0x86: {  	_ =	shalt  }
0x87: {  	_ =	shalt  }
.Lfunc_end0:
.L_simem_size_0:
called_computation_lowered:
.L_overlay_start_0:
0x88: {  	s2 =	sld [smem:$0x3FD9]  }
0x89: {  	s3 =	sld [smem:$0x3FFE];
	_ =	sdelay $0x1  }
0x8a: {  	s1 =	srdreg.scid  }
0x8b: {  	s0 =	sand.u32 $0x1, s1  }
0x8c: {  	s17 =	sshll.u32 s0, $0xA;
	s2 =	sadd.s32 s3, s2  }
0x8d: {  	s2 =	sadd.s32 s2, s17  }
0x8e: {  	[smem:$0x3FC2] =	sst s2  }
0x8f: {  	_ = 	snop  }
0x90: {  	s2 =	sld [smem:$0x3FD0];
	(tm) =	ssettm $0x1  }
0x91: {  	s18 =	sld [smem:$0x3FFB];
	_ =	sdelay $0x3  }
0x92: {  	_ =	strace s18  }
0x93: {  	s3 =	sld [smem:$0x3FFC];
	_ =	sdelay $0x3  }
0x94: {  	_ =	strace s3  }
0x95: {  	s3 =	sld [smem:$0x3FFD];
	_ =	sdelay $0x3  }
0x96: {  	_ =	strace s3  }
0x97: {  	_ =	strace $0x8FFFFFFF  }
0x98: {  	s19 =	sld [smem:$0x3FDB];
	_ =	sdelay $0x1  }
0x99: {  	s4 =	simm.s32 $_scs_section_size  }
0x9a: {  	s5 =	simm.s32 $_size__tile_overlayer_lowered;
	s6 =	simm.s32 $_tile_overlayer_lowered  }
0x9b: {  	s22 =	simm.s32 $0x1BFF;
	s21 =	sshll.u32 s6, $0x1;
	s3 =	sadd.s32 s4, s19  }
0x9c: {  	s7 =	simm.s32 $0x0;
	s20 =	sshll.u32 s5, $0x1;
	s5 =	sadd.s32 s21, s3  }
0x9d: {  	[timem:s7], [sflag:s22] =	dma.local [hbm:s5], s20  }
0x9e: {  	_ =	swait.ge [sflag:s22], s20  }
0x9f: {  	s4 =	ssub.s32 $0x0, s20;
	[sflag:s22] =	ssyncset.done $0x0  }
0xa0: {  	[sflag:s22] =	ssyncadd.s32 s4;
	_ =	sdelay $0x1  }
0xa1: {  	s23 =	simm.s32 $0x1B8B  }
0xa2: {  	_ =	swait.ge [sflag:s23], $0x1  }
0xa3: {  	[sflag:s23] =	ssyncset.done $0x0  }
0xa4: {  	s25 =	simm.s32 $0x1B8E;
	s24 =	sld [smem:$0x3FFE];
	[sflag:s23] =	ssyncadd.s32 $0xFFFFFFFF  }
0xa5: {  	s26 =	simm.s32 $execute0_lowered;
	[smem:$0x3FD2] =	sst s25  }
0xa6: {  	s5 =	sshll.u32 s26, $0x1;
	_ =	strace $0x80000046;
	[dreg:$0x1] =	wrdreg $0xFFFFFFFF  }
0xa7: {  	s28 =	simm.s32 $_size_execute0_lowered;
	s3 =	sadd.s32 s3, s5;
	[dreg:$0x0] =	wrdreg $0x0  }
0xa8: {  	s5 =	sshll.u32 s28, $0x1;
	[dreg:$0x2] =	wrdreg s3  }
0xa9: {  	[dreg:$0x3] =	wrdreg s5  }
0xaa: {  	[dreg:$0x4] =	wrdreg $0xC0  }
0xab: {  	_ =	task [dreg:s7], $0x5FFFF  }
0xac: {  	[dreg:$0x1] =	wrdreg $0xFFFFFFFF  }
0xad: {  	[dreg:$0x0] =	wrdreg $0x60  }
0xae: {  	[dreg:$0x2] =	wrdreg s24  }
0xaf: {  	[dreg:$0x3] =	wrdreg s2  }
0xb0: {  	[dreg:$0x4] =	wrdreg $0xB6000  }
0xb1: {  	[dreg:$0x5] =	wrdreg $0x1F6000  }
0xb2: {  	[dreg:$0x6] =	wrdreg $0x9  }
0xb3: {  	_ =	task.clear_ibuf [dreg:s7], $0x7FFFF;
	_ =	strace $0x90000046  }
0xb4: {  	s29 =	simm.s32 $0x9;
	_ =	strace $0x80000048  }
0xb5: {  	_ =	swait.ge [sflag:s29], $0x1  }
0xb6: {  	[sflag:s29] =	ssyncadd.s32 $0xFFFFFFFF  }
0xb7: {  	_ =	strace $0x90000048  }
0xb8: {  	_ =	sfence  }
0xb9: {  	s30 =	sld [smem:$0x0];
	_ =	sdelay $0x2  }
0xba: {  	s31 =	sshll.u32 s1, $0xD;
	s1 =	sshrl.u32 s1, $0x2  }
0xbb: {  	s3 =	sand.u32 $0x4000, s31;
	s1 =	sadd.s32 s1, s30  }
0xbc: {  	s0 =	sor.u32 s3, s0;
	s1 =	sshll.u32 s1, $0x11  }
0xbd: {  	s0 =	sor.u32 s1, s0  }
0xbe: {  	s0 =	sadd.s32 $0x8F2B, s0  }
0xbf: {  	[sflag:s0] =	ssyncadd.remote.s32 $0x1  }
0xc0: {  	_ =	sfence.sel $0xFFFF  }
0xc1: {  	[dreg:$0x0] =	wrdreg $0xFFFFFFFF;
	(pc) =	sbr.abs _section_cstart, $3  }
0xc2: {  	[dreg:$0x1] =	wrdreg $0xFFFFFFFF  }
0xc3: {  	_ =	task.clear_ibuf [dreg:s7], $0x2FFFF;
	_ =	strace $0x9FFFFFFF  }
0xc4: {  	(tm) =	ssettm $0x7FFFFFFF  }
0xc5: {  	_ =	shalt  }
tec
execute0_lowered:
.L_overlay_start_1:
0x0: {  	(tag) =	ssettag $0x1  }
0x1: {  	s0 =	rddreg [dreg:$0x0]  }
0x2: {  	s1 =	rddreg [dreg:$0x1]  }
0x3: {  	s2 =	rddreg [dreg:$0x2]  }
0x4: {  	s3 =	rddreg [dreg:$0x3]  }
0x5: {  	s4 =	simm.s32 $0x0;
	s5 =	srdreg.scid;
	s14 =	stileid.u32  }
0x6: {  	s29 =	simm.s32 $0x2800;
	s28 =	simm.s32 $0x5;
	s31 =	simm.s32 $0x6  }
0x7: {  	[smem:$0x7FF] =	sst s4;
	s5 =	sand.u32 $0x1, s5;
	s6 =	sadd.s32 $0x1E00, s0  }
0x8: {  	s8 =	sadd.s32 $0xC000, s0;
	s21 =	smul.u32 $0x14000, s14;
	s9 =	sadd.s32 $0xC600, s0  }
0x9: {  	s23 =	smul.u32 $0x280, s14;
	_ =	strace $0x80000047;
	[dreg:$0x5] =	wrdreg s8  }
0xa: {  	s22 =	sadd.s32 $0xCC00, s0;
	s24 =	smul.u32 $0x500, s14;
	[dreg:$0x6] =	wrdreg s9  }
0xb: {  	s10 =	sadd.s32 $0xD400, s0;
	s12 =	smul.u32 $0x50000, s14;
	[dreg:$0x7] =	wrdreg s22  }
0xc: {  	s15 =	sshll.u32 s14, $0x6;
	s7 =	smul.u32 $0x140000, s5;
	[dreg:$0x8] =	wrdreg s10  }
0xd: {  	s11 =	sshll.u32 s5, $0x7;
	s26 =	sshll.u32 s5, $0x4;
	s5 =	ssub.s32 $0x2, s5  }
0xe: {  	s18 =	sor.u32 $0x1C08, s15;
	s25 =	sshrl.u32 s23, $0x3;
	s8 =	sor.u32 s11, s24  }
0xf: {  	s30 =	sshrl.u32 s5, $0x1;
	s12 =	sshrl.u32 s12, $0x2;
	s9 =	sadd.s32 s23, s3  }
0x10: {  	[dreg:$0xa] =	wrdreg s18;
	s7 =	sadd.s32 s21, s7;
	s10 =	sadd.s32 s25, s0  }
0x11: {  	s8 =	sshrl.u32 s8, $0x3;
	s12 =	sadd.s32 s12, s2;
	[dreg:$0xb] =	wrdreg s9  }
0x12: {  	s5 =	ssub.s32 s5, s30;
	s7 =	sshrl.u32 s7, $0x3;
	[dreg:$0x9] =	wrdreg s12  }
0x13: {  	s19 =	sadd.s32 $0xCE00, s10;
	s30 =	smax.u32 s5, $0x1;
	s7 =	sadd.s32 s7, s0  }
0x14: {  	s0 =	sadd.s32 s8, s0;
	s8 =	sor.u32 s14, s26;
	[dreg:$0xc] =	wrdreg s19  }
0x15: {  	s15 =	simm.s32 $0x3;
	[dreg:$0x17] =	wrdreg s30;
	s23 =	sor.u32 $0x40, s8  }
0x16: {  	s11 =	simm.s32 $0x1;
	s24 =	sor.u32 $0x60, s8;
	[dreg:$0x10] =	wrdreg s23  }
0x17: {  	s5 =	simm.s32 $0x60;
	s25 =	sor.u32 $0x80, s8;
	[dreg:$0x11] =	wrdreg s24  }
0x18: {  	s12 =	simm.s32 $0x4;
	s26 =	sor.u32 $0xA0, s8;
	[dreg:$0x12] =	wrdreg s25  }
0x19: {  	s10 =	simm.s32 $0x0;
	s7 =	sadd.s32 $0xFC00, s7;
	[dreg:$0x13] =	wrdreg s26  }
0x1a: {  	s13 =	smul.u32 $0x60, s8;
	s0 =	sadd.s32 $0x5FC00, s0;
	[dreg:$0x15] =	wrdreg s7  }
0x1b: {  	s14 =	simm.s32 $0x5380;
	s16 =	smul.u32 $0xC, s8;
	[dreg:$0x16] =	wrdreg s0  }
0x1c: {  	s7 =	simm.s32 $0x5600;
	s24 =	simm.s32 $0x2;
	s25 =	simm.s32 $0x5580  }
0x1d: {  	s26 =	simm.s32 $0x5400;
	s23 =	simm.s32 $0x5480;
	s17 =	sshrl.u32 s13, $0x3  }
0x1e: {  	s21 =	sadd.s32 s6, s16;
	s13 =	simm.s32 $0x5500;
	s20 =	sadd.s32 s6, s17  }
0x1f: {  	s16 =	simm.s32 $0x7;
	[dreg:$0xd] =	wrdreg s21;
	s22 =	sadd.s32 $0x180, s20  }
0x20: {  	s17 =	simm.s32 $0x5300;
	s9 =	sadd.s32 $0x300, s20;
	[dreg:$0xe] =	wrdreg s22  }
0x21: {  	[dreg:$0xf] =	wrdreg s9;
	s22 =	sor.u32 $0xC0, s8;
	s8 =	sor.u32 $0xE0, s8  }
0x22: {  	s9 =	simm.s32 $0x8600;
	[dreg:$0x14] =	wrdreg s8;
	s8 =	simm.s32 $0x8  }
.LBB2_1:
0x23: {  	[dreg:$0x18] =	wrdreg s10  }
0x24: {  	s0 =	rddreg [dreg:$0x9]  }
0x25: {  	s19 =	rddreg [dreg:$0x8];
	s0 =	sshrl.u32 s0, $0x3  }
0x26: {  	[dreg:$0x19] =	wrdreg s0  }
0x27: {  	[spmem:s0], [sflag:s18] =	dma.local [hbm:s19], $0x2800  }
0x28: {  	_ =	swait.ge [sflag:s8], $0x2800  }
0x29: {  	s20 =	rddreg [dreg:$0xb]  }
0x2a: {  	[sflag:s8] =	ssyncset.done $0x0;
	s30 =	rddreg [dreg:$0xc];
	s21 =	sshrl.u32 s20, $0x3  }
0x2b: {  	[sflag:s8] =	ssyncadd.s32 $0xFFFFD800;
	[dreg:$0x1a] =	wrdreg s21  }
0x2c: {  	[spmem:s21], [sflag:s18] =	dma.local [hbm:s30], $0x50  }
0x2d: {  	_ =	swait.ge [sflag:s8], $0x50  }
0x2e: {  	[sflag:s8] =	ssyncset.done $0x0  }
0x2f: {  	s19 =	rddreg [dreg:$0x5];
	[sflag:s8] =	ssyncadd.s32 $0xFFFFFFB0  }
0x30: {  	[tilespmem:s4], [sflag:$0x8] =	stream.linear.gather [hbm4b:s19+s4], $0x2800, $0x38;
	[tilespmem:$0x1F880] =	vst v63  }
0x31: {  	_ =	swait.ge [sflag:s8], $0x2800  }
0x32: {  	[sflag:s8] =	ssyncset.done $0x0  }
0x33: {  	s20 =	rddreg [dreg:$0x6];
	[sflag:s8] =	ssyncadd.s32 $0xFFFFD800  }
0x34: {  	[tilespmem:s29], [sflag:$0x8] =	stream.linear.gather [hbm4b:s20+s4], $0x2800, $0x38;
	[tilespmem:$0x1F880] =	vst v63  }
0x35: {  	_ =	swait.ge [sflag:s8], $0x2800  }
0x36: {  	[sflag:s8] =	ssyncset.done $0x0  }
0x37: {  	s30 =	simm.s32 $0x5000;
	s21 =	rddreg [dreg:$0x7];
	[sflag:s8] =	ssyncadd.s32 $0xFFFFD800  }
0x38: {  	[tilespmem:s30], [sflag:$0x8] =	stream.linear.gather [hbm4b:s21+s4], $0x80, $0x38;
	[tilespmem:$0x1F880] =	vst v63  }
0x39: {  	_ =	swait.ge [sflag:s8], $0x80  }
0x3a: {  	[sflag:s8] =	ssyncset.done $0x0  }
0x3b: {  	s19 =	simm.s32 $0x5080;
	s18 =	rddreg [dreg:$0xd];
	[sflag:s8] =	ssyncadd.s32 $0xFFFFFF80  }
0x3c: {  	[tilespmem:s19], [sflag:$0x8] =	stream.linear.gather [hbm4b:s18+s4], $0x60, $0x38;
	[tilespmem:$0x1F880] =	vst v63  }
0x3d: {  	_ =	swait.ge [sflag:s8], $0x60  }
0x3e: {  	[sflag:s8] =	ssyncset.done $0x0  }
0x3f: {  	s21 =	simm.s32 $0x5100;
	s20 =	rddreg [dreg:$0xe];
	[sflag:s8] =	ssyncadd.s32 $0xFFFFFFA0  }
0x40: {  	[tilespmem:s21], [sflag:$0x8] =	stream.linear.gather [hbm4b:s20+s4], $0x60, $0x38;
	[tilespmem:$0x1F880] =	vst v63  }
0x41: {  	_ =	swait.ge [sflag:s8], $0x60  }
0x42: {  	[sflag:s8] =	ssyncset.done $0x0  }
0x43: {  	s30 =	simm.s32 $0x5090;
	[sflag:s8] =	ssyncadd.s32 $0xFFFFFFA0  }
0x44: {  	v3 =	vld [tilespmem:s30+$0xFFFFFFF0]  }
0x45: {  	v1 =	vld [tilespmem:s30+$0x0];
	_ =	sdelay $0x3  }
0x46: {  	s0 =	simm.s32 $0x5210;
	s8 =	simm.s32 $0x50B0;
	v2 =	vand.u32 $0xFFFF, v3  }
0x47: {  	v0 =	vld [tilespmem:s8+$0xFFFFFFF0];
	v4 =	vand.u32 $0xFFFF, v1;
	[tilespmem:s0+$0xFFFFFFF0] =	vst v2  }
0x48: {  	s10 =	simm.s32 $0x5390;
	s19 =	simm.s32 $0x20;
	s18 =	simm.s32 $0x5390;
	v3 =	vshrl.u32 v3, $0x10;
	v2 =	vshrl.u32 v1, $0x10;
	v1 =	vld [tilespmem:s8+$0x0];
	[tilespmem:s0+$0x0] =	vst v4  }
.LBB2_2:
0x49: {  	s19 =	sadd.s32 $0x20, s19  }
0x4a: {  	[tilespmem:s10+$0xFFFFFFF0] =	vst v3;
	s18 =	sadd.s32 $0x20, s18;
	s0 =	sadd.s32 $0x20, s0;
	p0 =	slt.u32 s19, $0x40  }
.Ltmp0:
0x4b: {  	[tilespmem:s10+$0x0] =	vst v2;
	s10 =	smov.u32 s18;
	(pc) =	sbr.rel @p0 .LBB2_2-.Ltmp0, $4  }
0x4c: {  	_ = 	snop  }
0x4d: {  	s8 =	sadd.s32 $0x20, s8;
	v2 =	vand.u32 $0xFFFF, v0;
	v3 =	vmov v0  }
0x4e: {  	v0 =	vld [tilespmem:s8+$0xFFFFFFF0];
	[tilespmem:s0+$0xFFFFFFF0] =	vst v2;
	v4 =	vand.u32 $0xFFFF, v1;
	v2 =	vshrl.u32 v1, $0x10  }
0x4f: {  	v3 =	vshrl.u32 v3, $0x10;
	v1 =	vld [tilespmem:s8+$0x0];
	[tilespmem:s0+$0x0] =	vst v4  }
0x50: {  	_ =	sdelay $0x1  }
0x51: {  	[tilespmem:s10+$0xFFFFFFF0] =	vst v3  }
0x52: {  	s0 =	sadd.s32 $0x20, s0;
	[tilespmem:s10+$0x0] =	vst v2;
	v2 =	vand.u32 $0xFFFF, v0  }
0x53: {  	[tilespmem:s0+$0xFFFFFFF0] =	vst v2;
	v2 =	vand.u32 $0xFFFF, v1  }
0x54: {  	s8 =	sadd.s32 $0x20, s18;
	v0 =	vshrl.u32 v0, $0x10;
	[tilespmem:s0+$0x0] =	vst v2  }
0x55: {  	v1 =	vshrl.u32 v1, $0x10;
	[tilespmem:s8+$0xFFFFFFF0] =	vst v0  }
0x56: {  	s30 =	simm.s32 $0x5110;
	[tilespmem:s8+$0x0] =	vst v1  }
0x57: {  	v3 =	vld [tilespmem:s30+$0xFFFFFFF0]  }
0x58: {  	v1 =	vld [tilespmem:s30+$0x0];
	_ =	sdelay $0x3  }
0x59: {  	s0 =	simm.s32 $0x5290;
	s8 =	simm.s32 $0x5130;
	v2 =	vand.u32 $0xFFFF, v3  }
0x5a: {  	v0 =	vld [tilespmem:s8+$0xFFFFFFF0];
	v4 =	vand.u32 $0xFFFF, v1;
	[tilespmem:s0+$0xFFFFFFF0] =	vst v2  }
0x5b: {  	s10 =	simm.s32 $0x5410;
	s19 =	simm.s32 $0x20;
	s18 =	simm.s32 $0x5410;
	v3 =	vshrl.u32 v3, $0x10;
	v2 =	vshrl.u32 v1, $0x10;
	v1 =	vld [tilespmem:s8+$0x0];
	[tilespmem:s0+$0x0] =	vst v4  }
.LBB2_4:
0x5c: {  	s19 =	sadd.s32 $0x20, s19  }
0x5d: {  	[tilespmem:s10+$0xFFFFFFF0] =	vst v3;
	s18 =	sadd.s32 $0x20, s18;
	s0 =	sadd.s32 $0x20, s0;
	p0 =	slt.u32 s19, $0x40  }
.Ltmp1:
0x5e: {  	[tilespmem:s10+$0x0] =	vst v2;
	s10 =	smov.u32 s18;
	(pc) =	sbr.rel @p0 .LBB2_4-.Ltmp1, $4  }
0x5f: {  	_ = 	snop  }
0x60: {  	s8 =	sadd.s32 $0x20, s8;
	v2 =	vand.u32 $0xFFFF, v0;
	v3 =	vmov v0  }
0x61: {  	v0 =	vld [tilespmem:s8+$0xFFFFFFF0];
	[tilespmem:s0+$0xFFFFFFF0] =	vst v2;
	v4 =	vand.u32 $0xFFFF, v1;
	v2 =	vshrl.u32 v1, $0x10  }
0x62: {  	v3 =	vshrl.u32 v3, $0x10;
	v1 =	vld [tilespmem:s8+$0x0];
	[tilespmem:s0+$0x0] =	vst v4  }
0x63: {  	_ =	sdelay $0x1  }
0x64: {  	[tilespmem:s10+$0xFFFFFFF0] =	vst v3  }
0x65: {  	s0 =	sadd.s32 $0x20, s0;
	[tilespmem:s10+$0x0] =	vst v2;
	v60 =	vand.u32 $0xFFFF, v0  }
0x66: {  	[tilespmem:s0+$0xFFFFFFF0] =	vst v60;
	v61 =	vand.u32 $0xFFFF, v1  }
0x67: {  	s8 =	sadd.s32 $0x20, s18;
	v62 =	vshrl.u32 v0, $0x10;
	[tilespmem:s0+$0x0] =	vst v61  }
0x68: {  	v63 =	vshrl.u32 v1, $0x10;
	[tilespmem:s8+$0xFFFFFFF0] =	vst v62  }
0x69: {  	s19 =	simm.s32 $0x5200;
	[tilespmem:s8+$0x0] =	vst v63  }
0x6a: {  	[tilespmem:s7], [sflag:$0x1] =	stream.indirect.gather [hbm4b:s1+s5], $0x80, s19, s5, $0xb8;
	[tilespmem:$0x1F880] =	vst v63  }
0x6b: {  	s20 =	simm.s32 $0x5280  }
0x6c: {  	[tilespmem:s9], [sflag:$0x2] =	stream.indirect.gather [hbm4b:s1+s5], $0x80, s20, s5, $0xb8;
	[tilespmem:$0x1F880] =	vst v63  }
0x6d: {  	s18 =	simm.s32 $0x0;
	s30 =	simm.s32 $0x5180;
	s21 =	rddreg [dreg:$0xf]  }
0x6e: {  	[tilespmem:s30], [sflag:$0x7] =	stream.linear.gather [hbm4b:s21+s18], $0x60, $0x38;
	[tilespmem:$0x1F880] =	vst v63  }
0x6f: {  	[bflag:$0x0] =	sbarrier.arrive $0xFFFF  }
.LBB2_6:
0x70: {  	p0 =	seq.s32 s18, $0x0  }
.Ltmp2:
0x71: {  	_ = 	snop;
	(pc) =	sbr.rel @p0 .LBB2_10-.Ltmp2, $1  }
0x72: {  	_ =	sdelay $0x3  }
0x73: {  	_ =	swait.ge [sflag:s12], $0x3000;
	s0 =	smul.u32 $0xC0, s18  }
0x74: {  	[sflag:s12] =	ssyncset.done $0x0;
	s8 =	rddreg [dreg:$0x10]  }
0x75: {  	[sflag:s12] =	ssyncadd.s32 $0xFFFFD000;
	s0 =	sadd.s32 s8, s0  }
0x76: {  	_ =	swait.ge [sflag:s12], $0x60;
	s0 =	smul.u32 $0xC, s0  }
0x77: {  	[sflag:s12] =	ssyncset.done $0x0  }
0x78: {  	s21 =	simm.s32 $0x5180;
	[sflag:s12] =	ssyncadd.s32 $0xFFFFFFA0;
	s0 =	sadd.s32 s6, s0  }
0x79: {  	[tilespmem:s21], [sflag:$0x7] =	stream.linear.gather [hbm4b:s0+s4], $0x60, $0x38;
	[tilespmem:$0x1F880] =	vst v63  }
0x7a: {  	_ =	swait.ge [sflag:s31], $0x60  }
0x7b: {  	[sflag:s31] =	ssyncset.done $0x0  }
0x7c: {  	s30 =	simm.s32 $0x5110;
	[sflag:s31] =	ssyncadd.s32 $0xFFFFFFA0  }
0x7d: {  	v3 =	vld [tilespmem:s30+$0xFFFFFFF0]  }
0x7e: {  	v1 =	vld [tilespmem:s30+$0x0];
	_ =	sdelay $0x3  }
0x7f: {  	s8 =	simm.s32 $0x5130;
	s0 =	simm.s32 $0x5290;
	v2 =	vand.u32 $0xFFFF, v3  }
0x80: {  	v0 =	vld [tilespmem:s8+$0xFFFFFFF0];
	v4 =	vand.u32 $0xFFFF, v1;
	[tilespmem:s0+$0xFFFFFFF0] =	vst v2  }
0x81: {  	s10 =	simm.s32 $0x5410;
	s20 =	simm.s32 $0x20;
	s19 =	simm.s32 $0x5410;
	v3 =	vshrl.u32 v3, $0x10;
	v2 =	vshrl.u32 v1, $0x10;
	v1 =	vld [tilespmem:s8+$0x0];
	[tilespmem:s0+$0x0] =	vst v4  }
.LBB2_8:
0x82: {  	s20 =	sadd.s32 $0x20, s20  }
0x83: {  	[tilespmem:s10+$0xFFFFFFF0] =	vst v3;
	s19 =	sadd.s32 $0x20, s19;
	s0 =	sadd.s32 $0x20, s0;
	p0 =	slt.u32 s20, $0x40  }
.Ltmp3:
0x84: {  	[tilespmem:s10+$0x0] =	vst v2;
	s10 =	smov.u32 s19;
	(pc) =	sbr.rel @p0 .LBB2_8-.Ltmp3, $4  }
0x85: {  	_ = 	snop  }
0x86: {  	s8 =	sadd.s32 $0x20, s8;
	v2 =	vand.u32 $0xFFFF, v0;
	v3 =	vmov v0  }
0x87: {  	v0 =	vld [tilespmem:s8+$0xFFFFFFF0];
	[tilespmem:s0+$0xFFFFFFF0] =	vst v2;
	v4 =	vand.u32 $0xFFFF, v1;
	v2 =	vshrl.u32 v1, $0x10  }
0x88: {  	v3 =	vshrl.u32 v3, $0x10;
	v1 =	vld [tilespmem:s8+$0x0];
	[tilespmem:s0+$0x0] =	vst v4  }
0x89: {  	_ =	sdelay $0x1  }
0x8a: {  	[tilespmem:s10+$0xFFFFFFF0] =	vst v3  }
0x8b: {  	s0 =	sadd.s32 $0x20, s0;
	[tilespmem:s10+$0x0] =	vst v2;
	v60 =	vand.u32 $0xFFFF, v0  }
0x8c: {  	[tilespmem:s0+$0xFFFFFFF0] =	vst v60;
	v61 =	vand.u32 $0xFFFF, v1  }
0x8d: {  	s8 =	sadd.s32 $0x20, s19;
	v62 =	vshrl.u32 v0, $0x10;
	[tilespmem:s0+$0x0] =	vst v61  }
0x8e: {  	v63 =	vshrl.u32 v1, $0x10;
	[tilespmem:s8+$0xFFFFFFF0] =	vst v62  }
0x8f: {  	s30 =	simm.s32 $0x5280;
	[tilespmem:s8+$0x0] =	vst v63  }
0x90: {  	[tilespmem:s9], [sflag:$0x2] =	stream.indirect.gather [hbm4b:s1+s5], $0x80, s30, s5, $0xb8;
	[tilespmem:$0x1F880] =	vst v63  }
.LBB2_10:
0x91: {  	_ =	swait.ge [sflag:s11], $0x3000  }
0x92: {  	[sflag:s11] =	ssyncset.done $0x0  }
0x93: {  	s0 =	simm.s32 $0x5210;
	[sflag:s11] =	ssyncadd.s32 $0xFFFFD000  }
0x94: {  	s8 =	simm.s32 $0x5390;
	v0 =	vld [tilespmem:s0+$0x0]  }
0x95: {  	v1 =	vld [tilespmem:s8+$0x0];
	_ =	sdelay $0x4  }
0x96: {  	v2 =	vld [tilespmem:s8+$0xFFFFFFF0]  }
0x97: {  	v3 =	vld [tilespmem:s0+$0xFFFFFFF0];
	s8 =	simm.s32 $0x0  }
0x98: {  	v0 =	vld.idx.msk [tilespmem:v0+s8+$0x0], $0xffff  }
0x99: {  	v1 =	vld.idx.msk [tilespmem:v1+s29+$0x0], $0xffff;
	_ =	sdelay $0x4  }
0x9a: {  	v4 =	vld [tilespmem:$0x5000];
	v0 =	vadd.f32 v1, v0  }
0x9b: {  	v3 =	vld.idx.msk [tilespmem:v3+s8+$0x0], $0xffff  }
0x9c: {  	v1 =	vld.idx.msk [tilespmem:v2+s29+$0x0], $0xffff;
	v2 =	vmul.f32 $2.000000030e-01, v0  }
0x9d: {  	vm0 =	vgt.f32 v0, $0.0e+00  }
0x9e: {  	v0 =	vsel vm0, v0, v2  }
0x9f: {  	v0 =	vsub.f32 v0, v4;
	_ =	sdelay $0x1  }
0xa0: {  	s21 =	simm.s32 $0x5230;
	v1 =	vadd.f32 v1, v3;
	v0 =	vmul.f32 $1.442695020e+00, v0  }
0xa1: {  	s30 =	simm.s32 $0x53B0;
	v5 =	vld [tilespmem:s21+$0x0]  }
0xa2: {  	v2 =	vld [tilespmem:s30+$0x0];
	(erf) = vpow2.f32 v0;
	v0 =	vmul.f32 $2.000000030e-01, v1  }
0xa3: {  	v6 =	vld [tilespmem:s30+$0xFFFFFFF0];
	vm15 =	vgt.f32 v1, $0.0e+00  }
0xa4: {  	v7 =	vld [tilespmem:s21+$0xFFFFFFF0];
	v0 =	vsel vm15, v1, v0  }
0xa5: {  	v0 =	vsub.f32 v0, v4;
	_ =	sdelay $0x1  }
0xa6: {  	v0 =	vmul.f32 $1.442695020e+00, v0;
	_ =	sdelay $0x1  }
0xa7: {  	v5 =	vld.idx.msk [tilespmem:v5+s8+$0x0], $0xffff;
	(erf) = vpow2.f32 v0  }
0xa8: {  	v1 =	vld.idx.msk [tilespmem:v2+s29+$0x0], $0xffff  }
0xa9: {  	v3 =	vld.idx.msk [tilespmem:v6+s29+$0x0], $0xffff  }
0xaa: {  	v4 =	vld.idx.msk [tilespmem:v7+s8+$0x0], $0xffff;
	_ =	sdelay $0x2  }
0xab: {  	v0 =	vld [tilespmem:$0x5000];
	v1 =	vadd.f32 v1, v5  }
0xac: {  	s10 =	simm.s32 $0x5510;
	s19 =	simm.s32 $0x20;
	s20 =	simm.s32 $0x5250;
	v2 =	vpop (erf)  }
.LBB2_11:
0xad: {  	v5 =	vld [tilespmem:s20+$0x0];
	v3 =	vadd.f32 v3, v4;
	v4 =	vmul.f32 $2.000000030e-01, v1;
	s30 =	sadd.s32 $0x20, s30;
	[tilespmem:s10+$0x0] =	vst v2;
	s0 =	simm.s32 $0x5700  }
0xae: {  	s19 =	sadd.s32 $0x20, s19;
	vm0 =	vgt.f32 v1, $0.0e+00;
	v2 =	vld [tilespmem:s30+$0x0];
	v6 =	vpop (erf)  }
0xaf: {  	p0 =	slt.u32 s19, $0x40;
	v7 =	vld [tilespmem:s30+$0xFFFFFFF0];
	vm1 =	vgt.f32 v3, $0.0e+00;
	v8 =	vmul.f32 $2.000000030e-01, v3;
	v1 =	vsel vm0, v1, v4;
	[tilespmem:s10+$0xFFFFFFF0] =	vst v6  }
0xb0: {  	v4 =	vld [tilespmem:s20+$0xFFFFFFF0];
	v1 =	vsub.f32 v1, v0  }
0xb1: {  	v3 =	vsel vm1, v3, v8  }
0xb2: {  	v0 =	vsub.f32 v3, v0;
	v1 =	vmul.f32 $1.442695020e+00, v1;
	_ =	sdelay $0x1  }
0xb3: {  	v0 =	vmul.f32 $1.442695020e+00, v0;
	(erf) = vpow2.f32 v1  }
0xb4: {  	v1 =	vld.idx.msk [tilespmem:v5+s8+$0x0], $0xffff  }
0xb5: {  	v2 =	vld.idx.msk [tilespmem:v2+s29+$0x0], $0xffff;
	(erf) = vpow2.f32 v0  }
0xb6: {  	v3 =	vld.idx.msk [tilespmem:v7+s29+$0x0], $0xffff  }
0xb7: {  	v4 =	vld.idx.msk [tilespmem:v4+s8+$0x0], $0xffff  }
.Ltmp4:
0xb8: {  	(pc) =	sbr.rel @p0 .LBB2_11-.Ltmp4, $3  }
0xb9: {  	_ =	sdelay $0x1  }
0xba: {  	v1 =	vadd.f32 v2, v1;
	v0 =	vld [tilespmem:$0x5000]  }
0xbb: {  	s10 =	sadd.s32 $0x20, s10;
	s20 =	sadd.s32 $0x20, s20;
	v2 =	vpop (erf)  }
0xbc: {  	v3 =	vadd.f32 v3, v4  }
0xbd: {  	v4 =	vmul.f32 $2.000000030e-01, v1  }
0xbe: {  	vm0 =	vgt.f32 v1, $0.0e+00;
	v5 =	vmul.f32 $2.000000030e-01, v3  }
0xbf: {  	vm1 =	vgt.f32 v3, $0.0e+00;
	v1 =	vsel vm0, v1, v4  }
0xc0: {  	v1 =	vsub.f32 v1, v0;
	v3 =	vsel vm1, v3, v5  }
0xc1: {  	v0 =	vsub.f32 v3, v0  }
0xc2: {  	v1 =	vmul.f32 $1.442695020e+00, v1  }
0xc3: {  	v0 =	vmul.f32 $1.442695020e+00, v0  }
0xc4: {  	(erf) = vpow2.f32 v1  }
0xc5: {  	(erf) = vpow2.f32 v0;
	_ =	sdelay $0x2  }
0xc6: {  	s19 =	simm.s32 $0x2;
	v0 =	vmov s8  }
0xc7: {  	v1 =	vmov s19;
	v0 =	vand.u32 $0xFFFFFFFC, v0  }
0xc8: {  	v1 =	vand.u32 $0xFFFFFFFE, v1;
	v0 =	vbroadcast v0, $0x0  }
0xc9: {  	v1 =	vbroadcast v1, $0x0  }
0xca: {  	[tilespmem:s10+$0x0] =	vst v2;
	v3 =	vpop (erf)  }
0xcb: {  	s20 =	sadd.s32 $0x20, s10;
	[tilespmem:s10+$0xFFFFFFF0] =	vst v3;
	v2 =	vpop (erf)  }
0xcc: {  	[tilespmem:s20+$0x0] =	vst v2;
	v2 =	vpop (erf)  }
0xcd: {  	[tilespmem:s20+$0xFFFFFFF0] =	vst v2  }
0xce: {  	v0 =	vld.idx.msk [tilespmem:v0+s13+$0x0], $0xffff  }
0xcf: {  	v1 =	vld.idx.msk [tilespmem:v1+s13+$0x0], $0xffff  }
0xd0: {  	s21 =	simm.s32 $0x1;
	v3 =	vld [tilespmem:s0+$0x70]  }
0xd1: {  	v2 =	vmov s21;
	v4 =	vld [tilespmem:s0+$0xFFFFFF00]  }
0xd2: {  	v2 =	vand.u32 $0xFFFFFFFD, v2;
	v5 =	vld [tilespmem:s0+$0xFFFFFF10]  }
0xd3: {  	v6 =	vld [tilespmem:s0+$0xFFFFFF20];
	v2 =	vbroadcast v2, $0x0  }
0xd4: {  	v7 =	vld [tilespmem:s0+$0xFFFFFF30]  }
0xd5: {  	v8 =	vld [tilespmem:s0+$0xFFFFFF40]  }
0xd6: {  	v9 =	vld [tilespmem:s0+$0xFFFFFF50]  }
0xd7: {  	v10 =	vld [tilespmem:s0+$0xFFFFFF60];
	v4 =	vmul.f32 v4, v0  }
0xd8: {  	v12 =	vld [tilespmem:s0+$0x40];
	v3 =	vmul.f32 v3, v1  }
0xd9: {  	v2 =	vld.idx.msk [tilespmem:v2+s13+$0x0], $0xffff;
	[tilespmem:s0+$0xFFFFFF00] =	vst v4;
	v4 =	vmul.f32 v5, v0  }
0xda: {  	v5 =	vld [tilespmem:s0+$0xFFFFFF70];
	[tilespmem:s0+$0x70] =	vst v3;
	v3 =	vmul.f32 v6, v0  }
0xdb: {  	v6 =	vld [tilespmem:s0+$0xFFFFFF80];
	[tilespmem:s0+$0xFFFFFF10] =	vst v4;
	v4 =	vmul.f32 v7, v0  }
0xdc: {  	v7 =	vld [tilespmem:s0+$0xFFFFFF90];
	[tilespmem:s0+$0xFFFFFF20] =	vst v3;
	v3 =	vmul.f32 v8, v0  }
0xdd: {  	v8 =	vld [tilespmem:s0+$0xFFFFFFA0];
	[tilespmem:s0+$0xFFFFFF30] =	vst v4;
	v4 =	vmul.f32 v9, v0  }
0xde: {  	v9 =	vld [tilespmem:s0+$0xFFFFFFB0];
	[tilespmem:s0+$0xFFFFFF40] =	vst v3;
	v3 =	vmul.f32 v10, v0  }
0xdf: {  	v10 =	vld [tilespmem:s0+$0xFFFFFFC0];
	v5 =	vmul.f32 v5, v0;
	[tilespmem:s0+$0xFFFFFF50] =	vst v4  }
0xe0: {  	v4 =	vmul.f32 v6, v2;
	v6 =	vld [tilespmem:s0+$0xFFFFFFD0];
	[tilespmem:s0+$0xFFFFFF60] =	vst v3  }
0xe1: {  	s10 =	simm.s32 $0x3;
	v3 =	vld [tilespmem:s0+$0xFFFFFFE0];
	v7 =	vmul.f32 v7, v2;
	[tilespmem:s0+$0xFFFFFF70] =	vst v5  }
0xe2: {  	v11 =	vmov s10;
	v5 =	vld [tilespmem:s0+$0xFFFFFFF0];
	[tilespmem:s0+$0xFFFFFF80] =	vst v4;
	v4 =	vmul.f32 v8, v2  }
0xe3: {  	v8 =	vld [tilespmem:s0+$0x0];
	[tilespmem:s0+$0xFFFFFF90] =	vst v7;
	v7 =	vmul.f32 v9, v2  }
0xe4: {  	v9 =	vld [tilespmem:s0+$0x10];
	[tilespmem:s0+$0xFFFFFFA0] =	vst v4;
	v4 =	vmul.f32 v10, v2  }
0xe5: {  	[tilespmem:s0+$0xFFFFFFB0] =	vst v7;
	v6 =	vmul.f32 v6, v2;
	v7 =	vld [tilespmem:s0+$0x20]  }
0xe6: {  	v10 =	vld [tilespmem:s0+$0x30];
	v3 =	vmul.f32 v3, v2;
	[tilespmem:s0+$0xFFFFFFC0] =	vst v4  }
0xe7: {  	v0 =	vld.idx.msk [tilespmem:v11+s13+$0x0], $0xffff;
	v2 =	vmul.f32 v5, v2;
	[tilespmem:s0+$0xFFFFFFD0] =	vst v6  }
0xe8: {  	[tilespmem:s0+$0xFFFFFFE0] =	vst v3;
	v4 =	vmul.f32 v8, v1;
	v3 =	vld [tilespmem:s0+$0x50]  }
0xe9: {  	s19 =	simm.s32 $0x4;
	[tilespmem:s0+$0xFFFFFFF0] =	vst v2;
	v5 =	vmul.f32 v9, v1;
	v2 =	vld [tilespmem:s0+$0x60]  }
0xea: {  	s20 =	simm.s32 $0x7;
	v6 =	vmov s19;
	[tilespmem:s0+$0x0] =	vst v4;
	v8 =	vmul.f32 v7, v1;
	v7 =	vld [tilespmem:s0+$0x80]  }
0xeb: {  	s21 =	simm.s32 $0x5;
	v11 =	vand.u32 $0xFFFFFFFC, v6;
	v6 =	vld [tilespmem:s0+$0x90];
	v4 =	vmov s20;
	v9 =	vmul.f32 v10, v1;
	[tilespmem:s0+$0x10] =	vst v5  }
0xec: {  	s30 =	simm.s32 $0x5700;
	s10 =	simm.s32 $0x6;
	s8 =	simm.s32 $0x8;
	v10 =	vmul.f32 v12, v1;
	v5 =	vbroadcast v11, $0x0;
	v11 =	vmov s21;
	[tilespmem:s0+$0x20] =	vst v8;
	v8 =	vld [tilespmem:s0+$0xA0]  }
.LBB2_13:
0xed: {  	p0 =	slt.u32 s8, $0x5C;
	v11 =	vand.u32 $0xFFFFFFFD, v11;
	v12 =	vmov s10;
	[tilespmem:s0+$0x30] =	vst v9;
	v3 =	vmul.f32 v3, v1;
	v9 =	vld [tilespmem:s0+$0xB0]  }
0xee: {  	v11 =	vbroadcast v11, $0x0;
	v12 =	vand.u32 $0xFFFFFFFE, v12;
	[tilespmem:s0+$0x40] =	vst v10;
	v1 =	vmul.f32 v2, v1;
	v2 =	vld [tilespmem:s0+$0xC0]  }
0xef: {  	v10 =	vbroadcast v12, $0x0;
	[tilespmem:s0+$0x50] =	vst v3;
	v3 =	vmul.f32 v7, v0;
	v7 =	vld [tilespmem:s0+$0xD0]  }
0xf0: {  	[tilespmem:s0+$0x60] =	vst v1;
	v1 =	vmul.f32 v6, v0;
	v6 =	vld [tilespmem:s0+$0xE0]  }
0xf1: {  	[tilespmem:s0+$0x80] =	vst v3;
	v3 =	vmul.f32 v8, v0;
	v8 =	vld [tilespmem:s0+$0xF0]  }
0xf2: {  	v4 =	vld.idx.msk [tilespmem:v4+s13+$0x0], $0xffff;
	[tilespmem:s0+$0x90] =	vst v1;
	v1 =	vmul.f32 v9, v0  }
0xf3: {  	v5 =	vld.idx.msk [tilespmem:v5+s13+$0x0], $0xffff;
	[tilespmem:s0+$0xA0] =	vst v3;
	v2 =	vmul.f32 v2, v0  }
0xf4: {  	v3 =	vld.idx.msk [tilespmem:v11+s13+$0x0], $0xffff;
	[tilespmem:s0+$0xB0] =	vst v1;
	v7 =	vmul.f32 v7, v0  }
0xf5: {  	s0 =	sadd.s32 $0x200, s0;
	v1 =	vld.idx.msk [tilespmem:v10+s13+$0x0], $0xffff;
	[tilespmem:s30+$0xC0] =	vst v2;
	v2 =	vmul.f32 v6, v0  }
0xf6: {  	v6 =	vld [tilespmem:s0+$0x70];
	[tilespmem:s30+$0xD0] =	vst v7;
	v8 =	vmul.f32 v8, v0  }
0xf7: {  	v7 =	vld [tilespmem:s0+$0xFFFFFF00];
	[tilespmem:s30+$0xE0] =	vst v2  }
0xf8: {  	v0 =	vmov v4;
	v2 =	vld [tilespmem:s0+$0xFFFFFF10];
	[tilespmem:s30+$0xF0] =	vst v8;
	s30 =	smov.u32 s0  }
0xf9: {  	v4 =	vld [tilespmem:s0+$0xFFFFFF20]  }
0xfa: {  	v8 =	vld [tilespmem:s0+$0xFFFFFF30]  }
0xfb: {  	v9 =	vld [tilespmem:s0+$0xFFFFFF40];
	v6 =	vmul.f32 v6, v1  }
0xfc: {  	v7 =	vmul.f32 v7, v5;
	v10 =	vld [tilespmem:s0+$0xFFFFFF50]  }
0xfd: {  	v2 =	vmul.f32 v2, v5;
	v11 =	vld [tilespmem:s0+$0xFFFFFF60];
	[tilespmem:s0+$0x70] =	vst v6  }
0xfe: {  	[tilespmem:s0+$0xFFFFFF00] =	vst v7;
	v4 =	vmul.f32 v4, v5;
	v6 =	vld [tilespmem:s0+$0xFFFFFF70]  }
0xff: {  	[tilespmem:s0+$0xFFFFFF10] =	vst v2;
	v2 =	vmul.f32 v8, v5;
	v7 =	vld [tilespmem:s0+$0xFFFFFF80]  }
0x100: {  	[tilespmem:s0+$0xFFFFFF20] =	vst v4;
	v4 =	vmul.f32 v9, v5;
	v8 =	vld [tilespmem:s0+$0xFFFFFF90]  }
0x101: {  	[tilespmem:s0+$0xFFFFFF30] =	vst v2;
	v2 =	vmul.f32 v10, v5;
	v9 =	vld [tilespmem:s0+$0xFFFFFFA0]  }
0x102: {  	[tilespmem:s0+$0xFFFFFF40] =	vst v4;
	v4 =	vmul.f32 v11, v5;
	v10 =	vld [tilespmem:s0+$0xFFFFFFB0]  }
0x103: {  	[tilespmem:s0+$0xFFFFFF50] =	vst v2;
	v2 =	vmul.f32 v6, v5;
	v5 =	vld [tilespmem:s0+$0xFFFFFFC0]  }
0x104: {  	[tilespmem:s0+$0xFFFFFF60] =	vst v4;
	v4 =	vmul.f32 v7, v3;
	v6 =	vld [tilespmem:s0+$0xFFFFFFD0]  }
0x105: {  	[tilespmem:s0+$0xFFFFFF70] =	vst v2;
	v2 =	vmul.f32 v8, v3;
	v7 =	vld [tilespmem:s0+$0xFFFFFFE0]  }
0x106: {  	[tilespmem:s0+$0xFFFFFF80] =	vst v4;
	v4 =	vmul.f32 v9, v3;
	v8 =	vld [tilespmem:s0+$0xFFFFFFF0]  }
0x107: {  	[tilespmem:s0+$0xFFFFFF90] =	vst v2;
	v2 =	vmul.f32 v10, v3;
	v9 =	vld [tilespmem:s0+$0x0]  }
0x108: {  	[tilespmem:s0+$0xFFFFFFA0] =	vst v4;
	v4 =	vmul.f32 v5, v3;
	v5 =	vld [tilespmem:s0+$0x10]  }
0x109: {  	[tilespmem:s0+$0xFFFFFFB0] =	vst v2;
	v2 =	vmul.f32 v6, v3;
	v6 =	vld [tilespmem:s0+$0x20]  }
0x10a: {  	[tilespmem:s0+$0xFFFFFFC0] =	vst v4;
	v4 =	vmul.f32 v7, v3;
	v10 =	vld [tilespmem:s0+$0x30]  }
0x10b: {  	[tilespmem:s0+$0xFFFFFFD0] =	vst v2;
	v2 =	vmul.f32 v8, v3;
	v8 =	vld [tilespmem:s0+$0x40]  }
.Ltmp5:
0x10c: {  	[tilespmem:s0+$0xFFFFFFE0] =	vst v4;
	v4 =	vmul.f32 v9, v1;
	v3 =	vld [tilespmem:s0+$0x50];
	(pc) =	sbr.rel @p0 .LBB2_13-.Ltmp5, $4  }
0x10d: {  	[tilespmem:s0+$0xFFFFFFF0] =	vst v2;
	v5 =	vmul.f32 v5, v1;
	v2 =	vld [tilespmem:s0+$0x60]  }
0x10e: {  	s10 =	sadd.s32 $0x3, s8;
	v9 =	vmov s8;
	[tilespmem:s0+$0x0] =	vst v4;
	v12 =	vmul.f32 v6, v1;
	v7 =	vld [tilespmem:s0+$0x80]  }
0x10f: {  	s19 =	sadd.s32 $0x1, s8;
	v11 =	vand.u32 $0xFFFFFFFC, v9;
	v4 =	vmov s10;
	[tilespmem:s0+$0x10] =	vst v5;
	v9 =	vmul.f32 v10, v1;
	v6 =	vld [tilespmem:s0+$0x90]  }
0x110: {  	s10 =	sadd.s32 $0x2, s8;
	s8 =	sadd.s32 $0x4, s8;
	v5 =	vbroadcast v11, $0x0;
	v11 =	vmov s19;
	[tilespmem:s0+$0x20] =	vst v12;
	v10 =	vmul.f32 v8, v1;
	v8 =	vld [tilespmem:s0+$0xA0]  }
0x111: {  	v12 =	vld [tilespmem:s0+$0xB0]  }
0x112: {  	v14 =	vld [tilespmem:s0+$0xC0]  }
0x113: {  	v15 =	vld [tilespmem:s0+$0xD0]  }
0x114: {  	v16 =	vld [tilespmem:s0+$0xE0];
	v3 =	vmul.f32 v3, v1  }
0x115: {  	v13 =	vmov s10;
	v42 =	vld [tilespmem:s0+$0xF0];
	[tilespmem:s0+$0x30] =	vst v9;
	v1 =	vmul.f32 v2, v1  }
0x116: {  	v4 =	vld.idx.msk [tilespmem:v4+s13+$0x0], $0xffff;
	v13 =	vand.u32 $0xFFFFFFFE, v13;
	v7 =	vmul.f32 v7, v0;
	[tilespmem:s0+$0x50] =	vst v3  }
0x117: {  	s8 =	sadd.s32 $0x200, s0;
	v2 =	vld.idx.msk [tilespmem:v5+s13+$0x0], $0xffff;
	v13 =	vbroadcast v13, $0x0;
	v3 =	vmul.f32 v6, v0;
	[tilespmem:s0+$0x60] =	vst v1  }
0x118: {  	v44 =	vld [tilespmem:s8+$0x70];
	[tilespmem:s0+$0x80] =	vst v7;
	v1 =	vmul.f32 v8, v0  }
0x119: {  	v45 =	vld [tilespmem:s8+$0xFFFFFF00];
	[tilespmem:s0+$0x90] =	vst v3;
	v3 =	vmul.f32 v12, v0  }
0x11a: {  	v46 =	vld [tilespmem:s8+$0xFFFFFF10];
	[tilespmem:s0+$0xA0] =	vst v1;
	v1 =	vmul.f32 v14, v0  }
0x11b: {  	v47 =	vld [tilespmem:s8+$0xFFFFFF20];
	[tilespmem:s0+$0xB0] =	vst v3;
	v3 =	vmul.f32 v15, v0  }
0x11c: {  	v11 =	vand.u32 $0xFFFFFFFD, v11;
	v49 =	vld [tilespmem:s8+$0xFFFFFF50];
	[tilespmem:s30+$0xC0] =	vst v1;
	v1 =	vmul.f32 v16, v0  }
0x11d: {  	v11 =	vbroadcast v11, $0x0;
	v43 =	vld.idx.msk [tilespmem:v13+s13+$0x0], $0xffff;
	v0 =	vmul.f32 v42, v0;
	[tilespmem:s30+$0xD0] =	vst v3  }
0x11e: {  	v3 =	vld [tilespmem:s8+$0xFFFFFF30];
	[tilespmem:s30+$0xE0] =	vst v1  }
0x11f: {  	v1 =	vld [tilespmem:s8+$0xFFFFFF40];
	[tilespmem:s30+$0xF0] =	vst v0;
	v0 =	vmul.f32 v45, v2  }
0x120: {  	[tilespmem:s0+$0x40] =	vst v10;
	v51 =	vld [tilespmem:s8+$0xFFFFFF60];
	v50 =	vmul.f32 v46, v2  }
0x121: {  	v52 =	vld [tilespmem:s8+$0xFFFFFF70];
	[tilespmem:s8+$0xFFFFFF00] =	vst v0;
	v0 =	vmul.f32 v47, v2  }
0x122: {  	v53 =	vld [tilespmem:s8+$0xFFFFFF80];
	[tilespmem:s8+$0xFFFFFF10] =	vst v50;
	v48 =	vmul.f32 v44, v43  }
0x123: {  	v5 =	vld.idx.msk [tilespmem:v11+s13+$0x0], $0xffff;
	v3 =	vmul.f32 v3, v2;
	[tilespmem:s8+$0xFFFFFF20] =	vst v0  }
0x124: {  	[tilespmem:s8+$0x70] =	vst v48;
	v0 =	vmul.f32 v1, v2;
	v1 =	vld [tilespmem:s8+$0xFFFFFF90]  }
0x125: {  	v54 =	vld [tilespmem:s8+$0xFFFFFFA0];
	[tilespmem:s8+$0xFFFFFF30] =	vst v3;
	v3 =	vmul.f32 v49, v2  }
0x126: {  	v55 =	vld [tilespmem:s8+$0xFFFFFFB0];
	[tilespmem:s8+$0xFFFFFF40] =	vst v0;
	v0 =	vmul.f32 v51, v2  }
0x127: {  	v2 =	vmul.f32 v52, v2;
	[tilespmem:s8+$0xFFFFFF50] =	vst v3;
	v3 =	vld [tilespmem:s8+$0xFFFFFFC0]  }
0x128: {  	v56 =	vld [tilespmem:s8+$0xFFFFFFD0];
	[tilespmem:s8+$0xFFFFFF60] =	vst v0;
	v0 =	vmul.f32 v53, v5  }
0x129: {  	[tilespmem:s8+$0xFFFFFF70] =	vst v2;
	v2 =	vld [tilespmem:s8+$0xFFFFFFE0];
	v1 =	vmul.f32 v1, v5  }
0x12a: {  	v57 =	vld [tilespmem:s8+$0xFFFFFFF0];
	[tilespmem:s8+$0xFFFFFF80] =	vst v0;
	v0 =	vmul.f32 v54, v5  }
0x12b: {  	v58 =	vld [tilespmem:s8+$0x0];
	[tilespmem:s8+$0xFFFFFF90] =	vst v1;
	v1 =	vmul.f32 v55, v5  }
0x12c: {  	[tilespmem:s8+$0xFFFFFFA0] =	vst v0;
	v0 =	vmul.f32 v3, v5;
	v3 =	vld [tilespmem:s8+$0x10]  }
0x12d: {  	v59 =	vld [tilespmem:s8+$0x20];
	[tilespmem:s8+$0xFFFFFFB0] =	vst v1;
	v1 =	vmul.f32 v56, v5  }
0x12e: {  	[tilespmem:s8+$0xFFFFFFC0] =	vst v0;
	v0 =	vmul.f32 v2, v5;
	v2 =	vld [tilespmem:s8+$0x30]  }
0x12f: {  	[tilespmem:s8+$0xFFFFFFD0] =	vst v1;
	v1 =	vmul.f32 v57, v5;
	v5 =	vld [tilespmem:s8+$0x40]  }
0x130: {  	v60 =	vld [tilespmem:s8+$0x50];
	[tilespmem:s8+$0xFFFFFFE0] =	vst v0;
	v0 =	vmul.f32 v58, v43  }
0x131: {  	[tilespmem:s8+$0xFFFFFFF0] =	vst v1;
	v1 =	vmul.f32 v3, v43;
	v3 =	vld [tilespmem:s8+$0x60]  }
0x132: {  	v61 =	vld [tilespmem:s8+$0x80];
	[tilespmem:s8+$0x0] =	vst v0;
	v0 =	vmul.f32 v59, v43  }
0x133: {  	[tilespmem:s8+$0x10] =	vst v1;
	v1 =	vmul.f32 v2, v43;
	v2 =	vld [tilespmem:s8+$0x90]  }
0x134: {  	[tilespmem:s8+$0x20] =	vst v0;
	v0 =	vmul.f32 v5, v43;
	v5 =	vld [tilespmem:s8+$0xA0]  }
0x135: {  	v62 =	vld [tilespmem:s8+$0xB0];
	[tilespmem:s8+$0x30] =	vst v1;
	v1 =	vmul.f32 v60, v43  }
0x136: {  	[tilespmem:s8+$0x40] =	vst v0;
	v0 =	vmul.f32 v3, v43;
	v3 =	vld [tilespmem:s8+$0xC0]  }
0x137: {  	v63 =	vld [tilespmem:s8+$0xD0];
	[tilespmem:s8+$0x50] =	vst v1;
	v1 =	vmul.f32 v61, v4  }
0x138: {  	[tilespmem:s8+$0x60] =	vst v0;
	v0 =	vmul.f32 v2, v4;
	v2 =	vld [tilespmem:s8+$0xE0]  }
0x139: {  	[tilespmem:s8+$0x80] =	vst v1;
	v1 =	vmul.f32 v5, v4;
	v5 =	vld [tilespmem:s8+$0xF0]  }
0x13a: {  	[tilespmem:s8+$0x90] =	vst v0;
	v0 =	vmul.f32 v62, v4  }
0x13b: {  	[tilespmem:s8+$0xA0] =	vst v1;
	v1 =	vmul.f32 v3, v4  }
0x13c: {  	[tilespmem:s8+$0xB0] =	vst v0;
	v0 =	vmul.f32 v63, v4  }
0x13d: {  	[tilespmem:s8+$0xC0] =	vst v1;
	v1 =	vmul.f32 v2, v4  }
0x13e: {  	[tilespmem:s8+$0xD0] =	vst v0;
	v0 =	vmul.f32 v5, v4  }
0x13f: {  	[tilespmem:s8+$0xE0] =	vst v1  }
0x140: {  	[tilespmem:s8+$0xF0] =	vst v0  }
0x141: {  	[spmem:s2] =	stream.indirect.scatter.add.f32 [tilespmem:s7], [sflag:$0x3], $0x80, s14, s5, $0xb8;
	[tilespmem:$0x1F880] =	vst v63  }
0x142: {  	_ = 	snop  }
0x143: {  	[spmem:s3] =	stream.indirect.scatter.add.f32 [tilespmem:s13], [sflag:$0x3], $0x1, s14, s5, $0xb8;
	[tilespmem:$0x1F880] =	vst v63  }
0x144: {  	s0 =	smul.u32 $0xC0, s18;
	_ =	swait.ge [sflag:s15], $0x3000  }
0x145: {  	[sflag:s15] =	ssyncset.done $0x0;
	s20 =	rddreg [dreg:$0x11]  }
0x146: {  	[sflag:s15] =	ssyncadd.s32 $0xFFFFD000;
	s8 =	sadd.s32 s20, s0  }
0x147: {  	_ =	swait.ge [sflag:s15], $0x60;
	s8 =	smul.u32 $0xC, s8  }
0x148: {  	[sflag:s15] =	ssyncset.done $0x0  }
0x149: {  	s21 =	simm.s32 $0x5080;
	[sflag:s15] =	ssyncadd.s32 $0xFFFFFFA0;
	s8 =	sadd.s32 s6, s8  }
0x14a: {  	[tilespmem:s21], [sflag:$0x5] =	stream.linear.gather [hbm4b:s8+s4], $0x60, $0x38;
	[tilespmem:$0x1F880] =	vst v63  }
0x14b: {  	_ =	swait.ge [sflag:s16], $0x60  }
0x14c: {  	[sflag:s16] =	ssyncset.done $0x0  }
0x14d: {  	s30 =	simm.s32 $0x5190;
	[sflag:s16] =	ssyncadd.s32 $0xFFFFFFA0  }
0x14e: {  	v3 =	vld [tilespmem:s30+$0xFFFFFFF0]  }
0x14f: {  	v1 =	vld [tilespmem:s30+$0x0];
	_ =	sdelay $0x3  }
0x150: {  	s10 =	simm.s32 $0x51B0;
	s8 =	simm.s32 $0x5310;
	v2 =	vand.u32 $0xFFFF, v3  }
0x151: {  	v0 =	vld [tilespmem:s10+$0xFFFFFFF0];
	v4 =	vand.u32 $0xFFFF, v1;
	[tilespmem:s8+$0xFFFFFFF0] =	vst v2  }
0x152: {  	s19 =	simm.s32 $0x5490;
	s20 =	simm.s32 $0x5490;
	s21 =	simm.s32 $0x20;
	v3 =	vshrl.u32 v3, $0x10;
	v2 =	vshrl.u32 v1, $0x10;
	v1 =	vld [tilespmem:s10+$0x0];
	[tilespmem:s8+$0x0] =	vst v4  }
.LBB2_15:
0x153: {  	s21 =	sadd.s32 $0x20, s21  }
0x154: {  	[tilespmem:s19+$0xFFFFFFF0] =	vst v3;
	s20 =	sadd.s32 $0x20, s20;
	s8 =	sadd.s32 $0x20, s8;
	p0 =	slt.u32 s21, $0x40  }
.Ltmp6:
0x155: {  	[tilespmem:s19+$0x0] =	vst v2;
	s19 =	smov.u32 s20;
	(pc) =	sbr.rel @p0 .LBB2_15-.Ltmp6, $4  }
0x156: {  	_ = 	snop  }
0x157: {  	s10 =	sadd.s32 $0x20, s10;
	v2 =	vand.u32 $0xFFFF, v0;
	v3 =	vmov v0  }
0x158: {  	v0 =	vld [tilespmem:s10+$0xFFFFFFF0];
	[tilespmem:s8+$0xFFFFFFF0] =	vst v2;
	v4 =	vand.u32 $0xFFFF, v1;
	v2 =	vshrl.u32 v1, $0x10  }
0x159: {  	v3 =	vshrl.u32 v3, $0x10;
	v1 =	vld [tilespmem:s10+$0x0];
	[tilespmem:s8+$0x0] =	vst v4  }
0x15a: {  	_ =	sdelay $0x1  }
0x15b: {  	[tilespmem:s19+$0xFFFFFFF0] =	vst v3  }
0x15c: {  	s8 =	sadd.s32 $0x20, s8;
	[tilespmem:s19+$0x0] =	vst v2;
	v2 =	vand.u32 $0xFFFF, v0  }
0x15d: {  	[tilespmem:s8+$0xFFFFFFF0] =	vst v2;
	v2 =	vand.u32 $0xFFFF, v1  }
0x15e: {  	s10 =	sadd.s32 $0x20, s20;
	v0 =	vshrl.u32 v0, $0x10;
	[tilespmem:s8+$0x0] =	vst v2  }
0x15f: {  	v1 =	vshrl.u32 v1, $0x10;
	[tilespmem:s10+$0xFFFFFFF0] =	vst v0  }
0x160: {  	[tilespmem:s10+$0x0] =	vst v1  }
0x161: {  	[tilespmem:s7], [sflag:$0x1] =	stream.indirect.gather [hbm4b:s1+s5], $0x80, s17, s5, $0xb8;
	[tilespmem:$0x1F880] =	vst v63  }
0x162: {  	_ =	swait.ge [sflag:s24], $0x3000  }
0x163: {  	[sflag:s24] =	ssyncset.done $0x0  }
0x164: {  	s20 =	simm.s32 $0x5290;
	[sflag:s24] =	ssyncadd.s32 $0xFFFFD000  }
0x165: {  	s21 =	simm.s32 $0x5410;
	v0 =	vld [tilespmem:s20+$0x0]  }
0x166: {  	v1 =	vld [tilespmem:s21+$0x0];
	_ =	sdelay $0x4  }
0x167: {  	v2 =	vld [tilespmem:s21+$0xFFFFFFF0]  }
0x168: {  	s8 =	simm.s32 $0x0;
	v3 =	vld [tilespmem:s20+$0xFFFFFFF0]  }
0x169: {  	v0 =	vld.idx.msk [tilespmem:v0+s8+$0x0], $0xffff  }
0x16a: {  	v1 =	vld.idx.msk [tilespmem:v1+s29+$0x0], $0xffff;
	_ =	sdelay $0x4  }
0x16b: {  	v4 =	vld [tilespmem:$0x5000];
	v0 =	vadd.f32 v1, v0  }
0x16c: {  	v3 =	vld.idx.msk [tilespmem:v3+s8+$0x0], $0xffff  }
0x16d: {  	v1 =	vld.idx.msk [tilespmem:v2+s29+$0x0], $0xffff;
	v2 =	vmul.f32 $2.000000030e-01, v0  }
0x16e: {  	vm0 =	vgt.f32 v0, $0.0e+00  }
0x16f: {  	v0 =	vsel vm0, v0, v2  }
0x170: {  	v0 =	vsub.f32 v0, v4;
	_ =	sdelay $0x1  }
0x171: {  	s30 =	simm.s32 $0x52B0;
	v1 =	vadd.f32 v1, v3;
	v0 =	vmul.f32 $1.442695020e+00, v0  }
0x172: {  	s19 =	simm.s32 $0x5430;
	v5 =	vld [tilespmem:s30+$0x0]  }
0x173: {  	v2 =	vld [tilespmem:s19+$0x0];
	(erf) = vpow2.f32 v0;
	v0 =	vmul.f32 $2.000000030e-01, v1  }
0x174: {  	v6 =	vld [tilespmem:s19+$0xFFFFFFF0];
	vm15 =	vgt.f32 v1, $0.0e+00  }
0x175: {  	v7 =	vld [tilespmem:s30+$0xFFFFFFF0];
	v0 =	vsel vm15, v1, v0  }
0x176: {  	v0 =	vsub.f32 v0, v4;
	_ =	sdelay $0x1  }
0x177: {  	v0 =	vmul.f32 $1.442695020e+00, v0;
	_ =	sdelay $0x1  }
0x178: {  	v5 =	vld.idx.msk [tilespmem:v5+s8+$0x0], $0xffff;
	(erf) = vpow2.f32 v0  }
0x179: {  	v1 =	vld.idx.msk [tilespmem:v2+s29+$0x0], $0xffff  }
0x17a: {  	v3 =	vld.idx.msk [tilespmem:v6+s29+$0x0], $0xffff  }
0x17b: {  	v4 =	vld.idx.msk [tilespmem:v7+s8+$0x0], $0xffff;
	_ =	sdelay $0x2  }
0x17c: {  	v0 =	vld [tilespmem:$0x5000];
	v1 =	vadd.f32 v1, v5  }
0x17d: {  	s10 =	simm.s32 $0x5590;
	s20 =	simm.s32 $0x20;
	s21 =	simm.s32 $0x52D0;
	v2 =	vpop (erf)  }
.LBB2_17:
0x17e: {  	v5 =	vld [tilespmem:s21+$0x0];
	v3 =	vadd.f32 v3, v4;
	v4 =	vmul.f32 $2.000000030e-01, v1;
	s19 =	sadd.s32 $0x20, s19;
	[tilespmem:s10+$0x0] =	vst v2;
	s30 =	simm.s32 $0x8700  }
0x17f: {  	s20 =	sadd.s32 $0x20, s20;
	vm0 =	vgt.f32 v1, $0.0e+00;
	v2 =	vld [tilespmem:s19+$0x0];
	v6 =	vpop (erf)  }
0x180: {  	p0 =	slt.u32 s20, $0x40;
	v7 =	vld [tilespmem:s19+$0xFFFFFFF0];
	vm1 =	vgt.f32 v3, $0.0e+00;
	v8 =	vmul.f32 $2.000000030e-01, v3;
	v1 =	vsel vm0, v1, v4;
	[tilespmem:s10+$0xFFFFFFF0] =	vst v6  }
0x181: {  	v4 =	vld [tilespmem:s21+$0xFFFFFFF0];
	v1 =	vsub.f32 v1, v0  }
0x182: {  	v3 =	vsel vm1, v3, v8  }
0x183: {  	v0 =	vsub.f32 v3, v0;
	v1 =	vmul.f32 $1.442695020e+00, v1;
	_ =	sdelay $0x1  }
0x184: {  	v0 =	vmul.f32 $1.442695020e+00, v0;
	(erf) = vpow2.f32 v1  }
0x185: {  	v1 =	vld.idx.msk [tilespmem:v5+s8+$0x0], $0xffff  }
0x186: {  	v2 =	vld.idx.msk [tilespmem:v2+s29+$0x0], $0xffff;
	(erf) = vpow2.f32 v0  }
0x187: {  	v3 =	vld.idx.msk [tilespmem:v7+s29+$0x0], $0xffff  }
0x188: {  	v4 =	vld.idx.msk [tilespmem:v4+s8+$0x0], $0xffff  }
.Ltmp7:
0x189: {  	(pc) =	sbr.rel @p0 .LBB2_17-.Ltmp7, $3  }
0x18a: {  	_ =	sdelay $0x1  }
0x18b: {  	v1 =	vadd.f32 v2, v1;
	v0 =	vld [tilespmem:$0x5000]  }
0x18c: {  	s10 =	sadd.s32 $0x20, s10;
	s21 =	sadd.s32 $0x20, s21;
	v2 =	vpop (erf)  }
0x18d: {  	v3 =	vadd.f32 v3, v4  }
0x18e: {  	v4 =	vmul.f32 $2.000000030e-01, v1  }
0x18f: {  	vm0 =	vgt.f32 v1, $0.0e+00;
	v5 =	vmul.f32 $2.000000030e-01, v3  }
0x190: {  	vm1 =	vgt.f32 v3, $0.0e+00;
	v1 =	vsel vm0, v1, v4  }
0x191: {  	v1 =	vsub.f32 v1, v0;
	v3 =	vsel vm1, v3, v5  }
0x192: {  	v0 =	vsub.f32 v3, v0  }
0x193: {  	v1 =	vmul.f32 $1.442695020e+00, v1  }
0x194: {  	v0 =	vmul.f32 $1.442695020e+00, v0  }
0x195: {  	(erf) = vpow2.f32 v1  }
0x196: {  	(erf) = vpow2.f32 v0;
	_ =	sdelay $0x2  }
0x197: {  	s19 =	simm.s32 $0x2;
	v0 =	vmov s8  }
0x198: {  	v1 =	vmov s19;
	v0 =	vand.u32 $0xFFFFFFFC, v0  }
0x199: {  	v1 =	vand.u32 $0xFFFFFFFE, v1;
	v0 =	vbroadcast v0, $0x0  }
0x19a: {  	v1 =	vbroadcast v1, $0x0  }
0x19b: {  	[tilespmem:s10+$0x0] =	vst v2;
	v3 =	vpop (erf)  }
0x19c: {  	s20 =	sadd.s32 $0x20, s10;
	[tilespmem:s10+$0xFFFFFFF0] =	vst v3;
	v2 =	vpop (erf)  }
0x19d: {  	[tilespmem:s20+$0x0] =	vst v2;
	v2 =	vpop (erf)  }
0x19e: {  	[tilespmem:s20+$0xFFFFFFF0] =	vst v2  }
0x19f: {  	v0 =	vld.idx.msk [tilespmem:v0+s25+$0x0], $0xffff  }
0x1a0: {  	v1 =	vld.idx.msk [tilespmem:v1+s25+$0x0], $0xffff  }
0x1a1: {  	s21 =	simm.s32 $0x1;
	v3 =	vld [tilespmem:s30+$0x70]  }
0x1a2: {  	v2 =	vmov s21;
	v4 =	vld [tilespmem:s30+$0xFFFFFF00]  }
0x1a3: {  	v2 =	vand.u32 $0xFFFFFFFD, v2;
	v5 =	vld [tilespmem:s30+$0xFFFFFF10]  }
0x1a4: {  	v6 =	vld [tilespmem:s30+$0xFFFFFF20];
	v2 =	vbroadcast v2, $0x0  }
0x1a5: {  	v7 =	vld [tilespmem:s30+$0xFFFFFF30]  }
0x1a6: {  	v8 =	vld [tilespmem:s30+$0xFFFFFF40]  }
0x1a7: {  	v9 =	vld [tilespmem:s30+$0xFFFFFF50]  }
0x1a8: {  	v10 =	vld [tilespmem:s30+$0xFFFFFF60];
	v4 =	vmul.f32 v4, v0  }
0x1a9: {  	v12 =	vld [tilespmem:s30+$0x40];
	v3 =	vmul.f32 v3, v1  }
0x1aa: {  	v2 =	vld.idx.msk [tilespmem:v2+s25+$0x0], $0xffff;
	[tilespmem:s30+$0xFFFFFF00] =	vst v4;
	v4 =	vmul.f32 v5, v0  }
0x1ab: {  	v5 =	vld [tilespmem:s30+$0xFFFFFF70];
	[tilespmem:s30+$0x70] =	vst v3;
	v3 =	vmul.f32 v6, v0  }
0x1ac: {  	v6 =	vld [tilespmem:s30+$0xFFFFFF80];
	[tilespmem:s30+$0xFFFFFF10] =	vst v4;
	v4 =	vmul.f32 v7, v0  }
0x1ad: {  	v7 =	vld [tilespmem:s30+$0xFFFFFF90];
	[tilespmem:s30+$0xFFFFFF20] =	vst v3;
	v3 =	vmul.f32 v8, v0  }
0x1ae: {  	v8 =	vld [tilespmem:s30+$0xFFFFFFA0];
	[tilespmem:s30+$0xFFFFFF30] =	vst v4;
	v4 =	vmul.f32 v9, v0  }
0x1af: {  	v9 =	vld [tilespmem:s30+$0xFFFFFFB0];
	[tilespmem:s30+$0xFFFFFF40] =	vst v3;
	v3 =	vmul.f32 v10, v0  }
0x1b0: {  	v10 =	vld [tilespmem:s30+$0xFFFFFFC0];
	v5 =	vmul.f32 v5, v0;
	[tilespmem:s30+$0xFFFFFF50] =	vst v4  }
0x1b1: {  	v4 =	vmul.f32 v6, v2;
	v6 =	vld [tilespmem:s30+$0xFFFFFFD0];
	[tilespmem:s30+$0xFFFFFF60] =	vst v3  }
0x1b2: {  	s10 =	simm.s32 $0x3;
	v3 =	vld [tilespmem:s30+$0xFFFFFFE0];
	v7 =	vmul.f32 v7, v2;
	[tilespmem:s30+$0xFFFFFF70] =	vst v5  }
0x1b3: {  	v11 =	vmov s10;
	v5 =	vld [tilespmem:s30+$0xFFFFFFF0];
	[tilespmem:s30+$0xFFFFFF80] =	vst v4;
	v4 =	vmul.f32 v8, v2  }
0x1b4: {  	v8 =	vld [tilespmem:s30+$0x0];
	[tilespmem:s30+$0xFFFFFF90] =	vst v7;
	v7 =	vmul.f32 v9, v2  }
0x1b5: {  	v9 =	vld [tilespmem:s30+$0x10];
	[tilespmem:s30+$0xFFFFFFA0] =	vst v4;
	v4 =	vmul.f32 v10, v2  }
0x1b6: {  	[tilespmem:s30+$0xFFFFFFB0] =	vst v7;
	v6 =	vmul.f32 v6, v2;
	v7 =	vld [tilespmem:s30+$0x20]  }
0x1b7: {  	v10 =	vld [tilespmem:s30+$0x30];
	v3 =	vmul.f32 v3, v2;
	[tilespmem:s30+$0xFFFFFFC0] =	vst v4  }
0x1b8: {  	v0 =	vld.idx.msk [tilespmem:v11+s25+$0x0], $0xffff;
	v2 =	vmul.f32 v5, v2;
	[tilespmem:s30+$0xFFFFFFD0] =	vst v6  }
0x1b9: {  	[tilespmem:s30+$0xFFFFFFE0] =	vst v3;
	v4 =	vmul.f32 v8, v1;
	v3 =	vld [tilespmem:s30+$0x50]  }
0x1ba: {  	s19 =	simm.s32 $0x4;
	[tilespmem:s30+$0xFFFFFFF0] =	vst v2;
	v5 =	vmul.f32 v9, v1;
	v2 =	vld [tilespmem:s30+$0x60]  }
0x1bb: {  	s20 =	simm.s32 $0x7;
	v6 =	vmov s19;
	[tilespmem:s30+$0x0] =	vst v4;
	v8 =	vmul.f32 v7, v1;
	v7 =	vld [tilespmem:s30+$0x80]  }
0x1bc: {  	s21 =	simm.s32 $0x5;
	v11 =	vand.u32 $0xFFFFFFFC, v6;
	v6 =	vld [tilespmem:s30+$0x90];
	v4 =	vmov s20;
	v9 =	vmul.f32 v10, v1;
	[tilespmem:s30+$0x10] =	vst v5  }
0x1bd: {  	s10 =	simm.s32 $0x8;
	s8 =	simm.s32 $0x8700;
	s19 =	simm.s32 $0x6;
	v10 =	vmul.f32 v12, v1;
	v5 =	vbroadcast v11, $0x0;
	v11 =	vmov s21;
	[tilespmem:s30+$0x20] =	vst v8;
	v8 =	vld [tilespmem:s30+$0xA0]  }
.LBB2_19:
0x1be: {  	p0 =	slt.u32 s10, $0x5C;
	v11 =	vand.u32 $0xFFFFFFFD, v11;
	v12 =	vmov s19;
	[tilespmem:s30+$0x30] =	vst v9;
	v3 =	vmul.f32 v3, v1;
	v9 =	vld [tilespmem:s30+$0xB0]  }
0x1bf: {  	v11 =	vbroadcast v11, $0x0;
	v12 =	vand.u32 $0xFFFFFFFE, v12;
	[tilespmem:s30+$0x40] =	vst v10;
	v1 =	vmul.f32 v2, v1;
	v2 =	vld [tilespmem:s30+$0xC0]  }
0x1c0: {  	v10 =	vbroadcast v12, $0x0;
	[tilespmem:s30+$0x50] =	vst v3;
	v3 =	vmul.f32 v7, v0;
	v7 =	vld [tilespmem:s30+$0xD0]  }
0x1c1: {  	[tilespmem:s30+$0x60] =	vst v1;
	v1 =	vmul.f32 v6, v0;
	v6 =	vld [tilespmem:s30+$0xE0]  }
0x1c2: {  	[tilespmem:s30+$0x80] =	vst v3;
	v3 =	vmul.f32 v8, v0;
	v8 =	vld [tilespmem:s30+$0xF0]  }
0x1c3: {  	v4 =	vld.idx.msk [tilespmem:v4+s25+$0x0], $0xffff;
	[tilespmem:s30+$0x90] =	vst v1;
	v1 =	vmul.f32 v9, v0  }
0x1c4: {  	v5 =	vld.idx.msk [tilespmem:v5+s25+$0x0], $0xffff;
	[tilespmem:s30+$0xA0] =	vst v3;
	v2 =	vmul.f32 v2, v0  }
0x1c5: {  	v3 =	vld.idx.msk [tilespmem:v11+s25+$0x0], $0xffff;
	[tilespmem:s30+$0xB0] =	vst v1;
	v7 =	vmul.f32 v7, v0  }
0x1c6: {  	s30 =	sadd.s32 $0x200, s30;
	v1 =	vld.idx.msk [tilespmem:v10+s25+$0x0], $0xffff;
	[tilespmem:s8+$0xC0] =	vst v2;
	v2 =	vmul.f32 v6, v0  }
0x1c7: {  	v6 =	vld [tilespmem:s30+$0x70];
	[tilespmem:s8+$0xD0] =	vst v7;
	v8 =	vmul.f32 v8, v0  }
0x1c8: {  	v7 =	vld [tilespmem:s30+$0xFFFFFF00];
	[tilespmem:s8+$0xE0] =	vst v2  }
0x1c9: {  	v0 =	vmov v4;
	v2 =	vld [tilespmem:s30+$0xFFFFFF10];
	[tilespmem:s8+$0xF0] =	vst v8;
	s8 =	smov.u32 s30  }
0x1ca: {  	v4 =	vld [tilespmem:s30+$0xFFFFFF20]  }
0x1cb: {  	v8 =	vld [tilespmem:s30+$0xFFFFFF30]  }
0x1cc: {  	v9 =	vld [tilespmem:s30+$0xFFFFFF40];
	v6 =	vmul.f32 v6, v1  }
0x1cd: {  	v7 =	vmul.f32 v7, v5;
	v10 =	vld [tilespmem:s30+$0xFFFFFF50]  }
0x1ce: {  	v2 =	vmul.f32 v2, v5;
	v11 =	vld [tilespmem:s30+$0xFFFFFF60];
	[tilespmem:s30+$0x70] =	vst v6  }
0x1cf: {  	[tilespmem:s30+$0xFFFFFF00] =	vst v7;
	v4 =	vmul.f32 v4, v5;
	v6 =	vld [tilespmem:s30+$0xFFFFFF70]  }
0x1d0: {  	[tilespmem:s30+$0xFFFFFF10] =	vst v2;
	v2 =	vmul.f32 v8, v5;
	v7 =	vld [tilespmem:s30+$0xFFFFFF80]  }
0x1d1: {  	[tilespmem:s30+$0xFFFFFF20] =	vst v4;
	v4 =	vmul.f32 v9, v5;
	v8 =	vld [tilespmem:s30+$0xFFFFFF90]  }
0x1d2: {  	[tilespmem:s30+$0xFFFFFF30] =	vst v2;
	v2 =	vmul.f32 v10, v5;
	v9 =	vld [tilespmem:s30+$0xFFFFFFA0]  }
0x1d3: {  	[tilespmem:s30+$0xFFFFFF40] =	vst v4;
	v4 =	vmul.f32 v11, v5;
	v10 =	vld [tilespmem:s30+$0xFFFFFFB0]  }
0x1d4: {  	[tilespmem:s30+$0xFFFFFF50] =	vst v2;
	v2 =	vmul.f32 v6, v5;
	v5 =	vld [tilespmem:s30+$0xFFFFFFC0]  }
0x1d5: {  	[tilespmem:s30+$0xFFFFFF60] =	vst v4;
	v4 =	vmul.f32 v7, v3;
	v6 =	vld [tilespmem:s30+$0xFFFFFFD0]  }
0x1d6: {  	[tilespmem:s30+$0xFFFFFF70] =	vst v2;
	v2 =	vmul.f32 v8, v3;
	v7 =	vld [tilespmem:s30+$0xFFFFFFE0]  }
0x1d7: {  	[tilespmem:s30+$0xFFFFFF80] =	vst v4;
	v4 =	vmul.f32 v9, v3;
	v8 =	vld [tilespmem:s30+$0xFFFFFFF0]  }
0x1d8: {  	[tilespmem:s30+$0xFFFFFF90] =	vst v2;
	v2 =	vmul.f32 v10, v3;
	v9 =	vld [tilespmem:s30+$0x0]  }
0x1d9: {  	[tilespmem:s30+$0xFFFFFFA0] =	vst v4;
	v4 =	vmul.f32 v5, v3;
	v5 =	vld [tilespmem:s30+$0x10]  }
0x1da: {  	[tilespmem:s30+$0xFFFFFFB0] =	vst v2;
	v2 =	vmul.f32 v6, v3;
	v6 =	vld [tilespmem:s30+$0x20]  }
0x1db: {  	[tilespmem:s30+$0xFFFFFFC0] =	vst v4;
	v4 =	vmul.f32 v7, v3;
	v10 =	vld [tilespmem:s30+$0x30]  }
0x1dc: {  	[tilespmem:s30+$0xFFFFFFD0] =	vst v2;
	v2 =	vmul.f32 v8, v3;
	v8 =	vld [tilespmem:s30+$0x40]  }
.Ltmp8:
0x1dd: {  	[tilespmem:s30+$0xFFFFFFE0] =	vst v4;
	v4 =	vmul.f32 v9, v1;
	v3 =	vld [tilespmem:s30+$0x50];
	(pc) =	sbr.rel @p0 .LBB2_19-.Ltmp8, $4  }
0x1de: {  	[tilespmem:s30+$0xFFFFFFF0] =	vst v2;
	v5 =	vmul.f32 v5, v1;
	v2 =	vld [tilespmem:s30+$0x60]  }
0x1df: {  	s19 =	sadd.s32 $0x3, s10;
	v9 =	vmov s10;
	[tilespmem:s30+$0x0] =	vst v4;
	v12 =	vmul.f32 v6, v1;
	v7 =	vld [tilespmem:s30+$0x80]  }
0x1e0: {  	s20 =	sadd.s32 $0x1, s10;
	v11 =	vand.u32 $0xFFFFFFFC, v9;
	v4 =	vmov s19;
	[tilespmem:s30+$0x10] =	vst v5;
	v9 =	vmul.f32 v10, v1;
	v6 =	vld [tilespmem:s30+$0x90]  }
0x1e1: {  	s19 =	sadd.s32 $0x2, s10;
	s10 =	sadd.s32 $0x4, s10;
	v5 =	vbroadcast v11, $0x0;
	v11 =	vmov s20;
	[tilespmem:s30+$0x20] =	vst v12;
	v10 =	vmul.f32 v8, v1;
	v8 =	vld [tilespmem:s30+$0xA0]  }
0x1e2: {  	v12 =	vld [tilespmem:s30+$0xB0]  }
0x1e3: {  	v14 =	vld [tilespmem:s30+$0xC0]  }
0x1e4: {  	v15 =	vld [tilespmem:s30+$0xD0]  }
0x1e5: {  	v16 =	vld [tilespmem:s30+$0xE0];
	v3 =	vmul.f32 v3, v1  }
0x1e6: {  	v13 =	vmov s19;
	v42 =	vld [tilespmem:s30+$0xF0];
	[tilespmem:s30+$0x30] =	vst v9;
	v1 =	vmul.f32 v2, v1  }
0x1e7: {  	v4 =	vld.idx.msk [tilespmem:v4+s25+$0x0], $0xffff;
	v13 =	vand.u32 $0xFFFFFFFE, v13;
	v7 =	vmul.f32 v7, v0;
	[tilespmem:s30+$0x50] =	vst v3  }
0x1e8: {  	s10 =	sadd.s32 $0x200, s30;
	v2 =	vld.idx.msk [tilespmem:v5+s25+$0x0], $0xffff;
	v13 =	vbroadcast v13, $0x0;
	v3 =	vmul.f32 v6, v0;
	[tilespmem:s30+$0x60] =	vst v1  }
0x1e9: {  	v44 =	vld [tilespmem:s10+$0x70];
	[tilespmem:s30+$0x80] =	vst v7;
	v1 =	vmul.f32 v8, v0  }
0x1ea: {  	v45 =	vld [tilespmem:s10+$0xFFFFFF00];
	[tilespmem:s30+$0x90] =	vst v3;
	v3 =	vmul.f32 v12, v0  }
0x1eb: {  	v46 =	vld [tilespmem:s10+$0xFFFFFF10];
	[tilespmem:s30+$0xA0] =	vst v1;
	v1 =	vmul.f32 v14, v0  }
0x1ec: {  	v47 =	vld [tilespmem:s10+$0xFFFFFF20];
	[tilespmem:s30+$0xB0] =	vst v3;
	v3 =	vmul.f32 v15, v0  }
0x1ed: {  	v11 =	vand.u32 $0xFFFFFFFD, v11;
	v49 =	vld [tilespmem:s10+$0xFFFFFF50];
	[tilespmem:s8+$0xC0] =	vst v1;
	v1 =	vmul.f32 v16, v0  }
0x1ee: {  	v11 =	vbroadcast v11, $0x0;
	v43 =	vld.idx.msk [tilespmem:v13+s25+$0x0], $0xffff;
	v0 =	vmul.f32 v42, v0;
	[tilespmem:s8+$0xD0] =	vst v3  }
0x1ef: {  	v3 =	vld [tilespmem:s10+$0xFFFFFF30];
	[tilespmem:s8+$0xE0] =	vst v1  }
0x1f0: {  	v1 =	vld [tilespmem:s10+$0xFFFFFF40];
	[tilespmem:s8+$0xF0] =	vst v0;
	v0 =	vmul.f32 v45, v2  }
0x1f1: {  	[tilespmem:s30+$0x40] =	vst v10;
	v51 =	vld [tilespmem:s10+$0xFFFFFF60];
	v50 =	vmul.f32 v46, v2  }
0x1f2: {  	v52 =	vld [tilespmem:s10+$0xFFFFFF70];
	[tilespmem:s10+$0xFFFFFF00] =	vst v0;
	v0 =	vmul.f32 v47, v2  }
0x1f3: {  	v53 =	vld [tilespmem:s10+$0xFFFFFF80];
	[tilespmem:s10+$0xFFFFFF10] =	vst v50;
	v48 =	vmul.f32 v44, v43  }
0x1f4: {  	v5 =	vld.idx.msk [tilespmem:v11+s25+$0x0], $0xffff;
	v3 =	vmul.f32 v3, v2;
	[tilespmem:s10+$0xFFFFFF20] =	vst v0  }
0x1f5: {  	[tilespmem:s10+$0x70] =	vst v48;
	v0 =	vmul.f32 v1, v2;
	v1 =	vld [tilespmem:s10+$0xFFFFFF90]  }
0x1f6: {  	v54 =	vld [tilespmem:s10+$0xFFFFFFA0];
	[tilespmem:s10+$0xFFFFFF30] =	vst v3;
	v3 =	vmul.f32 v49, v2  }
0x1f7: {  	v55 =	vld [tilespmem:s10+$0xFFFFFFB0];
	[tilespmem:s10+$0xFFFFFF40] =	vst v0;
	v0 =	vmul.f32 v51, v2  }
0x1f8: {  	v2 =	vmul.f32 v52, v2;
	[tilespmem:s10+$0xFFFFFF50] =	vst v3;
	v3 =	vld [tilespmem:s10+$0xFFFFFFC0]  }
0x1f9: {  	v56 =	vld [tilespmem:s10+$0xFFFFFFD0];
	[tilespmem:s10+$0xFFFFFF60] =	vst v0;
	v0 =	vmul.f32 v53, v5  }
0x1fa: {  	[tilespmem:s10+$0xFFFFFF70] =	vst v2;
	v2 =	vld [tilespmem:s10+$0xFFFFFFE0];
	v1 =	vmul.f32 v1, v5  }
0x1fb: {  	v57 =	vld [tilespmem:s10+$0xFFFFFFF0];
	[tilespmem:s10+$0xFFFFFF80] =	vst v0;
	v0 =	vmul.f32 v54, v5  }
0x1fc: {  	v58 =	vld [tilespmem:s10+$0x0];
	[tilespmem:s10+$0xFFFFFF90] =	vst v1;
	v1 =	vmul.f32 v55, v5  }
0x1fd: {  	[tilespmem:s10+$0xFFFFFFA0] =	vst v0;
	v0 =	vmul.f32 v3, v5;
	v3 =	vld [tilespmem:s10+$0x10]  }
0x1fe: {  	v59 =	vld [tilespmem:s10+$0x20];
	[tilespmem:s10+$0xFFFFFFB0] =	vst v1;
	v1 =	vmul.f32 v56, v5  }
0x1ff: {  	[tilespmem:s10+$0xFFFFFFC0] =	vst v0;
	v0 =	vmul.f32 v2, v5;
	v2 =	vld [tilespmem:s10+$0x30]  }
0x200: {  	[tilespmem:s10+$0xFFFFFFD0] =	vst v1;
	v1 =	vmul.f32 v57, v5;
	v5 =	vld [tilespmem:s10+$0x40]  }
0x201: {  	v60 =	vld [tilespmem:s10+$0x50];
	[tilespmem:s10+$0xFFFFFFE0] =	vst v0;
	v0 =	vmul.f32 v58, v43  }
0x202: {  	[tilespmem:s10+$0xFFFFFFF0] =	vst v1;
	v1 =	vmul.f32 v3, v43;
	v3 =	vld [tilespmem:s10+$0x60]  }
0x203: {  	v61 =	vld [tilespmem:s10+$0x80];
	[tilespmem:s10+$0x0] =	vst v0;
	v0 =	vmul.f32 v59, v43  }
0x204: {  	[tilespmem:s10+$0x10] =	vst v1;
	v1 =	vmul.f32 v2, v43;
	v2 =	vld [tilespmem:s10+$0x90]  }
0x205: {  	[tilespmem:s10+$0x20] =	vst v0;
	v0 =	vmul.f32 v5, v43;
	v5 =	vld [tilespmem:s10+$0xA0]  }
0x206: {  	v62 =	vld [tilespmem:s10+$0xB0];
	[tilespmem:s10+$0x30] =	vst v1;
	v1 =	vmul.f32 v60, v43  }
0x207: {  	[tilespmem:s10+$0x40] =	vst v0;
	v0 =	vmul.f32 v3, v43;
	v3 =	vld [tilespmem:s10+$0xC0]  }
0x208: {  	v63 =	vld [tilespmem:s10+$0xD0];
	[tilespmem:s10+$0x50] =	vst v1;
	v1 =	vmul.f32 v61, v4  }
0x209: {  	[tilespmem:s10+$0x60] =	vst v0;
	v0 =	vmul.f32 v2, v4;
	v2 =	vld [tilespmem:s10+$0xE0]  }
0x20a: {  	[tilespmem:s10+$0x80] =	vst v1;
	v1 =	vmul.f32 v5, v4;
	v5 =	vld [tilespmem:s10+$0xF0]  }
0x20b: {  	[tilespmem:s10+$0x90] =	vst v0;
	v0 =	vmul.f32 v62, v4  }
0x20c: {  	[tilespmem:s10+$0xA0] =	vst v1;
	v1 =	vmul.f32 v3, v4  }
0x20d: {  	[tilespmem:s10+$0xB0] =	vst v0;
	v0 =	vmul.f32 v63, v4  }
0x20e: {  	[tilespmem:s10+$0xC0] =	vst v1;
	v1 =	vmul.f32 v2, v4  }
0x20f: {  	[tilespmem:s10+$0xD0] =	vst v0;
	v0 =	vmul.f32 v5, v4  }
0x210: {  	[tilespmem:s10+$0xE0] =	vst v1  }
0x211: {  	[tilespmem:s10+$0xF0] =	vst v0  }
0x212: {  	[spmem:s2] =	stream.indirect.scatter.add.f32 [tilespmem:s9], [sflag:$0x4], $0x80, s26, s5, $0xb8;
	[tilespmem:$0x1F880] =	vst v63  }
0x213: {  	_ = 	snop  }
0x214: {  	[spmem:s3] =	stream.indirect.scatter.add.f32 [tilespmem:s25], [sflag:$0x4], $0x1, s26, s5, $0xb8;
	[tilespmem:$0x1F880] =	vst v63  }
0x215: {  	_ =	swait.ge [sflag:s12], $0x3000  }
0x216: {  	[sflag:s12] =	ssyncset.done $0x0;
	s20 =	rddreg [dreg:$0x12]  }
0x217: {  	[sflag:s12] =	ssyncadd.s32 $0xFFFFD000;
	s8 =	sadd.s32 s20, s0  }
0x218: {  	_ =	swait.ge [sflag:s12], $0x60;
	s8 =	smul.u32 $0xC, s8  }
0x219: {  	[sflag:s12] =	ssyncset.done $0x0  }
0x21a: {  	s21 =	simm.s32 $0x5100;
	[sflag:s12] =	ssyncadd.s32 $0xFFFFFFA0;
	s8 =	sadd.s32 s6, s8  }
0x21b: {  	[tilespmem:s21], [sflag:$0x6] =	stream.linear.gather [hbm4b:s8+s4], $0x60, $0x38;
	[tilespmem:$0x1F880] =	vst v63  }
0x21c: {  	_ =	swait.ge [sflag:s28], $0x60  }
0x21d: {  	[sflag:s28] =	ssyncset.done $0x0  }
0x21e: {  	s30 =	simm.s32 $0x5090;
	[sflag:s28] =	ssyncadd.s32 $0xFFFFFFA0  }
0x21f: {  	v3 =	vld [tilespmem:s30+$0xFFFFFFF0]  }
0x220: {  	v1 =	vld [tilespmem:s30+$0x0];
	_ =	sdelay $0x3  }
0x221: {  	s10 =	simm.s32 $0x50B0;
	s8 =	simm.s32 $0x5210;
	v2 =	vand.u32 $0xFFFF, v3  }
0x222: {  	v0 =	vld [tilespmem:s10+$0xFFFFFFF0];
	v4 =	vand.u32 $0xFFFF, v1;
	[tilespmem:s8+$0xFFFFFFF0] =	vst v2  }
0x223: {  	s19 =	simm.s32 $0x5390;
	s20 =	simm.s32 $0x5390;
	s21 =	simm.s32 $0x20;
	v3 =	vshrl.u32 v3, $0x10;
	v2 =	vshrl.u32 v1, $0x10;
	v1 =	vld [tilespmem:s10+$0x0];
	[tilespmem:s8+$0x0] =	vst v4  }
.LBB2_21:
0x224: {  	s21 =	sadd.s32 $0x20, s21  }
0x225: {  	[tilespmem:s19+$0xFFFFFFF0] =	vst v3;
	s20 =	sadd.s32 $0x20, s20;
	s8 =	sadd.s32 $0x20, s8;
	p0 =	slt.u32 s21, $0x40  }
.Ltmp9:
0x226: {  	[tilespmem:s19+$0x0] =	vst v2;
	s19 =	smov.u32 s20;
	(pc) =	sbr.rel @p0 .LBB2_21-.Ltmp9, $4  }
0x227: {  	_ = 	snop  }
0x228: {  	s10 =	sadd.s32 $0x20, s10;
	v2 =	vand.u32 $0xFFFF, v0;
	v3 =	vmov v0  }
0x229: {  	v0 =	vld [tilespmem:s10+$0xFFFFFFF0];
	[tilespmem:s8+$0xFFFFFFF0] =	vst v2;
	v4 =	vand.u32 $0xFFFF, v1;
	v2 =	vshrl.u32 v1, $0x10  }
0x22a: {  	v3 =	vshrl.u32 v3, $0x10;
	v1 =	vld [tilespmem:s10+$0x0];
	[tilespmem:s8+$0x0] =	vst v4  }
0x22b: {  	_ =	sdelay $0x1  }
0x22c: {  	[tilespmem:s19+$0xFFFFFFF0] =	vst v3  }
0x22d: {  	s8 =	sadd.s32 $0x20, s8;
	[tilespmem:s19+$0x0] =	vst v2;
	v2 =	vand.u32 $0xFFFF, v0  }
0x22e: {  	[tilespmem:s8+$0xFFFFFFF0] =	vst v2;
	v2 =	vand.u32 $0xFFFF, v1  }
0x22f: {  	s10 =	sadd.s32 $0x20, s20;
	v0 =	vshrl.u32 v0, $0x10;
	[tilespmem:s8+$0x0] =	vst v2  }
0x230: {  	v1 =	vshrl.u32 v1, $0x10;
	[tilespmem:s10+$0xFFFFFFF0] =	vst v0  }
0x231: {  	s19 =	simm.s32 $0x5200;
	[tilespmem:s10+$0x0] =	vst v1  }
0x232: {  	[tilespmem:s9], [sflag:$0x2] =	stream.indirect.gather [hbm4b:s1+s5], $0x80, s19, s5, $0xb8;
	[tilespmem:$0x1F880] =	vst v63  }
0x233: {  	_ =	swait.ge [sflag:s11], $0x3000  }
0x234: {  	[sflag:s11] =	ssyncset.done $0x0  }
0x235: {  	s20 =	simm.s32 $0x5310;
	[sflag:s11] =	ssyncadd.s32 $0xFFFFD000  }
0x236: {  	s21 =	simm.s32 $0x5490;
	v0 =	vld [tilespmem:s20+$0x0]  }
0x237: {  	v1 =	vld [tilespmem:s21+$0x0];
	_ =	sdelay $0x4  }
0x238: {  	v2 =	vld [tilespmem:s21+$0xFFFFFFF0]  }
0x239: {  	s8 =	simm.s32 $0x0;
	v3 =	vld [tilespmem:s20+$0xFFFFFFF0]  }
0x23a: {  	v0 =	vld.idx.msk [tilespmem:v0+s8+$0x0], $0xffff  }
0x23b: {  	v1 =	vld.idx.msk [tilespmem:v1+s29+$0x0], $0xffff;
	_ =	sdelay $0x4  }
0x23c: {  	v4 =	vld [tilespmem:$0x5000];
	v0 =	vadd.f32 v1, v0  }
0x23d: {  	v3 =	vld.idx.msk [tilespmem:v3+s8+$0x0], $0xffff  }
0x23e: {  	v1 =	vld.idx.msk [tilespmem:v2+s29+$0x0], $0xffff;
	v2 =	vmul.f32 $2.000000030e-01, v0  }
0x23f: {  	vm0 =	vgt.f32 v0, $0.0e+00  }
0x240: {  	v0 =	vsel vm0, v0, v2  }
0x241: {  	v0 =	vsub.f32 v0, v4;
	_ =	sdelay $0x1  }
0x242: {  	s30 =	simm.s32 $0x5330;
	v1 =	vadd.f32 v1, v3;
	v0 =	vmul.f32 $1.442695020e+00, v0  }
0x243: {  	s19 =	simm.s32 $0x54B0;
	v5 =	vld [tilespmem:s30+$0x0]  }
0x244: {  	v2 =	vld [tilespmem:s19+$0x0];
	(erf) = vpow2.f32 v0;
	v0 =	vmul.f32 $2.000000030e-01, v1  }
0x245: {  	v6 =	vld [tilespmem:s19+$0xFFFFFFF0];
	vm15 =	vgt.f32 v1, $0.0e+00  }
0x246: {  	v7 =	vld [tilespmem:s30+$0xFFFFFFF0];
	v0 =	vsel vm15, v1, v0  }
0x247: {  	v0 =	vsub.f32 v0, v4;
	_ =	sdelay $0x1  }
0x248: {  	v0 =	vmul.f32 $1.442695020e+00, v0;
	_ =	sdelay $0x1  }
0x249: {  	v5 =	vld.idx.msk [tilespmem:v5+s8+$0x0], $0xffff;
	(erf) = vpow2.f32 v0  }
0x24a: {  	v1 =	vld.idx.msk [tilespmem:v2+s29+$0x0], $0xffff  }
0x24b: {  	v3 =	vld.idx.msk [tilespmem:v6+s29+$0x0], $0xffff  }
0x24c: {  	v4 =	vld.idx.msk [tilespmem:v7+s8+$0x0], $0xffff;
	_ =	sdelay $0x2  }
0x24d: {  	v0 =	vld [tilespmem:$0x5000];
	v1 =	vadd.f32 v1, v5  }
0x24e: {  	s10 =	simm.s32 $0x5510;
	s20 =	simm.s32 $0x20;
	s21 =	simm.s32 $0x5350;
	v2 =	vpop (erf)  }
.LBB2_23:
0x24f: {  	v5 =	vld [tilespmem:s21+$0x0];
	v3 =	vadd.f32 v3, v4;
	v4 =	vmul.f32 $2.000000030e-01, v1;
	s19 =	sadd.s32 $0x20, s19;
	[tilespmem:s10+$0x0] =	vst v2  }
0x250: {  	s20 =	sadd.s32 $0x20, s20;
	vm0 =	vgt.f32 v1, $0.0e+00;
	v2 =	vld [tilespmem:s19+$0x0];
	v6 =	vpop (erf)  }
0x251: {  	p0 =	slt.u32 s20, $0x40;
	v7 =	vld [tilespmem:s19+$0xFFFFFFF0];
	vm1 =	vgt.f32 v3, $0.0e+00;
	v8 =	vmul.f32 $2.000000030e-01, v3;
	v1 =	vsel vm0, v1, v4;
	[tilespmem:s10+$0xFFFFFFF0] =	vst v6  }
0x252: {  	v4 =	vld [tilespmem:s21+$0xFFFFFFF0];
	v1 =	vsub.f32 v1, v0  }
0x253: {  	v3 =	vsel vm1, v3, v8  }
0x254: {  	v0 =	vsub.f32 v3, v0;
	v1 =	vmul.f32 $1.442695020e+00, v1;
	_ =	sdelay $0x1  }
0x255: {  	v0 =	vmul.f32 $1.442695020e+00, v0;
	(erf) = vpow2.f32 v1  }
0x256: {  	v1 =	vld.idx.msk [tilespmem:v5+s8+$0x0], $0xffff  }
0x257: {  	v2 =	vld.idx.msk [tilespmem:v2+s29+$0x0], $0xffff;
	(erf) = vpow2.f32 v0  }
0x258: {  	v3 =	vld.idx.msk [tilespmem:v7+s29+$0x0], $0xffff  }
0x259: {  	v4 =	vld.idx.msk [tilespmem:v4+s8+$0x0], $0xffff  }
.Ltmp10:
0x25a: {  	(pc) =	sbr.rel @p0 .LBB2_23-.Ltmp10, $3  }
0x25b: {  	_ =	sdelay $0x1  }
0x25c: {  	v1 =	vadd.f32 v2, v1;
	v0 =	vld [tilespmem:$0x5000]  }
0x25d: {  	s10 =	sadd.s32 $0x20, s10;
	s21 =	sadd.s32 $0x20, s21;
	v2 =	vpop (erf)  }
0x25e: {  	v3 =	vadd.f32 v3, v4  }
0x25f: {  	v4 =	vmul.f32 $2.000000030e-01, v1  }
0x260: {  	vm0 =	vgt.f32 v1, $0.0e+00;
	v5 =	vmul.f32 $2.000000030e-01, v3  }
0x261: {  	vm1 =	vgt.f32 v3, $0.0e+00;
	v1 =	vsel vm0, v1, v4  }
0x262: {  	v1 =	vsub.f32 v1, v0;
	v3 =	vsel vm1, v3, v5  }
0x263: {  	v0 =	vsub.f32 v3, v0  }
0x264: {  	v1 =	vmul.f32 $1.442695020e+00, v1  }
0x265: {  	v0 =	vmul.f32 $1.442695020e+00, v0  }
0x266: {  	(erf) = vpow2.f32 v1  }
0x267: {  	(erf) = vpow2.f32 v0;
	_ =	sdelay $0x2  }
0x268: {  	s19 =	simm.s32 $0x2;
	v0 =	vmov s8  }
0x269: {  	v1 =	vmov s19;
	v0 =	vand.u32 $0xFFFFFFFC, v0  }
0x26a: {  	v1 =	vand.u32 $0xFFFFFFFE, v1;
	v0 =	vbroadcast v0, $0x0  }
0x26b: {  	v1 =	vbroadcast v1, $0x0  }
0x26c: {  	[tilespmem:s10+$0x0] =	vst v2;
	v3 =	vpop (erf)  }
0x26d: {  	s20 =	sadd.s32 $0x20, s10;
	[tilespmem:s10+$0xFFFFFFF0] =	vst v3;
	v2 =	vpop (erf)  }
0x26e: {  	[tilespmem:s20+$0x0] =	vst v2;
	v2 =	vpop (erf)  }
0x26f: {  	[tilespmem:s20+$0xFFFFFFF0] =	vst v2  }
0x270: {  	v0 =	vld.idx.msk [tilespmem:v0+s13+$0x0], $0xffff  }
0x271: {  	s30 =	simm.s32 $0x5700;
	v1 =	vld.idx.msk [tilespmem:v1+s13+$0x0], $0xffff  }
0x272: {  	s21 =	simm.s32 $0x1;
	v3 =	vld [tilespmem:s30+$0x70]  }
0x273: {  	v2 =	vmov s21;
	v4 =	vld [tilespmem:s30+$0xFFFFFF00]  }
0x274: {  	v2 =	vand.u32 $0xFFFFFFFD, v2;
	v5 =	vld [tilespmem:s30+$0xFFFFFF10]  }
0x275: {  	v6 =	vld [tilespmem:s30+$0xFFFFFF20];
	v2 =	vbroadcast v2, $0x0  }
0x276: {  	v7 =	vld [tilespmem:s30+$0xFFFFFF30]  }
0x277: {  	v8 =	vld [tilespmem:s30+$0xFFFFFF40]  }
0x278: {  	v9 =	vld [tilespmem:s30+$0xFFFFFF50]  }
0x279: {  	v10 =	vld [tilespmem:s30+$0xFFFFFF60];
	v4 =	vmul.f32 v4, v0  }
0x27a: {  	v12 =	vld [tilespmem:s30+$0x40];
	v3 =	vmul.f32 v3, v1  }
0x27b: {  	v2 =	vld.idx.msk [tilespmem:v2+s13+$0x0], $0xffff;
	[tilespmem:s30+$0xFFFFFF00] =	vst v4;
	v4 =	vmul.f32 v5, v0  }
0x27c: {  	v5 =	vld [tilespmem:s30+$0xFFFFFF70];
	[tilespmem:s30+$0x70] =	vst v3;
	v3 =	vmul.f32 v6, v0  }
0x27d: {  	v6 =	vld [tilespmem:s30+$0xFFFFFF80];
	[tilespmem:s30+$0xFFFFFF10] =	vst v4;
	v4 =	vmul.f32 v7, v0  }
0x27e: {  	v7 =	vld [tilespmem:s30+$0xFFFFFF90];
	[tilespmem:s30+$0xFFFFFF20] =	vst v3;
	v3 =	vmul.f32 v8, v0  }
0x27f: {  	v8 =	vld [tilespmem:s30+$0xFFFFFFA0];
	[tilespmem:s30+$0xFFFFFF30] =	vst v4;
	v4 =	vmul.f32 v9, v0  }
0x280: {  	v9 =	vld [tilespmem:s30+$0xFFFFFFB0];
	[tilespmem:s30+$0xFFFFFF40] =	vst v3;
	v3 =	vmul.f32 v10, v0  }
0x281: {  	v10 =	vld [tilespmem:s30+$0xFFFFFFC0];
	v5 =	vmul.f32 v5, v0;
	[tilespmem:s30+$0xFFFFFF50] =	vst v4  }
0x282: {  	v4 =	vmul.f32 v6, v2;
	v6 =	vld [tilespmem:s30+$0xFFFFFFD0];
	[tilespmem:s30+$0xFFFFFF60] =	vst v3  }
0x283: {  	s10 =	simm.s32 $0x3;
	v3 =	vld [tilespmem:s30+$0xFFFFFFE0];
	v7 =	vmul.f32 v7, v2;
	[tilespmem:s30+$0xFFFFFF70] =	vst v5  }
0x284: {  	v11 =	vmov s10;
	v5 =	vld [tilespmem:s30+$0xFFFFFFF0];
	[tilespmem:s30+$0xFFFFFF80] =	vst v4;
	v4 =	vmul.f32 v8, v2  }
0x285: {  	v8 =	vld [tilespmem:s30+$0x0];
	[tilespmem:s30+$0xFFFFFF90] =	vst v7;
	v7 =	vmul.f32 v9, v2  }
0x286: {  	v9 =	vld [tilespmem:s30+$0x10];
	[tilespmem:s30+$0xFFFFFFA0] =	vst v4;
	v4 =	vmul.f32 v10, v2  }
0x287: {  	[tilespmem:s30+$0xFFFFFFB0] =	vst v7;
	v6 =	vmul.f32 v6, v2;
	v7 =	vld [tilespmem:s30+$0x20]  }
0x288: {  	v10 =	vld [tilespmem:s30+$0x30];
	v3 =	vmul.f32 v3, v2;
	[tilespmem:s30+$0xFFFFFFC0] =	vst v4  }
0x289: {  	v0 =	vld.idx.msk [tilespmem:v11+s13+$0x0], $0xffff;
	v2 =	vmul.f32 v5, v2;
	[tilespmem:s30+$0xFFFFFFD0] =	vst v6  }
0x28a: {  	[tilespmem:s30+$0xFFFFFFE0] =	vst v3;
	v4 =	vmul.f32 v8, v1;
	v3 =	vld [tilespmem:s30+$0x50]  }
0x28b: {  	s19 =	simm.s32 $0x4;
	[tilespmem:s30+$0xFFFFFFF0] =	vst v2;
	v5 =	vmul.f32 v9, v1;
	v2 =	vld [tilespmem:s30+$0x60]  }
0x28c: {  	s20 =	simm.s32 $0x7;
	v6 =	vmov s19;
	[tilespmem:s30+$0x0] =	vst v4;
	v8 =	vmul.f32 v7, v1;
	v7 =	vld [tilespmem:s30+$0x80]  }
0x28d: {  	s21 =	simm.s32 $0x5;
	v11 =	vand.u32 $0xFFFFFFFC, v6;
	v6 =	vld [tilespmem:s30+$0x90];
	v4 =	vmov s20;
	v9 =	vmul.f32 v10, v1;
	[tilespmem:s30+$0x10] =	vst v5  }
0x28e: {  	s10 =	simm.s32 $0x8;
	s8 =	simm.s32 $0x5700;
	s19 =	simm.s32 $0x6;
	v10 =	vmul.f32 v12, v1;
	v5 =	vbroadcast v11, $0x0;
	v11 =	vmov s21;
	[tilespmem:s30+$0x20] =	vst v8;
	v8 =	vld [tilespmem:s30+$0xA0]  }
.LBB2_25:
0x28f: {  	p0 =	slt.u32 s10, $0x5C;
	v11 =	vand.u32 $0xFFFFFFFD, v11;
	v12 =	vmov s19;
	[tilespmem:s30+$0x30] =	vst v9;
	v3 =	vmul.f32 v3, v1;
	v9 =	vld [tilespmem:s30+$0xB0]  }
0x290: {  	v11 =	vbroadcast v11, $0x0;
	v12 =	vand.u32 $0xFFFFFFFE, v12;
	[tilespmem:s30+$0x40] =	vst v10;
	v1 =	vmul.f32 v2, v1;
	v2 =	vld [tilespmem:s30+$0xC0]  }
0x291: {  	v10 =	vbroadcast v12, $0x0;
	[tilespmem:s30+$0x50] =	vst v3;
	v3 =	vmul.f32 v7, v0;
	v7 =	vld [tilespmem:s30+$0xD0]  }
0x292: {  	[tilespmem:s30+$0x60] =	vst v1;
	v1 =	vmul.f32 v6, v0;
	v6 =	vld [tilespmem:s30+$0xE0]  }
0x293: {  	[tilespmem:s30+$0x80] =	vst v3;
	v3 =	vmul.f32 v8, v0;
	v8 =	vld [tilespmem:s30+$0xF0]  }
0x294: {  	v4 =	vld.idx.msk [tilespmem:v4+s13+$0x0], $0xffff;
	[tilespmem:s30+$0x90] =	vst v1;
	v1 =	vmul.f32 v9, v0  }
0x295: {  	v5 =	vld.idx.msk [tilespmem:v5+s13+$0x0], $0xffff;
	[tilespmem:s30+$0xA0] =	vst v3;
	v2 =	vmul.f32 v2, v0  }
0x296: {  	v3 =	vld.idx.msk [tilespmem:v11+s13+$0x0], $0xffff;
	[tilespmem:s30+$0xB0] =	vst v1;
	v7 =	vmul.f32 v7, v0  }
0x297: {  	s30 =	sadd.s32 $0x200, s30;
	v1 =	vld.idx.msk [tilespmem:v10+s13+$0x0], $0xffff;
	[tilespmem:s8+$0xC0] =	vst v2;
	v2 =	vmul.f32 v6, v0  }
0x298: {  	v6 =	vld [tilespmem:s30+$0x70];
	[tilespmem:s8+$0xD0] =	vst v7;
	v8 =	vmul.f32 v8, v0  }
0x299: {  	v7 =	vld [tilespmem:s30+$0xFFFFFF00];
	[tilespmem:s8+$0xE0] =	vst v2  }
0x29a: {  	v0 =	vmov v4;
	v2 =	vld [tilespmem:s30+$0xFFFFFF10];
	[tilespmem:s8+$0xF0] =	vst v8;
	s8 =	smov.u32 s30  }
0x29b: {  	v4 =	vld [tilespmem:s30+$0xFFFFFF20]  }
0x29c: {  	v8 =	vld [tilespmem:s30+$0xFFFFFF30]  }
0x29d: {  	v9 =	vld [tilespmem:s30+$0xFFFFFF40];
	v6 =	vmul.f32 v6, v1  }
0x29e: {  	v7 =	vmul.f32 v7, v5;
	v10 =	vld [tilespmem:s30+$0xFFFFFF50]  }
0x29f: {  	v2 =	vmul.f32 v2, v5;
	v11 =	vld [tilespmem:s30+$0xFFFFFF60];
	[tilespmem:s30+$0x70] =	vst v6  }
0x2a0: {  	[tilespmem:s30+$0xFFFFFF00] =	vst v7;
	v4 =	vmul.f32 v4, v5;
	v6 =	vld [tilespmem:s30+$0xFFFFFF70]  }
0x2a1: {  	[tilespmem:s30+$0xFFFFFF10] =	vst v2;
	v2 =	vmul.f32 v8, v5;
	v7 =	vld [tilespmem:s30+$0xFFFFFF80]  }
0x2a2: {  	[tilespmem:s30+$0xFFFFFF20] =	vst v4;
	v4 =	vmul.f32 v9, v5;
	v8 =	vld [tilespmem:s30+$0xFFFFFF90]  }
0x2a3: {  	[tilespmem:s30+$0xFFFFFF30] =	vst v2;
	v2 =	vmul.f32 v10, v5;
	v9 =	vld [tilespmem:s30+$0xFFFFFFA0]  }
0x2a4: {  	[tilespmem:s30+$0xFFFFFF40] =	vst v4;
	v4 =	vmul.f32 v11, v5;
	v10 =	vld [tilespmem:s30+$0xFFFFFFB0]  }
0x2a5: {  	[tilespmem:s30+$0xFFFFFF50] =	vst v2;
	v2 =	vmul.f32 v6, v5;
	v5 =	vld [tilespmem:s30+$0xFFFFFFC0]  }
0x2a6: {  	[tilespmem:s30+$0xFFFFFF60] =	vst v4;
	v4 =	vmul.f32 v7, v3;
	v6 =	vld [tilespmem:s30+$0xFFFFFFD0]  }
0x2a7: {  	[tilespmem:s30+$0xFFFFFF70] =	vst v2;
	v2 =	vmul.f32 v8, v3;
	v7 =	vld [tilespmem:s30+$0xFFFFFFE0]  }
0x2a8: {  	[tilespmem:s30+$0xFFFFFF80] =	vst v4;
	v4 =	vmul.f32 v9, v3;
	v8 =	vld [tilespmem:s30+$0xFFFFFFF0]  }
0x2a9: {  	[tilespmem:s30+$0xFFFFFF90] =	vst v2;
	v2 =	vmul.f32 v10, v3;
	v9 =	vld [tilespmem:s30+$0x0]  }
0x2aa: {  	[tilespmem:s30+$0xFFFFFFA0] =	vst v4;
	v4 =	vmul.f32 v5, v3;
	v5 =	vld [tilespmem:s30+$0x10]  }
0x2ab: {  	[tilespmem:s30+$0xFFFFFFB0] =	vst v2;
	v2 =	vmul.f32 v6, v3;
	v6 =	vld [tilespmem:s30+$0x20]  }
0x2ac: {  	[tilespmem:s30+$0xFFFFFFC0] =	vst v4;
	v4 =	vmul.f32 v7, v3;
	v10 =	vld [tilespmem:s30+$0x30]  }
0x2ad: {  	[tilespmem:s30+$0xFFFFFFD0] =	vst v2;
	v2 =	vmul.f32 v8, v3;
	v8 =	vld [tilespmem:s30+$0x40]  }
.Ltmp11:
0x2ae: {  	[tilespmem:s30+$0xFFFFFFE0] =	vst v4;
	v4 =	vmul.f32 v9, v1;
	v3 =	vld [tilespmem:s30+$0x50];
	(pc) =	sbr.rel @p0 .LBB2_25-.Ltmp11, $4  }
0x2af: {  	[tilespmem:s30+$0xFFFFFFF0] =	vst v2;
	v5 =	vmul.f32 v5, v1;
	v2 =	vld [tilespmem:s30+$0x60]  }
0x2b0: {  	s19 =	sadd.s32 $0x3, s10;
	v9 =	vmov s10;
	[tilespmem:s30+$0x0] =	vst v4;
	v12 =	vmul.f32 v6, v1;
	v7 =	vld [tilespmem:s30+$0x80]  }
0x2b1: {  	s20 =	sadd.s32 $0x1, s10;
	v11 =	vand.u32 $0xFFFFFFFC, v9;
	v4 =	vmov s19;
	[tilespmem:s30+$0x10] =	vst v5;
	v9 =	vmul.f32 v10, v1;
	v6 =	vld [tilespmem:s30+$0x90]  }
0x2b2: {  	s19 =	sadd.s32 $0x2, s10;
	s10 =	sadd.s32 $0x4, s10;
	v5 =	vbroadcast v11, $0x0;
	v11 =	vmov s20;
	[tilespmem:s30+$0x20] =	vst v12;
	v10 =	vmul.f32 v8, v1;
	v8 =	vld [tilespmem:s30+$0xA0]  }
0x2b3: {  	v12 =	vld [tilespmem:s30+$0xB0]  }
0x2b4: {  	v14 =	vld [tilespmem:s30+$0xC0]  }
0x2b5: {  	v15 =	vld [tilespmem:s30+$0xD0]  }
0x2b6: {  	v16 =	vld [tilespmem:s30+$0xE0];
	v3 =	vmul.f32 v3, v1  }
0x2b7: {  	v13 =	vmov s19;
	v42 =	vld [tilespmem:s30+$0xF0];
	[tilespmem:s30+$0x30] =	vst v9;
	v1 =	vmul.f32 v2, v1  }
0x2b8: {  	v4 =	vld.idx.msk [tilespmem:v4+s13+$0x0], $0xffff;
	v13 =	vand.u32 $0xFFFFFFFE, v13;
	v7 =	vmul.f32 v7, v0;
	[tilespmem:s30+$0x50] =	vst v3  }
0x2b9: {  	s10 =	sadd.s32 $0x200, s30;
	v2 =	vld.idx.msk [tilespmem:v5+s13+$0x0], $0xffff;
	v13 =	vbroadcast v13, $0x0;
	v3 =	vmul.f32 v6, v0;
	[tilespmem:s30+$0x60] =	vst v1  }
0x2ba: {  	v44 =	vld [tilespmem:s10+$0x70];
	[tilespmem:s30+$0x80] =	vst v7;
	v1 =	vmul.f32 v8, v0  }
0x2bb: {  	v45 =	vld [tilespmem:s10+$0xFFFFFF00];
	[tilespmem:s30+$0x90] =	vst v3;
	v3 =	vmul.f32 v12, v0  }
0x2bc: {  	v46 =	vld [tilespmem:s10+$0xFFFFFF10];
	[tilespmem:s30+$0xA0] =	vst v1;
	v1 =	vmul.f32 v14, v0  }
0x2bd: {  	v47 =	vld [tilespmem:s10+$0xFFFFFF20];
	[tilespmem:s30+$0xB0] =	vst v3;
	v3 =	vmul.f32 v15, v0  }
0x2be: {  	v11 =	vand.u32 $0xFFFFFFFD, v11;
	v49 =	vld [tilespmem:s10+$0xFFFFFF50];
	[tilespmem:s8+$0xC0] =	vst v1;
	v1 =	vmul.f32 v16, v0  }
0x2bf: {  	v11 =	vbroadcast v11, $0x0;
	v43 =	vld.idx.msk [tilespmem:v13+s13+$0x0], $0xffff;
	v0 =	vmul.f32 v42, v0;
	[tilespmem:s8+$0xD0] =	vst v3  }
0x2c0: {  	v3 =	vld [tilespmem:s10+$0xFFFFFF30];
	[tilespmem:s8+$0xE0] =	vst v1  }
0x2c1: {  	v1 =	vld [tilespmem:s10+$0xFFFFFF40];
	[tilespmem:s8+$0xF0] =	vst v0;
	v0 =	vmul.f32 v45, v2  }
0x2c2: {  	[tilespmem:s30+$0x40] =	vst v10;
	v51 =	vld [tilespmem:s10+$0xFFFFFF60];
	v50 =	vmul.f32 v46, v2  }
0x2c3: {  	v52 =	vld [tilespmem:s10+$0xFFFFFF70];
	[tilespmem:s10+$0xFFFFFF00] =	vst v0;
	v0 =	vmul.f32 v47, v2  }
0x2c4: {  	v53 =	vld [tilespmem:s10+$0xFFFFFF80];
	[tilespmem:s10+$0xFFFFFF10] =	vst v50;
	v48 =	vmul.f32 v44, v43  }
0x2c5: {  	v5 =	vld.idx.msk [tilespmem:v11+s13+$0x0], $0xffff;
	v3 =	vmul.f32 v3, v2;
	[tilespmem:s10+$0xFFFFFF20] =	vst v0  }
0x2c6: {  	[tilespmem:s10+$0x70] =	vst v48;
	v0 =	vmul.f32 v1, v2;
	v1 =	vld [tilespmem:s10+$0xFFFFFF90]  }
0x2c7: {  	v54 =	vld [tilespmem:s10+$0xFFFFFFA0];
	[tilespmem:s10+$0xFFFFFF30] =	vst v3;
	v3 =	vmul.f32 v49, v2  }
0x2c8: {  	v55 =	vld [tilespmem:s10+$0xFFFFFFB0];
	[tilespmem:s10+$0xFFFFFF40] =	vst v0;
	v0 =	vmul.f32 v51, v2  }
0x2c9: {  	v2 =	vmul.f32 v52, v2;
	[tilespmem:s10+$0xFFFFFF50] =	vst v3;
	v3 =	vld [tilespmem:s10+$0xFFFFFFC0]  }
0x2ca: {  	v56 =	vld [tilespmem:s10+$0xFFFFFFD0];
	[tilespmem:s10+$0xFFFFFF60] =	vst v0;
	v0 =	vmul.f32 v53, v5  }
0x2cb: {  	[tilespmem:s10+$0xFFFFFF70] =	vst v2;
	v2 =	vld [tilespmem:s10+$0xFFFFFFE0];
	v1 =	vmul.f32 v1, v5  }
0x2cc: {  	v57 =	vld [tilespmem:s10+$0xFFFFFFF0];
	[tilespmem:s10+$0xFFFFFF80] =	vst v0;
	v0 =	vmul.f32 v54, v5  }
0x2cd: {  	v58 =	vld [tilespmem:s10+$0x0];
	[tilespmem:s10+$0xFFFFFF90] =	vst v1;
	v1 =	vmul.f32 v55, v5  }
0x2ce: {  	[tilespmem:s10+$0xFFFFFFA0] =	vst v0;
	v0 =	vmul.f32 v3, v5;
	v3 =	vld [tilespmem:s10+$0x10]  }
0x2cf: {  	v59 =	vld [tilespmem:s10+$0x20];
	[tilespmem:s10+$0xFFFFFFB0] =	vst v1;
	v1 =	vmul.f32 v56, v5  }
0x2d0: {  	[tilespmem:s10+$0xFFFFFFC0] =	vst v0;
	v0 =	vmul.f32 v2, v5;
	v2 =	vld [tilespmem:s10+$0x30]  }
0x2d1: {  	[tilespmem:s10+$0xFFFFFFD0] =	vst v1;
	v1 =	vmul.f32 v57, v5;
	v5 =	vld [tilespmem:s10+$0x40]  }
0x2d2: {  	v60 =	vld [tilespmem:s10+$0x50];
	[tilespmem:s10+$0xFFFFFFE0] =	vst v0;
	v0 =	vmul.f32 v58, v43  }
0x2d3: {  	[tilespmem:s10+$0xFFFFFFF0] =	vst v1;
	v1 =	vmul.f32 v3, v43;
	v3 =	vld [tilespmem:s10+$0x60]  }
0x2d4: {  	v61 =	vld [tilespmem:s10+$0x80];
	[tilespmem:s10+$0x0] =	vst v0;
	v0 =	vmul.f32 v59, v43  }
0x2d5: {  	[tilespmem:s10+$0x10] =	vst v1;
	v1 =	vmul.f32 v2, v43;
	v2 =	vld [tilespmem:s10+$0x90]  }
0x2d6: {  	[tilespmem:s10+$0x20] =	vst v0;
	v0 =	vmul.f32 v5, v43;
	v5 =	vld [tilespmem:s10+$0xA0]  }
0x2d7: {  	v62 =	vld [tilespmem:s10+$0xB0];
	[tilespmem:s10+$0x30] =	vst v1;
	v1 =	vmul.f32 v60, v43  }
0x2d8: {  	[tilespmem:s10+$0x40] =	vst v0;
	v0 =	vmul.f32 v3, v43;
	v3 =	vld [tilespmem:s10+$0xC0]  }
0x2d9: {  	v63 =	vld [tilespmem:s10+$0xD0];
	[tilespmem:s10+$0x50] =	vst v1;
	v1 =	vmul.f32 v61, v4  }
0x2da: {  	[tilespmem:s10+$0x60] =	vst v0;
	v0 =	vmul.f32 v2, v4;
	v2 =	vld [tilespmem:s10+$0xE0]  }
0x2db: {  	[tilespmem:s10+$0x80] =	vst v1;
	v1 =	vmul.f32 v5, v4;
	v5 =	vld [tilespmem:s10+$0xF0]  }
0x2dc: {  	[tilespmem:s10+$0x90] =	vst v0;
	v0 =	vmul.f32 v62, v4  }
0x2dd: {  	[tilespmem:s10+$0xA0] =	vst v1;
	v1 =	vmul.f32 v3, v4  }
0x2de: {  	[tilespmem:s10+$0xB0] =	vst v0;
	v0 =	vmul.f32 v63, v4  }
0x2df: {  	[tilespmem:s10+$0xC0] =	vst v1;
	v1 =	vmul.f32 v2, v4  }
0x2e0: {  	[tilespmem:s10+$0xD0] =	vst v0;
	v0 =	vmul.f32 v5, v4  }
0x2e1: {  	[tilespmem:s10+$0xE0] =	vst v1  }
0x2e2: {  	[tilespmem:s10+$0xF0] =	vst v0  }
0x2e3: {  	[spmem:s2] =	stream.indirect.scatter.add.f32 [tilespmem:s7], [sflag:$0x3], $0x80, s23, s5, $0xb8;
	[tilespmem:$0x1F880] =	vst v63  }
0x2e4: {  	_ = 	snop  }
0x2e5: {  	[spmem:s3] =	stream.indirect.scatter.add.f32 [tilespmem:s13], [sflag:$0x3], $0x1, s23, s5, $0xb8;
	[tilespmem:$0x1F880] =	vst v63  }
0x2e6: {  	_ =	swait.ge [sflag:s15], $0x3000  }
0x2e7: {  	[sflag:s15] =	ssyncset.done $0x0;
	s20 =	rddreg [dreg:$0x13]  }
0x2e8: {  	[sflag:s15] =	ssyncadd.s32 $0xFFFFD000;
	s8 =	sadd.s32 s20, s0  }
0x2e9: {  	_ =	swait.ge [sflag:s15], $0x60;
	s8 =	smul.u32 $0xC, s8  }
0x2ea: {  	[sflag:s15] =	ssyncset.done $0x0  }
0x2eb: {  	s21 =	simm.s32 $0x5180;
	[sflag:s15] =	ssyncadd.s32 $0xFFFFFFA0;
	s8 =	sadd.s32 s6, s8  }
0x2ec: {  	[tilespmem:s21], [sflag:$0x7] =	stream.linear.gather [hbm4b:s8+s4], $0x60, $0x38;
	[tilespmem:$0x1F880] =	vst v63  }
0x2ed: {  	_ =	swait.ge [sflag:s31], $0x60  }
0x2ee: {  	[sflag:s31] =	ssyncset.done $0x0  }
0x2ef: {  	s30 =	simm.s32 $0x5110;
	[sflag:s31] =	ssyncadd.s32 $0xFFFFFFA0  }
0x2f0: {  	v3 =	vld [tilespmem:s30+$0xFFFFFFF0]  }
0x2f1: {  	v1 =	vld [tilespmem:s30+$0x0];
	_ =	sdelay $0x3  }
0x2f2: {  	s10 =	simm.s32 $0x5130;
	s8 =	simm.s32 $0x5290;
	v2 =	vand.u32 $0xFFFF, v3  }
0x2f3: {  	v0 =	vld [tilespmem:s10+$0xFFFFFFF0];
	v4 =	vand.u32 $0xFFFF, v1;
	[tilespmem:s8+$0xFFFFFFF0] =	vst v2  }
0x2f4: {  	s19 =	simm.s32 $0x5410;
	s20 =	simm.s32 $0x5410;
	s21 =	simm.s32 $0x20;
	v3 =	vshrl.u32 v3, $0x10;
	v2 =	vshrl.u32 v1, $0x10;
	v1 =	vld [tilespmem:s10+$0x0];
	[tilespmem:s8+$0x0] =	vst v4  }
.LBB2_27:
0x2f5: {  	s21 =	sadd.s32 $0x20, s21  }
0x2f6: {  	[tilespmem:s19+$0xFFFFFFF0] =	vst v3;
	s20 =	sadd.s32 $0x20, s20;
	s8 =	sadd.s32 $0x20, s8;
	p0 =	slt.u32 s21, $0x40  }
.Ltmp12:
0x2f7: {  	[tilespmem:s19+$0x0] =	vst v2;
	s19 =	smov.u32 s20;
	(pc) =	sbr.rel @p0 .LBB2_27-.Ltmp12, $4  }
0x2f8: {  	_ = 	snop  }
0x2f9: {  	s10 =	sadd.s32 $0x20, s10;
	v2 =	vand.u32 $0xFFFF, v0;
	v3 =	vmov v0  }
0x2fa: {  	v0 =	vld [tilespmem:s10+$0xFFFFFFF0];
	[tilespmem:s8+$0xFFFFFFF0] =	vst v2;
	v4 =	vand.u32 $0xFFFF, v1;
	v2 =	vshrl.u32 v1, $0x10  }
0x2fb: {  	v3 =	vshrl.u32 v3, $0x10;
	v1 =	vld [tilespmem:s10+$0x0];
	[tilespmem:s8+$0x0] =	vst v4  }
0x2fc: {  	_ =	sdelay $0x1  }
0x2fd: {  	[tilespmem:s19+$0xFFFFFFF0] =	vst v3  }
0x2fe: {  	s8 =	sadd.s32 $0x20, s8;
	[tilespmem:s19+$0x0] =	vst v2;
	v2 =	vand.u32 $0xFFFF, v0  }
0x2ff: {  	[tilespmem:s8+$0xFFFFFFF0] =	vst v2;
	v2 =	vand.u32 $0xFFFF, v1  }
0x300: {  	s10 =	sadd.s32 $0x20, s20;
	v0 =	vshrl.u32 v0, $0x10;
	[tilespmem:s8+$0x0] =	vst v2  }
0x301: {  	v1 =	vshrl.u32 v1, $0x10;
	[tilespmem:s10+$0xFFFFFFF0] =	vst v0  }
0x302: {  	s19 =	simm.s32 $0x5280;
	[tilespmem:s10+$0x0] =	vst v1  }
0x303: {  	[tilespmem:s7], [sflag:$0x1] =	stream.indirect.gather [hbm4b:s1+s5], $0x80, s19, s5, $0xb8;
	[tilespmem:$0x1F880] =	vst v63  }
0x304: {  	_ =	swait.ge [sflag:s24], $0x3000  }
0x305: {  	[sflag:s24] =	ssyncset.done $0x0  }
0x306: {  	s20 =	simm.s32 $0x5210;
	[sflag:s24] =	ssyncadd.s32 $0xFFFFD000  }
0x307: {  	s21 =	simm.s32 $0x5390;
	v0 =	vld [tilespmem:s20+$0x0]  }
0x308: {  	v1 =	vld [tilespmem:s21+$0x0];
	_ =	sdelay $0x4  }
0x309: {  	v2 =	vld [tilespmem:s21+$0xFFFFFFF0]  }
0x30a: {  	s8 =	simm.s32 $0x0;
	v3 =	vld [tilespmem:s20+$0xFFFFFFF0]  }
0x30b: {  	v0 =	vld.idx.msk [tilespmem:v0+s8+$0x0], $0xffff  }
0x30c: {  	v1 =	vld.idx.msk [tilespmem:v1+s29+$0x0], $0xffff;
	_ =	sdelay $0x4  }
0x30d: {  	v4 =	vld [tilespmem:$0x5000];
	v0 =	vadd.f32 v1, v0  }
0x30e: {  	v3 =	vld.idx.msk [tilespmem:v3+s8+$0x0], $0xffff  }
0x30f: {  	v1 =	vld.idx.msk [tilespmem:v2+s29+$0x0], $0xffff;
	v2 =	vmul.f32 $2.000000030e-01, v0  }
0x310: {  	vm0 =	vgt.f32 v0, $0.0e+00  }
0x311: {  	v0 =	vsel vm0, v0, v2  }
0x312: {  	v0 =	vsub.f32 v0, v4;
	_ =	sdelay $0x1  }
0x313: {  	s30 =	simm.s32 $0x5230;
	v1 =	vadd.f32 v1, v3;
	v0 =	vmul.f32 $1.442695020e+00, v0  }
0x314: {  	s19 =	simm.s32 $0x53B0;
	v5 =	vld [tilespmem:s30+$0x0]  }
0x315: {  	v2 =	vld [tilespmem:s19+$0x0];
	(erf) = vpow2.f32 v0;
	v0 =	vmul.f32 $2.000000030e-01, v1  }
0x316: {  	v6 =	vld [tilespmem:s19+$0xFFFFFFF0];
	vm15 =	vgt.f32 v1, $0.0e+00  }
0x317: {  	v7 =	vld [tilespmem:s30+$0xFFFFFFF0];
	v0 =	vsel vm15, v1, v0  }
0x318: {  	v0 =	vsub.f32 v0, v4;
	_ =	sdelay $0x1  }
0x319: {  	v0 =	vmul.f32 $1.442695020e+00, v0;
	_ =	sdelay $0x1  }
0x31a: {  	v5 =	vld.idx.msk [tilespmem:v5+s8+$0x0], $0xffff;
	(erf) = vpow2.f32 v0  }
0x31b: {  	v1 =	vld.idx.msk [tilespmem:v2+s29+$0x0], $0xffff  }
0x31c: {  	v3 =	vld.idx.msk [tilespmem:v6+s29+$0x0], $0xffff  }
0x31d: {  	v4 =	vld.idx.msk [tilespmem:v7+s8+$0x0], $0xffff;
	_ =	sdelay $0x2  }
0x31e: {  	v0 =	vld [tilespmem:$0x5000];
	v1 =	vadd.f32 v1, v5  }
0x31f: {  	s10 =	simm.s32 $0x5590;
	s20 =	simm.s32 $0x20;
	s21 =	simm.s32 $0x5250;
	v2 =	vpop (erf)  }
.LBB2_29:
0x320: {  	v5 =	vld [tilespmem:s21+$0x0];
	v3 =	vadd.f32 v3, v4;
	v4 =	vmul.f32 $2.000000030e-01, v1;
	s19 =	sadd.s32 $0x20, s19;
	[tilespmem:s10+$0x0] =	vst v2  }
0x321: {  	s20 =	sadd.s32 $0x20, s20;
	vm0 =	vgt.f32 v1, $0.0e+00;
	v2 =	vld [tilespmem:s19+$0x0];
	v6 =	vpop (erf)  }
0x322: {  	p0 =	slt.u32 s20, $0x40;
	v7 =	vld [tilespmem:s19+$0xFFFFFFF0];
	vm1 =	vgt.f32 v3, $0.0e+00;
	v8 =	vmul.f32 $2.000000030e-01, v3;
	v1 =	vsel vm0, v1, v4;
	[tilespmem:s10+$0xFFFFFFF0] =	vst v6  }
0x323: {  	v4 =	vld [tilespmem:s21+$0xFFFFFFF0];
	v1 =	vsub.f32 v1, v0  }
0x324: {  	v3 =	vsel vm1, v3, v8  }
0x325: {  	v0 =	vsub.f32 v3, v0;
	v1 =	vmul.f32 $1.442695020e+00, v1;
	_ =	sdelay $0x1  }
0x326: {  	v0 =	vmul.f32 $1.442695020e+00, v0;
	(erf) = vpow2.f32 v1  }
0x327: {  	v1 =	vld.idx.msk [tilespmem:v5+s8+$0x0], $0xffff  }
0x328: {  	v2 =	vld.idx.msk [tilespmem:v2+s29+$0x0], $0xffff;
	(erf) = vpow2.f32 v0  }
0x329: {  	v3 =	vld.idx.msk [tilespmem:v7+s29+$0x0], $0xffff  }
0x32a: {  	v4 =	vld.idx.msk [tilespmem:v4+s8+$0x0], $0xffff  }
.Ltmp13:
0x32b: {  	(pc) =	sbr.rel @p0 .LBB2_29-.Ltmp13, $3  }
0x32c: {  	_ =	sdelay $0x1  }
0x32d: {  	v1 =	vadd.f32 v2, v1;
	v0 =	vld [tilespmem:$0x5000]  }
0x32e: {  	s10 =	sadd.s32 $0x20, s10;
	s21 =	sadd.s32 $0x20, s21;
	v2 =	vpop (erf)  }
0x32f: {  	v3 =	vadd.f32 v3, v4  }
0x330: {  	v4 =	vmul.f32 $2.000000030e-01, v1  }
0x331: {  	vm0 =	vgt.f32 v1, $0.0e+00;
	v5 =	vmul.f32 $2.000000030e-01, v3  }
0x332: {  	vm1 =	vgt.f32 v3, $0.0e+00;
	v1 =	vsel vm0, v1, v4  }
0x333: {  	v1 =	vsub.f32 v1, v0;
	v3 =	vsel vm1, v3, v5  }
0x334: {  	v0 =	vsub.f32 v3, v0  }
0x335: {  	v1 =	vmul.f32 $1.442695020e+00, v1  }
0x336: {  	v0 =	vmul.f32 $1.442695020e+00, v0  }
0x337: {  	(erf) = vpow2.f32 v1  }
0x338: {  	(erf) = vpow2.f32 v0;
	_ =	sdelay $0x2  }
0x339: {  	s19 =	simm.s32 $0x2;
	v0 =	vmov s8  }
0x33a: {  	v1 =	vmov s19;
	v0 =	vand.u32 $0xFFFFFFFC, v0  }
0x33b: {  	v1 =	vand.u32 $0xFFFFFFFE, v1;
	v0 =	vbroadcast v0, $0x0  }
0x33c: {  	v1 =	vbroadcast v1, $0x0  }
0x33d: {  	[tilespmem:s10+$0x0] =	vst v2;
	v3 =	vpop (erf)  }
0x33e: {  	s20 =	sadd.s32 $0x20, s10;
	[tilespmem:s10+$0xFFFFFFF0] =	vst v3;
	v2 =	vpop (erf)  }
0x33f: {  	[tilespmem:s20+$0x0] =	vst v2;
	v2 =	vpop (erf)  }
0x340: {  	[tilespmem:s20+$0xFFFFFFF0] =	vst v2  }
0x341: {  	v0 =	vld.idx.msk [tilespmem:v0+s25+$0x0], $0xffff  }
0x342: {  	s30 =	simm.s32 $0x8700;
	v1 =	vld.idx.msk [tilespmem:v1+s25+$0x0], $0xffff  }
0x343: {  	s21 =	simm.s32 $0x1;
	v3 =	vld [tilespmem:s30+$0x70]  }
0x344: {  	v2 =	vmov s21;
	v4 =	vld [tilespmem:s30+$0xFFFFFF00]  }
0x345: {  	v2 =	vand.u32 $0xFFFFFFFD, v2;
	v5 =	vld [tilespmem:s30+$0xFFFFFF10]  }
0x346: {  	v6 =	vld [tilespmem:s30+$0xFFFFFF20];
	v2 =	vbroadcast v2, $0x0  }
0x347: {  	v7 =	vld [tilespmem:s30+$0xFFFFFF30]  }
0x348: {  	v8 =	vld [tilespmem:s30+$0xFFFFFF40]  }
0x349: {  	v9 =	vld [tilespmem:s30+$0xFFFFFF50]  }
0x34a: {  	v10 =	vld [tilespmem:s30+$0xFFFFFF60];
	v4 =	vmul.f32 v4, v0  }
0x34b: {  	v12 =	vld [tilespmem:s30+$0x40];
	v3 =	vmul.f32 v3, v1  }
0x34c: {  	v2 =	vld.idx.msk [tilespmem:v2+s25+$0x0], $0xffff;
	[tilespmem:s30+$0xFFFFFF00] =	vst v4;
	v4 =	vmul.f32 v5, v0  }
0x34d: {  	v5 =	vld [tilespmem:s30+$0xFFFFFF70];
	[tilespmem:s30+$0x70] =	vst v3;
	v3 =	vmul.f32 v6, v0  }
0x34e: {  	v6 =	vld [tilespmem:s30+$0xFFFFFF80];
	[tilespmem:s30+$0xFFFFFF10] =	vst v4;
	v4 =	vmul.f32 v7, v0  }
0x34f: {  	v7 =	vld [tilespmem:s30+$0xFFFFFF90];
	[tilespmem:s30+$0xFFFFFF20] =	vst v3;
	v3 =	vmul.f32 v8, v0  }
0x350: {  	v8 =	vld [tilespmem:s30+$0xFFFFFFA0];
	[tilespmem:s30+$0xFFFFFF30] =	vst v4;
	v4 =	vmul.f32 v9, v0  }
0x351: {  	v9 =	vld [tilespmem:s30+$0xFFFFFFB0];
	[tilespmem:s30+$0xFFFFFF40] =	vst v3;
	v3 =	vmul.f32 v10, v0  }
0x352: {  	v10 =	vld [tilespmem:s30+$0xFFFFFFC0];
	v5 =	vmul.f32 v5, v0;
	[tilespmem:s30+$0xFFFFFF50] =	vst v4  }
0x353: {  	v4 =	vmul.f32 v6, v2;
	v6 =	vld [tilespmem:s30+$0xFFFFFFD0];
	[tilespmem:s30+$0xFFFFFF60] =	vst v3  }
0x354: {  	s10 =	simm.s32 $0x3;
	v3 =	vld [tilespmem:s30+$0xFFFFFFE0];
	v7 =	vmul.f32 v7, v2;
	[tilespmem:s30+$0xFFFFFF70] =	vst v5  }
0x355: {  	v11 =	vmov s10;
	v5 =	vld [tilespmem:s30+$0xFFFFFFF0];
	[tilespmem:s30+$0xFFFFFF80] =	vst v4;
	v4 =	vmul.f32 v8, v2  }
0x356: {  	v8 =	vld [tilespmem:s30+$0x0];
	[tilespmem:s30+$0xFFFFFF90] =	vst v7;
	v7 =	vmul.f32 v9, v2  }
0x357: {  	v9 =	vld [tilespmem:s30+$0x10];
	[tilespmem:s30+$0xFFFFFFA0] =	vst v4;
	v4 =	vmul.f32 v10, v2  }
0x358: {  	[tilespmem:s30+$0xFFFFFFB0] =	vst v7;
	v6 =	vmul.f32 v6, v2;
	v7 =	vld [tilespmem:s30+$0x20]  }
0x359: {  	v10 =	vld [tilespmem:s30+$0x30];
	v3 =	vmul.f32 v3, v2;
	[tilespmem:s30+$0xFFFFFFC0] =	vst v4  }
0x35a: {  	v0 =	vld.idx.msk [tilespmem:v11+s25+$0x0], $0xffff;
	v2 =	vmul.f32 v5, v2;
	[tilespmem:s30+$0xFFFFFFD0] =	vst v6  }
0x35b: {  	[tilespmem:s30+$0xFFFFFFE0] =	vst v3;
	v4 =	vmul.f32 v8, v1;
	v3 =	vld [tilespmem:s30+$0x50]  }
0x35c: {  	s19 =	simm.s32 $0x4;
	[tilespmem:s30+$0xFFFFFFF0] =	vst v2;
	v5 =	vmul.f32 v9, v1;
	v2 =	vld [tilespmem:s30+$0x60]  }
0x35d: {  	s20 =	simm.s32 $0x7;
	v6 =	vmov s19;
	[tilespmem:s30+$0x0] =	vst v4;
	v8 =	vmul.f32 v7, v1;
	v7 =	vld [tilespmem:s30+$0x80]  }
0x35e: {  	s21 =	simm.s32 $0x5;
	v11 =	vand.u32 $0xFFFFFFFC, v6;
	v6 =	vld [tilespmem:s30+$0x90];
	v4 =	vmov s20;
	v9 =	vmul.f32 v10, v1;
	[tilespmem:s30+$0x10] =	vst v5  }
0x35f: {  	s10 =	simm.s32 $0x8;
	s8 =	simm.s32 $0x8700;
	s19 =	simm.s32 $0x6;
	v10 =	vmul.f32 v12, v1;
	v5 =	vbroadcast v11, $0x0;
	v11 =	vmov s21;
	[tilespmem:s30+$0x20] =	vst v8;
	v8 =	vld [tilespmem:s30+$0xA0]  }
.LBB2_31:
0x360: {  	p0 =	slt.u32 s10, $0x5C;
	v11 =	vand.u32 $0xFFFFFFFD, v11;
	v12 =	vmov s19;
	[tilespmem:s30+$0x30] =	vst v9;
	v3 =	vmul.f32 v3, v1;
	v9 =	vld [tilespmem:s30+$0xB0]  }
0x361: {  	v11 =	vbroadcast v11, $0x0;
	v12 =	vand.u32 $0xFFFFFFFE, v12;
	[tilespmem:s30+$0x40] =	vst v10;
	v1 =	vmul.f32 v2, v1;
	v2 =	vld [tilespmem:s30+$0xC0]  }
0x362: {  	v10 =	vbroadcast v12, $0x0;
	[tilespmem:s30+$0x50] =	vst v3;
	v3 =	vmul.f32 v7, v0;
	v7 =	vld [tilespmem:s30+$0xD0]  }
0x363: {  	[tilespmem:s30+$0x60] =	vst v1;
	v1 =	vmul.f32 v6, v0;
	v6 =	vld [tilespmem:s30+$0xE0]  }
0x364: {  	[tilespmem:s30+$0x80] =	vst v3;
	v3 =	vmul.f32 v8, v0;
	v8 =	vld [tilespmem:s30+$0xF0]  }
0x365: {  	v4 =	vld.idx.msk [tilespmem:v4+s25+$0x0], $0xffff;
	[tilespmem:s30+$0x90] =	vst v1;
	v1 =	vmul.f32 v9, v0  }
0x366: {  	v5 =	vld.idx.msk [tilespmem:v5+s25+$0x0], $0xffff;
	[tilespmem:s30+$0xA0] =	vst v3;
	v2 =	vmul.f32 v2, v0  }
0x367: {  	v3 =	vld.idx.msk [tilespmem:v11+s25+$0x0], $0xffff;
	[tilespmem:s30+$0xB0] =	vst v1;
	v7 =	vmul.f32 v7, v0  }
0x368: {  	s30 =	sadd.s32 $0x200, s30;
	v1 =	vld.idx.msk [tilespmem:v10+s25+$0x0], $0xffff;
	[tilespmem:s8+$0xC0] =	vst v2;
	v2 =	vmul.f32 v6, v0  }
0x369: {  	v6 =	vld [tilespmem:s30+$0x70];
	[tilespmem:s8+$0xD0] =	vst v7;
	v8 =	vmul.f32 v8, v0  }
0x36a: {  	v7 =	vld [tilespmem:s30+$0xFFFFFF00];
	[tilespmem:s8+$0xE0] =	vst v2  }
0x36b: {  	v0 =	vmov v4;
	v2 =	vld [tilespmem:s30+$0xFFFFFF10];
	[tilespmem:s8+$0xF0] =	vst v8;
	s8 =	smov.u32 s30  }
0x36c: {  	v4 =	vld [tilespmem:s30+$0xFFFFFF20]  }
0x36d: {  	v8 =	vld [tilespmem:s30+$0xFFFFFF30]  }
0x36e: {  	v9 =	vld [tilespmem:s30+$0xFFFFFF40];
	v6 =	vmul.f32 v6, v1  }
0x36f: {  	v7 =	vmul.f32 v7, v5;
	v10 =	vld [tilespmem:s30+$0xFFFFFF50]  }
0x370: {  	v2 =	vmul.f32 v2, v5;
	v11 =	vld [tilespmem:s30+$0xFFFFFF60];
	[tilespmem:s30+$0x70] =	vst v6  }
0x371: {  	[tilespmem:s30+$0xFFFFFF00] =	vst v7;
	v4 =	vmul.f32 v4, v5;
	v6 =	vld [tilespmem:s30+$0xFFFFFF70]  }
0x372: {  	[tilespmem:s30+$0xFFFFFF10] =	vst v2;
	v2 =	vmul.f32 v8, v5;
	v7 =	vld [tilespmem:s30+$0xFFFFFF80]  }
0x373: {  	[tilespmem:s30+$0xFFFFFF20] =	vst v4;
	v4 =	vmul.f32 v9, v5;
	v8 =	vld [tilespmem:s30+$0xFFFFFF90]  }
0x374: {  	[tilespmem:s30+$0xFFFFFF30] =	vst v2;
	v2 =	vmul.f32 v10, v5;
	v9 =	vld [tilespmem:s30+$0xFFFFFFA0]  }
0x375: {  	[tilespmem:s30+$0xFFFFFF40] =	vst v4;
	v4 =	vmul.f32 v11, v5;
	v10 =	vld [tilespmem:s30+$0xFFFFFFB0]  }
0x376: {  	[tilespmem:s30+$0xFFFFFF50] =	vst v2;
	v2 =	vmul.f32 v6, v5;
	v5 =	vld [tilespmem:s30+$0xFFFFFFC0]  }
0x377: {  	[tilespmem:s30+$0xFFFFFF60] =	vst v4;
	v4 =	vmul.f32 v7, v3;
	v6 =	vld [tilespmem:s30+$0xFFFFFFD0]  }
0x378: {  	[tilespmem:s30+$0xFFFFFF70] =	vst v2;
	v2 =	vmul.f32 v8, v3;
	v7 =	vld [tilespmem:s30+$0xFFFFFFE0]  }
0x379: {  	[tilespmem:s30+$0xFFFFFF80] =	vst v4;
	v4 =	vmul.f32 v9, v3;
	v8 =	vld [tilespmem:s30+$0xFFFFFFF0]  }
0x37a: {  	[tilespmem:s30+$0xFFFFFF90] =	vst v2;
	v2 =	vmul.f32 v10, v3;
	v9 =	vld [tilespmem:s30+$0x0]  }
0x37b: {  	[tilespmem:s30+$0xFFFFFFA0] =	vst v4;
	v4 =	vmul.f32 v5, v3;
	v5 =	vld [tilespmem:s30+$0x10]  }
0x37c: {  	[tilespmem:s30+$0xFFFFFFB0] =	vst v2;
	v2 =	vmul.f32 v6, v3;
	v6 =	vld [tilespmem:s30+$0x20]  }
0x37d: {  	[tilespmem:s30+$0xFFFFFFC0] =	vst v4;
	v4 =	vmul.f32 v7, v3;
	v10 =	vld [tilespmem:s30+$0x30]  }
0x37e: {  	[tilespmem:s30+$0xFFFFFFD0] =	vst v2;
	v2 =	vmul.f32 v8, v3;
	v8 =	vld [tilespmem:s30+$0x40]  }
.Ltmp14:
0x37f: {  	[tilespmem:s30+$0xFFFFFFE0] =	vst v4;
	v4 =	vmul.f32 v9, v1;
	v3 =	vld [tilespmem:s30+$0x50];
	(pc) =	sbr.rel @p0 .LBB2_31-.Ltmp14, $4  }
0x380: {  	[tilespmem:s30+$0xFFFFFFF0] =	vst v2;
	v5 =	vmul.f32 v5, v1;
	v2 =	vld [tilespmem:s30+$0x60]  }
0x381: {  	s19 =	sadd.s32 $0x3, s10;
	v9 =	vmov s10;
	[tilespmem:s30+$0x0] =	vst v4;
	v12 =	vmul.f32 v6, v1;
	v7 =	vld [tilespmem:s30+$0x80]  }
0x382: {  	s20 =	sadd.s32 $0x1, s10;
	v11 =	vand.u32 $0xFFFFFFFC, v9;
	v4 =	vmov s19;
	[tilespmem:s30+$0x10] =	vst v5;
	v9 =	vmul.f32 v10, v1;
	v6 =	vld [tilespmem:s30+$0x90]  }
0x383: {  	s19 =	sadd.s32 $0x2, s10;
	s10 =	sadd.s32 $0x4, s10;
	v5 =	vbroadcast v11, $0x0;
	v11 =	vmov s20;
	[tilespmem:s30+$0x20] =	vst v12;
	v10 =	vmul.f32 v8, v1;
	v8 =	vld [tilespmem:s30+$0xA0]  }
0x384: {  	v12 =	vld [tilespmem:s30+$0xB0]  }
0x385: {  	v14 =	vld [tilespmem:s30+$0xC0]  }
0x386: {  	v15 =	vld [tilespmem:s30+$0xD0]  }
0x387: {  	v16 =	vld [tilespmem:s30+$0xE0];
	v3 =	vmul.f32 v3, v1  }
0x388: {  	v13 =	vmov s19;
	v42 =	vld [tilespmem:s30+$0xF0];
	[tilespmem:s30+$0x30] =	vst v9;
	v1 =	vmul.f32 v2, v1  }
0x389: {  	v4 =	vld.idx.msk [tilespmem:v4+s25+$0x0], $0xffff;
	v13 =	vand.u32 $0xFFFFFFFE, v13;
	v7 =	vmul.f32 v7, v0;
	[tilespmem:s30+$0x50] =	vst v3  }
0x38a: {  	s10 =	sadd.s32 $0x200, s30;
	v2 =	vld.idx.msk [tilespmem:v5+s25+$0x0], $0xffff;
	v13 =	vbroadcast v13, $0x0;
	v3 =	vmul.f32 v6, v0;
	[tilespmem:s30+$0x60] =	vst v1  }
0x38b: {  	v44 =	vld [tilespmem:s10+$0x70];
	[tilespmem:s30+$0x80] =	vst v7;
	v1 =	vmul.f32 v8, v0  }
0x38c: {  	v45 =	vld [tilespmem:s10+$0xFFFFFF00];
	[tilespmem:s30+$0x90] =	vst v3;
	v3 =	vmul.f32 v12, v0  }
0x38d: {  	v46 =	vld [tilespmem:s10+$0xFFFFFF10];
	[tilespmem:s30+$0xA0] =	vst v1;
	v1 =	vmul.f32 v14, v0  }
0x38e: {  	v47 =	vld [tilespmem:s10+$0xFFFFFF20];
	[tilespmem:s30+$0xB0] =	vst v3;
	v3 =	vmul.f32 v15, v0  }
0x38f: {  	v11 =	vand.u32 $0xFFFFFFFD, v11;
	v49 =	vld [tilespmem:s10+$0xFFFFFF50];
	[tilespmem:s8+$0xC0] =	vst v1;
	v1 =	vmul.f32 v16, v0  }
0x390: {  	v11 =	vbroadcast v11, $0x0;
	v43 =	vld.idx.msk [tilespmem:v13+s25+$0x0], $0xffff;
	v0 =	vmul.f32 v42, v0;
	[tilespmem:s8+$0xD0] =	vst v3  }
0x391: {  	v3 =	vld [tilespmem:s10+$0xFFFFFF30];
	[tilespmem:s8+$0xE0] =	vst v1  }
0x392: {  	v1 =	vld [tilespmem:s10+$0xFFFFFF40];
	[tilespmem:s8+$0xF0] =	vst v0;
	v0 =	vmul.f32 v45, v2  }
0x393: {  	[tilespmem:s30+$0x40] =	vst v10;
	v51 =	vld [tilespmem:s10+$0xFFFFFF60];
	v50 =	vmul.f32 v46, v2  }
0x394: {  	v52 =	vld [tilespmem:s10+$0xFFFFFF70];
	[tilespmem:s10+$0xFFFFFF00] =	vst v0;
	v0 =	vmul.f32 v47, v2  }
0x395: {  	v53 =	vld [tilespmem:s10+$0xFFFFFF80];
	[tilespmem:s10+$0xFFFFFF10] =	vst v50;
	v48 =	vmul.f32 v44, v43  }
0x396: {  	v5 =	vld.idx.msk [tilespmem:v11+s25+$0x0], $0xffff;
	v3 =	vmul.f32 v3, v2;
	[tilespmem:s10+$0xFFFFFF20] =	vst v0  }
0x397: {  	[tilespmem:s10+$0x70] =	vst v48;
	v0 =	vmul.f32 v1, v2;
	v1 =	vld [tilespmem:s10+$0xFFFFFF90]  }
0x398: {  	v54 =	vld [tilespmem:s10+$0xFFFFFFA0];
	[tilespmem:s10+$0xFFFFFF30] =	vst v3;
	v3 =	vmul.f32 v49, v2  }
0x399: {  	v55 =	vld [tilespmem:s10+$0xFFFFFFB0];
	[tilespmem:s10+$0xFFFFFF40] =	vst v0;
	v0 =	vmul.f32 v51, v2  }
0x39a: {  	v2 =	vmul.f32 v52, v2;
	[tilespmem:s10+$0xFFFFFF50] =	vst v3;
	v3 =	vld [tilespmem:s10+$0xFFFFFFC0]  }
0x39b: {  	v56 =	vld [tilespmem:s10+$0xFFFFFFD0];
	[tilespmem:s10+$0xFFFFFF60] =	vst v0;
	v0 =	vmul.f32 v53, v5  }
0x39c: {  	[tilespmem:s10+$0xFFFFFF70] =	vst v2;
	v2 =	vld [tilespmem:s10+$0xFFFFFFE0];
	v1 =	vmul.f32 v1, v5  }
0x39d: {  	v57 =	vld [tilespmem:s10+$0xFFFFFFF0];
	[tilespmem:s10+$0xFFFFFF80] =	vst v0;
	v0 =	vmul.f32 v54, v5  }
0x39e: {  	v58 =	vld [tilespmem:s10+$0x0];
	[tilespmem:s10+$0xFFFFFF90] =	vst v1;
	v1 =	vmul.f32 v55, v5  }
0x39f: {  	[tilespmem:s10+$0xFFFFFFA0] =	vst v0;
	v0 =	vmul.f32 v3, v5;
	v3 =	vld [tilespmem:s10+$0x10]  }
0x3a0: {  	v59 =	vld [tilespmem:s10+$0x20];
	[tilespmem:s10+$0xFFFFFFB0] =	vst v1;
	v1 =	vmul.f32 v56, v5  }
0x3a1: {  	[tilespmem:s10+$0xFFFFFFC0] =	vst v0;
	v0 =	vmul.f32 v2, v5;
	v2 =	vld [tilespmem:s10+$0x30]  }
0x3a2: {  	[tilespmem:s10+$0xFFFFFFD0] =	vst v1;
	v1 =	vmul.f32 v57, v5;
	v5 =	vld [tilespmem:s10+$0x40]  }
0x3a3: {  	v60 =	vld [tilespmem:s10+$0x50];
	[tilespmem:s10+$0xFFFFFFE0] =	vst v0;
	v0 =	vmul.f32 v58, v43  }
0x3a4: {  	[tilespmem:s10+$0xFFFFFFF0] =	vst v1;
	v1 =	vmul.f32 v3, v43;
	v3 =	vld [tilespmem:s10+$0x60]  }
0x3a5: {  	v61 =	vld [tilespmem:s10+$0x80];
	[tilespmem:s10+$0x0] =	vst v0;
	v0 =	vmul.f32 v59, v43  }
0x3a6: {  	[tilespmem:s10+$0x10] =	vst v1;
	v1 =	vmul.f32 v2, v43;
	v2 =	vld [tilespmem:s10+$0x90]  }
0x3a7: {  	[tilespmem:s10+$0x20] =	vst v0;
	v0 =	vmul.f32 v5, v43;
	v5 =	vld [tilespmem:s10+$0xA0]  }
0x3a8: {  	v62 =	vld [tilespmem:s10+$0xB0];
	[tilespmem:s10+$0x30] =	vst v1;
	v1 =	vmul.f32 v60, v43  }
0x3a9: {  	[tilespmem:s10+$0x40] =	vst v0;
	v0 =	vmul.f32 v3, v43;
	v3 =	vld [tilespmem:s10+$0xC0]  }
0x3aa: {  	v63 =	vld [tilespmem:s10+$0xD0];
	[tilespmem:s10+$0x50] =	vst v1;
	v1 =	vmul.f32 v61, v4  }
0x3ab: {  	[tilespmem:s10+$0x60] =	vst v0;
	v0 =	vmul.f32 v2, v4;
	v2 =	vld [tilespmem:s10+$0xE0]  }
0x3ac: {  	[tilespmem:s10+$0x80] =	vst v1;
	v1 =	vmul.f32 v5, v4;
	v5 =	vld [tilespmem:s10+$0xF0]  }
0x3ad: {  	[tilespmem:s10+$0x90] =	vst v0;
	v0 =	vmul.f32 v62, v4  }
0x3ae: {  	[tilespmem:s10+$0xA0] =	vst v1;
	v1 =	vmul.f32 v3, v4  }
0x3af: {  	[tilespmem:s10+$0xB0] =	vst v0;
	v0 =	vmul.f32 v63, v4  }
0x3b0: {  	[tilespmem:s10+$0xC0] =	vst v1;
	v1 =	vmul.f32 v2, v4  }
0x3b1: {  	[tilespmem:s10+$0xD0] =	vst v0;
	v0 =	vmul.f32 v5, v4  }
0x3b2: {  	[tilespmem:s10+$0xE0] =	vst v1  }
0x3b3: {  	[tilespmem:s10+$0xF0] =	vst v0  }
0x3b4: {  	[spmem:s2] =	stream.indirect.scatter.add.f32 [tilespmem:s9], [sflag:$0x4], $0x80, s14, s5, $0xb8;
	[tilespmem:$0x1F880] =	vst v63  }
0x3b5: {  	_ = 	snop  }
0x3b6: {  	[spmem:s3] =	stream.indirect.scatter.add.f32 [tilespmem:s25], [sflag:$0x4], $0x1, s14, s5, $0xb8;
	[tilespmem:$0x1F880] =	vst v63  }
0x3b7: {  	_ =	swait.ge [sflag:s12], $0x3000  }
0x3b8: {  	p0 =	seq.s32 s18, $0x11;
	[sflag:s12] =	ssyncset.done $0x0  }
0x3b9: {  	s8 =	sadd.s32 @!p0 s22, s0;
	[sflag:s12] =	ssyncadd.s32 $0xFFFFD000  }
0x3ba: {  	s8 =	smul.u32 @!p0 $0xC, s8;
	_ =	swait.ge [sflag:s12], $0x60  }
0x3bb: {  	s19 =	simm.s32 @!p0 $0x5080;
	[sflag:s12] =	ssyncset.done $0x0  }
0x3bc: {  	s8 =	sadd.s32 @!p0 s6, s8;
	s10 =	simm.s32 @!p0 $0x0;
	[sflag:s12] =	ssyncadd.s32 $0xFFFFFFA0  }
0x3bd: {  	[tilespmem:s19], [sflag:$0x5] =	stream.linear.gather @!p0 [hbm4b:s8+s10], $0x60, $0x38;
	[tilespmem:$0x1F880] =	vst v63  }
0x3be: {  	_ =	swait.ge [sflag:s16], $0x60  }
0x3bf: {  	[sflag:s16] =	ssyncset.done $0x0  }
0x3c0: {  	s30 =	simm.s32 $0x5190;
	[sflag:s16] =	ssyncadd.s32 $0xFFFFFFA0  }
0x3c1: {  	v3 =	vld [tilespmem:s30+$0xFFFFFFF0]  }
0x3c2: {  	v1 =	vld [tilespmem:s30+$0x0];
	_ =	sdelay $0x3  }
0x3c3: {  	s8 =	simm.s32 $0x5310;
	s10 =	simm.s32 $0x51B0;
	v2 =	vand.u32 $0xFFFF, v3  }
0x3c4: {  	v0 =	vld [tilespmem:s10+$0xFFFFFFF0];
	v4 =	vand.u32 $0xFFFF, v1;
	[tilespmem:s8+$0xFFFFFFF0] =	vst v2  }
0x3c5: {  	s21 =	simm.s32 $0x20;
	s20 =	simm.s32 $0x5490;
	s19 =	simm.s32 $0x5490;
	v3 =	vshrl.u32 v3, $0x10;
	v2 =	vshrl.u32 v1, $0x10;
	v1 =	vld [tilespmem:s10+$0x0];
	[tilespmem:s8+$0x0] =	vst v4  }
.LBB2_33:
0x3c6: {  	s21 =	sadd.s32 $0x20, s21  }
0x3c7: {  	[tilespmem:s19+$0xFFFFFFF0] =	vst v3;
	s20 =	sadd.s32 $0x20, s20;
	s8 =	sadd.s32 $0x20, s8;
	p1 =	slt.u32 s21, $0x40  }
.Ltmp15:
0x3c8: {  	[tilespmem:s19+$0x0] =	vst v2;
	s19 =	smov.u32 s20;
	(pc) =	sbr.rel @p1 .LBB2_33-.Ltmp15, $4  }
0x3c9: {  	_ = 	snop  }
0x3ca: {  	s10 =	sadd.s32 $0x20, s10;
	v2 =	vand.u32 $0xFFFF, v0;
	v3 =	vmov v0  }
0x3cb: {  	v0 =	vld [tilespmem:s10+$0xFFFFFFF0];
	[tilespmem:s8+$0xFFFFFFF0] =	vst v2;
	v4 =	vand.u32 $0xFFFF, v1;
	v2 =	vshrl.u32 v1, $0x10  }
0x3cc: {  	v3 =	vshrl.u32 v3, $0x10;
	v1 =	vld [tilespmem:s10+$0x0];
	[tilespmem:s8+$0x0] =	vst v4  }
0x3cd: {  	_ =	sdelay $0x1  }
0x3ce: {  	[tilespmem:s19+$0xFFFFFFF0] =	vst v3  }
0x3cf: {  	s8 =	sadd.s32 $0x20, s8;
	[tilespmem:s19+$0x0] =	vst v2;
	v2 =	vand.u32 $0xFFFF, v0  }
0x3d0: {  	[tilespmem:s8+$0xFFFFFFF0] =	vst v2;
	v2 =	vand.u32 $0xFFFF, v1  }
0x3d1: {  	s10 =	sadd.s32 $0x20, s20;
	v0 =	vshrl.u32 v0, $0x10;
	[tilespmem:s8+$0x0] =	vst v2  }
0x3d2: {  	v1 =	vshrl.u32 v1, $0x10;
	[tilespmem:s10+$0xFFFFFFF0] =	vst v0  }
0x3d3: {  	[tilespmem:s10+$0x0] =	vst v1  }
0x3d4: {  	[tilespmem:s9], [sflag:$0x2] =	stream.indirect.gather [hbm4b:s1+s5], $0x80, s17, s5, $0xb8;
	[tilespmem:$0x1F880] =	vst v63  }
0x3d5: {  	_ =	swait.ge [sflag:s11], $0x3000  }
0x3d6: {  	[sflag:s11] =	ssyncset.done $0x0  }
0x3d7: {  	s20 =	simm.s32 $0x5290;
	[sflag:s11] =	ssyncadd.s32 $0xFFFFD000  }
0x3d8: {  	s21 =	simm.s32 $0x5410;
	v0 =	vld [tilespmem:s20+$0x0]  }
0x3d9: {  	v1 =	vld [tilespmem:s21+$0x0];
	_ =	sdelay $0x4  }
0x3da: {  	v2 =	vld [tilespmem:s21+$0xFFFFFFF0]  }
0x3db: {  	s8 =	simm.s32 $0x0;
	v3 =	vld [tilespmem:s20+$0xFFFFFFF0]  }
0x3dc: {  	v0 =	vld.idx.msk [tilespmem:v0+s8+$0x0], $0xffff  }
0x3dd: {  	v1 =	vld.idx.msk [tilespmem:v1+s29+$0x0], $0xffff;
	_ =	sdelay $0x4  }
0x3de: {  	v4 =	vld [tilespmem:$0x5000];
	v0 =	vadd.f32 v1, v0  }
0x3df: {  	v3 =	vld.idx.msk [tilespmem:v3+s8+$0x0], $0xffff  }
0x3e0: {  	v1 =	vld.idx.msk [tilespmem:v2+s29+$0x0], $0xffff;
	v2 =	vmul.f32 $2.000000030e-01, v0  }
0x3e1: {  	vm0 =	vgt.f32 v0, $0.0e+00  }
0x3e2: {  	v0 =	vsel vm0, v0, v2  }
0x3e3: {  	v0 =	vsub.f32 v0, v4;
	_ =	sdelay $0x1  }
0x3e4: {  	s30 =	simm.s32 $0x52B0;
	v1 =	vadd.f32 v1, v3;
	v0 =	vmul.f32 $1.442695020e+00, v0  }
0x3e5: {  	s19 =	simm.s32 $0x5430;
	v5 =	vld [tilespmem:s30+$0x0]  }
0x3e6: {  	v2 =	vld [tilespmem:s19+$0x0];
	(erf) = vpow2.f32 v0;
	v0 =	vmul.f32 $2.000000030e-01, v1  }
0x3e7: {  	v6 =	vld [tilespmem:s19+$0xFFFFFFF0];
	vm15 =	vgt.f32 v1, $0.0e+00  }
0x3e8: {  	v7 =	vld [tilespmem:s30+$0xFFFFFFF0];
	v0 =	vsel vm15, v1, v0  }
0x3e9: {  	v0 =	vsub.f32 v0, v4;
	_ =	sdelay $0x1  }
0x3ea: {  	v0 =	vmul.f32 $1.442695020e+00, v0;
	_ =	sdelay $0x1  }
0x3eb: {  	v5 =	vld.idx.msk [tilespmem:v5+s8+$0x0], $0xffff;
	(erf) = vpow2.f32 v0  }
0x3ec: {  	v1 =	vld.idx.msk [tilespmem:v2+s29+$0x0], $0xffff  }
0x3ed: {  	v3 =	vld.idx.msk [tilespmem:v6+s29+$0x0], $0xffff  }
0x3ee: {  	v4 =	vld.idx.msk [tilespmem:v7+s8+$0x0], $0xffff;
	_ =	sdelay $0x2  }
0x3ef: {  	v0 =	vld [tilespmem:$0x5000];
	v1 =	vadd.f32 v1, v5  }
0x3f0: {  	s10 =	simm.s32 $0x5510;
	s20 =	simm.s32 $0x20;
	s21 =	simm.s32 $0x52D0;
	v2 =	vpop (erf)  }
.LBB2_35:
0x3f1: {  	v5 =	vld [tilespmem:s21+$0x0];
	v3 =	vadd.f32 v3, v4;
	v4 =	vmul.f32 $2.000000030e-01, v1;
	s19 =	sadd.s32 $0x20, s19;
	[tilespmem:s10+$0x0] =	vst v2  }
0x3f2: {  	s20 =	sadd.s32 $0x20, s20;
	vm0 =	vgt.f32 v1, $0.0e+00;
	v2 =	vld [tilespmem:s19+$0x0];
	v6 =	vpop (erf)  }
0x3f3: {  	p1 =	slt.u32 s20, $0x40;
	v7 =	vld [tilespmem:s19+$0xFFFFFFF0];
	vm1 =	vgt.f32 v3, $0.0e+00;
	v8 =	vmul.f32 $2.000000030e-01, v3;
	v1 =	vsel vm0, v1, v4;
	[tilespmem:s10+$0xFFFFFFF0] =	vst v6  }
0x3f4: {  	v4 =	vld [tilespmem:s21+$0xFFFFFFF0];
	v1 =	vsub.f32 v1, v0  }
0x3f5: {  	v3 =	vsel vm1, v3, v8  }
0x3f6: {  	v0 =	vsub.f32 v3, v0;
	v1 =	vmul.f32 $1.442695020e+00, v1;
	_ =	sdelay $0x1  }
0x3f7: {  	v0 =	vmul.f32 $1.442695020e+00, v0;
	(erf) = vpow2.f32 v1  }
0x3f8: {  	v1 =	vld.idx.msk [tilespmem:v5+s8+$0x0], $0xffff  }
0x3f9: {  	v2 =	vld.idx.msk [tilespmem:v2+s29+$0x0], $0xffff;
	(erf) = vpow2.f32 v0  }
0x3fa: {  	v3 =	vld.idx.msk [tilespmem:v7+s29+$0x0], $0xffff  }
0x3fb: {  	v4 =	vld.idx.msk [tilespmem:v4+s8+$0x0], $0xffff  }
.Ltmp16:
0x3fc: {  	(pc) =	sbr.rel @p1 .LBB2_35-.Ltmp16, $3  }
0x3fd: {  	_ =	sdelay $0x1  }
0x3fe: {  	v1 =	vadd.f32 v2, v1;
	v0 =	vld [tilespmem:$0x5000]  }
0x3ff: {  	s10 =	sadd.s32 $0x20, s10;
	s21 =	sadd.s32 $0x20, s21;
	v2 =	vpop (erf)  }
0x400: {  	v3 =	vadd.f32 v3, v4  }
0x401: {  	v4 =	vmul.f32 $2.000000030e-01, v1  }
0x402: {  	vm0 =	vgt.f32 v1, $0.0e+00;
	v5 =	vmul.f32 $2.000000030e-01, v3  }
0x403: {  	vm1 =	vgt.f32 v3, $0.0e+00;
	v1 =	vsel vm0, v1, v4  }
0x404: {  	v1 =	vsub.f32 v1, v0;
	v3 =	vsel vm1, v3, v5  }
0x405: {  	v0 =	vsub.f32 v3, v0  }
0x406: {  	v1 =	vmul.f32 $1.442695020e+00, v1  }
0x407: {  	v0 =	vmul.f32 $1.442695020e+00, v0  }
0x408: {  	(erf) = vpow2.f32 v1  }
0x409: {  	(erf) = vpow2.f32 v0;
	_ =	sdelay $0x2  }
0x40a: {  	s19 =	simm.s32 $0x2;
	v0 =	vmov s8  }
0x40b: {  	v1 =	vmov s19;
	v0 =	vand.u32 $0xFFFFFFFC, v0  }
0x40c: {  	v1 =	vand.u32 $0xFFFFFFFE, v1;
	v0 =	vbroadcast v0, $0x0  }
0x40d: {  	v1 =	vbroadcast v1, $0x0  }
0x40e: {  	[tilespmem:s10+$0x0] =	vst v2;
	v3 =	vpop (erf)  }
0x40f: {  	s20 =	sadd.s32 $0x20, s10;
	[tilespmem:s10+$0xFFFFFFF0] =	vst v3;
	v2 =	vpop (erf)  }
0x410: {  	[tilespmem:s20+$0x0] =	vst v2;
	v2 =	vpop (erf)  }
0x411: {  	[tilespmem:s20+$0xFFFFFFF0] =	vst v2  }
0x412: {  	v0 =	vld.idx.msk [tilespmem:v0+s13+$0x0], $0xffff  }
0x413: {  	s30 =	simm.s32 $0x5700;
	v1 =	vld.idx.msk [tilespmem:v1+s13+$0x0], $0xffff  }
0x414: {  	s21 =	simm.s32 $0x1;
	v3 =	vld [tilespmem:s30+$0x70]  }
0x415: {  	v2 =	vmov s21;
	v4 =	vld [tilespmem:s30+$0xFFFFFF00]  }
0x416: {  	v2 =	vand.u32 $0xFFFFFFFD, v2;
	v5 =	vld [tilespmem:s30+$0xFFFFFF10]  }
0x417: {  	v6 =	vld [tilespmem:s30+$0xFFFFFF20];
	v2 =	vbroadcast v2, $0x0  }
0x418: {  	v7 =	vld [tilespmem:s30+$0xFFFFFF30]  }
0x419: {  	v8 =	vld [tilespmem:s30+$0xFFFFFF40]  }
0x41a: {  	v9 =	vld [tilespmem:s30+$0xFFFFFF50]  }
0x41b: {  	v10 =	vld [tilespmem:s30+$0xFFFFFF60];
	v4 =	vmul.f32 v4, v0  }
0x41c: {  	v12 =	vld [tilespmem:s30+$0x40];
	v3 =	vmul.f32 v3, v1  }
0x41d: {  	v2 =	vld.idx.msk [tilespmem:v2+s13+$0x0], $0xffff;
	[tilespmem:s30+$0xFFFFFF00] =	vst v4;
	v4 =	vmul.f32 v5, v0  }
0x41e: {  	v5 =	vld [tilespmem:s30+$0xFFFFFF70];
	[tilespmem:s30+$0x70] =	vst v3;
	v3 =	vmul.f32 v6, v0  }
0x41f: {  	v6 =	vld [tilespmem:s30+$0xFFFFFF80];
	[tilespmem:s30+$0xFFFFFF10] =	vst v4;
	v4 =	vmul.f32 v7, v0  }
0x420: {  	v7 =	vld [tilespmem:s30+$0xFFFFFF90];
	[tilespmem:s30+$0xFFFFFF20] =	vst v3;
	v3 =	vmul.f32 v8, v0  }
0x421: {  	v8 =	vld [tilespmem:s30+$0xFFFFFFA0];
	[tilespmem:s30+$0xFFFFFF30] =	vst v4;
	v4 =	vmul.f32 v9, v0  }
0x422: {  	v9 =	vld [tilespmem:s30+$0xFFFFFFB0];
	[tilespmem:s30+$0xFFFFFF40] =	vst v3;
	v3 =	vmul.f32 v10, v0  }
0x423: {  	v10 =	vld [tilespmem:s30+$0xFFFFFFC0];
	v5 =	vmul.f32 v5, v0;
	[tilespmem:s30+$0xFFFFFF50] =	vst v4  }
0x424: {  	v4 =	vmul.f32 v6, v2;
	v6 =	vld [tilespmem:s30+$0xFFFFFFD0];
	[tilespmem:s30+$0xFFFFFF60] =	vst v3  }
0x425: {  	s10 =	simm.s32 $0x3;
	v3 =	vld [tilespmem:s30+$0xFFFFFFE0];
	v7 =	vmul.f32 v7, v2;
	[tilespmem:s30+$0xFFFFFF70] =	vst v5  }
0x426: {  	v11 =	vmov s10;
	v5 =	vld [tilespmem:s30+$0xFFFFFFF0];
	[tilespmem:s30+$0xFFFFFF80] =	vst v4;
	v4 =	vmul.f32 v8, v2  }
0x427: {  	v8 =	vld [tilespmem:s30+$0x0];
	[tilespmem:s30+$0xFFFFFF90] =	vst v7;
	v7 =	vmul.f32 v9, v2  }
0x428: {  	v9 =	vld [tilespmem:s30+$0x10];
	[tilespmem:s30+$0xFFFFFFA0] =	vst v4;
	v4 =	vmul.f32 v10, v2  }
0x429: {  	[tilespmem:s30+$0xFFFFFFB0] =	vst v7;
	v6 =	vmul.f32 v6, v2;
	v7 =	vld [tilespmem:s30+$0x20]  }
0x42a: {  	v10 =	vld [tilespmem:s30+$0x30];
	v3 =	vmul.f32 v3, v2;
	[tilespmem:s30+$0xFFFFFFC0] =	vst v4  }
0x42b: {  	v0 =	vld.idx.msk [tilespmem:v11+s13+$0x0], $0xffff;
	v2 =	vmul.f32 v5, v2;
	[tilespmem:s30+$0xFFFFFFD0] =	vst v6  }
0x42c: {  	[tilespmem:s30+$0xFFFFFFE0] =	vst v3;
	v4 =	vmul.f32 v8, v1;
	v3 =	vld [tilespmem:s30+$0x50]  }
0x42d: {  	s19 =	simm.s32 $0x4;
	[tilespmem:s30+$0xFFFFFFF0] =	vst v2;
	v5 =	vmul.f32 v9, v1;
	v2 =	vld [tilespmem:s30+$0x60]  }
0x42e: {  	s20 =	simm.s32 $0x7;
	v6 =	vmov s19;
	[tilespmem:s30+$0x0] =	vst v4;
	v8 =	vmul.f32 v7, v1;
	v7 =	vld [tilespmem:s30+$0x80]  }
0x42f: {  	s21 =	simm.s32 $0x5;
	v11 =	vand.u32 $0xFFFFFFFC, v6;
	v6 =	vld [tilespmem:s30+$0x90];
	v4 =	vmov s20;
	v9 =	vmul.f32 v10, v1;
	[tilespmem:s30+$0x10] =	vst v5  }
0x430: {  	s10 =	simm.s32 $0x8;
	s8 =	simm.s32 $0x5700;
	s19 =	simm.s32 $0x6;
	v10 =	vmul.f32 v12, v1;
	v5 =	vbroadcast v11, $0x0;
	v11 =	vmov s21;
	[tilespmem:s30+$0x20] =	vst v8;
	v8 =	vld [tilespmem:s30+$0xA0]  }
.LBB2_37:
0x431: {  	p1 =	slt.u32 s10, $0x5C;
	v11 =	vand.u32 $0xFFFFFFFD, v11;
	v12 =	vmov s19;
	[tilespmem:s30+$0x30] =	vst v9;
	v3 =	vmul.f32 v3, v1;
	v9 =	vld [tilespmem:s30+$0xB0]  }
0x432: {  	v11 =	vbroadcast v11, $0x0;
	v12 =	vand.u32 $0xFFFFFFFE, v12;
	[tilespmem:s30+$0x40] =	vst v10;
	v1 =	vmul.f32 v2, v1;
	v2 =	vld [tilespmem:s30+$0xC0]  }
0x433: {  	v10 =	vbroadcast v12, $0x0;
	[tilespmem:s30+$0x50] =	vst v3;
	v3 =	vmul.f32 v7, v0;
	v7 =	vld [tilespmem:s30+$0xD0]  }
0x434: {  	[tilespmem:s30+$0x60] =	vst v1;
	v1 =	vmul.f32 v6, v0;
	v6 =	vld [tilespmem:s30+$0xE0]  }
0x435: {  	[tilespmem:s30+$0x80] =	vst v3;
	v3 =	vmul.f32 v8, v0;
	v8 =	vld [tilespmem:s30+$0xF0]  }
0x436: {  	v4 =	vld.idx.msk [tilespmem:v4+s13+$0x0], $0xffff;
	[tilespmem:s30+$0x90] =	vst v1;
	v1 =	vmul.f32 v9, v0  }
0x437: {  	v5 =	vld.idx.msk [tilespmem:v5+s13+$0x0], $0xffff;
	[tilespmem:s30+$0xA0] =	vst v3;
	v2 =	vmul.f32 v2, v0  }
0x438: {  	v3 =	vld.idx.msk [tilespmem:v11+s13+$0x0], $0xffff;
	[tilespmem:s30+$0xB0] =	vst v1;
	v7 =	vmul.f32 v7, v0  }
0x439: {  	s30 =	sadd.s32 $0x200, s30;
	v1 =	vld.idx.msk [tilespmem:v10+s13+$0x0], $0xffff;
	[tilespmem:s8+$0xC0] =	vst v2;
	v2 =	vmul.f32 v6, v0  }
0x43a: {  	v6 =	vld [tilespmem:s30+$0x70];
	[tilespmem:s8+$0xD0] =	vst v7;
	v8 =	vmul.f32 v8, v0  }
0x43b: {  	v7 =	vld [tilespmem:s30+$0xFFFFFF00];
	[tilespmem:s8+$0xE0] =	vst v2  }
0x43c: {  	v0 =	vmov v4;
	v2 =	vld [tilespmem:s30+$0xFFFFFF10];
	[tilespmem:s8+$0xF0] =	vst v8;
	s8 =	smov.u32 s30  }
0x43d: {  	v4 =	vld [tilespmem:s30+$0xFFFFFF20]  }
0x43e: {  	v8 =	vld [tilespmem:s30+$0xFFFFFF30]  }
0x43f: {  	v9 =	vld [tilespmem:s30+$0xFFFFFF40];
	v6 =	vmul.f32 v6, v1  }
0x440: {  	v7 =	vmul.f32 v7, v5;
	v10 =	vld [tilespmem:s30+$0xFFFFFF50]  }
0x441: {  	v2 =	vmul.f32 v2, v5;
	v11 =	vld [tilespmem:s30+$0xFFFFFF60];
	[tilespmem:s30+$0x70] =	vst v6  }
0x442: {  	[tilespmem:s30+$0xFFFFFF00] =	vst v7;
	v4 =	vmul.f32 v4, v5;
	v6 =	vld [tilespmem:s30+$0xFFFFFF70]  }
0x443: {  	[tilespmem:s30+$0xFFFFFF10] =	vst v2;
	v2 =	vmul.f32 v8, v5;
	v7 =	vld [tilespmem:s30+$0xFFFFFF80]  }
0x444: {  	[tilespmem:s30+$0xFFFFFF20] =	vst v4;
	v4 =	vmul.f32 v9, v5;
	v8 =	vld [tilespmem:s30+$0xFFFFFF90]  }
0x445: {  	[tilespmem:s30+$0xFFFFFF30] =	vst v2;
	v2 =	vmul.f32 v10, v5;
	v9 =	vld [tilespmem:s30+$0xFFFFFFA0]  }
0x446: {  	[tilespmem:s30+$0xFFFFFF40] =	vst v4;
	v4 =	vmul.f32 v11, v5;
	v10 =	vld [tilespmem:s30+$0xFFFFFFB0]  }
0x447: {  	[tilespmem:s30+$0xFFFFFF50] =	vst v2;
	v2 =	vmul.f32 v6, v5;
	v5 =	vld [tilespmem:s30+$0xFFFFFFC0]  }
0x448: {  	[tilespmem:s30+$0xFFFFFF60] =	vst v4;
	v4 =	vmul.f32 v7, v3;
	v6 =	vld [tilespmem:s30+$0xFFFFFFD0]  }
0x449: {  	[tilespmem:s30+$0xFFFFFF70] =	vst v2;
	v2 =	vmul.f32 v8, v3;
	v7 =	vld [tilespmem:s30+$0xFFFFFFE0]  }
0x44a: {  	[tilespmem:s30+$0xFFFFFF80] =	vst v4;
	v4 =	vmul.f32 v9, v3;
	v8 =	vld [tilespmem:s30+$0xFFFFFFF0]  }
0x44b: {  	[tilespmem:s30+$0xFFFFFF90] =	vst v2;
	v2 =	vmul.f32 v10, v3;
	v9 =	vld [tilespmem:s30+$0x0]  }
0x44c: {  	[tilespmem:s30+$0xFFFFFFA0] =	vst v4;
	v4 =	vmul.f32 v5, v3;
	v5 =	vld [tilespmem:s30+$0x10]  }
0x44d: {  	[tilespmem:s30+$0xFFFFFFB0] =	vst v2;
	v2 =	vmul.f32 v6, v3;
	v6 =	vld [tilespmem:s30+$0x20]  }
0x44e: {  	[tilespmem:s30+$0xFFFFFFC0] =	vst v4;
	v4 =	vmul.f32 v7, v3;
	v10 =	vld [tilespmem:s30+$0x30]  }
0x44f: {  	[tilespmem:s30+$0xFFFFFFD0] =	vst v2;
	v2 =	vmul.f32 v8, v3;
	v8 =	vld [tilespmem:s30+$0x40]  }
.Ltmp17:
0x450: {  	[tilespmem:s30+$0xFFFFFFE0] =	vst v4;
	v4 =	vmul.f32 v9, v1;
	v3 =	vld [tilespmem:s30+$0x50];
	(pc) =	sbr.rel @p1 .LBB2_37-.Ltmp17, $4  }
0x451: {  	[tilespmem:s30+$0xFFFFFFF0] =	vst v2;
	v5 =	vmul.f32 v5, v1;
	v2 =	vld [tilespmem:s30+$0x60]  }
0x452: {  	s19 =	sadd.s32 $0x3, s10;
	v9 =	vmov s10;
	[tilespmem:s30+$0x0] =	vst v4;
	v12 =	vmul.f32 v6, v1;
	v7 =	vld [tilespmem:s30+$0x80]  }
0x453: {  	s20 =	sadd.s32 $0x1, s10;
	v11 =	vand.u32 $0xFFFFFFFC, v9;
	v4 =	vmov s19;
	[tilespmem:s30+$0x10] =	vst v5;
	v9 =	vmul.f32 v10, v1;
	v6 =	vld [tilespmem:s30+$0x90]  }
0x454: {  	s19 =	sadd.s32 $0x2, s10;
	s10 =	sadd.s32 $0x4, s10;
	v5 =	vbroadcast v11, $0x0;
	v11 =	vmov s20;
	[tilespmem:s30+$0x20] =	vst v12;
	v10 =	vmul.f32 v8, v1;
	v8 =	vld [tilespmem:s30+$0xA0]  }
0x455: {  	v12 =	vld [tilespmem:s30+$0xB0]  }
0x456: {  	v14 =	vld [tilespmem:s30+$0xC0]  }
0x457: {  	v15 =	vld [tilespmem:s30+$0xD0]  }
0x458: {  	v16 =	vld [tilespmem:s30+$0xE0]  }
0x459: {  	v44 =	vld [tilespmem:s30+$0xF0];
	[tilespmem:s30+$0x30] =	vst v9;
	v3 =	vmul.f32 v3, v1  }
0x45a: {  	v4 =	vld.idx.msk [tilespmem:v4+s13+$0x0], $0xffff;
	[tilespmem:s30+$0x40] =	vst v10;
	v45 =	vmul.f32 v2, v1  }
0x45b: {  	s10 =	sadd.s32 $0x200, s30;
	v46 =	vld.idx.msk [tilespmem:v5+s13+$0x0], $0xffff;
	v7 =	vmul.f32 v7, v0;
	[tilespmem:s30+$0x50] =	vst v3  }
0x45c: {  	v51 =	vld [tilespmem:s10+$0x70];
	v47 =	vmul.f32 v6, v0;
	[tilespmem:s30+$0x60] =	vst v45  }
0x45d: {  	v53 =	vld [tilespmem:s10+$0xFFFFFF00];
	[tilespmem:s30+$0x80] =	vst v7;
	v49 =	vmul.f32 v8, v0  }
0x45e: {  	v55 =	vld [tilespmem:s10+$0xFFFFFF10];
	[tilespmem:s30+$0x90] =	vst v47;
	v50 =	vmul.f32 v12, v0  }
0x45f: {  	v11 =	vand.u32 $0xFFFFFFFD, v11;
	v57 =	vld [tilespmem:s10+$0xFFFFFF20];
	v52 =	vmul.f32 v14, v0;
	[tilespmem:s30+$0xA0] =	vst v49  }
0x460: {  	v11 =	vbroadcast v11, $0x0;
	v59 =	vld [tilespmem:s10+$0xFFFFFF30];
	v54 =	vmul.f32 v15, v0;
	[tilespmem:s30+$0xB0] =	vst v50  }
0x461: {  	v60 =	vld [tilespmem:s10+$0xFFFFFF40];
	v56 =	vmul.f32 v16, v0;
	[tilespmem:s8+$0xC0] =	vst v52  }
0x462: {  	v63 =	vld [tilespmem:s10+$0xFFFFFF50];
	v58 =	vmul.f32 v44, v0;
	[tilespmem:s8+$0xD0] =	vst v54  }
0x463: {  	v15 =	vld [tilespmem:s10+$0xFFFFFF70];
	v62 =	vmul.f32 v53, v46;
	[tilespmem:s8+$0xE0] =	vst v56  }
0x464: {  	v16 =	vld [tilespmem:s10+$0xFFFFFF80];
	v12 =	vmul.f32 v55, v46;
	[tilespmem:s8+$0xF0] =	vst v58  }
0x465: {  	v44 =	vld [tilespmem:s10+$0x80];
	v14 =	vmul.f32 v57, v46;
	[tilespmem:s10+$0xFFFFFF00] =	vst v62  }
0x466: {  	v3 =	vmul.f32 v59, v46;
	v48 =	vld.idx.msk [tilespmem:v11+s13+$0x0], $0xffff;
	[tilespmem:s10+$0xFFFFFF10] =	vst v12  }
0x467: {  	v13 =	vmov s19;
	v18 =	vld [tilespmem:s10+$0xFFFFFF90];
	v17 =	vmul.f32 v60, v46;
	[tilespmem:s10+$0xFFFFFF20] =	vst v14  }
0x468: {  	v13 =	vand.u32 $0xFFFFFFFE, v13;
	v20 =	vld [tilespmem:s10+$0xFFFFFFA0];
	v19 =	vmul.f32 v63, v46;
	[tilespmem:s10+$0xFFFFFF30] =	vst v3  }
0x469: {  	v22 =	vld [tilespmem:s10+$0xFFFFFFB0];
	v13 =	vbroadcast v13, $0x0;
	[tilespmem:s10+$0xFFFFFF40] =	vst v17;
	v2 =	vmul.f32 v15, v46  }
0x46a: {  	v23 =	vld [tilespmem:s10+$0xFFFFFFC0];
	[tilespmem:s10+$0xFFFFFF50] =	vst v19;
	v53 =	vmul.f32 v44, v4  }
0x46b: {  	v25 =	vld [tilespmem:s10+$0xFFFFFFD0];
	v24 =	vmul.f32 v16, v48;
	[tilespmem:s10+$0xFFFFFF70] =	vst v2  }
0x46c: {  	v26 =	vld [tilespmem:s10+$0xFFFFFFE0];
	v1 =	vmul.f32 v18, v48;
	[tilespmem:s10+$0x80] =	vst v53  }
0x46d: {  	v28 =	vld [tilespmem:s10+$0xFFFFFFF0];
	v27 =	vmul.f32 v20, v48;
	[tilespmem:s10+$0xFFFFFF80] =	vst v24  }
0x46e: {  	v50 =	vld [tilespmem:s10+$0xB0];
	v29 =	vmul.f32 v22, v48;
	[tilespmem:s10+$0xFFFFFF90] =	vst v1  }
0x46f: {  	v6 =	vld.idx.msk [tilespmem:v13+s13+$0x0], $0xffff;
	v31 =	vmul.f32 v23, v48;
	[tilespmem:s10+$0xFFFFFFA0] =	vst v27  }
0x470: {  	v13 =	vld [tilespmem:s10+$0xFFFFFF60];
	v33 =	vmul.f32 v25, v48;
	[tilespmem:s10+$0xFFFFFFB0] =	vst v29  }
0x471: {  	v30 =	vld [tilespmem:s10+$0x0];
	v35 =	vmul.f32 v26, v48;
	[tilespmem:s10+$0xFFFFFFC0] =	vst v31  }
0x472: {  	v32 =	vld [tilespmem:s10+$0x10];
	v37 =	vmul.f32 v28, v48;
	[tilespmem:s10+$0xFFFFFFD0] =	vst v33  }
0x473: {  	v34 =	vld [tilespmem:s10+$0x20];
	v59 =	vmul.f32 v50, v4;
	[tilespmem:s10+$0xFFFFFFE0] =	vst v35  }
0x474: {  	v36 =	vld [tilespmem:s10+$0x30];
	v61 =	vmul.f32 v51, v6;
	[tilespmem:s10+$0xFFFFFFF0] =	vst v37  }
0x475: {  	v38 =	vld [tilespmem:s10+$0x40];
	v21 =	vmul.f32 v13, v46;
	[tilespmem:s10+$0xB0] =	vst v59  }
0x476: {  	v40 =	vld [tilespmem:s10+$0x50];
	v39 =	vmul.f32 v30, v6;
	[tilespmem:s10+$0x70] =	vst v61  }
0x477: {  	v42 =	vld [tilespmem:s10+$0x60];
	v41 =	vmul.f32 v32, v6;
	[tilespmem:s10+$0xFFFFFF60] =	vst v21  }
0x478: {  	v52 =	vld [tilespmem:s10+$0xC0];
	v43 =	vmul.f32 v34, v6;
	[tilespmem:s10+$0x0] =	vst v39  }
0x479: {  	v56 =	vld [tilespmem:s10+$0xE0];
	v45 =	vmul.f32 v36, v6;
	[tilespmem:s10+$0x10] =	vst v41  }
0x47a: {  	v58 =	vld [tilespmem:s10+$0xF0];
	v47 =	vmul.f32 v38, v6;
	[tilespmem:s10+$0x20] =	vst v43  }
0x47b: {  	v54 =	vld [tilespmem:s10+$0xD0];
	v49 =	vmul.f32 v40, v6;
	[tilespmem:s10+$0x30] =	vst v45  }
0x47c: {  	v48 =	vld [tilespmem:s10+$0xA0];
	v51 =	vmul.f32 v42, v6;
	[tilespmem:s10+$0x40] =	vst v47  }
0x47d: {  	v46 =	vld [tilespmem:s10+$0x90];
	v60 =	vmul.f32 v52, v4;
	[tilespmem:s10+$0x50] =	vst v49  }
0x47e: {  	v62 =	vmul.f32 v56, v4;
	[tilespmem:s10+$0x60] =	vst v51  }
0x47f: {  	v63 =	vmul.f32 v58, v4;
	[tilespmem:s10+$0xC0] =	vst v60  }
0x480: {  	v61 =	vmul.f32 v54, v4;
	[tilespmem:s10+$0xE0] =	vst v62  }
0x481: {  	[tilespmem:s10+$0xF0] =	vst v63;
	v57 =	vmul.f32 v48, v4  }
0x482: {  	[tilespmem:s10+$0xD0] =	vst v61;
	v55 =	vmul.f32 v46, v4  }
0x483: {  	[tilespmem:s10+$0xA0] =	vst v57  }
0x484: {  	[tilespmem:s10+$0x90] =	vst v55  }
0x485: {  	[spmem:s2] =	stream.indirect.scatter.add.f32 [tilespmem:s7], [sflag:$0x3], $0x80, s26, s5, $0xb8;
	[tilespmem:$0x1F880] =	vst v63  }
0x486: {  	_ = 	snop  }
0x487: {  	[spmem:s3] =	stream.indirect.scatter.add.f32 [tilespmem:s13], [sflag:$0x3], $0x1, s26, s5, $0xb8;
	[tilespmem:$0x1F880] =	vst v63  }
0x488: {  	_ =	swait.ge [sflag:s15], $0x3000  }
.Ltmp18:
0x489: {  	[sflag:s15] =	ssyncset.done $0x0;
	(pc) =	sbr.rel @p0 .LBB2_42-.Ltmp18, $4  }
0x48a: {  	[sflag:s15] =	ssyncadd.s32 $0xFFFFD000  }
0x48b: {  	_ =	swait.ge [sflag:s15], $0x60  }
0x48c: {  	[sflag:s15] =	ssyncset.done $0x0  }
0x48d: {  	[sflag:s15] =	ssyncadd.s32 $0xFFFFFFA0  }
0x48e: {  	s8 =	rddreg [dreg:$0x14]  }
0x48f: {  	s0 =	sadd.s32 s8, s0  }
0x490: {  	s0 =	smul.u32 $0xC, s0;
	_ =	sdelay $0x1  }
0x491: {  	s21 =	simm.s32 $0x5100;
	s0 =	sadd.s32 s6, s0  }
0x492: {  	[tilespmem:s21], [sflag:$0x6] =	stream.linear.gather [hbm4b:s0+s4], $0x60, $0x38;
	[tilespmem:$0x1F880] =	vst v63  }
0x493: {  	_ =	swait.ge [sflag:s28], $0x60  }
0x494: {  	[sflag:s28] =	ssyncset.done $0x0  }
0x495: {  	s30 =	simm.s32 $0x5090;
	[sflag:s28] =	ssyncadd.s32 $0xFFFFFFA0  }
0x496: {  	v3 =	vld [tilespmem:s30+$0xFFFFFFF0]  }
0x497: {  	v1 =	vld [tilespmem:s30+$0x0];
	_ =	sdelay $0x3  }
0x498: {  	s8 =	simm.s32 $0x50B0;
	s0 =	simm.s32 $0x5210;
	v2 =	vand.u32 $0xFFFF, v3  }
0x499: {  	v0 =	vld [tilespmem:s8+$0xFFFFFFF0];
	v4 =	vand.u32 $0xFFFF, v1;
	[tilespmem:s0+$0xFFFFFFF0] =	vst v2  }
0x49a: {  	s10 =	simm.s32 $0x5390;
	s20 =	simm.s32 $0x20;
	s19 =	simm.s32 $0x5390;
	v3 =	vshrl.u32 v3, $0x10;
	v2 =	vshrl.u32 v1, $0x10;
	v1 =	vld [tilespmem:s8+$0x0];
	[tilespmem:s0+$0x0] =	vst v4  }
.LBB2_40:
0x49b: {  	s20 =	sadd.s32 $0x20, s20  }
0x49c: {  	[tilespmem:s10+$0xFFFFFFF0] =	vst v3;
	s19 =	sadd.s32 $0x20, s19;
	s0 =	sadd.s32 $0x20, s0;
	p0 =	slt.u32 s20, $0x40  }
.Ltmp19:
0x49d: {  	[tilespmem:s10+$0x0] =	vst v2;
	s10 =	smov.u32 s19;
	(pc) =	sbr.rel @p0 .LBB2_40-.Ltmp19, $4  }
0x49e: {  	_ = 	snop  }
0x49f: {  	s8 =	sadd.s32 $0x20, s8;
	v2 =	vand.u32 $0xFFFF, v0;
	v3 =	vmov v0  }
0x4a0: {  	v0 =	vld [tilespmem:s8+$0xFFFFFFF0];
	[tilespmem:s0+$0xFFFFFFF0] =	vst v2;
	v4 =	vand.u32 $0xFFFF, v1;
	v2 =	vshrl.u32 v1, $0x10  }
0x4a1: {  	v3 =	vshrl.u32 v3, $0x10;
	v1 =	vld [tilespmem:s8+$0x0];
	[tilespmem:s0+$0x0] =	vst v4  }
0x4a2: {  	_ =	sdelay $0x1  }
0x4a3: {  	[tilespmem:s10+$0xFFFFFFF0] =	vst v3  }
0x4a4: {  	s0 =	sadd.s32 $0x20, s0;
	[tilespmem:s10+$0x0] =	vst v2;
	v60 =	vand.u32 $0xFFFF, v0  }
0x4a5: {  	[tilespmem:s0+$0xFFFFFFF0] =	vst v60;
	v61 =	vand.u32 $0xFFFF, v1  }
0x4a6: {  	s8 =	sadd.s32 $0x20, s19;
	v62 =	vshrl.u32 v0, $0x10;
	[tilespmem:s0+$0x0] =	vst v61  }
0x4a7: {  	v63 =	vshrl.u32 v1, $0x10;
	[tilespmem:s8+$0xFFFFFFF0] =	vst v62  }
0x4a8: {  	s30 =	simm.s32 $0x5200;
	[tilespmem:s8+$0x0] =	vst v63  }
0x4a9: {  	[tilespmem:s7], [sflag:$0x1] =	stream.indirect.gather [hbm4b:s1+s5], $0x80, s30, s5, $0xb8;
	[tilespmem:$0x1F880] =	vst v63  }
.LBB2_42:
0x4aa: {  	_ =	swait.ge [sflag:s24], $0x3000  }
0x4ab: {  	[sflag:s24] =	ssyncset.done $0x0  }
0x4ac: {  	s0 =	simm.s32 $0x5310;
	[sflag:s24] =	ssyncadd.s32 $0xFFFFD000  }
0x4ad: {  	s8 =	simm.s32 $0x5490;
	v0 =	vld [tilespmem:s0+$0x0]  }
0x4ae: {  	v1 =	vld [tilespmem:s8+$0x0];
	_ =	sdelay $0x4  }
0x4af: {  	v2 =	vld [tilespmem:s8+$0xFFFFFFF0]  }
0x4b0: {  	v3 =	vld [tilespmem:s0+$0xFFFFFFF0];
	s0 =	simm.s32 $0x0  }
0x4b1: {  	v0 =	vld.idx.msk [tilespmem:v0+s0+$0x0], $0xffff  }
0x4b2: {  	v1 =	vld.idx.msk [tilespmem:v1+s29+$0x0], $0xffff;
	_ =	sdelay $0x4  }
0x4b3: {  	v4 =	vld [tilespmem:$0x5000];
	v0 =	vadd.f32 v1, v0  }
0x4b4: {  	v3 =	vld.idx.msk [tilespmem:v3+s0+$0x0], $0xffff  }
0x4b5: {  	v1 =	vld.idx.msk [tilespmem:v2+s29+$0x0], $0xffff;
	v2 =	vmul.f32 $2.000000030e-01, v0  }
0x4b6: {  	vm0 =	vgt.f32 v0, $0.0e+00  }
0x4b7: {  	v0 =	vsel vm0, v0, v2  }
0x4b8: {  	v0 =	vsub.f32 v0, v4;
	_ =	sdelay $0x1  }
0x4b9: {  	s30 =	simm.s32 $0x5330;
	v1 =	vadd.f32 v1, v3;
	v0 =	vmul.f32 $1.442695020e+00, v0  }
0x4ba: {  	s10 =	simm.s32 $0x54B0;
	v5 =	vld [tilespmem:s30+$0x0]  }
0x4bb: {  	v2 =	vld [tilespmem:s10+$0x0];
	(erf) = vpow2.f32 v0;
	v0 =	vmul.f32 $2.000000030e-01, v1  }
0x4bc: {  	v6 =	vld [tilespmem:s10+$0xFFFFFFF0];
	vm15 =	vgt.f32 v1, $0.0e+00  }
0x4bd: {  	v7 =	vld [tilespmem:s30+$0xFFFFFFF0];
	v0 =	vsel vm15, v1, v0  }
0x4be: {  	v0 =	vsub.f32 v0, v4;
	_ =	sdelay $0x1  }
0x4bf: {  	v0 =	vmul.f32 $1.442695020e+00, v0;
	_ =	sdelay $0x1  }
0x4c0: {  	v5 =	vld.idx.msk [tilespmem:v5+s0+$0x0], $0xffff;
	(erf) = vpow2.f32 v0  }
0x4c1: {  	v1 =	vld.idx.msk [tilespmem:v2+s29+$0x0], $0xffff  }
0x4c2: {  	v3 =	vld.idx.msk [tilespmem:v6+s29+$0x0], $0xffff  }
0x4c3: {  	v4 =	vld.idx.msk [tilespmem:v7+s0+$0x0], $0xffff;
	_ =	sdelay $0x2  }
0x4c4: {  	v0 =	vld [tilespmem:$0x5000];
	v1 =	vadd.f32 v1, v5  }
0x4c5: {  	s19 =	simm.s32 $0x20;
	s20 =	simm.s32 $0x5350;
	s8 =	simm.s32 $0x5590;
	v2 =	vpop (erf)  }
.LBB2_43:
0x4c6: {  	v5 =	vld [tilespmem:s20+$0x0];
	v3 =	vadd.f32 v3, v4;
	v4 =	vmul.f32 $2.000000030e-01, v1;
	s10 =	sadd.s32 $0x20, s10;
	[tilespmem:s8+$0x0] =	vst v2  }
0x4c7: {  	s19 =	sadd.s32 $0x20, s19;
	vm0 =	vgt.f32 v1, $0.0e+00;
	v2 =	vld [tilespmem:s10+$0x0];
	v6 =	vpop (erf)  }
0x4c8: {  	p0 =	slt.u32 s19, $0x40;
	v7 =	vld [tilespmem:s10+$0xFFFFFFF0];
	vm1 =	vgt.f32 v3, $0.0e+00;
	v8 =	vmul.f32 $2.000000030e-01, v3;
	v1 =	vsel vm0, v1, v4;
	[tilespmem:s8+$0xFFFFFFF0] =	vst v6  }
0x4c9: {  	v4 =	vld [tilespmem:s20+$0xFFFFFFF0];
	v1 =	vsub.f32 v1, v0  }
0x4ca: {  	v3 =	vsel vm1, v3, v8  }
0x4cb: {  	v0 =	vsub.f32 v3, v0;
	v1 =	vmul.f32 $1.442695020e+00, v1;
	_ =	sdelay $0x1  }
0x4cc: {  	v0 =	vmul.f32 $1.442695020e+00, v0;
	(erf) = vpow2.f32 v1  }
0x4cd: {  	v1 =	vld.idx.msk [tilespmem:v5+s0+$0x0], $0xffff  }
0x4ce: {  	v2 =	vld.idx.msk [tilespmem:v2+s29+$0x0], $0xffff;
	(erf) = vpow2.f32 v0  }
0x4cf: {  	v3 =	vld.idx.msk [tilespmem:v7+s29+$0x0], $0xffff  }
0x4d0: {  	v4 =	vld.idx.msk [tilespmem:v4+s0+$0x0], $0xffff  }
.Ltmp20:
0x4d1: {  	(pc) =	sbr.rel @p0 .LBB2_43-.Ltmp20, $3  }
0x4d2: {  	_ =	sdelay $0x1  }
0x4d3: {  	v1 =	vadd.f32 v2, v1;
	v0 =	vld [tilespmem:$0x5000]  }
0x4d4: {  	s8 =	sadd.s32 $0x20, s8;
	s20 =	sadd.s32 $0x20, s20;
	v2 =	vpop (erf)  }
0x4d5: {  	v3 =	vadd.f32 v3, v4  }
0x4d6: {  	v4 =	vmul.f32 $2.000000030e-01, v1  }
0x4d7: {  	vm0 =	vgt.f32 v1, $0.0e+00;
	v5 =	vmul.f32 $2.000000030e-01, v3  }
0x4d8: {  	vm1 =	vgt.f32 v3, $0.0e+00;
	v1 =	vsel vm0, v1, v4  }
0x4d9: {  	v1 =	vsub.f32 v1, v0;
	v3 =	vsel vm1, v3, v5  }
0x4da: {  	v0 =	vsub.f32 v3, v0  }
0x4db: {  	v1 =	vmul.f32 $1.442695020e+00, v1  }
0x4dc: {  	v0 =	vmul.f32 $1.442695020e+00, v0  }
0x4dd: {  	(erf) = vpow2.f32 v1  }
0x4de: {  	(erf) = vpow2.f32 v0;
	_ =	sdelay $0x2  }
0x4df: {  	s30 =	simm.s32 $0x2;
	v0 =	vmov s0  }
0x4e0: {  	v1 =	vmov s30;
	v0 =	vand.u32 $0xFFFFFFFC, v0  }
0x4e1: {  	v1 =	vand.u32 $0xFFFFFFFE, v1;
	v0 =	vbroadcast v0, $0x0  }
0x4e2: {  	v1 =	vbroadcast v1, $0x0  }
0x4e3: {  	[tilespmem:s8+$0x0] =	vst v2;
	v3 =	vpop (erf)  }
0x4e4: {  	s10 =	sadd.s32 $0x20, s8;
	[tilespmem:s8+$0xFFFFFFF0] =	vst v3;
	v2 =	vpop (erf)  }
0x4e5: {  	[tilespmem:s10+$0x0] =	vst v2;
	v2 =	vpop (erf)  }
0x4e6: {  	[tilespmem:s10+$0xFFFFFFF0] =	vst v2  }
0x4e7: {  	v0 =	vld.idx.msk [tilespmem:v0+s25+$0x0], $0xffff  }
0x4e8: {  	s0 =	simm.s32 $0x8700;
	v1 =	vld.idx.msk [tilespmem:v1+s25+$0x0], $0xffff  }
0x4e9: {  	s19 =	simm.s32 $0x1;
	v3 =	vld [tilespmem:s0+$0x70]  }
0x4ea: {  	v2 =	vmov s19;
	v4 =	vld [tilespmem:s0+$0xFFFFFF00]  }
0x4eb: {  	v2 =	vand.u32 $0xFFFFFFFD, v2;
	v5 =	vld [tilespmem:s0+$0xFFFFFF10]  }
0x4ec: {  	v6 =	vld [tilespmem:s0+$0xFFFFFF20];
	v2 =	vbroadcast v2, $0x0  }
0x4ed: {  	v7 =	vld [tilespmem:s0+$0xFFFFFF30]  }
0x4ee: {  	v8 =	vld [tilespmem:s0+$0xFFFFFF40]  }
0x4ef: {  	v9 =	vld [tilespmem:s0+$0xFFFFFF50]  }
0x4f0: {  	v10 =	vld [tilespmem:s0+$0xFFFFFF60];
	v4 =	vmul.f32 v4, v0  }
0x4f1: {  	v12 =	vld [tilespmem:s0+$0x40];
	v3 =	vmul.f32 v3, v1  }
0x4f2: {  	v2 =	vld.idx.msk [tilespmem:v2+s25+$0x0], $0xffff;
	[tilespmem:s0+$0xFFFFFF00] =	vst v4;
	v4 =	vmul.f32 v5, v0  }
0x4f3: {  	v5 =	vld [tilespmem:s0+$0xFFFFFF70];
	[tilespmem:s0+$0x70] =	vst v3;
	v3 =	vmul.f32 v6, v0  }
0x4f4: {  	v6 =	vld [tilespmem:s0+$0xFFFFFF80];
	[tilespmem:s0+$0xFFFFFF10] =	vst v4;
	v4 =	vmul.f32 v7, v0  }
0x4f5: {  	v7 =	vld [tilespmem:s0+$0xFFFFFF90];
	[tilespmem:s0+$0xFFFFFF20] =	vst v3;
	v3 =	vmul.f32 v8, v0  }
0x4f6: {  	v8 =	vld [tilespmem:s0+$0xFFFFFFA0];
	[tilespmem:s0+$0xFFFFFF30] =	vst v4;
	v4 =	vmul.f32 v9, v0  }
0x4f7: {  	v9 =	vld [tilespmem:s0+$0xFFFFFFB0];
	[tilespmem:s0+$0xFFFFFF40] =	vst v3;
	v3 =	vmul.f32 v10, v0  }
0x4f8: {  	v10 =	vld [tilespmem:s0+$0xFFFFFFC0];
	v5 =	vmul.f32 v5, v0;
	[tilespmem:s0+$0xFFFFFF50] =	vst v4  }
0x4f9: {  	v4 =	vmul.f32 v6, v2;
	v6 =	vld [tilespmem:s0+$0xFFFFFFD0];
	[tilespmem:s0+$0xFFFFFF60] =	vst v3  }
0x4fa: {  	s20 =	simm.s32 $0x3;
	v3 =	vld [tilespmem:s0+$0xFFFFFFE0];
	v7 =	vmul.f32 v7, v2;
	[tilespmem:s0+$0xFFFFFF70] =	vst v5  }
0x4fb: {  	v11 =	vmov s20;
	v5 =	vld [tilespmem:s0+$0xFFFFFFF0];
	[tilespmem:s0+$0xFFFFFF80] =	vst v4;
	v4 =	vmul.f32 v8, v2  }
0x4fc: {  	v8 =	vld [tilespmem:s0+$0x0];
	[tilespmem:s0+$0xFFFFFF90] =	vst v7;
	v7 =	vmul.f32 v9, v2  }
0x4fd: {  	v9 =	vld [tilespmem:s0+$0x10];
	[tilespmem:s0+$0xFFFFFFA0] =	vst v4;
	v4 =	vmul.f32 v10, v2  }
0x4fe: {  	[tilespmem:s0+$0xFFFFFFB0] =	vst v7;
	v6 =	vmul.f32 v6, v2;
	v7 =	vld [tilespmem:s0+$0x20]  }
0x4ff: {  	v10 =	vld [tilespmem:s0+$0x30];
	v3 =	vmul.f32 v3, v2;
	[tilespmem:s0+$0xFFFFFFC0] =	vst v4  }
0x500: {  	v0 =	vld.idx.msk [tilespmem:v11+s25+$0x0], $0xffff;
	v2 =	vmul.f32 v5, v2;
	[tilespmem:s0+$0xFFFFFFD0] =	vst v6  }
0x501: {  	[tilespmem:s0+$0xFFFFFFE0] =	vst v3;
	v4 =	vmul.f32 v8, v1;
	v3 =	vld [tilespmem:s0+$0x50]  }
0x502: {  	s21 =	simm.s32 $0x4;
	[tilespmem:s0+$0xFFFFFFF0] =	vst v2;
	v5 =	vmul.f32 v9, v1;
	v2 =	vld [tilespmem:s0+$0x60]  }
0x503: {  	s30 =	simm.s32 $0x7;
	v6 =	vmov s21;
	[tilespmem:s0+$0x0] =	vst v4;
	v8 =	vmul.f32 v7, v1;
	v7 =	vld [tilespmem:s0+$0x80]  }
0x504: {  	s10 =	simm.s32 $0x5;
	v11 =	vand.u32 $0xFFFFFFFC, v6;
	v6 =	vld [tilespmem:s0+$0x90];
	v4 =	vmov s30;
	v9 =	vmul.f32 v10, v1;
	[tilespmem:s0+$0x10] =	vst v5  }
0x505: {  	s8 =	simm.s32 $0x8700;
	s19 =	simm.s32 $0x6;
	v10 =	vmul.f32 v12, v1;
	v5 =	vbroadcast v11, $0x0;
	v11 =	vmov s10;
	s10 =	simm.s32 $0x8;
	[tilespmem:s0+$0x20] =	vst v8;
	v8 =	vld [tilespmem:s0+$0xA0]  }
.LBB2_45:
0x506: {  	p0 =	slt.u32 s10, $0x5C;
	v11 =	vand.u32 $0xFFFFFFFD, v11;
	v12 =	vmov s19;
	[tilespmem:s0+$0x30] =	vst v9;
	v3 =	vmul.f32 v3, v1;
	v9 =	vld [tilespmem:s0+$0xB0]  }
0x507: {  	v11 =	vbroadcast v11, $0x0;
	v12 =	vand.u32 $0xFFFFFFFE, v12;
	[tilespmem:s0+$0x40] =	vst v10;
	v1 =	vmul.f32 v2, v1;
	v2 =	vld [tilespmem:s0+$0xC0]  }
0x508: {  	v10 =	vbroadcast v12, $0x0;
	[tilespmem:s0+$0x50] =	vst v3;
	v3 =	vmul.f32 v7, v0;
	v7 =	vld [tilespmem:s0+$0xD0]  }
0x509: {  	[tilespmem:s0+$0x60] =	vst v1;
	v1 =	vmul.f32 v6, v0;
	v6 =	vld [tilespmem:s0+$0xE0]  }
0x50a: {  	[tilespmem:s0+$0x80] =	vst v3;
	v3 =	vmul.f32 v8, v0;
	v8 =	vld [tilespmem:s0+$0xF0]  }
0x50b: {  	v4 =	vld.idx.msk [tilespmem:v4+s25+$0x0], $0xffff;
	[tilespmem:s0+$0x90] =	vst v1;
	v1 =	vmul.f32 v9, v0  }
0x50c: {  	v5 =	vld.idx.msk [tilespmem:v5+s25+$0x0], $0xffff;
	[tilespmem:s0+$0xA0] =	vst v3;
	v2 =	vmul.f32 v2, v0  }
0x50d: {  	v3 =	vld.idx.msk [tilespmem:v11+s25+$0x0], $0xffff;
	[tilespmem:s0+$0xB0] =	vst v1;
	v7 =	vmul.f32 v7, v0  }
0x50e: {  	s0 =	sadd.s32 $0x200, s0;
	v1 =	vld.idx.msk [tilespmem:v10+s25+$0x0], $0xffff;
	[tilespmem:s8+$0xC0] =	vst v2;
	v2 =	vmul.f32 v6, v0  }
0x50f: {  	v6 =	vld [tilespmem:s0+$0x70];
	[tilespmem:s8+$0xD0] =	vst v7;
	v8 =	vmul.f32 v8, v0  }
0x510: {  	v7 =	vld [tilespmem:s0+$0xFFFFFF00];
	[tilespmem:s8+$0xE0] =	vst v2  }
0x511: {  	v0 =	vmov v4;
	v2 =	vld [tilespmem:s0+$0xFFFFFF10];
	[tilespmem:s8+$0xF0] =	vst v8;
	s8 =	smov.u32 s0  }
0x512: {  	v4 =	vld [tilespmem:s0+$0xFFFFFF20]  }
0x513: {  	v8 =	vld [tilespmem:s0+$0xFFFFFF30]  }
0x514: {  	v9 =	vld [tilespmem:s0+$0xFFFFFF40];
	v6 =	vmul.f32 v6, v1  }
0x515: {  	v7 =	vmul.f32 v7, v5;
	v10 =	vld [tilespmem:s0+$0xFFFFFF50]  }
0x516: {  	v2 =	vmul.f32 v2, v5;
	v11 =	vld [tilespmem:s0+$0xFFFFFF60];
	[tilespmem:s0+$0x70] =	vst v6  }
0x517: {  	[tilespmem:s0+$0xFFFFFF00] =	vst v7;
	v4 =	vmul.f32 v4, v5;
	v6 =	vld [tilespmem:s0+$0xFFFFFF70]  }
0x518: {  	[tilespmem:s0+$0xFFFFFF10] =	vst v2;
	v2 =	vmul.f32 v8, v5;
	v7 =	vld [tilespmem:s0+$0xFFFFFF80]  }
0x519: {  	[tilespmem:s0+$0xFFFFFF20] =	vst v4;
	v4 =	vmul.f32 v9, v5;
	v8 =	vld [tilespmem:s0+$0xFFFFFF90]  }
0x51a: {  	[tilespmem:s0+$0xFFFFFF30] =	vst v2;
	v2 =	vmul.f32 v10, v5;
	v9 =	vld [tilespmem:s0+$0xFFFFFFA0]  }
0x51b: {  	[tilespmem:s0+$0xFFFFFF40] =	vst v4;
	v4 =	vmul.f32 v11, v5;
	v10 =	vld [tilespmem:s0+$0xFFFFFFB0]  }
0x51c: {  	[tilespmem:s0+$0xFFFFFF50] =	vst v2;
	v2 =	vmul.f32 v6, v5;
	v5 =	vld [tilespmem:s0+$0xFFFFFFC0]  }
0x51d: {  	[tilespmem:s0+$0xFFFFFF60] =	vst v4;
	v4 =	vmul.f32 v7, v3;
	v6 =	vld [tilespmem:s0+$0xFFFFFFD0]  }
0x51e: {  	[tilespmem:s0+$0xFFFFFF70] =	vst v2;
	v2 =	vmul.f32 v8, v3;
	v7 =	vld [tilespmem:s0+$0xFFFFFFE0]  }
0x51f: {  	[tilespmem:s0+$0xFFFFFF80] =	vst v4;
	v4 =	vmul.f32 v9, v3;
	v8 =	vld [tilespmem:s0+$0xFFFFFFF0]  }
0x520: {  	[tilespmem:s0+$0xFFFFFF90] =	vst v2;
	v2 =	vmul.f32 v10, v3;
	v9 =	vld [tilespmem:s0+$0x0]  }
0x521: {  	[tilespmem:s0+$0xFFFFFFA0] =	vst v4;
	v4 =	vmul.f32 v5, v3;
	v5 =	vld [tilespmem:s0+$0x10]  }
0x522: {  	[tilespmem:s0+$0xFFFFFFB0] =	vst v2;
	v2 =	vmul.f32 v6, v3;
	v6 =	vld [tilespmem:s0+$0x20]  }
0x523: {  	[tilespmem:s0+$0xFFFFFFC0] =	vst v4;
	v4 =	vmul.f32 v7, v3;
	v10 =	vld [tilespmem:s0+$0x30]  }
0x524: {  	[tilespmem:s0+$0xFFFFFFD0] =	vst v2;
	v2 =	vmul.f32 v8, v3;
	v8 =	vld [tilespmem:s0+$0x40]  }
.Ltmp21:
0x525: {  	[tilespmem:s0+$0xFFFFFFE0] =	vst v4;
	v4 =	vmul.f32 v9, v1;
	v3 =	vld [tilespmem:s0+$0x50];
	(pc) =	sbr.rel @p0 .LBB2_45-.Ltmp21, $4  }
0x526: {  	[tilespmem:s0+$0xFFFFFFF0] =	vst v2;
	v5 =	vmul.f32 v5, v1;
	v2 =	vld [tilespmem:s0+$0x60]  }
0x527: {  	s19 =	sadd.s32 $0x3, s10;
	v9 =	vmov s10;
	[tilespmem:s0+$0x0] =	vst v4;
	v12 =	vmul.f32 v6, v1;
	v7 =	vld [tilespmem:s0+$0x80]  }
0x528: {  	s20 =	sadd.s32 $0x1, s10;
	v11 =	vand.u32 $0xFFFFFFFC, v9;
	v4 =	vmov s19;
	[tilespmem:s0+$0x10] =	vst v5;
	v9 =	vmul.f32 v10, v1;
	v6 =	vld [tilespmem:s0+$0x90]  }
0x529: {  	s19 =	sadd.s32 $0x2, s10;
	s10 =	sadd.s32 $0x4, s10;
	v5 =	vbroadcast v11, $0x0;
	v11 =	vmov s20;
	[tilespmem:s0+$0x20] =	vst v12;
	v10 =	vmul.f32 v8, v1;
	v8 =	vld [tilespmem:s0+$0xA0]  }
0x52a: {  	v12 =	vld [tilespmem:s0+$0xB0]  }
0x52b: {  	v14 =	vld [tilespmem:s0+$0xC0]  }
0x52c: {  	v15 =	vld [tilespmem:s0+$0xD0]  }
0x52d: {  	v16 =	vld [tilespmem:s0+$0xE0]  }
0x52e: {  	v44 =	vld [tilespmem:s0+$0xF0];
	[tilespmem:s0+$0x30] =	vst v9;
	v3 =	vmul.f32 v3, v1  }
0x52f: {  	v4 =	vld.idx.msk [tilespmem:v4+s25+$0x0], $0xffff;
	[tilespmem:s0+$0x40] =	vst v10;
	v45 =	vmul.f32 v2, v1  }
0x530: {  	s10 =	sadd.s32 $0x200, s0;
	v46 =	vld.idx.msk [tilespmem:v5+s25+$0x0], $0xffff;
	v7 =	vmul.f32 v7, v0;
	[tilespmem:s0+$0x50] =	vst v3  }
0x531: {  	v51 =	vld [tilespmem:s10+$0x70];
	v47 =	vmul.f32 v6, v0;
	[tilespmem:s0+$0x60] =	vst v45  }
0x532: {  	v53 =	vld [tilespmem:s10+$0xFFFFFF00];
	[tilespmem:s0+$0x80] =	vst v7;
	v49 =	vmul.f32 v8, v0  }
0x533: {  	v55 =	vld [tilespmem:s10+$0xFFFFFF10];
	[tilespmem:s0+$0x90] =	vst v47;
	v50 =	vmul.f32 v12, v0  }
0x534: {  	v11 =	vand.u32 $0xFFFFFFFD, v11;
	v57 =	vld [tilespmem:s10+$0xFFFFFF20];
	v52 =	vmul.f32 v14, v0;
	[tilespmem:s0+$0xA0] =	vst v49  }
0x535: {  	v11 =	vbroadcast v11, $0x0;
	v59 =	vld [tilespmem:s10+$0xFFFFFF30];
	v54 =	vmul.f32 v15, v0;
	[tilespmem:s0+$0xB0] =	vst v50  }
0x536: {  	v60 =	vld [tilespmem:s10+$0xFFFFFF40];
	v56 =	vmul.f32 v16, v0;
	[tilespmem:s8+$0xC0] =	vst v52  }
0x537: {  	v63 =	vld [tilespmem:s10+$0xFFFFFF50];
	v58 =	vmul.f32 v44, v0;
	[tilespmem:s8+$0xD0] =	vst v54  }
0x538: {  	v15 =	vld [tilespmem:s10+$0xFFFFFF70];
	v62 =	vmul.f32 v53, v46;
	[tilespmem:s8+$0xE0] =	vst v56  }
0x539: {  	v16 =	vld [tilespmem:s10+$0xFFFFFF80];
	v12 =	vmul.f32 v55, v46;
	[tilespmem:s8+$0xF0] =	vst v58  }
0x53a: {  	v44 =	vld [tilespmem:s10+$0x80];
	v14 =	vmul.f32 v57, v46;
	[tilespmem:s10+$0xFFFFFF00] =	vst v62  }
0x53b: {  	v3 =	vmul.f32 v59, v46;
	v48 =	vld.idx.msk [tilespmem:v11+s25+$0x0], $0xffff;
	[tilespmem:s10+$0xFFFFFF10] =	vst v12  }
0x53c: {  	v13 =	vmov s19;
	v18 =	vld [tilespmem:s10+$0xFFFFFF90];
	v17 =	vmul.f32 v60, v46;
	[tilespmem:s10+$0xFFFFFF20] =	vst v14  }
0x53d: {  	v13 =	vand.u32 $0xFFFFFFFE, v13;
	v20 =	vld [tilespmem:s10+$0xFFFFFFA0];
	v19 =	vmul.f32 v63, v46;
	[tilespmem:s10+$0xFFFFFF30] =	vst v3  }
0x53e: {  	v22 =	vld [tilespmem:s10+$0xFFFFFFB0];
	v13 =	vbroadcast v13, $0x0;
	[tilespmem:s10+$0xFFFFFF40] =	vst v17;
	v2 =	vmul.f32 v15, v46  }
0x53f: {  	v23 =	vld [tilespmem:s10+$0xFFFFFFC0];
	[tilespmem:s10+$0xFFFFFF50] =	vst v19;
	v53 =	vmul.f32 v44, v4  }
0x540: {  	v25 =	vld [tilespmem:s10+$0xFFFFFFD0];
	v24 =	vmul.f32 v16, v48;
	[tilespmem:s10+$0xFFFFFF70] =	vst v2  }
0x541: {  	v26 =	vld [tilespmem:s10+$0xFFFFFFE0];
	v1 =	vmul.f32 v18, v48;
	[tilespmem:s10+$0x80] =	vst v53  }
0x542: {  	v28 =	vld [tilespmem:s10+$0xFFFFFFF0];
	v27 =	vmul.f32 v20, v48;
	[tilespmem:s10+$0xFFFFFF80] =	vst v24  }
0x543: {  	v50 =	vld [tilespmem:s10+$0xB0];
	v29 =	vmul.f32 v22, v48;
	[tilespmem:s10+$0xFFFFFF90] =	vst v1  }
0x544: {  	v6 =	vld.idx.msk [tilespmem:v13+s25+$0x0], $0xffff;
	v31 =	vmul.f32 v23, v48;
	[tilespmem:s10+$0xFFFFFFA0] =	vst v27  }
0x545: {  	v13 =	vld [tilespmem:s10+$0xFFFFFF60];
	v33 =	vmul.f32 v25, v48;
	[tilespmem:s10+$0xFFFFFFB0] =	vst v29  }
0x546: {  	v30 =	vld [tilespmem:s10+$0x0];
	v35 =	vmul.f32 v26, v48;
	[tilespmem:s10+$0xFFFFFFC0] =	vst v31  }
0x547: {  	v32 =	vld [tilespmem:s10+$0x10];
	v37 =	vmul.f32 v28, v48;
	[tilespmem:s10+$0xFFFFFFD0] =	vst v33  }
0x548: {  	v34 =	vld [tilespmem:s10+$0x20];
	v59 =	vmul.f32 v50, v4;
	[tilespmem:s10+$0xFFFFFFE0] =	vst v35  }
0x549: {  	v36 =	vld [tilespmem:s10+$0x30];
	v61 =	vmul.f32 v51, v6;
	[tilespmem:s10+$0xFFFFFFF0] =	vst v37  }
0x54a: {  	v38 =	vld [tilespmem:s10+$0x40];
	v21 =	vmul.f32 v13, v46;
	[tilespmem:s10+$0xB0] =	vst v59  }
0x54b: {  	v40 =	vld [tilespmem:s10+$0x50];
	v39 =	vmul.f32 v30, v6;
	[tilespmem:s10+$0x70] =	vst v61  }
0x54c: {  	v42 =	vld [tilespmem:s10+$0x60];
	v41 =	vmul.f32 v32, v6;
	[tilespmem:s10+$0xFFFFFF60] =	vst v21  }
0x54d: {  	v52 =	vld [tilespmem:s10+$0xC0];
	v43 =	vmul.f32 v34, v6;
	[tilespmem:s10+$0x0] =	vst v39  }
0x54e: {  	v56 =	vld [tilespmem:s10+$0xE0];
	v45 =	vmul.f32 v36, v6;
	[tilespmem:s10+$0x10] =	vst v41  }
0x54f: {  	v58 =	vld [tilespmem:s10+$0xF0];
	v47 =	vmul.f32 v38, v6;
	[tilespmem:s10+$0x20] =	vst v43  }
0x550: {  	v54 =	vld [tilespmem:s10+$0xD0];
	v49 =	vmul.f32 v40, v6;
	[tilespmem:s10+$0x30] =	vst v45  }
0x551: {  	v48 =	vld [tilespmem:s10+$0xA0];
	v51 =	vmul.f32 v42, v6;
	[tilespmem:s10+$0x40] =	vst v47  }
0x552: {  	v46 =	vld [tilespmem:s10+$0x90];
	v60 =	vmul.f32 v52, v4;
	[tilespmem:s10+$0x50] =	vst v49  }
0x553: {  	v62 =	vmul.f32 v56, v4;
	[tilespmem:s10+$0x60] =	vst v51  }
0x554: {  	v63 =	vmul.f32 v58, v4;
	[tilespmem:s10+$0xC0] =	vst v60  }
0x555: {  	v61 =	vmul.f32 v54, v4;
	[tilespmem:s10+$0xE0] =	vst v62  }
0x556: {  	s18 =	sadd.s32 $0x1, s18;
	[tilespmem:s10+$0xF0] =	vst v63;
	v57 =	vmul.f32 v48, v4  }
0x557: {  	p0 =	sne.s32 s18, $0x12;
	[tilespmem:s10+$0xD0] =	vst v61;
	v55 =	vmul.f32 v46, v4  }
.Ltmp22:
0x558: {  	[tilespmem:s10+$0xA0] =	vst v57;
	(pc) =	sbr.rel @p0 .LBB2_6-.Ltmp22, $4  }
0x559: {  	[tilespmem:s10+$0x90] =	vst v55  }
0x55a: {  	[spmem:s2] =	stream.indirect.scatter.add.f32 [tilespmem:s9], [sflag:$0x4], $0x80, s23, s5, $0xb8;
	[tilespmem:$0x1F880] =	vst v63  }
0x55b: {  	_ = 	snop  }
0x55c: {  	[spmem:s3] =	stream.indirect.scatter.add.f32 [tilespmem:s25], [sflag:$0x4], $0x1, s23, s5, $0xb8;
	[tilespmem:$0x1F880] =	vst v63  }
0x55d: {  	_ =	swait.ge [sflag:s12], $0x3000  }
0x55e: {  	[sflag:s12] =	ssyncset.done $0x0  }
0x55f: {  	[sflag:s12] =	ssyncadd.s32 $0xFFFFD000  }
0x560: {  	_ =	swait.ge [sflag:s12], $0x60  }
0x561: {  	[sflag:s12] =	ssyncset.done $0x0  }
0x562: {  	[sflag:s12] =	ssyncadd.s32 $0xFFFFFFA0  }
0x563: {  	[bflag:$0x0] =	sbarrier.arrive $0xFFFF  }
0x564: {  	s18 =	rddreg [dreg:$0xa]  }
0x565: {  	s0 =	rddreg [dreg:$0x15]  }
0x566: {  	s8 =	rddreg [dreg:$0x19]  }
0x567: {  	[hbm:s0], [sflag:s18] =	dma.local [spmem:s8], $0x2800  }
0x568: {  	s8 =	simm.s32 $0x8  }
0x569: {  	_ =	swait.ge [sflag:s8], $0x2800  }
0x56a: {  	s10 =	simm.s32 $0x20;
	[sflag:s8] =	ssyncset.done $0x0;
	s30 =	rddreg [dreg:$0x16]  }
0x56b: {  	s19 =	simm.s32 $0x10;
	s20 =	rddreg [dreg:$0x1a];
	[sflag:s8] =	ssyncadd.s32 $0xFFFFD800  }
0x56c: {  	[hbm:s30@s10], [sflag:s18] =	dma.strided [spmem:s20@s19], $0x50, s11, $0x10   }
0x56d: {  	_ =	swait.ge [sflag:s8], $0x50  }
0x56e: {  	s21 =	rddreg [dreg:$0x18]  }
0x56f: {  	s30 =	rddreg [dreg:$0x17];
	s10 =	sadd.s32 $0x1, s21  }
0x570: {  	p0 =	sne.s32 s10, s30  }
.Ltmp23:
0x571: {  	_ = 	snop;
	(pc) =	sbr.rel @p0 .LBB2_1-.Ltmp23, $3  }
0x572: {  	_ =	sdelay $0x1  }
0x573: {  	[sflag:s8] =	ssyncset.done $0x0  }
0x574: {  	[sflag:s8] =	ssyncadd.s32 $0xFFFFFFB0  }
0x575: {  	_ =	sfence.sel $0x180000  }
0x576: {  	[bflag:$0x0] =	sbarrier.arrive $0xFFFF  }
0x577: {  	_ =	strace $0x90000047  }
0x578: {  	s0 =	stileid.u32;
	[bflag:$0x2] =	sbarrier.arrive $0xFFFF  }
0x579: {  	p0 =	sne.s32 s0, $0x0;
	s0 =	rddreg [dreg:$0x4]  }
0x57a: {  	s0 =	sadd.s32 @!p0 $0x100000, s0  }
0x57b: {  	[sflag:s0] =	ssyncadd.tile.s32 @!p0 $0x1;
	_ =	shalt  }
.Lfunc_end2:
_tile_overlayer_lowered:
.L_overlay_start_2:
0x57c: {  	(tag) =	ssettag $0x2  }
0x57d: {  	s0 =	rddreg [dreg:$0x0];
	s2 =	stileid.u32  }
0x57e: {  	s1 =	rddreg [dreg:$0x1];
	p0 =	sne.s32 s2, $0x0  }
0x57f: {  	s3 =	rddreg [dreg:$0x2];
	[bflag:$0x3] =	sbarrier.arrive $0xFFFF;
	s2 =	simm.s32 @!p0 $0x1C08  }
0x580: {  	[timem:s3], [sflag:s2] =	dma.local @!p0 [hbm:s0], s1  }
0x581: {  	s0 =	simm.s32 @!p0 $0x8  }
0x582: {  	_ =	swait.ge @!p0 [sflag:s0], s1  }
0x583: {  	s1 =	ssub.s32 @!p0 $0x0, s1;
	[sflag:s0] =	ssyncset.done @!p0 $0x0  }
0x584: {  	[sflag:s0] =	ssyncadd.s32 @!p0 s1  }
0x585: {  	[bflag:$0x3] =	sbarrier.arrive $0xFFFF  }
0x586: {  	_ =	shalt  }

</sc_bundles>
